<compile_context>
chip_gen: v7x
topology: tpu7x:2x2x1
jax: 0.10.2.dev20260603
libtpu: 0.0.44.dev20260713+nightly
codegen_flags: <defaults>
</compile_context>

<pallas_src>
import functools

import jax
import jax.numpy as jnp
from jax import lax
from jax.experimental import pallas as pl
from jax.experimental.pallas import tpu as pltpu
from jax.experimental.pallas import tpu_sc as plsc

_N_NODES = 100000
_N = 32
_K = 16
_H = _N * _K

_L = 16
_NW = 32
_PAD = 102400

_R = 6400

_SEGS = ((0, 12800), (12800, 102400))


def _make_chain_body(row_off, n_rows, table_n, unroll):
    per_tile = n_rows // _NW
    groups = per_tile // _L

    def body(packed_hbm, codes_hbm, packed_v, words_v):
        c = lax.axis_index("c")
        s = lax.axis_index("s")
        wid = s * 2 + c
        base = row_off + wid * per_tile
        pltpu.sync_copy(packed_hbm.at[pl.ds(0, table_n)], packed_v)
        lanes = lax.iota(jnp.int32, _L)

        def do_group(g):
            cur = base + g * _L + lanes
            words = [jnp.zeros((_L,), jnp.int32) for _ in range(4)]
            for j in range(_K):
                v = plsc.load_gather(packed_v, [cur])
                b = jnp.where(cur != 0, (v & (_N - 1)) + 1, 0)
                words[j // 4] = words[j // 4] | (b << (8 * (j % 4)))
                cur = v >> 5
            goff = g * (_L * 4)
            for w in range(4):
                plsc.store_scatter(words_v, [goff + lanes * 4 + w], words[w])

        def loop_body(gi, carry):
            for u in range(unroll):
                do_group(gi * unroll + u)
            return carry

        lax.fori_loop(0, groups // unroll, loop_body, 0)
        pltpu.sync_copy(
            words_v, codes_hbm.at[pl.ds(wid * (per_tile * 4), per_tile * 4)])

    return body


@functools.cache
def _chain(row_off, n_rows, table_n, unroll):
    per_tile = n_rows // _NW
    return functools.partial(
        pl.kernel,
        out_type=jax.ShapeDtypeStruct((n_rows * 4,), jnp.int32),
        mesh=plsc.VectorSubcoreMesh(core_axis_name="c", subcore_axis_name="s"),
        compiler_params=pltpu.CompilerParams(needs_layout_passes=False),
        scratch_types=[
            pltpu.VMEM((table_n,), jnp.int32),
            pltpu.VMEM((per_tile * 4,), jnp.int32),
        ],
    )(_make_chain_body(row_off, n_rows, table_n, unroll))


def _expand(codes_ref, out_ref):
    lane = lax.broadcasted_iota(jnp.int32, (1, 128), 1)
    shifts = 8 * (lane >> 5)
    target = (lane & 31) + 1
    for w in range(4):
        word = codes_ref[:, w:w + 1]
        part = ((word >> shifts) & 0xFF) == target
        out_ref[:, 128 * w:128 * (w + 1)] = part.astype(jnp.float32)


def _expand_hi(codes_ref, alias_ref, out_ref):
    del alias_ref
    _expand(codes_ref, out_ref)


def kernel(init_embeds, parent, child_pos):
    del init_embeds
    p32 = parent.astype(jnp.int32)
    c32 = child_pos.astype(jnp.int32)
    packed = p32 * _N + c32
    packed = jnp.concatenate(
        [packed, jnp.zeros((_PAD - _N_NODES,), jnp.int32)])

    out_shape = jax.ShapeDtypeStruct((_N_NODES, _H), jnp.float32)
    out = None
    boff = 0
    for lo, hi in _SEGS:
        n_rows = hi - lo
        groups = n_rows // _NW // _L
        unroll = 5 if groups % 4 else 4
        codes = _chain(lo, n_rows, hi, unroll)(packed).reshape(n_rows, 4)
        nb = n_rows // _R
        if out is None:
            out = pl.pallas_call(
                _expand,
                grid=(nb,),
                in_specs=[pl.BlockSpec((_R, 4), lambda i: (i, 0))],
                out_specs=pl.BlockSpec((_R, _H), lambda i: (i, 0)),
                out_shape=out_shape,
            )(codes)
        else:
            out = pl.pallas_call(
                _expand_hi,
                grid=(nb,),
                in_specs=[
                    pl.BlockSpec((_R, 4), lambda i: (i, 0)),
                    pl.BlockSpec(memory_space=pl.ANY),
                ],
                out_specs=pl.BlockSpec(
                    (_R, _H), lambda i, o=boff: (i + o, 0)),
                out_shape=out_shape,
                input_output_aliases={1: 0},
            )(codes, out)
        boff += nb
    return out

# --- scband reference (transcript-rebuilt; emitter-appended) ---
"""Pipeline reference for scband-positional-embedding-6734508720782 (READ-ONLY COPY).

The authoritative reference and input builder live on the scoring server;
editing this copy changes nothing except your own understanding.
"""

import jax, jax.numpy as jnp
import numpy as np

N_NODES = 100000
N = 32   # max branching factor (one-hot width per level)
K = 16   # tree depth / number of levels encoded
H_EMB = N * K  # 512


def setup_inputs(seed: int = 0) -> dict:
    key = jax.random.key(seed)
    k1, k2 = jax.random.split(key)
    ar = jnp.arange(N_NODES, dtype=jnp.int64)
    raw = jax.random.randint(k1, (N_NODES,), 0, N_NODES, dtype=jnp.int64)
    # parent[i] < i for i > 0 so edges are oriented leaves->root (node 0 is the root);
    # this mirrors dgl.topological_nodes_generator(graph, reverse=True) structure.
    parent = jnp.where(ar == 0, 0, raw % jnp.maximum(ar, 1)).astype(jnp.int64)
    child_pos = jax.random.randint(k2, (N_NODES,), 0, N, dtype=jnp.int64)
    # graph.ndata['pos_embeds'] is initialized to zeros in the original forward
    init_embeds = jnp.zeros((N_NODES, H_EMB), dtype=jnp.float32)
    return {"init_embeds": init_embeds, "parent": parent, "child_pos": child_pos}


def reference(init_embeds, parent, child_pos):
    # Faithful reformulation of the per-topological-layer scatter:
    #   children_pos_embeds[:, n:]  = parent_pos_embeds[:-n]
    #   children_pos_embeds[:, :n]  = one_hot(child index among siblings, n)
    # Root-to-leaf propagation expressed as K gather steps over parent pointers.
    num_nodes = init_embeds.shape[0]
    onehot = jax.nn.one_hot(child_pos, N, dtype=init_embeds.dtype)
    is_root = (parent == jnp.arange(num_nodes, dtype=parent.dtype))
    pos = init_embeds
    for _ in range(K):
        parent_emb = jnp.take(pos, parent, axis=0)           # gather parent embeds
        shifted = jnp.concatenate([onehot, parent_emb[:, :-N]], axis=1)
        pos = jnp.where(is_root[:, None], pos, shifted)       # roots keep zeros
    return pos

if __name__ == "__main__":
    import jax
    _d = setup_inputs()
    print(jax.jit(kernel)(*tuple(_d.values())))

</pallas_src>

<mosaic_0001>
#map = affine_map<(d0, d1) -> (0)>
module attributes {stable_mosaic.version = 14 : i64} {
  func.func @body(%arg0: i32, %arg1: i32, %arg2: memref<102400xi32, #tpu.memory_space<hbm>>, %arg3: memref<51200xi32, #tpu.memory_space<hbm>>, %arg4: memref<12800xi32, #tpu.memory_space<vmem>>, %arg5: memref<1600xi32, #tpu.memory_space<vmem>>) attributes {dimension_semantics = [#tpu.dimension_semantics<core_parallel>, #tpu.dimension_semantics<subcore_parallel>], iteration_bounds = array<i64: 2, 16>, scalar_prefetch = 0 : i64, scratch_operands = 2 : i64, tpu.core_type = #tpu.core_type<sc_vector_subcore>, window_params = [{transform_indices = #map}, {transform_indices = #map}]} {
    %mul3A = arith.constant 2 : i32
    %mul3A_0 = arith.muli %arg1, %mul3A : i32
    %add3A = arith.addi %mul3A_0, %arg0 : i32
    %mul3A_1 = arith.constant 400 : i32
    %mul3A_2 = arith.muli %add3A, %mul3A_1 : i32
    %add3A_3 = arith.constant 0 : i32
    %add3A_4 = arith.addi %add3A_3, %mul3A_2 : i32
    "tpu.region"() ({
      %run_scoped3A = tpu.sem_alloc : memref<!tpu.dma_semaphore, #tpu.memory_space<semaphore_mem>>
      %dma_start3A = arith.constant 0 : i32
      %dma_start3A_12 = tpu.memref_slice %arg2[%dma_start3A] : memref<102400xi32, #tpu.memory_space<hbm>> -> memref<12800xi32, #tpu.memory_space<hbm>>
      %dma_start3A_13 = arith.constant 0 : i32
      %dma_start3A_14 = tpu.memref_slice %arg2[%dma_start3A_13] : memref<102400xi32, #tpu.memory_space<hbm>> -> memref<12800xi32, #tpu.memory_space<hbm>>
      tpu.enqueue_dma source(%dma_start3A_14 : memref<12800xi32, #tpu.memory_space<hbm>>) target(%arg4 : memref<12800xi32, #tpu.memory_space<vmem>>) target_semaphore(%run_scoped3A : memref<!tpu.dma_semaphore, #tpu.memory_space<semaphore_mem>>)
      %dma_wait3A = arith.constant 0 : i32
      %dma_wait3A_15 = tpu.memref_slice %arg2[%dma_wait3A] : memref<102400xi32, #tpu.memory_space<hbm>> -> memref<12800xi32, #tpu.memory_space<hbm>>
      %dma_wait3A_16 = arith.constant 0 : i32
      %dma_wait3A_17 = tpu.memref_slice %arg2[%dma_wait3A_16] : memref<102400xi32, #tpu.memory_space<hbm>> -> memref<12800xi32, #tpu.memory_space<hbm>>
      tpu.wait_dma2 semaphore(%run_scoped3A : memref<!tpu.dma_semaphore, #tpu.memory_space<semaphore_mem>>) src(%dma_wait3A_17 : memref<12800xi32, #tpu.memory_space<hbm>>) dst(%arg4 : memref<12800xi32, #tpu.memory_space<vmem>>)
      tpu.yield
    }) : () -> ()
    %iota3A = tpu.iota {dimensions = array<i32: 0>} : vector<16xi32>
    %scan3A = arith.constant 0 : i32
    %scan3A_5 = arith.constant 0 : i32
    %scan3A_6 = arith.constant 5 : i32
    %scan3A_7 = arith.addi %scan3A_5, %scan3A_6 : i32
    %scan3A_8 = arith.constant 1 : i32
    scf.for %scan3A_12 = %scan3A_5 to %scan3A_7 step %scan3A_8  : i32 {
      %mul3A_13 = arith.constant 5 : i32
      %mul3A_14 = arith.muli %scan3A_12, %mul3A_13 : i32
      %add3A_15 = arith.constant 0 : i32
      %add3A_16 = arith.addi %mul3A_14, %add3A_15 : i32
      %mul3A_17 = arith.constant 16 : i32
      %mul3A_18 = arith.muli %add3A_16, %mul3A_17 : i32
      %add3A_19 = arith.addi %add3A_4, %mul3A_18 : i32
      %add3A_20 = vector.broadcast %add3A_19 : i32 to vector<16xi32>
      %add3A_21 = arith.addi %add3A_20, %iota3A : vector<16xi32>
      %broadcast_in_dim3A = arith.constant 0 : i32
      %broadcast_in_dim3A_22 = vector.broadcast %broadcast_in_dim3A : i32 to vector<16xi32>
      %broadcast_in_dim3A_23 = arith.constant 0 : i32
      %broadcast_in_dim3A_24 = vector.broadcast %broadcast_in_dim3A_23 : i32 to vector<16xi32>
      %broadcast_in_dim3A_25 = arith.constant 0 : i32
      %broadcast_in_dim3A_26 = vector.broadcast %broadcast_in_dim3A_25 : i32 to vector<16xi32>
      %broadcast_in_dim3A_27 = arith.constant 0 : i32
      %broadcast_in_dim3A_28 = vector.broadcast %broadcast_in_dim3A_27 : i32 to vector<16xi32>
      %gather3A = tpu.vector_load_idx %arg4[%add3A_21] : memref<12800xi32, #tpu.memory_space<vmem>>[vector<16xi32>], vector<16xi32>,
      %ne3A = arith.constant 0 : i32
      %ne3A_29 = vector.broadcast %ne3A : i32 to vector<16xi32>
      %ne3A_30 = arith.cmpi ne, %add3A_21, %ne3A_29 : vector<16xi32>
      %and3A = arith.constant 31 : i32
      %and3A_31 = vector.broadcast %and3A : i32 to vector<16xi32>
      %and3A_32 = arith.andi %gather3A, %and3A_31 : vector<16xi32>
      %add3A_33 = arith.constant 1 : i32
      %add3A_34 = vector.broadcast %add3A_33 : i32 to vector<16xi32>
      %add3A_35 = arith.addi %and3A_32, %add3A_34 : vector<16xi32>
      %jit3A = arith.constant 0 : i32
      %broadcast_in_dim3A_36 = vector.broadcast %jit3A : i32 to vector<16xi32>
      %select_n3A = arith.select %ne3A_30, %add3A_35, %broadcast_in_dim3A_36 : vector<16xi1>, vector<16xi32>
      %shift_left3A = arith.constant 0 : i32
      %shift_left3A_37 = vector.broadcast %shift_left3A : i32 to vector<16xi32>
      %shift_left3A_38 = arith.shli %select_n3A, %shift_left3A_37 : vector<16xi32>
      %or3A = arith.ori %broadcast_in_dim3A_22, %shift_left3A_38 : vector<16xi32>
      %shift_right_arithmetic3A = arith.constant 5 : i32
      %shift_right_arithmetic3A_39 = vector.broadcast %shift_right_arithmetic3A : i32 to vector<16xi32>
      %shift_right_arithmetic3A_40 = arith.shrsi %gather3A, %shift_right_arithmetic3A_39 : vector<16xi32>
      %gather3A_41 = tpu.vector_load_idx %arg4[%shift_right_arithmetic3A_40] : memref<12800xi32, #tpu.memory_space<vmem>>[vector<16xi32>], vector<16xi32>,
      %ne3A_42 = arith.constant 0 : i32
      %ne3A_43 = vector.broadcast %ne3A_42 : i32 to vector<16xi32>
      %ne3A_44 = arith.cmpi ne, %shift_right_arithmetic3A_40, %ne3A_43 : vector<16xi32>
      %and3A_45 = arith.constant 31 : i32
      %and3A_46 = vector.broadcast %and3A_45 : i32 to vector<16xi32>
      %and3A_47 = arith.andi %gather3A_41, %and3A_46 : vector<16xi32>
      %add3A_48 = arith.constant 1 : i32
      %add3A_49 = vector.broadcast %add3A_48 : i32 to vector<16xi32>
      %add3A_50 = arith.addi %and3A_47, %add3A_49 : vector<16xi32>
      %jit3A_51 = arith.constant 0 : i32
      %broadcast_in_dim3A_52 = vector.broadcast %jit3A_51 : i32 to vector<16xi32>
      %select_n3A_53 = arith.select %ne3A_44, %add3A_50, %broadcast_in_dim3A_52 : vector<16xi1>, vector<16xi32>
      %shift_left3A_54 = arith.constant 8 : i32
      %shift_left3A_55 = vector.broadcast %shift_left3A_54 : i32 to vector<16xi32>
      %shift_left3A_56 = arith.shli %select_n3A_53, %shift_left3A_55 : vector<16xi32>
      %or3A_57 = arith.ori %or3A, %shift_left3A_56 : vector<16xi32>
      %shift_right_arithmetic3A_58 = arith.constant 5 : i32
      %shift_right_arithmetic3A_59 = vector.broadcast %shift_right_arithmetic3A_58 : i32 to vector<16xi32>
      %shift_right_arithmetic3A_60 = arith.shrsi %gather3A_41, %shift_right_arithmetic3A_59 : vector<16xi32>
      %gather3A_61 = tpu.vector_load_idx %arg4[%shift_right_arithmetic3A_60] : memref<12800xi32, #tpu.memory_space<vmem>>[vector<16xi32>], vector<16xi32>,
      %ne3A_62 = arith.constant 0 : i32
      %ne3A_63 = vector.broadcast %ne3A_62 : i32 to vector<16xi32>
      %ne3A_64 = arith.cmpi ne, %shift_right_arithmetic3A_60, %ne3A_63 : vector<16xi32>
      %and3A_65 = arith.constant 31 : i32
      %and3A_66 = vector.broadcast %and3A_65 : i32 to vector<16xi32>
      %and3A_67 = arith.andi %gather3A_61, %and3A_66 : vector<16xi32>
      %add3A_68 = arith.constant 1 : i32
      %add3A_69 = vector.broadcast %add3A_68 : i32 to vector<16xi32>
      %add3A_70 = arith.addi %and3A_67, %add3A_69 : vector<16xi32>
      %jit3A_71 = arith.constant 0 : i32
      %broadcast_in_dim3A_72 = vector.broadcast %jit3A_71 : i32 to vector<16xi32>
      %select_n3A_73 = arith.select %ne3A_64, %add3A_70, %broadcast_in_dim3A_72 : vector<16xi1>, vector<16xi32>
      %shift_left3A_74 = arith.constant 16 : i32
      %shift_left3A_75 = vector.broadcast %shift_left3A_74 : i32 to vector<16xi32>
      %shift_left3A_76 = arith.shli %select_n3A_73, %shift_left3A_75 : vector<16xi32>
      %or3A_77 = arith.ori %or3A_57, %shift_left3A_76 : vector<16xi32>
      %shift_right_arithmetic3A_78 = arith.constant 5 : i32
      %shift_right_arithmetic3A_79 = vector.broadcast %shift_right_arithmetic3A_78 : i32 to vector<16xi32>
      %shift_right_arithmetic3A_80 = arith.shrsi %gather3A_61, %shift_right_arithmetic3A_79 : vector<16xi32>
      %gather3A_81 = tpu.vector_load_idx %arg4[%shift_right_arithmetic3A_80] : memref<12800xi32, #tpu.memory_space<vmem>>[vector<16xi32>], vector<16xi32>,
      %ne3A_82 = arith.constant 0 : i32
      %ne3A_83 = vector.broadcast %ne3A_82 : i32 to vector<16xi32>
      %ne3A_84 = arith.cmpi ne, %shift_right_arithmetic3A_80, %ne3A_83 : vector<16xi32>
      %and3A_85 = arith.constant 31 : i32
      %and3A_86 = vector.broadcast %and3A_85 : i32 to vector<16xi32>
      %and3A_87 = arith.andi %gather3A_81, %and3A_86 : vector<16xi32>
      %add3A_88 = arith.constant 1 : i32
      %add3A_89 = vector.broadcast %add3A_88 : i32 to vector<16xi32>
      %add3A_90 = arith.addi %and3A_87, %add3A_89 : vector<16xi32>
      %jit3A_91 = arith.constant 0 : i32
      %broadcast_in_dim3A_92 = vector.broadcast %jit3A_91 : i32 to vector<16xi32>
      %select_n3A_93 = arith.select %ne3A_84, %add3A_90, %broadcast_in_dim3A_92 : vector<16xi1>, vector<16xi32>
      %shift_left3A_94 = arith.constant 24 : i32
      %shift_left3A_95 = vector.broadcast %shift_left3A_94 : i32 to vector<16xi32>
      %shift_left3A_96 = arith.shli %select_n3A_93, %shift_left3A_95 : vector<16xi32>
      %or3A_97 = arith.ori %or3A_77, %shift_left3A_96 : vector<16xi32>
      %shift_right_arithmetic3A_98 = arith.constant 5 : i32
      %shift_right_arithmetic3A_99 = vector.broadcast %shift_right_arithmetic3A_98 : i32 to vector<16xi32>
      %shift_right_arithmetic3A_100 = arith.shrsi %gather3A_81, %shift_right_arithmetic3A_99 : vector<16xi32>
      %gather3A_101 = tpu.vector_load_idx %arg4[%shift_right_arithmetic3A_100] : memref<12800xi32, #tpu.memory_space<vmem>>[vector<16xi32>], vector<16xi32>,
      %ne3A_102 = arith.constant 0 : i32
      %ne3A_103 = vector.broadcast %ne3A_102 : i32 to vector<16xi32>
      %ne3A_104 = arith.cmpi ne, %shift_right_arithmetic3A_100, %ne3A_103 : vector<16xi32>
      %and3A_105 = arith.constant 31 : i32
      %and3A_106 = vector.broadcast %and3A_105 : i32 to vector<16xi32>
      %and3A_107 = arith.andi %gather3A_101, %and3A_106 : vector<16xi32>
      %add3A_108 = arith.constant 1 : i32
      %add3A_109 = vector.broadcast %add3A_108 : i32 to vector<16xi32>
      %add3A_110 = arith.addi %and3A_107, %add3A_109 : vector<16xi32>
      %jit3A_111 = arith.constant 0 : i32
      %broadcast_in_dim3A_112 = vector.broadcast %jit3A_111 : i32 to vector<16xi32>
      %select_n3A_113 = arith.select %ne3A_104, %add3A_110, %broadcast_in_dim3A_112 : vector<16xi1>, vector<16xi32>
      %shift_left3A_114 = arith.constant 0 : i32
      %shift_left3A_115 = vector.broadcast %shift_left3A_114 : i32 to vector<16xi32>
      %shift_left3A_116 = arith.shli %select_n3A_113, %shift_left3A_115 : vector<16xi32>
      %or3A_117 = arith.ori %broadcast_in_dim3A_24, %shift_left3A_116 : vector<16xi32>
      %shift_right_arithmetic3A_118 = arith.constant 5 : i32
      %shift_right_arithmetic3A_119 = vector.broadcast %shift_right_arithmetic3A_118 : i32 to vector<16xi32>
      %shift_right_arithmetic3A_120 = arith.shrsi %gather3A_101, %shift_right_arithmetic3A_119 : vector<16xi32>
      %gather3A_121 = tpu.vector_load_idx %arg4[%shift_right_arithmetic3A_120] : memref<12800xi32, #tpu.memory_space<vmem>>[vector<16xi32>], vector<16xi32>,
      %ne3A_122 = arith.constant 0 : i32
      %ne3A_123 = vector.broadcast %ne3A_122 : i32 to vector<16xi32>
      %ne3A_124 = arith.cmpi ne, %shift_right_arithmetic3A_120, %ne3A_123 : vector<16xi32>
      %and3A_125 = arith.constant 31 : i32
      %and3A_126 = vector.broadcast %and3A_125 : i32 to vector<16xi32>
      %and3A_127 = arith.andi %gather3A_121, %and3A_126 : vector<16xi32>
      %add3A_128 = arith.constant 1 : i32
      %add3A_129 = vector.broadcast %add3A_128 : i32 to vector<16xi32>
      %add3A_130 = arith.addi %and3A_127, %add3A_129 : vector<16xi32>
      %jit3A_131 = arith.constant 0 : i32
      %broadcast_in_dim3A_132 = vector.broadcast %jit3A_131 : i32 to vector<16xi32>
      %select_n3A_133 = arith.select %ne3A_124, %add3A_130, %broadcast_in_dim3A_132 : vector<16xi1>, vector<16xi32>
      %shift_left3A_134 = arith.constant 8 : i32
      %shift_left3A_135 = vector.broadcast %shift_left3A_134 : i32 to vector<16xi32>
      %shift_left3A_136 = arith.shli %select_n3A_133, %shift_left3A_135 : vector<16xi32>
      %or3A_137 = arith.ori %or3A_117, %shift_left3A_136 : vector<16xi32>
      %shift_right_arithmetic3A_138 = arith.constant 5 : i32
      %shift_right_arithmetic3A_139 = vector.broadcast %shift_right_arithmetic3A_138 : i32 to vector<16xi32>
      %shift_right_arithmetic3A_140 = arith.shrsi %gather3A_121, %shift_right_arithmetic3A_139 : vector<16xi32>
      %gather3A_141 = tpu.vector_load_idx %arg4[%shift_right_arithmetic3A_140] : memref<12800xi32, #tpu.memory_space<vmem>>[vector<16xi32>], vector<16xi32>,
      %ne3A_142 = arith.constant 0 : i32
      %ne3A_143 = vector.broadcast %ne3A_142 : i32 to vector<16xi32>
      %ne3A_144 = arith.cmpi ne, %shift_right_arithmetic3A_140, %ne3A_143 : vector<16xi32>
      %and3A_145 = arith.constant 31 : i32
      %and3A_146 = vector.broadcast %and3A_145 : i32 to vector<16xi32>
      %and3A_147 = arith.andi %gather3A_141, %and3A_146 : vector<16xi32>
      %add3A_148 = arith.constant 1 : i32
      %add3A_149 = vector.broadcast %add3A_148 : i32 to vector<16xi32>
      %add3A_150 = arith.addi %and3A_147, %add3A_149 : vector<16xi32>
      %jit3A_151 = arith.constant 0 : i32
      %broadcast_in_dim3A_152 = vector.broadcast %jit3A_151 : i32 to vector<16xi32>
      %select_n3A_153 = arith.select %ne3A_144, %add3A_150, %broadcast_in_dim3A_152 : vector<16xi1>, vector<16xi32>
      %shift_left3A_154 = arith.constant 16 : i32
      %shift_left3A_155 = vector.broadcast %shift_left3A_154 : i32 to vector<16xi32>
      %shift_left3A_156 = arith.shli %select_n3A_153, %shift_left3A_155 : vector<16xi32>
      %or3A_157 = arith.ori %or3A_137, %shift_left3A_156 : vector<16xi32>
      %shift_right_arithmetic3A_158 = arith.constant 5 : i32
      %shift_right_arithmetic3A_159 = vector.broadcast %shift_right_arithmetic3A_158 : i32 to vector<16xi32>
      %shift_right_arithmetic3A_160 = arith.shrsi %gather3A_141, %shift_right_arithmetic3A_159 : vector<16xi32>
      %gather3A_161 = tpu.vector_load_idx %arg4[%shift_right_arithmetic3A_160] : memref<12800xi32, #tpu.memory_space<vmem>>[vector<16xi32>], vector<16xi32>,
      %ne3A_162 = arith.constant 0 : i32
      %ne3A_163 = vector.broadcast %ne3A_162 : i32 to vector<16xi32>
      %ne3A_164 = arith.cmpi ne, %shift_right_arithmetic3A_160, %ne3A_163 : vector<16xi32>
      %and3A_165 = arith.constant 31 : i32
      %and3A_166 = vector.broadcast %and3A_165 : i32 to vector<16xi32>
      %and3A_167 = arith.andi %gather3A_161, %and3A_166 : vector<16xi32>
      %add3A_168 = arith.constant 1 : i32
      %add3A_169 = vector.broadcast %add3A_168 : i32 to vector<16xi32>
      %add3A_170 = arith.addi %and3A_167, %add3A_169 : vector<16xi32>
      %jit3A_171 = arith.constant 0 : i32
      %broadcast_in_dim3A_172 = vector.broadcast %jit3A_171 : i32 to vector<16xi32>
      %select_n3A_173 = arith.select %ne3A_164, %add3A_170, %broadcast_in_dim3A_172 : vector<16xi1>, vector<16xi32>
      %shift_left3A_174 = arith.constant 24 : i32
      %shift_left3A_175 = vector.broadcast %shift_left3A_174 : i32 to vector<16xi32>
      %shift_left3A_176 = arith.shli %select_n3A_173, %shift_left3A_175 : vector<16xi32>
      %or3A_177 = arith.ori %or3A_157, %shift_left3A_176 : vector<16xi32>
      %shift_right_arithmetic3A_178 = arith.constant 5 : i32
      %shift_right_arithmetic3A_179 = vector.broadcast %shift_right_arithmetic3A_178 : i32 to vector<16xi32>
      %shift_right_arithmetic3A_180 = arith.shrsi %gather3A_161, %shift_right_arithmetic3A_179 : vector<16xi32>
      %gather3A_181 = tpu.vector_load_idx %arg4[%shift_right_arithmetic3A_180] : memref<12800xi32, #tpu.memory_space<vmem>>[vector<16xi32>], vector<16xi32>,
      %ne3A_182 = arith.constant 0 : i32
      %ne3A_183 = vector.broadcast %ne3A_182 : i32 to vector<16xi32>
      %ne3A_184 = arith.cmpi ne, %shift_right_arithmetic3A_180, %ne3A_183 : vector<16xi32>
      %and3A_185 = arith.constant 31 : i32
      %and3A_186 = vector.broadcast %and3A_185 : i32 to vector<16xi32>
      %and3A_187 = arith.andi %gather3A_181, %and3A_186 : vector<16xi32>
      %add3A_188 = arith.constant 1 : i32
      %add3A_189 = vector.broadcast %add3A_188 : i32 to vector<16xi32>
      %add3A_190 = arith.addi %and3A_187, %add3A_189 : vector<16xi32>
      %jit3A_191 = arith.constant 0 : i32
      %broadcast_in_dim3A_192 = vector.broadcast %jit3A_191 : i32 to vector<16xi32>
      %select_n3A_193 = arith.select %ne3A_184, %add3A_190, %broadcast_in_dim3A_192 : vector<16xi1>, vector<16xi32>
      %shift_left3A_194 = arith.constant 0 : i32
      %shift_left3A_195 = vector.broadcast %shift_left3A_194 : i32 to vector<16xi32>
      %shift_left3A_196 = arith.shli %select_n3A_193, %shift_left3A_195 : vector<16xi32>
      %or3A_197 = arith.ori %broadcast_in_dim3A_26, %shift_left3A_196 : vector<16xi32>
      %shift_right_arithmetic3A_198 = arith.constant 5 : i32
      %shift_right_arithmetic3A_199 = vector.broadcast %shift_right_arithmetic3A_198 : i32 to vector<16xi32>
      %shift_right_arithmetic3A_200 = arith.shrsi %gather3A_181, %shift_right_arithmetic3A_199 : vector<16xi32>
      %gather3A_201 = tpu.vector_load_idx %arg4[%shift_right_arithmetic3A_200] : memref<12800xi32, #tpu.memory_space<vmem>>[vector<16xi32>], vector<16xi32>,
      %ne3A_202 = arith.constant 0 : i32
      %ne3A_203 = vector.broadcast %ne3A_202 : i32 to vector<16xi32>
      %ne3A_204 = arith.cmpi ne, %shift_right_arithmetic3A_200, %ne3A_203 : vector<16xi32>
      %and3A_205 = arith.constant 31 : i32
      %and3A_206 = vector.broadcast %and3A_205 : i32 to vector<16xi32>
      %and3A_207 = arith.andi %gather3A_201, %and3A_206 : vector<16xi32>
      %add3A_208 = arith.constant 1 : i32
      %add3A_209 = vector.broadcast %add3A_208 : i32 to vector<16xi32>
      %add3A_210 = arith.addi %and3A_207, %add3A_209 : vector<16xi32>
      %jit3A_211 = arith.constant 0 : i32
      %broadcast_in_dim3A_212 = vector.broadcast %jit3A_211 : i32 to vector<16xi32>
      %select_n3A_213 = arith.select %ne3A_204, %add3A_210, %broadcast_in_dim3A_212 : vector<16xi1>, vector<16xi32>
      %shift_left3A_214 = arith.constant 8 : i32
      %shift_left3A_215 = vector.broadcast %shift_left3A_214 : i32 to vector<16xi32>
      %shift_left3A_216 = arith.shli %select_n3A_213, %shift_left3A_215 : vector<16xi32>
      %or3A_217 = arith.ori %or3A_197, %shift_left3A_216 : vector<16xi32>
      %shift_right_arithmetic3A_218 = arith.constant 5 : i32
      %shift_right_arithmetic3A_219 = vector.broadcast %shift_right_arithmetic3A_218 : i32 to vector<16xi32>
      %shift_right_arithmetic3A_220 = arith.shrsi %gather3A_201, %shift_right_arithmetic3A_219 : vector<16xi32>
      %gather3A_221 = tpu.vector_load_idx %arg4[%shift_right_arithmetic3A_220] : memref<12800xi32, #tpu.memory_space<vmem>>[vector<16xi32>], vector<16xi32>,
      %ne3A_222 = arith.constant 0 : i32
      %ne3A_223 = vector.broadcast %ne3A_222 : i32 to vector<16xi32>
      %ne3A_224 = arith.cmpi ne, %shift_right_arithmetic3A_220, %ne3A_223 : vector<16xi32>
      %and3A_225 = arith.constant 31 : i32
      %and3A_226 = vector.broadcast %and3A_225 : i32 to vector<16xi32>
      %and3A_227 = arith.andi %gather3A_221, %and3A_226 : vector<16xi32>
      %add3A_228 = arith.constant 1 : i32
      %add3A_229 = vector.broadcast %add3A_228 : i32 to vector<16xi32>
      %add3A_230 = arith.addi %and3A_227, %add3A_229 : vector<16xi32>
      %jit3A_231 = arith.constant 0 : i32
      %broadcast_in_dim3A_232 = vector.broadcast %jit3A_231 : i32 to vector<16xi32>
      %select_n3A_233 = arith.select %ne3A_224, %add3A_230, %broadcast_in_dim3A_232 : vector<16xi1>, vector<16xi32>
      %shift_left3A_234 = arith.constant 16 : i32
      %shift_left3A_235 = vector.broadcast %shift_left3A_234 : i32 to vector<16xi32>
      %shift_left3A_236 = arith.shli %select_n3A_233, %shift_left3A_235 : vector<16xi32>
      %or3A_237 = arith.ori %or3A_217, %shift_left3A_236 : vector<16xi32>
      %shift_right_arithmetic3A_238 = arith.constant 5 : i32
      %shift_right_arithmetic3A_239 = vector.broadcast %shift_right_arithmetic3A_238 : i32 to vector<16xi32>
      %shift_right_arithmetic3A_240 = arith.shrsi %gather3A_221, %shift_right_arithmetic3A_239 : vector<16xi32>
      %gather3A_241 = tpu.vector_load_idx %arg4[%shift_right_arithmetic3A_240] : memref<12800xi32, #tpu.memory_space<vmem>>[vector<16xi32>], vector<16xi32>,
      %ne3A_242 = arith.constant 0 : i32
      %ne3A_243 = vector.broadcast %ne3A_242 : i32 to vector<16xi32>
      %ne3A_244 = arith.cmpi ne, %shift_right_arithmetic3A_240, %ne3A_243 : vector<16xi32>
      %and3A_245 = arith.constant 31 : i32
      %and3A_246 = vector.broadcast %and3A_245 : i32 to vector<16xi32>
      %and3A_247 = arith.andi %gather3A_241, %and3A_246 : vector<16xi32>
      %add3A_248 = arith.constant 1 : i32
      %add3A_249 = vector.broadcast %add3A_248 : i32 to vector<16xi32>
      %add3A_250 = arith.addi %and3A_247, %add3A_249 : vector<16xi32>
      %jit3A_251 = arith.constant 0 : i32
      %broadcast_in_dim3A_252 = vector.broadcast %jit3A_251 : i32 to vector<16xi32>
      %select_n3A_253 = arith.select %ne3A_244, %add3A_250, %broadcast_in_dim3A_252 : vector<16xi1>, vector<16xi32>
      %shift_left3A_254 = arith.constant 24 : i32
      %shift_left3A_255 = vector.broadcast %shift_left3A_254 : i32 to vector<16xi32>
      %shift_left3A_256 = arith.shli %select_n3A_253, %shift_left3A_255 : vector<16xi32>
      %or3A_257 = arith.ori %or3A_237, %shift_left3A_256 : vector<16xi32>
      %shift_right_arithmetic3A_258 = arith.constant 5 : i32
      %shift_right_arithmetic3A_259 = vector.broadcast %shift_right_arithmetic3A_258 : i32 to vector<16xi32>
      %shift_right_arithmetic3A_260 = arith.shrsi %gather3A_241, %shift_right_arithmetic3A_259 : vector<16xi32>
      %gather3A_261 = tpu.vector_load_idx %arg4[%shift_right_arithmetic3A_260] : memref<12800xi32, #tpu.memory_space<vmem>>[vector<16xi32>], vector<16xi32>,
      %ne3A_262 = arith.constant 0 : i32
      %ne3A_263 = vector.broadcast %ne3A_262 : i32 to vector<16xi32>
      %ne3A_264 = arith.cmpi ne, %shift_right_arithmetic3A_260, %ne3A_263 : vector<16xi32>
      %and3A_265 = arith.constant 31 : i32
      %and3A_266 = vector.broadcast %and3A_265 : i32 to vector<16xi32>
      %and3A_267 = arith.andi %gather3A_261, %and3A_266 : vector<16xi32>
      %add3A_268 = arith.constant 1 : i32
      %add3A_269 = vector.broadcast %add3A_268 : i32 to vector<16xi32>
      %add3A_270 = arith.addi %and3A_267, %add3A_269 : vector<16xi32>
      %jit3A_271 = arith.constant 0 : i32
      %broadcast_in_dim3A_272 = vector.broadcast %jit3A_271 : i32 to vector<16xi32>
      %select_n3A_273 = arith.select %ne3A_264, %add3A_270, %broadcast_in_dim3A_272 : vector<16xi1>, vector<16xi32>
      %shift_left3A_274 = arith.constant 0 : i32
      %shift_left3A_275 = vector.broadcast %shift_left3A_274 : i32 to vector<16xi32>
      %shift_left3A_276 = arith.shli %select_n3A_273, %shift_left3A_275 : vector<16xi32>
      %or3A_277 = arith.ori %broadcast_in_dim3A_28, %shift_left3A_276 : vector<16xi32>
      %shift_right_arithmetic3A_278 = arith.constant 5 : i32
      %shift_right_arithmetic3A_279 = vector.broadcast %shift_right_arithmetic3A_278 : i32 to vector<16xi32>
      %shift_right_arithmetic3A_280 = arith.shrsi %gather3A_261, %shift_right_arithmetic3A_279 : vector<16xi32>
      %gather3A_281 = tpu.vector_load_idx %arg4[%shift_right_arithmetic3A_280] : memref<12800xi32, #tpu.memory_space<vmem>>[vector<16xi32>], vector<16xi32>,
      %ne3A_282 = arith.constant 0 : i32
      %ne3A_283 = vector.broadcast %ne3A_282 : i32 to vector<16xi32>
      %ne3A_284 = arith.cmpi ne, %shift_right_arithmetic3A_280, %ne3A_283 : vector<16xi32>
      %and3A_285 = arith.constant 31 : i32
      %and3A_286 = vector.broadcast %and3A_285 : i32 to vector<16xi32>
      %and3A_287 = arith.andi %gather3A_281, %and3A_286 : vector<16xi32>
      %add3A_288 = arith.constant 1 : i32
      %add3A_289 = vector.broadcast %add3A_288 : i32 to vector<16xi32>
      %add3A_290 = arith.addi %and3A_287, %add3A_289 : vector<16xi32>
      %jit3A_291 = arith.constant 0 : i32
      %broadcast_in_dim3A_292 = vector.broadcast %jit3A_291 : i32 to vector<16xi32>
      %select_n3A_293 = arith.select %ne3A_284, %add3A_290, %broadcast_in_dim3A_292 : vector<16xi1>, vector<16xi32>
      %shift_left3A_294 = arith.constant 8 : i32
      %shift_left3A_295 = vector.broadcast %shift_left3A_294 : i32 to vector<16xi32>
      %shift_left3A_296 = arith.shli %select_n3A_293, %shift_left3A_295 : vector<16xi32>
      %or3A_297 = arith.ori %or3A_277, %shift_left3A_296 : vector<16xi32>
      %shift_right_arithmetic3A_298 = arith.constant 5 : i32
      %shift_right_arithmetic3A_299 = vector.broadcast %shift_right_arithmetic3A_298 : i32 to vector<16xi32>
      %shift_right_arithmetic3A_300 = arith.shrsi %gather3A_281, %shift_right_arithmetic3A_299 : vector<16xi32>
      %gather3A_301 = tpu.vector_load_idx %arg4[%shift_right_arithmetic3A_300] : memref<12800xi32, #tpu.memory_space<vmem>>[vector<16xi32>], vector<16xi32>,
      %ne3A_302 = arith.constant 0 : i32
      %ne3A_303 = vector.broadcast %ne3A_302 : i32 to vector<16xi32>
      %ne3A_304 = arith.cmpi ne, %shift_right_arithmetic3A_300, %ne3A_303 : vector<16xi32>
      %and3A_305 = arith.constant 31 : i32
      %and3A_306 = vector.broadcast %and3A_305 : i32 to vector<16xi32>
      %and3A_307 = arith.andi %gather3A_301, %and3A_306 : vector<16xi32>
      %add3A_308 = arith.constant 1 : i32
      %add3A_309 = vector.broadcast %add3A_308 : i32 to vector<16xi32>
      %add3A_310 = arith.addi %and3A_307, %add3A_309 : vector<16xi32>
      %jit3A_311 = arith.constant 0 : i32
      %broadcast_in_dim3A_312 = vector.broadcast %jit3A_311 : i32 to vector<16xi32>
      %select_n3A_313 = arith.select %ne3A_304, %add3A_310, %broadcast_in_dim3A_312 : vector<16xi1>, vector<16xi32>
      %shift_left3A_314 = arith.constant 16 : i32
      %shift_left3A_315 = vector.broadcast %shift_left3A_314 : i32 to vector<16xi32>
      %shift_left3A_316 = arith.shli %select_n3A_313, %shift_left3A_315 : vector<16xi32>
      %or3A_317 = arith.ori %or3A_297, %shift_left3A_316 : vector<16xi32>
      %shift_right_arithmetic3A_318 = arith.constant 5 : i32
      %shift_right_arithmetic3A_319 = vector.broadcast %shift_right_arithmetic3A_318 : i32 to vector<16xi32>
      %shift_right_arithmetic3A_320 = arith.shrsi %gather3A_301, %shift_right_arithmetic3A_319 : vector<16xi32>
      %gather3A_321 = tpu.vector_load_idx %arg4[%shift_right_arithmetic3A_320] : memref<12800xi32, #tpu.memory_space<vmem>>[vector<16xi32>], vector<16xi32>,
      %ne3A_322 = arith.constant 0 : i32
      %ne3A_323 = vector.broadcast %ne3A_322 : i32 to vector<16xi32>
      %ne3A_324 = arith.cmpi ne, %shift_right_arithmetic3A_320, %ne3A_323 : vector<16xi32>
      %and3A_325 = arith.constant 31 : i32
      %and3A_326 = vector.broadcast %and3A_325 : i32 to vector<16xi32>
      %and3A_327 = arith.andi %gather3A_321, %and3A_326 : vector<16xi32>
      %add3A_328 = arith.constant 1 : i32
      %add3A_329 = vector.broadcast %add3A_328 : i32 to vector<16xi32>
      %add3A_330 = arith.addi %and3A_327, %add3A_329 : vector<16xi32>
      %jit3A_331 = arith.constant 0 : i32
      %broadcast_in_dim3A_332 = vector.broadcast %jit3A_331 : i32 to vector<16xi32>
      %select_n3A_333 = arith.select %ne3A_324, %add3A_330, %broadcast_in_dim3A_332 : vector<16xi1>, vector<16xi32>
      %shift_left3A_334 = arith.constant 24 : i32
      %shift_left3A_335 = vector.broadcast %shift_left3A_334 : i32 to vector<16xi32>
      %shift_left3A_336 = arith.shli %select_n3A_333, %shift_left3A_335 : vector<16xi32>
      %or3A_337 = arith.ori %or3A_317, %shift_left3A_336 : vector<16xi32>
      %shift_right_arithmetic3A_338 = arith.constant 5 : i32
      %shift_right_arithmetic3A_339 = vector.broadcast %shift_right_arithmetic3A_338 : i32 to vector<16xi32>
      %shift_right_arithmetic3A_340 = arith.shrsi %gather3A_321, %shift_right_arithmetic3A_339 : vector<16xi32>
      %mul3A_341 = arith.constant 64 : i32
      %mul3A_342 = arith.muli %add3A_16, %mul3A_341 : i32
      %mul3A_343 = arith.constant 4 : i32
      %mul3A_344 = vector.broadcast %mul3A_343 : i32 to vector<16xi32>
      %mul3A_345 = arith.muli %iota3A, %mul3A_344 : vector<16xi32>
      %add3A_346 = vector.broadcast %mul3A_342 : i32 to vector<16xi32>
      %add3A_347 = arith.addi %add3A_346, %mul3A_345 : vector<16xi32>
      %add3A_348 = arith.constant 0 : i32
      %add3A_349 = vector.broadcast %add3A_348 : i32 to vector<16xi32>
      %add3A_350 = arith.addi %add3A_347, %add3A_349 : vector<16xi32>
      tpu.vector_store_idx %arg5[%add3A_350], %or3A_97 : memref<1600xi32, #tpu.memory_space<vmem>>[vector<16xi32>], vector<16xi32>,
      %mul3A_351 = arith.constant 4 : i32
      %mul3A_352 = vector.broadcast %mul3A_351 : i32 to vector<16xi32>
      %mul3A_353 = arith.muli %iota3A, %mul3A_352 : vector<16xi32>
      %add3A_354 = vector.broadcast %mul3A_342 : i32 to vector<16xi32>
      %add3A_355 = arith.addi %add3A_354, %mul3A_353 : vector<16xi32>
      %add3A_356 = arith.constant 1 : i32
      %add3A_357 = vector.broadcast %add3A_356 : i32 to vector<16xi32>
      %add3A_358 = arith.addi %add3A_355, %add3A_357 : vector<16xi32>
      tpu.vector_store_idx %arg5[%add3A_358], %or3A_177 : memref<1600xi32, #tpu.memory_space<vmem>>[vector<16xi32>], vector<16xi32>,
      %mul3A_359 = arith.constant 4 : i32
      %mul3A_360 = vector.broadcast %mul3A_359 : i32 to vector<16xi32>
      %mul3A_361 = arith.muli %iota3A, %mul3A_360 : vector<16xi32>
      %add3A_362 = vector.broadcast %mul3A_342 : i32 to vector<16xi32>
      %add3A_363 = arith.addi %add3A_362, %mul3A_361 : vector<16xi32>
      %add3A_364 = arith.constant 2 : i32
      %add3A_365 = vector.broadcast %add3A_364 : i32 to vector<16xi32>
      %add3A_366 = arith.addi %add3A_363, %add3A_365 : vector<16xi32>
      tpu.vector_store_idx %arg5[%add3A_366], %or3A_257 : memref<1600xi32, #tpu.memory_space<vmem>>[vector<16xi32>], vector<16xi32>,
      %mul3A_367 = arith.constant 4 : i32
      %mul3A_368 = vector.broadcast %mul3A_367 : i32 to vector<16xi32>
      %mul3A_369 = arith.muli %iota3A, %mul3A_368 : vector<16xi32>
      %add3A_370 = vector.broadcast %mul3A_342 : i32 to vector<16xi32>
      %add3A_371 = arith.addi %add3A_370, %mul3A_369 : vector<16xi32>
      %add3A_372 = arith.constant 3 : i32
      %add3A_373 = vector.broadcast %add3A_372 : i32 to vector<16xi32>
      %add3A_374 = arith.addi %add3A_371, %add3A_373 : vector<16xi32>
      tpu.vector_store_idx %arg5[%add3A_374], %or3A_337 : memref<1600xi32, #tpu.memory_space<vmem>>[vector<16xi32>], vector<16xi32>,
      %mul3A_375 = arith.constant 5 : i32
      %mul3A_376 = arith.muli %scan3A_12, %mul3A_375 : i32
      %add3A_377 = arith.constant 1 : i32
      %add3A_378 = arith.addi %mul3A_376, %add3A_377 : i32
      %mul3A_379 = arith.constant 16 : i32
      %mul3A_380 = arith.muli %add3A_378, %mul3A_379 : i32
      %add3A_381 = arith.addi %add3A_4, %mul3A_380 : i32
      %add3A_382 = vector.broadcast %add3A_381 : i32 to vector<16xi32>
      %add3A_383 = arith.addi %add3A_382, %iota3A : vector<16xi32>
      %broadcast_in_dim3A_384 = arith.constant 0 : i32
      %broadcast_in_dim3A_385 = vector.broadcast %broadcast_in_dim3A_384 : i32 to vector<16xi32>
      %broadcast_in_dim3A_386 = arith.constant 0 : i32
      %broadcast_in_dim3A_387 = vector.broadcast %broadcast_in_dim3A_386 : i32 to vector<16xi32>
      %broadcast_in_dim3A_388 = arith.constant 0 : i32
      %broadcast_in_dim3A_389 = vector.broadcast %broadcast_in_dim3A_388 : i32 to vector<16xi32>
      %broadcast_in_dim3A_390 = arith.constant 0 : i32
      %broadcast_in_dim3A_391 = vector.broadcast %broadcast_in_dim3A_390 : i32 to vector<16xi32>
      %gather3A_392 = tpu.vector_load_idx %arg4[%add3A_383] : memref<12800xi32, #tpu.memory_space<vmem>>[vector<16xi32>], vector<16xi32>,
      %ne3A_393 = arith.constant 0 : i32
      %ne3A_394 = vector.broadcast %ne3A_393 : i32 to vector<16xi32>
      %ne3A_395 = arith.cmpi ne, %add3A_383, %ne3A_394 : vector<16xi32>
      %and3A_396 = arith.constant 31 : i32
      %and3A_397 = vector.broadcast %and3A_396 : i32 to vector<16xi32>
      %and3A_398 = arith.andi %gather3A_392, %and3A_397 : vector<16xi32>
      %add3A_399 = arith.constant 1 : i32
      %add3A_400 = vector.broadcast %add3A_399 : i32 to vector<16xi32>
      %add3A_401 = arith.addi %and3A_398, %add3A_400 : vector<16xi32>
      %jit3A_402 = arith.constant 0 : i32
      %broadcast_in_dim3A_403 = vector.broadcast %jit3A_402 : i32 to vector<16xi32>
      %select_n3A_404 = arith.select %ne3A_395, %add3A_401, %broadcast_in_dim3A_403 : vector<16xi1>, vector<16xi32>
      %shift_left3A_405 = arith.constant 0 : i32
      %shift_left3A_406 = vector.broadcast %shift_left3A_405 : i32 to vector<16xi32>
      %shift_left3A_407 = arith.shli %select_n3A_404, %shift_left3A_406 : vector<16xi32>
      %or3A_408 = arith.ori %broadcast_in_dim3A_385, %shift_left3A_407 : vector<16xi32>
      %shift_right_arithmetic3A_409 = arith.constant 5 : i32
      %shift_right_arithmetic3A_410 = vector.broadcast %shift_right_arithmetic3A_409 : i32 to vector<16xi32>
      %shift_right_arithmetic3A_411 = arith.shrsi %gather3A_392, %shift_right_arithmetic3A_410 : vector<16xi32>
      %gather3A_412 = tpu.vector_load_idx %arg4[%shift_right_arithmetic3A_411] : memref<12800xi32, #tpu.memory_space<vmem>>[vector<16xi32>], vector<16xi32>,
      %ne3A_413 = arith.constant 0 : i32
      %ne3A_414 = vector.broadcast %ne3A_413 : i32 to vector<16xi32>
      %ne3A_415 = arith.cmpi ne, %shift_right_arithmetic3A_411, %ne3A_414 : vector<16xi32>
      %and3A_416 = arith.constant 31 : i32
      %and3A_417 = vector.broadcast %and3A_416 : i32 to vector<16xi32>
      %and3A_418 = arith.andi %gather3A_412, %and3A_417 : vector<16xi32>
      %add3A_419 = arith.constant 1 : i32
      %add3A_420 = vector.broadcast %add3A_419 : i32 to vector<16xi32>
      %add3A_421 = arith.addi %and3A_418, %add3A_420 : vector<16xi32>
      %jit3A_422 = arith.constant 0 : i32
      %broadcast_in_dim3A_423 = vector.broadcast %jit3A_422 : i32 to vector<16xi32>
      %select_n3A_424 = arith.select %ne3A_415, %add3A_421, %broadcast_in_dim3A_423 : vector<16xi1>, vector<16xi32>
      %shift_left3A_425 = arith.constant 8 : i32
      %shift_left3A_426 = vector.broadcast %shift_left3A_425 : i32 to vector<16xi32>
      %shift_left3A_427 = arith.shli %select_n3A_424, %shift_left3A_426 : vector<16xi32>
      %or3A_428 = arith.ori %or3A_408, %shift_left3A_427 : vector<16xi32>
      %shift_right_arithmetic3A_429 = arith.constant 5 : i32
      %shift_right_arithmetic3A_430 = vector.broadcast %shift_right_arithmetic3A_429 : i32 to vector<16xi32>
      %shift_right_arithmetic3A_431 = arith.shrsi %gather3A_412, %shift_right_arithmetic3A_430 : vector<16xi32>
      %gather3A_432 = tpu.vector_load_idx %arg4[%shift_right_arithmetic3A_431] : memref<12800xi32, #tpu.memory_space<vmem>>[vector<16xi32>], vector<16xi32>,
      %ne3A_433 = arith.constant 0 : i32
      %ne3A_434 = vector.broadcast %ne3A_433 : i32 to vector<16xi32>
      %ne3A_435 = arith.cmpi ne, %shift_right_arithmetic3A_431, %ne3A_434 : vector<16xi32>
      %and3A_436 = arith.constant 31 : i32
      %and3A_437 = vector.broadcast %and3A_436 : i32 to vector<16xi32>
      %and3A_438 = arith.andi %gather3A_432, %and3A_437 : vector<16xi32>
      %add3A_439 = arith.constant 1 : i32
      %add3A_440 = vector.broadcast %add3A_439 : i32 to vector<16xi32>
      %add3A_441 = arith.addi %and3A_438, %add3A_440 : vector<16xi32>
      %jit3A_442 = arith.constant 0 : i32
      %broadcast_in_dim3A_443 = vector.broadcast %jit3A_442 : i32 to vector<16xi32>
      %select_n3A_444 = arith.select %ne3A_435, %add3A_441, %broadcast_in_dim3A_443 : vector<16xi1>, vector<16xi32>
      %shift_left3A_445 = arith.constant 16 : i32
      %shift_left3A_446 = vector.broadcast %shift_left3A_445 : i32 to vector<16xi32>
      %shift_left3A_447 = arith.shli %select_n3A_444, %shift_left3A_446 : vector<16xi32>
      %or3A_448 = arith.ori %or3A_428, %shift_left3A_447 : vector<16xi32>
      %shift_right_arithmetic3A_449 = arith.constant 5 : i32
      %shift_right_arithmetic3A_450 = vector.broadcast %shift_right_arithmetic3A_449 : i32 to vector<16xi32>
      %shift_right_arithmetic3A_451 = arith.shrsi %gather3A_432, %shift_right_arithmetic3A_450 : vector<16xi32>
      %gather3A_452 = tpu.vector_load_idx %arg4[%shift_right_arithmetic3A_451] : memref<12800xi32, #tpu.memory_space<vmem>>[vector<16xi32>], vector<16xi32>,
      %ne3A_453 = arith.constant 0 : i32
      %ne3A_454 = vector.broadcast %ne3A_453 : i32 to vector<16xi32>
      %ne3A_455 = arith.cmpi ne, %shift_right_arithmetic3A_451, %ne3A_454 : vector<16xi32>
      %and3A_456 = arith.constant 31 : i32
      %and3A_457 = vector.broadcast %and3A_456 : i32 to vector<16xi32>
      %and3A_458 = arith.andi %gather3A_452, %and3A_457 : vector<16xi32>
      %add3A_459 = arith.constant 1 : i32
      %add3A_460 = vector.broadcast %add3A_459 : i32 to vector<16xi32>
      %add3A_461 = arith.addi %and3A_458, %add3A_460 : vector<16xi32>
      %jit3A_462 = arith.constant 0 : i32
      %broadcast_in_dim3A_463 = vector.broadcast %jit3A_462 : i32 to vector<16xi32>
      %select_n3A_464 = arith.select %ne3A_455, %add3A_461, %broadcast_in_dim3A_463 : vector<16xi1>, vector<16xi32>
      %shift_left3A_465 = arith.constant 24 : i32
      %shift_left3A_466 = vector.broadcast %shift_left3A_465 : i32 to vector<16xi32>
      %shift_left3A_467 = arith.shli %select_n3A_464, %shift_left3A_466 : vector<16xi32>
      %or3A_468 = arith.ori %or3A_448, %shift_left3A_467 : vector<16xi32>
      %shift_right_arithmetic3A_469 = arith.constant 5 : i32
      %shift_right_arithmetic3A_470 = vector.broadcast %shift_right_arithmetic3A_469 : i32 to vector<16xi32>
      %shift_right_arithmetic3A_471 = arith.shrsi %gather3A_452, %shift_right_arithmetic3A_470 : vector<16xi32>
      %gather3A_472 = tpu.vector_load_idx %arg4[%shift_right_arithmetic3A_471] : memref<12800xi32, #tpu.memory_space<vmem>>[vector<16xi32>], vector<16xi32>,
      %ne3A_473 = arith.constant 0 : i32
      %ne3A_474 = vector.broadcast %ne3A_473 : i32 to vector<16xi32>
      %ne3A_475 = arith.cmpi ne, %shift_right_arithmetic3A_471, %ne3A_474 : vector<16xi32>
      %and3A_476 = arith.constant 31 : i32
      %and3A_477 = vector.broadcast %and3A_476 : i32 to vector<16xi32>
      %and3A_478 = arith.andi %gather3A_472, %and3A_477 : vector<16xi32>
      %add3A_479 = arith.constant 1 : i32
      %add3A_480 = vector.broadcast %add3A_479 : i32 to vector<16xi32>
      %add3A_481 = arith.addi %and3A_478, %add3A_480 : vector<16xi32>
      %jit3A_482 = arith.constant 0 : i32
      %broadcast_in_dim3A_483 = vector.broadcast %jit3A_482 : i32 to vector<16xi32>
      %select_n3A_484 = arith.select %ne3A_475, %add3A_481, %broadcast_in_dim3A_483 : vector<16xi1>, vector<16xi32>
      %shift_left3A_485 = arith.constant 0 : i32
      %shift_left3A_486 = vector.broadcast %shift_left3A_485 : i32 to vector<16xi32>
      %shift_left3A_487 = arith.shli %select_n3A_484, %shift_left3A_486 : vector<16xi32>
      %or3A_488 = arith.ori %broadcast_in_dim3A_387, %shift_left3A_487 : vector<16xi32>
      %shift_right_arithmetic3A_489 = arith.constant 5 : i32
      %shift_right_arithmetic3A_490 = vector.broadcast %shift_right_arithmetic3A_489 : i32 to vector<16xi32>
      %shift_right_arithmetic3A_491 = arith.shrsi %gather3A_472, %shift_right_arithmetic3A_490 : vector<16xi32>
      %gather3A_492 = tpu.vector_load_idx %arg4[%shift_right_arithmetic3A_491] : memref<12800xi32, #tpu.memory_space<vmem>>[vector<16xi32>], vector<16xi32>,
      %ne3A_493 = arith.constant 0 : i32
      %ne3A_494 = vector.broadcast %ne3A_493 : i32 to vector<16xi32>
      %ne3A_495 = arith.cmpi ne, %shift_right_arithmetic3A_491, %ne3A_494 : vector<16xi32>
      %and3A_496 = arith.constant 31 : i32
      %and3A_497 = vector.broadcast %and3A_496 : i32 to vector<16xi32>
      %and3A_498 = arith.andi %gather3A_492, %and3A_497 : vector<16xi32>
      %add3A_499 = arith.constant 1 : i32
      %add3A_500 = vector.broadcast %add3A_499 : i32 to vector<16xi32>
      %add3A_501 = arith.addi %and3A_498, %add3A_500 : vector<16xi32>
      %jit3A_502 = arith.constant 0 : i32
      %broadcast_in_dim3A_503 = vector.broadcast %jit3A_502 : i32 to vector<16xi32>
      %select_n3A_504 = arith.select %ne3A_495, %add3A_501, %broadcast_in_dim3A_503 : vector<16xi1>, vector<16xi32>
      %shift_left3A_505 = arith.constant 8 : i32
      %shift_left3A_506 = vector.broadcast %shift_left3A_505 : i32 to vector<16xi32>
      %shift_left3A_507 = arith.shli %select_n3A_504, %shift_left3A_506 : vector<16xi32>
      %or3A_508 = arith.ori %or3A_488, %shift_left3A_507 : vector<16xi32>
      %shift_right_arithmetic3A_509 = arith.constant 5 : i32
      %shift_right_arithmetic3A_510 = vector.broadcast %shift_right_arithmetic3A_509 : i32 to vector<16xi32>
      %shift_right_arithmetic3A_511 = arith.shrsi %gather3A_492, %shift_right_arithmetic3A_510 : vector<16xi32>
      %gather3A_512 = tpu.vector_load_idx %arg4[%shift_right_arithmetic3A_511] : memref<12800xi32, #tpu.memory_space<vmem>>[vector<16xi32>], vector<16xi32>,
      %ne3A_513 = arith.constant 0 : i32
      %ne3A_514 = vector.broadcast %ne3A_513 : i32 to vector<16xi32>
      %ne3A_515 = arith.cmpi ne, %shift_right_arithmetic3A_511, %ne3A_514 : vector<16xi32>
      %and3A_516 = arith.constant 31 : i32
      %and3A_517 = vector.broadcast %and3A_516 : i32 to vector<16xi32>
      %and3A_518 = arith.andi %gather3A_512, %and3A_517 : vector<16xi32>
      %add3A_519 = arith.constant 1 : i32
      %add3A_520 = vector.broadcast %add3A_519 : i32 to vector<16xi32>
      %add3A_521 = arith.addi %and3A_518, %add3A_520 : vector<16xi32>
      %jit3A_522 = arith.constant 0 : i32
      %broadcast_in_dim3A_523 = vector.broadcast %jit3A_522 : i32 to vector<16xi32>
      %select_n3A_524 = arith.select %ne3A_515, %add3A_521, %broadcast_in_dim3A_523 : vector<16xi1>, vector<16xi32>
      %shift_left3A_525 = arith.constant 16 : i32
      %shift_left3A_526 = vector.broadcast %shift_left3A_525 : i32 to vector<16xi32>
      %shift_left3A_527 = arith.shli %select_n3A_524, %shift_left3A_526 : vector<16xi32>
      %or3A_528 = arith.ori %or3A_508, %shift_left3A_527 : vector<16xi32>
      %shift_right_arithmetic3A_529 = arith.constant 5 : i32
      %shift_right_arithmetic3A_530 = vector.broadcast %shift_right_arithmetic3A_529 : i32 to vector<16xi32>
      %shift_right_arithmetic3A_531 = arith.shrsi %gather3A_512, %shift_right_arithmetic3A_530 : vector<16xi32>
      %gather3A_532 = tpu.vector_load_idx %arg4[%shift_right_arithmetic3A_531] : memref<12800xi32, #tpu.memory_space<vmem>>[vector<16xi32>], vector<16xi32>,
      %ne3A_533 = arith.constant 0 : i32
      %ne3A_534 = vector.broadcast %ne3A_533 : i32 to vector<16xi32>
      %ne3A_535 = arith.cmpi ne, %shift_right_arithmetic3A_531, %ne3A_534 : vector<16xi32>
      %and3A_536 = arith.constant 31 : i32
      %and3A_537 = vector.broadcast %and3A_536 : i32 to vector<16xi32>
      %and3A_538 = arith.andi %gather3A_532, %and3A_537 : vector<16xi32>
      %add3A_539 = arith.constant 1 : i32
      %add3A_540 = vector.broadcast %add3A_539 : i32 to vector<16xi32>
      %add3A_541 = arith.addi %and3A_538, %add3A_540 : vector<16xi32>
      %jit3A_542 = arith.constant 0 : i32
      %broadcast_in_dim3A_543 = vector.broadcast %jit3A_542 : i32 to vector<16xi32>
      %select_n3A_544 = arith.select %ne3A_535, %add3A_541, %broadcast_in_dim3A_543 : vector<16xi1>, vector<16xi32>
      %shift_left3A_545 = arith.constant 24 : i32
      %shift_left3A_546 = vector.broadcast %shift_left3A_545 : i32 to vector<16xi32>
      %shift_left3A_547 = arith.shli %select_n3A_544, %shift_left3A_546 : vector<16xi32>
      %or3A_548 = arith.ori %or3A_528, %shift_left3A_547 : vector<16xi32>
      %shift_right_arithmetic3A_549 = arith.constant 5 : i32
      %shift_right_arithmetic3A_550 = vector.broadcast %shift_right_arithmetic3A_549 : i32 to vector<16xi32>
      %shift_right_arithmetic3A_551 = arith.shrsi %gather3A_532, %shift_right_arithmetic3A_550 : vector<16xi32>
      %gather3A_552 = tpu.vector_load_idx %arg4[%shift_right_arithmetic3A_551] : memref<12800xi32, #tpu.memory_space<vmem>>[vector<16xi32>], vector<16xi32>,
      %ne3A_553 = arith.constant 0 : i32
      %ne3A_554 = vector.broadcast %ne3A_553 : i32 to vector<16xi32>
      %ne3A_555 = arith.cmpi ne, %shift_right_arithmetic3A_551, %ne3A_554 : vector<16xi32>
      %and3A_556 = arith.constant 31 : i32
      %and3A_557 = vector.broadcast %and3A_556 : i32 to vector<16xi32>
      %and3A_558 = arith.andi %gather3A_552, %and3A_557 : vector<16xi32>
      %add3A_559 = arith.constant 1 : i32
      %add3A_560 = vector.broadcast %add3A_559 : i32 to vector<16xi32>
      %add3A_561 = arith.addi %and3A_558, %add3A_560 : vector<16xi32>
      %jit3A_562 = arith.constant 0 : i32
      %broadcast_in_dim3A_563 = vector.broadcast %jit3A_562 : i32 to vector<16xi32>
      %select_n3A_564 = arith.select %ne3A_555, %add3A_561, %broadcast_in_dim3A_563 : vector<16xi1>, vector<16xi32>
      %shift_left3A_565 = arith.constant 0 : i32
      %shift_left3A_566 = vector.broadcast %shift_left3A_565 : i32 to vector<16xi32>
      %shift_left3A_567 = arith.shli %select_n3A_564, %shift_left3A_566 : vector<16xi32>
      %or3A_568 = arith.ori %broadcast_in_dim3A_389, %shift_left3A_567 : vector<16xi32>
      %shift_right_arithmetic3A_569 = arith.constant 5 : i32
      %shift_right_arithmetic3A_570 = vector.broadcast %shift_right_arithmetic3A_569 : i32 to vector<16xi32>
      %shift_right_arithmetic3A_571 = arith.shrsi %gather3A_552, %shift_right_arithmetic3A_570 : vector<16xi32>
      %gather3A_572 = tpu.vector_load_idx %arg4[%shift_right_arithmetic3A_571] : memref<12800xi32, #tpu.memory_space<vmem>>[vector<16xi32>], vector<16xi32>,
      %ne3A_573 = arith.constant 0 : i32
      %ne3A_574 = vector.broadcast %ne3A_573 : i32 to vector<16xi32>
      %ne3A_575 = arith.cmpi ne, %shift_right_arithmetic3A_571, %ne3A_574 : vector<16xi32>
      %and3A_576 = arith.constant 31 : i32
      %and3A_577 = vector.broadcast %and3A_576 : i32 to vector<16xi32>
      %and3A_578 = arith.andi %gather3A_572, %and3A_577 : vector<16xi32>
      %add3A_579 = arith.constant 1 : i32
      %add3A_580 = vector.broadcast %add3A_579 : i32 to vector<16xi32>
      %add3A_581 = arith.addi %and3A_578, %add3A_580 : vector<16xi32>
      %jit3A_582 = arith.constant 0 : i32
      %broadcast_in_dim3A_583 = vector.broadcast %jit3A_582 : i32 to vector<16xi32>
      %select_n3A_584 = arith.select %ne3A_575, %add3A_581, %broadcast_in_dim3A_583 : vector<16xi1>, vector<16xi32>
      %shift_left3A_585 = arith.constant 8 : i32
      %shift_left3A_586 = vector.broadcast %shift_left3A_585 : i32 to vector<16xi32>
      %shift_left3A_587 = arith.shli %select_n3A_584, %shift_left3A_586 : vector<16xi32>
      %or3A_588 = arith.ori %or3A_568, %shift_left3A_587 : vector<16xi32>
      %shift_right_arithmetic3A_589 = arith.constant 5 : i32
      %shift_right_arithmetic3A_590 = vector.broadcast %shift_right_arithmetic3A_589 : i32 to vector<16xi32>
      %shift_right_arithmetic3A_591 = arith.shrsi %gather3A_572, %shift_right_arithmetic3A_590 : vector<16xi32>
      %gather3A_592 = tpu.vector_load_idx %arg4[%shift_right_arithmetic3A_591] : memref<12800xi32, #tpu.memory_space<vmem>>[vector<16xi32>], vector<16xi32>,
      %ne3A_593 = arith.constant 0 : i32
      %ne3A_594 = vector.broadcast %ne3A_593 : i32 to vector<16xi32>
      %ne3A_595 = arith.cmpi ne, %shift_right_arithmetic3A_591, %ne3A_594 : vector<16xi32>
      %and3A_596 = arith.constant 31 : i32
      %and3A_597 = vector.broadcast %and3A_596 : i32 to vector<16xi32>
      %and3A_598 = arith.andi %gather3A_592, %and3A_597 : vector<16xi32>
      %add3A_599 = arith.constant 1 : i32
      %add3A_600 = vector.broadcast %add3A_599 : i32 to vector<16xi32>
      %add3A_601 = arith.addi %and3A_598, %add3A_600 : vector<16xi32>
      %jit3A_602 = arith.constant 0 : i32
      %broadcast_in_dim3A_603 = vector.broadcast %jit3A_602 : i32 to vector<16xi32>
      %select_n3A_604 = arith.select %ne3A_595, %add3A_601, %broadcast_in_dim3A_603 : vector<16xi1>, vector<16xi32>
      %shift_left3A_605 = arith.constant 16 : i32
      %shift_left3A_606 = vector.broadcast %shift_left3A_605 : i32 to vector<16xi32>
      %shift_left3A_607 = arith.shli %select_n3A_604, %shift_left3A_606 : vector<16xi32>
      %or3A_608 = arith.ori %or3A_588, %shift_left3A_607 : vector<16xi32>
      %shift_right_arithmetic3A_609 = arith.constant 5 : i32
      %shift_right_arithmetic3A_610 = vector.broadcast %shift_right_arithmetic3A_609 : i32 to vector<16xi32>
      %shift_right_arithmetic3A_611 = arith.shrsi %gather3A_592, %shift_right_arithmetic3A_610 : vector<16xi32>
      %gather3A_612 = tpu.vector_load_idx %arg4[%shift_right_arithmetic3A_611] : memref<12800xi32, #tpu.memory_space<vmem>>[vector<16xi32>], vector<16xi32>,
      %ne3A_613 = arith.constant 0 : i32
      %ne3A_614 = vector.broadcast %ne3A_613 : i32 to vector<16xi32>
      %ne3A_615 = arith.cmpi ne, %shift_right_arithmetic3A_611, %ne3A_614 : vector<16xi32>
      %and3A_616 = arith.constant 31 : i32
      %and3A_617 = vector.broadcast %and3A_616 : i32 to vector<16xi32>
      %and3A_618 = arith.andi %gather3A_612, %and3A_617 : vector<16xi32>
      %add3A_619 = arith.constant 1 : i32
      %add3A_620 = vector.broadcast %add3A_619 : i32 to vector<16xi32>
      %add3A_621 = arith.addi %and3A_618, %add3A_620 : vector<16xi32>
      %jit3A_622 = arith.constant 0 : i32
      %broadcast_in_dim3A_623 = vector.broadcast %jit3A_622 : i32 to vector<16xi32>
      %select_n3A_624 = arith.select %ne3A_615, %add3A_621, %broadcast_in_dim3A_623 : vector<16xi1>, vector<16xi32>
      %shift_left3A_625 = arith.constant 24 : i32
      %shift_left3A_626 = vector.broadcast %shift_left3A_625 : i32 to vector<16xi32>
      %shift_left3A_627 = arith.shli %select_n3A_624, %shift_left3A_626 : vector<16xi32>
      %or3A_628 = arith.ori %or3A_608, %shift_left3A_627 : vector<16xi32>
      %shift_right_arithmetic3A_629 = arith.constant 5 : i32
      %shift_right_arithmetic3A_630 = vector.broadcast %shift_right_arithmetic3A_629 : i32 to vector<16xi32>
      %shift_right_arithmetic3A_631 = arith.shrsi %gather3A_612, %shift_right_arithmetic3A_630 : vector<16xi32>
      %gather3A_632 = tpu.vector_load_idx %arg4[%shift_right_arithmetic3A_631] : memref<12800xi32, #tpu.memory_space<vmem>>[vector<16xi32>], vector<16xi32>,
      %ne3A_633 = arith.constant 0 : i32
      %ne3A_634 = vector.broadcast %ne3A_633 : i32 to vector<16xi32>
      %ne3A_635 = arith.cmpi ne, %shift_right_arithmetic3A_631, %ne3A_634 : vector<16xi32>
      %and3A_636 = arith.constant 31 : i32
      %and3A_637 = vector.broadcast %and3A_636 : i32 to vector<16xi32>
      %and3A_638 = arith.andi %gather3A_632, %and3A_637 : vector<16xi32>
      %add3A_639 = arith.constant 1 : i32
      %add3A_640 = vector.broadcast %add3A_639 : i32 to vector<16xi32>
      %add3A_641 = arith.addi %and3A_638, %add3A_640 : vector<16xi32>
      %jit3A_642 = arith.constant 0 : i32
      %broadcast_in_dim3A_643 = vector.broadcast %jit3A_642 : i32 to vector<16xi32>
      %select_n3A_644 = arith.select %ne3A_635, %add3A_641, %broadcast_in_dim3A_643 : vector<16xi1>, vector<16xi32>
      %shift_left3A_645 = arith.constant 0 : i32
      %shift_left3A_646 = vector.broadcast %shift_left3A_645 : i32 to vector<16xi32>
      %shift_left3A_647 = arith.shli %select_n3A_644, %shift_left3A_646 : vector<16xi32>
      %or3A_648 = arith.ori %broadcast_in_dim3A_391, %shift_left3A_647 : vector<16xi32>
      %shift_right_arithmetic3A_649 = arith.constant 5 : i32
      %shift_right_arithmetic3A_650 = vector.broadcast %shift_right_arithmetic3A_649 : i32 to vector<16xi32>
      %shift_right_arithmetic3A_651 = arith.shrsi %gather3A_632, %shift_right_arithmetic3A_650 : vector<16xi32>
      %gather3A_652 = tpu.vector_load_idx %arg4[%shift_right_arithmetic3A_651] : memref<12800xi32, #tpu.memory_space<vmem>>[vector<16xi32>], vector<16xi32>,
      %ne3A_653 = arith.constant 0 : i32
      %ne3A_654 = vector.broadcast %ne3A_653 : i32 to vector<16xi32>
      %ne3A_655 = arith.cmpi ne, %shift_right_arithmetic3A_651, %ne3A_654 : vector<16xi32>
      %and3A_656 = arith.constant 31 : i32
      %and3A_657 = vector.broadcast %and3A_656 : i32 to vector<16xi32>
      %and3A_658 = arith.andi %gather3A_652, %and3A_657 : vector<16xi32>
      %add3A_659 = arith.constant 1 : i32
      %add3A_660 = vector.broadcast %add3A_659 : i32 to vector<16xi32>
      %add3A_661 = arith.addi %and3A_658, %add3A_660 : vector<16xi32>
      %jit3A_662 = arith.constant 0 : i32
      %broadcast_in_dim3A_663 = vector.broadcast %jit3A_662 : i32 to vector<16xi32>
      %select_n3A_664 = arith.select %ne3A_655, %add3A_661, %broadcast_in_dim3A_663 : vector<16xi1>, vector<16xi32>
      %shift_left3A_665 = arith.constant 8 : i32
      %shift_left3A_666 = vector.broadcast %shift_left3A_665 : i32 to vector<16xi32>
      %shift_left3A_667 = arith.shli %select_n3A_664, %shift_left3A_666 : vector<16xi32>
      %or3A_668 = arith.ori %or3A_648, %shift_left3A_667 : vector<16xi32>
      %shift_right_arithmetic3A_669 = arith.constant 5 : i32
      %shift_right_arithmetic3A_670 = vector.broadcast %shift_right_arithmetic3A_669 : i32 to vector<16xi32>
      %shift_right_arithmetic3A_671 = arith.shrsi %gather3A_652, %shift_right_arithmetic3A_670 : vector<16xi32>
      %gather3A_672 = tpu.vector_load_idx %arg4[%shift_right_arithmetic3A_671] : memref<12800xi32, #tpu.memory_space<vmem>>[vector<16xi32>], vector<16xi32>,
      %ne3A_673 = arith.constant 0 : i32
      %ne3A_674 = vector.broadcast %ne3A_673 : i32 to vector<16xi32>
      %ne3A_675 = arith.cmpi ne, %shift_right_arithmetic3A_671, %ne3A_674 : vector<16xi32>
      %and3A_676 = arith.constant 31 : i32
      %and3A_677 = vector.broadcast %and3A_676 : i32 to vector<16xi32>
      %and3A_678 = arith.andi %gather3A_672, %and3A_677 : vector<16xi32>
      %add3A_679 = arith.constant 1 : i32
      %add3A_680 = vector.broadcast %add3A_679 : i32 to vector<16xi32>
      %add3A_681 = arith.addi %and3A_678, %add3A_680 : vector<16xi32>
      %jit3A_682 = arith.constant 0 : i32
      %broadcast_in_dim3A_683 = vector.broadcast %jit3A_682 : i32 to vector<16xi32>
      %select_n3A_684 = arith.select %ne3A_675, %add3A_681, %broadcast_in_dim3A_683 : vector<16xi1>, vector<16xi32>
      %shift_left3A_685 = arith.constant 16 : i32
      %shift_left3A_686 = vector.broadcast %shift_left3A_685 : i32 to vector<16xi32>
      %shift_left3A_687 = arith.shli %select_n3A_684, %shift_left3A_686 : vector<16xi32>
      %or3A_688 = arith.ori %or3A_668, %shift_left3A_687 : vector<16xi32>
      %shift_right_arithmetic3A_689 = arith.constant 5 : i32
      %shift_right_arithmetic3A_690 = vector.broadcast %shift_right_arithmetic3A_689 : i32 to vector<16xi32>
      %shift_right_arithmetic3A_691 = arith.shrsi %gather3A_672, %shift_right_arithmetic3A_690 : vector<16xi32>
      %gather3A_692 = tpu.vector_load_idx %arg4[%shift_right_arithmetic3A_691] : memref<12800xi32, #tpu.memory_space<vmem>>[vector<16xi32>], vector<16xi32>,
      %ne3A_693 = arith.constant 0 : i32
      %ne3A_694 = vector.broadcast %ne3A_693 : i32 to vector<16xi32>
      %ne3A_695 = arith.cmpi ne, %shift_right_arithmetic3A_691, %ne3A_694 : vector<16xi32>
      %and3A_696 = arith.constant 31 : i32
      %and3A_697 = vector.broadcast %and3A_696 : i32 to vector<16xi32>
      %and3A_698 = arith.andi %gather3A_692, %and3A_697 : vector<16xi32>
      %add3A_699 = arith.constant 1 : i32
      %add3A_700 = vector.broadcast %add3A_699 : i32 to vector<16xi32>
      %add3A_701 = arith.addi %and3A_698, %add3A_700 : vector<16xi32>
      %jit3A_702 = arith.constant 0 : i32
      %broadcast_in_dim3A_703 = vector.broadcast %jit3A_702 : i32 to vector<16xi32>
      %select_n3A_704 = arith.select %ne3A_695, %add3A_701, %broadcast_in_dim3A_703 : vector<16xi1>, vector<16xi32>
      %shift_left3A_705 = arith.constant 24 : i32
      %shift_left3A_706 = vector.broadcast %shift_left3A_705 : i32 to vector<16xi32>
      %shift_left3A_707 = arith.shli %select_n3A_704, %shift_left3A_706 : vector<16xi32>
      %or3A_708 = arith.ori %or3A_688, %shift_left3A_707 : vector<16xi32>
      %shift_right_arithmetic3A_709 = arith.constant 5 : i32
      %shift_right_arithmetic3A_710 = vector.broadcast %shift_right_arithmetic3A_709 : i32 to vector<16xi32>
      %shift_right_arithmetic3A_711 = arith.shrsi %gather3A_692, %shift_right_arithmetic3A_710 : vector<16xi32>
      %mul3A_712 = arith.constant 64 : i32
      %mul3A_713 = arith.muli %add3A_378, %mul3A_712 : i32
      %mul3A_714 = arith.constant 4 : i32
      %mul3A_715 = vector.broadcast %mul3A_714 : i32 to vector<16xi32>
      %mul3A_716 = arith.muli %iota3A, %mul3A_715 : vector<16xi32>
      %add3A_717 = vector.broadcast %mul3A_713 : i32 to vector<16xi32>
      %add3A_718 = arith.addi %add3A_717, %mul3A_716 : vector<16xi32>
      %add3A_719 = arith.constant 0 : i32
      %add3A_720 = vector.broadcast %add3A_719 : i32 to vector<16xi32>
      %add3A_721 = arith.addi %add3A_718, %add3A_720 : vector<16xi32>
      tpu.vector_store_idx %arg5[%add3A_721], %or3A_468 : memref<1600xi32, #tpu.memory_space<vmem>>[vector<16xi32>], vector<16xi32>,
      %mul3A_722 = arith.constant 4 : i32
      %mul3A_723 = vector.broadcast %mul3A_722 : i32 to vector<16xi32>
      %mul3A_724 = arith.muli %iota3A, %mul3A_723 : vector<16xi32>
      %add3A_725 = vector.broadcast %mul3A_713 : i32 to vector<16xi32>
      %add3A_726 = arith.addi %add3A_725, %mul3A_724 : vector<16xi32>
      %add3A_727 = arith.constant 1 : i32
      %add3A_728 = vector.broadcast %add3A_727 : i32 to vector<16xi32>
      %add3A_729 = arith.addi %add3A_726, %add3A_728 : vector<16xi32>
      tpu.vector_store_idx %arg5[%add3A_729], %or3A_548 : memref<1600xi32, #tpu.memory_space<vmem>>[vector<16xi32>], vector<16xi32>,
      %mul3A_730 = arith.constant 4 : i32
      %mul3A_731 = vector.broadcast %mul3A_730 : i32 to vector<16xi32>
      %mul3A_732 = arith.muli %iota3A, %mul3A_731 : vector<16xi32>
      %add3A_733 = vector.broadcast %mul3A_713 : i32 to vector<16xi32>
      %add3A_734 = arith.addi %add3A_733, %mul3A_732 : vector<16xi32>
      %add3A_735 = arith.constant 2 : i32
      %add3A_736 = vector.broadcast %add3A_735 : i32 to vector<16xi32>
      %add3A_737 = arith.addi %add3A_734, %add3A_736 : vector<16xi32>
      tpu.vector_store_idx %arg5[%add3A_737], %or3A_628 : memref<1600xi32, #tpu.memory_space<vmem>>[vector<16xi32>], vector<16xi32>,
      %mul3A_738 = arith.constant 4 : i32
      %mul3A_739 = vector.broadcast %mul3A_738 : i32 to vector<16xi32>
      %mul3A_740 = arith.muli %iota3A, %mul3A_739 : vector<16xi32>
      %add3A_741 = vector.broadcast %mul3A_713 : i32 to vector<16xi32>
      %add3A_742 = arith.addi %add3A_741, %mul3A_740 : vector<16xi32>
      %add3A_743 = arith.constant 3 : i32
      %add3A_744 = vector.broadcast %add3A_743 : i32 to vector<16xi32>
      %add3A_745 = arith.addi %add3A_742, %add3A_744 : vector<16xi32>
      tpu.vector_store_idx %arg5[%add3A_745], %or3A_708 : memref<1600xi32, #tpu.memory_space<vmem>>[vector<16xi32>], vector<16xi32>,
      %mul3A_746 = arith.constant 5 : i32
      %mul3A_747 = arith.muli %scan3A_12, %mul3A_746 : i32
      %add3A_748 = arith.constant 2 : i32
      %add3A_749 = arith.addi %mul3A_747, %add3A_748 : i32
      %mul3A_750 = arith.constant 16 : i32
      %mul3A_751 = arith.muli %add3A_749, %mul3A_750 : i32
      %add3A_752 = arith.addi %add3A_4, %mul3A_751 : i32
      %add3A_753 = vector.broadcast %add3A_752 : i32 to vector<16xi32>
      %add3A_754 = arith.addi %add3A_753, %iota3A : vector<16xi32>
      %broadcast_in_dim3A_755 = arith.constant 0 : i32
      %broadcast_in_dim3A_756 = vector.broadcast %broadcast_in_dim3A_755 : i32 to vector<16xi32>
      %broadcast_in_dim3A_757 = arith.constant 0 : i32
      %broadcast_in_dim3A_758 = vector.broadcast %broadcast_in_dim3A_757 : i32 to vector<16xi32>
      %broadcast_in_dim3A_759 = arith.constant 0 : i32
      %broadcast_in_dim3A_760 = vector.broadcast %broadcast_in_dim3A_759 : i32 to vector<16xi32>
      %broadcast_in_dim3A_761 = arith.constant 0 : i32
      %broadcast_in_dim3A_762 = vector.broadcast %broadcast_in_dim3A_761 : i32 to vector<16xi32>
      %gather3A_763 = tpu.vector_load_idx %arg4[%add3A_754] : memref<12800xi32, #tpu.memory_space<vmem>>[vector<16xi32>], vector<16xi32>,
      %ne3A_764 = arith.constant 0 : i32
      %ne3A_765 = vector.broadcast %ne3A_764 : i32 to vector<16xi32>
      %ne3A_766 = arith.cmpi ne, %add3A_754, %ne3A_765 : vector<16xi32>
      %and3A_767 = arith.constant 31 : i32
      %and3A_768 = vector.broadcast %and3A_767 : i32 to vector<16xi32>
      %and3A_769 = arith.andi %gather3A_763, %and3A_768 : vector<16xi32>
      %add3A_770 = arith.constant 1 : i32
      %add3A_771 = vector.broadcast %add3A_770 : i32 to vector<16xi32>
      %add3A_772 = arith.addi %and3A_769, %add3A_771 : vector<16xi32>
      %jit3A_773 = arith.constant 0 : i32
      %broadcast_in_dim3A_774 = vector.broadcast %jit3A_773 : i32 to vector<16xi32>
      %select_n3A_775 = arith.select %ne3A_766, %add3A_772, %broadcast_in_dim3A_774 : vector<16xi1>, vector<16xi32>
      %shift_left3A_776 = arith.constant 0 : i32
      %shift_left3A_777 = vector.broadcast %shift_left3A_776 : i32 to vector<16xi32>
      %shift_left3A_778 = arith.shli %select_n3A_775, %shift_left3A_777 : vector<16xi32>
      %or3A_779 = arith.ori %broadcast_in_dim3A_756, %shift_left3A_778 : vector<16xi32>
      %shift_right_arithmetic3A_780 = arith.constant 5 : i32
      %shift_right_arithmetic3A_781 = vector.broadcast %shift_right_arithmetic3A_780 : i32 to vector<16xi32>
      %shift_right_arithmetic3A_782 = arith.shrsi %gather3A_763, %shift_right_arithmetic3A_781 : vector<16xi32>
      %gather3A_783 = tpu.vector_load_idx %arg4[%shift_right_arithmetic3A_782] : memref<12800xi32, #tpu.memory_space<vmem>>[vector<16xi32>], vector<16xi32>,
      %ne3A_784 = arith.constant 0 : i32
      %ne3A_785 = vector.broadcast %ne3A_784 : i32 to vector<16xi32>
      %ne3A_786 = arith.cmpi ne, %shift_right_arithmetic3A_782, %ne3A_785 : vector<16xi32>
      %and3A_787 = arith.constant 31 : i32
      %and3A_788 = vector.broadcast %and3A_787 : i32 to vector<16xi32>
      %and3A_789 = arith.andi %gather3A_783, %and3A_788 : vector<16xi32>
      %add3A_790 = arith.constant 1 : i32
      %add3A_791 = vector.broadcast %add3A_790 : i32 to vector<16xi32>
      %add3A_792 = arith.addi %and3A_789, %add3A_791 : vector<16xi32>
      %jit3A_793 = arith.constant 0 : i32
      %broadcast_in_dim3A_794 = vector.broadcast %jit3A_793 : i32 to vector<16xi32>
      %select_n3A_795 = arith.select %ne3A_786, %add3A_792, %broadcast_in_dim3A_794 : vector<16xi1>, vector<16xi32>
      %shift_left3A_796 = arith.constant 8 : i32
      %shift_left3A_797 = vector.broadcast %shift_left3A_796 : i32 to vector<16xi32>
      %shift_left3A_798 = arith.shli %select_n3A_795, %shift_left3A_797 : vector<16xi32>
      %or3A_799 = arith.ori %or3A_779, %shift_left3A_798 : vector<16xi32>
      %shift_right_arithmetic3A_800 = arith.constant 5 : i32
      %shift_right_arithmetic3A_801 = vector.broadcast %shift_right_arithmetic3A_800 : i32 to vector<16xi32>
      %shift_right_arithmetic3A_802 = arith.shrsi %gather3A_783, %shift_right_arithmetic3A_801 : vector<16xi32>
      %gather3A_803 = tpu.vector_load_idx %arg4[%shift_right_arithmetic3A_802] : memref<12800xi32, #tpu.memory_space<vmem>>[vector<16xi32>], vector<16xi32>,
      %ne3A_804 = arith.constant 0 : i32
      %ne3A_805 = vector.broadcast %ne3A_804 : i32 to vector<16xi32>
      %ne3A_806 = arith.cmpi ne, %shift_right_arithmetic3A_802, %ne3A_805 : vector<16xi32>
      %and3A_807 = arith.constant 31 : i32
      %and3A_808 = vector.broadcast %and3A_807 : i32 to vector<16xi32>
      %and3A_809 = arith.andi %gather3A_803, %and3A_808 : vector<16xi32>
      %add3A_810 = arith.constant 1 : i32
      %add3A_811 = vector.broadcast %add3A_810 : i32 to vector<16xi32>
      %add3A_812 = arith.addi %and3A_809, %add3A_811 : vector<16xi32>
      %jit3A_813 = arith.constant 0 : i32
      %broadcast_in_dim3A_814 = vector.broadcast %jit3A_813 : i32 to vector<16xi32>
      %select_n3A_815 = arith.select %ne3A_806, %add3A_812, %broadcast_in_dim3A_814 : vector<16xi1>, vector<16xi32>
      %shift_left3A_816 = arith.constant 16 : i32
      %shift_left3A_817 = vector.broadcast %shift_left3A_816 : i32 to vector<16xi32>
      %shift_left3A_818 = arith.shli %select_n3A_815, %shift_left3A_817 : vector<16xi32>
      %or3A_819 = arith.ori %or3A_799, %shift_left3A_818 : vector<16xi32>
      %shift_right_arithmetic3A_820 = arith.constant 5 : i32
      %shift_right_arithmetic3A_821 = vector.broadcast %shift_right_arithmetic3A_820 : i32 to vector<16xi32>
      %shift_right_arithmetic3A_822 = arith.shrsi %gather3A_803, %shift_right_arithmetic3A_821 : vector<16xi32>
      %gather3A_823 = tpu.vector_load_idx %arg4[%shift_right_arithmetic3A_822] : memref<12800xi32, #tpu.memory_space<vmem>>[vector<16xi32>], vector<16xi32>,
      %ne3A_824 = arith.constant 0 : i32
      %ne3A_825 = vector.broadcast %ne3A_824 : i32 to vector<16xi32>
      %ne3A_826 = arith.cmpi ne, %shift_right_arithmetic3A_822, %ne3A_825 : vector<16xi32>
      %and3A_827 = arith.constant 31 : i32
      %and3A_828 = vector.broadcast %and3A_827 : i32 to vector<16xi32>
      %and3A_829 = arith.andi %gather3A_823, %and3A_828 : vector<16xi32>
      %add3A_830 = arith.constant 1 : i32
      %add3A_831 = vector.broadcast %add3A_830 : i32 to vector<16xi32>
      %add3A_832 = arith.addi %and3A_829, %add3A_831 : vector<16xi32>
      %jit3A_833 = arith.constant 0 : i32
      %broadcast_in_dim3A_834 = vector.broadcast %jit3A_833 : i32 to vector<16xi32>
      %select_n3A_835 = arith.select %ne3A_826, %add3A_832, %broadcast_in_dim3A_834 : vector<16xi1>, vector<16xi32>
      %shift_left3A_836 = arith.constant 24 : i32
      %shift_left3A_837 = vector.broadcast %shift_left3A_836 : i32 to vector<16xi32>
      %shift_left3A_838 = arith.shli %select_n3A_835, %shift_left3A_837 : vector<16xi32>
      %or3A_839 = arith.ori %or3A_819, %shift_left3A_838 : vector<16xi32>
      %shift_right_arithmetic3A_840 = arith.constant 5 : i32
      %shift_right_arithmetic3A_841 = vector.broadcast %shift_right_arithmetic3A_840 : i32 to vector<16xi32>
      %shift_right_arithmetic3A_842 = arith.shrsi %gather3A_823, %shift_right_arithmetic3A_841 : vector<16xi32>
      %gather3A_843 = tpu.vector_load_idx %arg4[%shift_right_arithmetic3A_842] : memref<12800xi32, #tpu.memory_space<vmem>>[vector<16xi32>], vector<16xi32>,
      %ne3A_844 = arith.constant 0 : i32
      %ne3A_845 = vector.broadcast %ne3A_844 : i32 to vector<16xi32>
      %ne3A_846 = arith.cmpi ne, %shift_right_arithmetic3A_842, %ne3A_845 : vector<16xi32>
      %and3A_847 = arith.constant 31 : i32
      %and3A_848 = vector.broadcast %and3A_847 : i32 to vector<16xi32>
      %and3A_849 = arith.andi %gather3A_843, %and3A_848 : vector<16xi32>
      %add3A_850 = arith.constant 1 : i32
      %add3A_851 = vector.broadcast %add3A_850 : i32 to vector<16xi32>
      %add3A_852 = arith.addi %and3A_849, %add3A_851 : vector<16xi32>
      %jit3A_853 = arith.constant 0 : i32
      %broadcast_in_dim3A_854 = vector.broadcast %jit3A_853 : i32 to vector<16xi32>
      %select_n3A_855 = arith.select %ne3A_846, %add3A_852, %broadcast_in_dim3A_854 : vector<16xi1>, vector<16xi32>
      %shift_left3A_856 = arith.constant 0 : i32
      %shift_left3A_857 = vector.broadcast %shift_left3A_856 : i32 to vector<16xi32>
      %shift_left3A_858 = arith.shli %select_n3A_855, %shift_left3A_857 : vector<16xi32>
      %or3A_859 = arith.ori %broadcast_in_dim3A_758, %shift_left3A_858 : vector<16xi32>
      %shift_right_arithmetic3A_860 = arith.constant 5 : i32
      %shift_right_arithmetic3A_861 = vector.broadcast %shift_right_arithmetic3A_860 : i32 to vector<16xi32>
      %shift_right_arithmetic3A_862 = arith.shrsi %gather3A_843, %shift_right_arithmetic3A_861 : vector<16xi32>
      %gather3A_863 = tpu.vector_load_idx %arg4[%shift_right_arithmetic3A_862] : memref<12800xi32, #tpu.memory_space<vmem>>[vector<16xi32>], vector<16xi32>,
      %ne3A_864 = arith.constant 0 : i32
      %ne3A_865 = vector.broadcast %ne3A_864 : i32 to vector<16xi32>
      %ne3A_866 = arith.cmpi ne, %shift_right_arithmetic3A_862, %ne3A_865 : vector<16xi32>
      %and3A_867 = arith.constant 31 : i32
      %and3A_868 = vector.broadcast %and3A_867 : i32 to vector<16xi32>
      %and3A_869 = arith.andi %gather3A_863, %and3A_868 : vector<16xi32>
      %add3A_870 = arith.constant 1 : i32
      %add3A_871 = vector.broadcast %add3A_870 : i32 to vector<16xi32>
      %add3A_872 = arith.addi %and3A_869, %add3A_871 : vector<16xi32>
      %jit3A_873 = arith.constant 0 : i32
      %broadcast_in_dim3A_874 = vector.broadcast %jit3A_873 : i32 to vector<16xi32>
      %select_n3A_875 = arith.select %ne3A_866, %add3A_872, %broadcast_in_dim3A_874 : vector<16xi1>, vector<16xi32>
      %shift_left3A_876 = arith.constant 8 : i32
      %shift_left3A_877 = vector.broadcast %shift_left3A_876 : i32 to vector<16xi32>
      %shift_left3A_878 = arith.shli %select_n3A_875, %shift_left3A_877 : vector<16xi32>
      %or3A_879 = arith.ori %or3A_859, %shift_left3A_878 : vector<16xi32>
      %shift_right_arithmetic3A_880 = arith.constant 5 : i32
      %shift_right_arithmetic3A_881 = vector.broadcast %shift_right_arithmetic3A_880 : i32 to vector<16xi32>
      %shift_right_arithmetic3A_882 = arith.shrsi %gather3A_863, %shift_right_arithmetic3A_881 : vector<16xi32>
      %gather3A_883 = tpu.vector_load_idx %arg4[%shift_right_arithmetic3A_882] : memref<12800xi32, #tpu.memory_space<vmem>>[vector<16xi32>], vector<16xi32>,
      %ne3A_884 = arith.constant 0 : i32
      %ne3A_885 = vector.broadcast %ne3A_884 : i32 to vector<16xi32>
      %ne3A_886 = arith.cmpi ne, %shift_right_arithmetic3A_882, %ne3A_885 : vector<16xi32>
      %and3A_887 = arith.constant 31 : i32
      %and3A_888 = vector.broadcast %and3A_887 : i32 to vector<16xi32>
      %and3A_889 = arith.andi %gather3A_883, %and3A_888 : vector<16xi32>
      %add3A_890 = arith.constant 1 : i32
      %add3A_891 = vector.broadcast %add3A_890 : i32 to vector<16xi32>
      %add3A_892 = arith.addi %and3A_889, %add3A_891 : vector<16xi32>
      %jit3A_893 = arith.constant 0 : i32
      %broadcast_in_dim3A_894 = vector.broadcast %jit3A_893 : i32 to vector<16xi32>
      %select_n3A_895 = arith.select %ne3A_886, %add3A_892, %broadcast_in_dim3A_894 : vector<16xi1>, vector<16xi32>
      %shift_left3A_896 = arith.constant 16 : i32
      %shift_left3A_897 = vector.broadcast %shift_left3A_896 : i32 to vector<16xi32>
      %shift_left3A_898 = arith.shli %select_n3A_895, %shift_left3A_897 : vector<16xi32>
      %or3A_899 = arith.ori %or3A_879, %shift_left3A_898 : vector<16xi32>
      %shift_right_arithmetic3A_900 = arith.constant 5 : i32
      %shift_right_arithmetic3A_901 = vector.broadcast %shift_right_arithmetic3A_900 : i32 to vector<16xi32>
      %shift_right_arithmetic3A_902 = arith.shrsi %gather3A_883, %shift_right_arithmetic3A_901 : vector<16xi32>
      %gather3A_903 = tpu.vector_load_idx %arg4[%shift_right_arithmetic3A_902] : memref<12800xi32, #tpu.memory_space<vmem>>[vector<16xi32>], vector<16xi32>,
      %ne3A_904 = arith.constant 0 : i32
      %ne3A_905 = vector.broadcast %ne3A_904 : i32 to vector<16xi32>
      %ne3A_906 = arith.cmpi ne, %shift_right_arithmetic3A_902, %ne3A_905 : vector<16xi32>
      %and3A_907 = arith.constant 31 : i32
      %and3A_908 = vector.broadcast %and3A_907 : i32 to vector<16xi32>
      %and3A_909 = arith.andi %gather3A_903, %and3A_908 : vector<16xi32>
      %add3A_910 = arith.constant 1 : i32
      %add3A_911 = vector.broadcast %add3A_910 : i32 to vector<16xi32>
      %add3A_912 = arith.addi %and3A_909, %add3A_911 : vector<16xi32>
      %jit3A_913 = arith.constant 0 : i32
      %broadcast_in_dim3A_914 = vector.broadcast %jit3A_913 : i32 to vector<16xi32>
      %select_n3A_915 = arith.select %ne3A_906, %add3A_912, %broadcast_in_dim3A_914 : vector<16xi1>, vector<16xi32>
      %shift_left3A_916 = arith.constant 24 : i32
      %shift_left3A_917 = vector.broadcast %shift_left3A_916 : i32 to vector<16xi32>
      %shift_left3A_918 = arith.shli %select_n3A_915, %shift_left3A_917 : vector<16xi32>
      %or3A_919 = arith.ori %or3A_899, %shift_left3A_918 : vector<16xi32>
      %shift_right_arithmetic3A_920 = arith.constant 5 : i32
      %shift_right_arithmetic3A_921 = vector.broadcast %shift_right_arithmetic3A_920 : i32 to vector<16xi32>
      %shift_right_arithmetic3A_922 = arith.shrsi %gather3A_903, %shift_right_arithmetic3A_921 : vector<16xi32>
      %gather3A_923 = tpu.vector_load_idx %arg4[%shift_right_arithmetic3A_922] : memref<12800xi32, #tpu.memory_space<vmem>>[vector<16xi32>], vector<16xi32>,
      %ne3A_924 = arith.constant 0 : i32
      %ne3A_925 = vector.broadcast %ne3A_924 : i32 to vector<16xi32>
      %ne3A_926 = arith.cmpi ne, %shift_right_arithmetic3A_922, %ne3A_925 : vector<16xi32>
      %and3A_927 = arith.constant 31 : i32
      %and3A_928 = vector.broadcast %and3A_927 : i32 to vector<16xi32>
      %and3A_929 = arith.andi %gather3A_923, %and3A_928 : vector<16xi32>
      %add3A_930 = arith.constant 1 : i32
      %add3A_931 = vector.broadcast %add3A_930 : i32 to vector<16xi32>
      %add3A_932 = arith.addi %and3A_929, %add3A_931 : vector<16xi32>
      %jit3A_933 = arith.constant 0 : i32
      %broadcast_in_dim3A_934 = vector.broadcast %jit3A_933 : i32 to vector<16xi32>
      %select_n3A_935 = arith.select %ne3A_926, %add3A_932, %broadcast_in_dim3A_934 : vector<16xi1>, vector<16xi32>
      %shift_left3A_936 = arith.constant 0 : i32
      %shift_left3A_937 = vector.broadcast %shift_left3A_936 : i32 to vector<16xi32>
      %shift_left3A_938 = arith.shli %select_n3A_935, %shift_left3A_937 : vector<16xi32>
      %or3A_939 = arith.ori %broadcast_in_dim3A_760, %shift_left3A_938 : vector<16xi32>
      %shift_right_arithmetic3A_940 = arith.constant 5 : i32
      %shift_right_arithmetic3A_941 = vector.broadcast %shift_right_arithmetic3A_940 : i32 to vector<16xi32>
      %shift_right_arithmetic3A_942 = arith.shrsi %gather3A_923, %shift_right_arithmetic3A_941 : vector<16xi32>
      %gather3A_943 = tpu.vector_load_idx %arg4[%shift_right_arithmetic3A_942] : memref<12800xi32, #tpu.memory_space<vmem>>[vector<16xi32>], vector<16xi32>,
      %ne3A_944 = arith.constant 0 : i32
      %ne3A_945 = vector.broadcast %ne3A_944 : i32 to vector<16xi32>
      %ne3A_946 = arith.cmpi ne, %shift_right_arithmetic3A_942, %ne3A_945 : vector<16xi32>
      %and3A_947 = arith.constant 31 : i32
      %and3A_948 = vector.broadcast %and3A_947 : i32 to vector<16xi32>
      %and3A_949 = arith.andi %gather3A_943, %and3A_948 : vector<16xi32>
      %add3A_950 = arith.constant 1 : i32
      %add3A_951 = vector.broadcast %add3A_950 : i32 to vector<16xi32>
      %add3A_952 = arith.addi %and3A_949, %add3A_951 : vector<16xi32>
      %jit3A_953 = arith.constant 0 : i32
      %broadcast_in_dim3A_954 = vector.broadcast %jit3A_953 : i32 to vector<16xi32>
      %select_n3A_955 = arith.select %ne3A_946, %add3A_952, %broadcast_in_dim3A_954 : vector<16xi1>, vector<16xi32>
      %shift_left3A_956 = arith.constant 8 : i32
      %shift_left3A_957 = vector.broadcast %shift_left3A_956 : i32 to vector<16xi32>
      %shift_left3A_958 = arith.shli %select_n3A_955, %shift_left3A_957 : vector<16xi32>
      %or3A_959 = arith.ori %or3A_939, %shift_left3A_958 : vector<16xi32>
      %shift_right_arithmetic3A_960 = arith.constant 5 : i32
      %shift_right_arithmetic3A_961 = vector.broadcast %shift_right_arithmetic3A_960 : i32 to vector<16xi32>
      %shift_right_arithmetic3A_962 = arith.shrsi %gather3A_943, %shift_right_arithmetic3A_961 : vector<16xi32>
      %gather3A_963 = tpu.vector_load_idx %arg4[%shift_right_arithmetic3A_962] : memref<12800xi32, #tpu.memory_space<vmem>>[vector<16xi32>], vector<16xi32>,
      %ne3A_964 = arith.constant 0 : i32
      %ne3A_965 = vector.broadcast %ne3A_964 : i32 to vector<16xi32>
      %ne3A_966 = arith.cmpi ne, %shift_right_arithmetic3A_962, %ne3A_965 : vector<16xi32>
      %and3A_967 = arith.constant 31 : i32
      %and3A_968 = vector.broadcast %and3A_967 : i32 to vector<16xi32>
      %and3A_969 = arith.andi %gather3A_963, %and3A_968 : vector<16xi32>
      %add3A_970 = arith.constant 1 : i32
      %add3A_971 = vector.broadcast %add3A_970 : i32 to vector<16xi32>
      %add3A_972 = arith.addi %and3A_969, %add3A_971 : vector<16xi32>
      %jit3A_973 = arith.constant 0 : i32
      %broadcast_in_dim3A_974 = vector.broadcast %jit3A_973 : i32 to vector<16xi32>
      %select_n3A_975 = arith.select %ne3A_966, %add3A_972, %broadcast_in_dim3A_974 : vector<16xi1>, vector<16xi32>
      %shift_left3A_976 = arith.constant 16 : i32
      %shift_left3A_977 = vector.broadcast %shift_left3A_976 : i32 to vector<16xi32>
      %shift_left3A_978 = arith.shli %select_n3A_975, %shift_left3A_977 : vector<16xi32>
      %or3A_979 = arith.ori %or3A_959, %shift_left3A_978 : vector<16xi32>
      %shift_right_arithmetic3A_980 = arith.constant 5 : i32
      %shift_right_arithmetic3A_981 = vector.broadcast %shift_right_arithmetic3A_980 : i32 to vector<16xi32>
      %shift_right_arithmetic3A_982 = arith.shrsi %gather3A_963, %shift_right_arithmetic3A_981 : vector<16xi32>
      %gather3A_983 = tpu.vector_load_idx %arg4[%shift_right_arithmetic3A_982] : memref<12800xi32, #tpu.memory_space<vmem>>[vector<16xi32>], vector<16xi32>,
      %ne3A_984 = arith.constant 0 : i32
      %ne3A_985 = vector.broadcast %ne3A_984 : i32 to vector<16xi32>
      %ne3A_986 = arith.cmpi ne, %shift_right_arithmetic3A_982, %ne3A_985 : vector<16xi32>
      %and3A_987 = arith.constant 31 : i32
      %and3A_988 = vector.broadcast %and3A_987 : i32 to vector<16xi32>
      %and3A_989 = arith.andi %gather3A_983, %and3A_988 : vector<16xi32>
      %add3A_990 = arith.constant 1 : i32
      %add3A_991 = vector.broadcast %add3A_990 : i32 to vector<16xi32>
      %add3A_992 = arith.addi %and3A_989, %add3A_991 : vector<16xi32>
      %jit3A_993 = arith.constant 0 : i32
      %broadcast_in_dim3A_994 = vector.broadcast %jit3A_993 : i32 to vector<16xi32>
      %select_n3A_995 = arith.select %ne3A_986, %add3A_992, %broadcast_in_dim3A_994 : vector<16xi1>, vector<16xi32>
      %shift_left3A_996 = arith.constant 24 : i32
      %shift_left3A_997 = vector.broadcast %shift_left3A_996 : i32 to vector<16xi32>
      %shift_left3A_998 = arith.shli %select_n3A_995, %shift_left3A_997 : vector<16xi32>
      %or3A_999 = arith.ori %or3A_979, %shift_left3A_998 : vector<16xi32>
      %shift_right_arithmetic3A_1000 = arith.constant 5 : i32
      %shift_right_arithmetic3A_1001 = vector.broadcast %shift_right_arithmetic3A_1000 : i32 to vector<16xi32>
      %shift_right_arithmetic3A_1002 = arith.shrsi %gather3A_983, %shift_right_arithmetic3A_1001 : vector<16xi32>
      %gather3A_1003 = tpu.vector_load_idx %arg4[%shift_right_arithmetic3A_1002] : memref<12800xi32, #tpu.memory_space<vmem>>[vector<16xi32>], vector<16xi32>,
      %ne3A_1004 = arith.constant 0 : i32
      %ne3A_1005 = vector.broadcast %ne3A_1004 : i32 to vector<16xi32>
      %ne3A_1006 = arith.cmpi ne, %shift_right_arithmetic3A_1002, %ne3A_1005 : vector<16xi32>
      %and3A_1007 = arith.constant 31 : i32
      %and3A_1008 = vector.broadcast %and3A_1007 : i32 to vector<16xi32>
      %and3A_1009 = arith.andi %gather3A_1003, %and3A_1008 : vector<16xi32>
      %add3A_1010 = arith.constant 1 : i32
      %add3A_1011 = vector.broadcast %add3A_1010 : i32 to vector<16xi32>
      %add3A_1012 = arith.addi %and3A_1009, %add3A_1011 : vector<16xi32>
      %jit3A_1013 = arith.constant 0 : i32
      %broadcast_in_dim3A_1014 = vector.broadcast %jit3A_1013 : i32 to vector<16xi32>
      %select_n3A_1015 = arith.select %ne3A_1006, %add3A_1012, %broadcast_in_dim3A_1014 : vector<16xi1>, vector<16xi32>
      %shift_left3A_1016 = arith.constant 0 : i32
      %shift_left3A_1017 = vector.broadcast %shift_left3A_1016 : i32 to vector<16xi32>
      %shift_left3A_1018 = arith.shli %select_n3A_1015, %shift_left3A_1017 : vector<16xi32>
      %or3A_1019 = arith.ori %broadcast_in_dim3A_762, %shift_left3A_1018 : vector<16xi32>
      %shift_right_arithmetic3A_1020 = arith.constant 5 : i32
      %shift_right_arithmetic3A_1021 = vector.broadcast %shift_right_arithmetic3A_1020 : i32 to vector<16xi32>
      %shift_right_arithmetic3A_1022 = arith.shrsi %gather3A_1003, %shift_right_arithmetic3A_1021 : vector<16xi32>
      %gather3A_1023 = tpu.vector_load_idx %arg4[%shift_right_arithmetic3A_1022] : memref<12800xi32, #tpu.memory_space<vmem>>[vector<16xi32>], vector<16xi32>,
      %ne3A_1024 = arith.constant 0 : i32
      %ne3A_1025 = vector.broadcast %ne3A_1024 : i32 to vector<16xi32>
      %ne3A_1026 = arith.cmpi ne, %shift_right_arithmetic3A_1022, %ne3A_1025 : vector<16xi32>
      %and3A_1027 = arith.constant 31 : i32
      %and3A_1028 = vector.broadcast %and3A_1027 : i32 to vector<16xi32>
      %and3A_1029 = arith.andi %gather3A_1023, %and3A_1028 : vector<16xi32>
      %add3A_1030 = arith.constant 1 : i32
      %add3A_1031 = vector.broadcast %add3A_1030 : i32 to vector<16xi32>
      %add3A_1032 = arith.addi %and3A_1029, %add3A_1031 : vector<16xi32>
      %jit3A_1033 = arith.constant 0 : i32
      %broadcast_in_dim3A_1034 = vector.broadcast %jit3A_1033 : i32 to vector<16xi32>
      %select_n3A_1035 = arith.select %ne3A_1026, %add3A_1032, %broadcast_in_dim3A_1034 : vector<16xi1>, vector<16xi32>
      %shift_left3A_1036 = arith.constant 8 : i32
      %shift_left3A_1037 = vector.broadcast %shift_left3A_1036 : i32 to vector<16xi32>
      %shift_left3A_1038 = arith.shli %select_n3A_1035, %shift_left3A_1037 : vector<16xi32>
      %or3A_1039 = arith.ori %or3A_1019, %shift_left3A_1038 : vector<16xi32>
      %shift_right_arithmetic3A_1040 = arith.constant 5 : i32
      %shift_right_arithmetic3A_1041 = vector.broadcast %shift_right_arithmetic3A_1040 : i32 to vector<16xi32>
      %shift_right_arithmetic3A_1042 = arith.shrsi %gather3A_1023, %shift_right_arithmetic3A_1041 : vector<16xi32>
      %gather3A_1043 = tpu.vector_load_idx %arg4[%shift_right_arithmetic3A_1042] : memref<12800xi32, #tpu.memory_space<vmem>>[vector<16xi32>], vector<16xi32>,
      %ne3A_1044 = arith.constant 0 : i32
      %ne3A_1045 = vector.broadcast %ne3A_1044 : i32 to vector<16xi32>
      %ne3A_1046 = arith.cmpi ne, %shift_right_arithmetic3A_1042, %ne3A_1045 : vector<16xi32>
      %and3A_1047 = arith.constant 31 : i32
      %and3A_1048 = vector.broadcast %and3A_1047 : i32 to vector<16xi32>
      %and3A_1049 = arith.andi %gather3A_1043, %and3A_1048 : vector<16xi32>
      %add3A_1050 = arith.constant 1 : i32
      %add3A_1051 = vector.broadcast %add3A_1050 : i32 to vector<16xi32>
      %add3A_1052 = arith.addi %and3A_1049, %add3A_1051 : vector<16xi32>
      %jit3A_1053 = arith.constant 0 : i32
      %broadcast_in_dim3A_1054 = vector.broadcast %jit3A_1053 : i32 to vector<16xi32>
      %select_n3A_1055 = arith.select %ne3A_1046, %add3A_1052, %broadcast_in_dim3A_1054 : vector<16xi1>, vector<16xi32>
      %shift_left3A_1056 = arith.constant 16 : i32
      %shift_left3A_1057 = vector.broadcast %shift_left3A_1056 : i32 to vector<16xi32>
      %shift_left3A_1058 = arith.shli %select_n3A_1055, %shift_left3A_1057 : vector<16xi32>
      %or3A_1059 = arith.ori %or3A_1039, %shift_left3A_1058 : vector<16xi32>
      %shift_right_arithmetic3A_1060 = arith.constant 5 : i32
      %shift_right_arithmetic3A_1061 = vector.broadcast %shift_right_arithmetic3A_1060 : i32 to vector<16xi32>
      %shift_right_arithmetic3A_1062 = arith.shrsi %gather3A_1043, %shift_right_arithmetic3A_1061 : vector<16xi32>
      %gather3A_1063 = tpu.vector_load_idx %arg4[%shift_right_arithmetic3A_1062] : memref<12800xi32, #tpu.memory_space<vmem>>[vector<16xi32>], vector<16xi32>,
      %ne3A_1064 = arith.constant 0 : i32
      %ne3A_1065 = vector.broadcast %ne3A_1064 : i32 to vector<16xi32>
      %ne3A_1066 = arith.cmpi ne, %shift_right_arithmetic3A_1062, %ne3A_1065 : vector<16xi32>
      %and3A_1067 = arith.constant 31 : i32
      %and3A_1068 = vector.broadcast %and3A_1067 : i32 to vector<16xi32>
      %and3A_1069 = arith.andi %gather3A_1063, %and3A_1068 : vector<16xi32>
      %add3A_1070 = arith.constant 1 : i32
      %add3A_1071 = vector.broadcast %add3A_1070 : i32 to vector<16xi32>
      %add3A_1072 = arith.addi %and3A_1069, %add3A_1071 : vector<16xi32>
      %jit3A_1073 = arith.constant 0 : i32
      %broadcast_in_dim3A_1074 = vector.broadcast %jit3A_1073 : i32 to vector<16xi32>
      %select_n3A_1075 = arith.select %ne3A_1066, %add3A_1072, %broadcast_in_dim3A_1074 : vector<16xi1>, vector<16xi32>
      %shift_left3A_1076 = arith.constant 24 : i32
      %shift_left3A_1077 = vector.broadcast %shift_left3A_1076 : i32 to vector<16xi32>
      %shift_left3A_1078 = arith.shli %select_n3A_1075, %shift_left3A_1077 : vector<16xi32>
      %or3A_1079 = arith.ori %or3A_1059, %shift_left3A_1078 : vector<16xi32>
      %shift_right_arithmetic3A_1080 = arith.constant 5 : i32
      %shift_right_arithmetic3A_1081 = vector.broadcast %shift_right_arithmetic3A_1080 : i32 to vector<16xi32>
      %shift_right_arithmetic3A_1082 = arith.shrsi %gather3A_1063, %shift_right_arithmetic3A_1081 : vector<16xi32>
      %mul3A_1083 = arith.constant 64 : i32
      %mul3A_1084 = arith.muli %add3A_749, %mul3A_1083 : i32
      %mul3A_1085 = arith.constant 4 : i32
      %mul3A_1086 = vector.broadcast %mul3A_1085 : i32 to vector<16xi32>
      %mul3A_1087 = arith.muli %iota3A, %mul3A_1086 : vector<16xi32>
      %add3A_1088 = vector.broadcast %mul3A_1084 : i32 to vector<16xi32>
      %add3A_1089 = arith.addi %add3A_1088, %mul3A_1087 : vector<16xi32>
      %add3A_1090 = arith.constant 0 : i32
      %add3A_1091 = vector.broadcast %add3A_1090 : i32 to vector<16xi32>
      %add3A_1092 = arith.addi %add3A_1089, %add3A_1091 : vector<16xi32>
      tpu.vector_store_idx %arg5[%add3A_1092], %or3A_839 : memref<1600xi32, #tpu.memory_space<vmem>>[vector<16xi32>], vector<16xi32>,
      %mul3A_1093 = arith.constant 4 : i32
      %mul3A_1094 = vector.broadcast %mul3A_1093 : i32 to vector<16xi32>
      %mul3A_1095 = arith.muli %iota3A, %mul3A_1094 : vector<16xi32>
      %add3A_1096 = vector.broadcast %mul3A_1084 : i32 to vector<16xi32>
      %add3A_1097 = arith.addi %add3A_1096, %mul3A_1095 : vector<16xi32>
      %add3A_1098 = arith.constant 1 : i32
      %add3A_1099 = vector.broadcast %add3A_1098 : i32 to vector<16xi32>
      %add3A_1100 = arith.addi %add3A_1097, %add3A_1099 : vector<16xi32>
      tpu.vector_store_idx %arg5[%add3A_1100], %or3A_919 : memref<1600xi32, #tpu.memory_space<vmem>>[vector<16xi32>], vector<16xi32>,
      %mul3A_1101 = arith.constant 4 : i32
      %mul3A_1102 = vector.broadcast %mul3A_1101 : i32 to vector<16xi32>
      %mul3A_1103 = arith.muli %iota3A, %mul3A_1102 : vector<16xi32>
      %add3A_1104 = vector.broadcast %mul3A_1084 : i32 to vector<16xi32>
      %add3A_1105 = arith.addi %add3A_1104, %mul3A_1103 : vector<16xi32>
      %add3A_1106 = arith.constant 2 : i32
      %add3A_1107 = vector.broadcast %add3A_1106 : i32 to vector<16xi32>
      %add3A_1108 = arith.addi %add3A_1105, %add3A_1107 : vector<16xi32>
      tpu.vector_store_idx %arg5[%add3A_1108], %or3A_999 : memref<1600xi32, #tpu.memory_space<vmem>>[vector<16xi32>], vector<16xi32>,
      %mul3A_1109 = arith.constant 4 : i32
      %mul3A_1110 = vector.broadcast %mul3A_1109 : i32 to vector<16xi32>
      %mul3A_1111 = arith.muli %iota3A, %mul3A_1110 : vector<16xi32>
      %add3A_1112 = vector.broadcast %mul3A_1084 : i32 to vector<16xi32>
      %add3A_1113 = arith.addi %add3A_1112, %mul3A_1111 : vector<16xi32>
      %add3A_1114 = arith.constant 3 : i32
      %add3A_1115 = vector.broadcast %add3A_1114 : i32 to vector<16xi32>
      %add3A_1116 = arith.addi %add3A_1113, %add3A_1115 : vector<16xi32>
      tpu.vector_store_idx %arg5[%add3A_1116], %or3A_1079 : memref<1600xi32, #tpu.memory_space<vmem>>[vector<16xi32>], vector<16xi32>,
      %mul3A_1117 = arith.constant 5 : i32
      %mul3A_1118 = arith.muli %scan3A_12, %mul3A_1117 : i32
      %add3A_1119 = arith.constant 3 : i32
      %add3A_1120 = arith.addi %mul3A_1118, %add3A_1119 : i32
      %mul3A_1121 = arith.constant 16 : i32
      %mul3A_1122 = arith.muli %add3A_1120, %mul3A_1121 : i32
      %add3A_1123 = arith.addi %add3A_4, %mul3A_1122 : i32
      %add3A_1124 = vector.broadcast %add3A_1123 : i32 to vector<16xi32>
      %add3A_1125 = arith.addi %add3A_1124, %iota3A : vector<16xi32>
      %broadcast_in_dim3A_1126 = arith.constant 0 : i32
      %broadcast_in_dim3A_1127 = vector.broadcast %broadcast_in_dim3A_1126 : i32 to vector<16xi32>
      %broadcast_in_dim3A_1128 = arith.constant 0 : i32
      %broadcast_in_dim3A_1129 = vector.broadcast %broadcast_in_dim3A_1128 : i32 to vector<16xi32>
      %broadcast_in_dim3A_1130 = arith.constant 0 : i32
      %broadcast_in_dim3A_1131 = vector.broadcast %broadcast_in_dim3A_1130 : i32 to vector<16xi32>
      %broadcast_in_dim3A_1132 = arith.constant 0 : i32
      %broadcast_in_dim3A_1133 = vector.broadcast %broadcast_in_dim3A_1132 : i32 to vector<16xi32>
      %gather3A_1134 = tpu.vector_load_idx %arg4[%add3A_1125] : memref<12800xi32, #tpu.memory_space<vmem>>[vector<16xi32>], vector<16xi32>,
      %ne3A_1135 = arith.constant 0 : i32
      %ne3A_1136 = vector.broadcast %ne3A_1135 : i32 to vector<16xi32>
      %ne3A_1137 = arith.cmpi ne, %add3A_1125, %ne3A_1136 : vector<16xi32>
      %and3A_1138 = arith.constant 31 : i32
      %and3A_1139 = vector.broadcast %and3A_1138 : i32 to vector<16xi32>
      %and3A_1140 = arith.andi %gather3A_1134, %and3A_1139 : vector<16xi32>
      %add3A_1141 = arith.constant 1 : i32
      %add3A_1142 = vector.broadcast %add3A_1141 : i32 to vector<16xi32>
      %add3A_1143 = arith.addi %and3A_1140, %add3A_1142 : vector<16xi32>
      %jit3A_1144 = arith.constant 0 : i32
      %broadcast_in_dim3A_1145 = vector.broadcast %jit3A_1144 : i32 to vector<16xi32>
      %select_n3A_1146 = arith.select %ne3A_1137, %add3A_1143, %broadcast_in_dim3A_1145 : vector<16xi1>, vector<16xi32>
      %shift_left3A_1147 = arith.constant 0 : i32
      %shift_left3A_1148 = vector.broadcast %shift_left3A_1147 : i32 to vector<16xi32>
      %shift_left3A_1149 = arith.shli %select_n3A_1146, %shift_left3A_1148 : vector<16xi32>
      %or3A_1150 = arith.ori %broadcast_in_dim3A_1127, %shift_left3A_1149 : vector<16xi32>
      %shift_right_arithmetic3A_1151 = arith.constant 5 : i32
      %shift_right_arithmetic3A_1152 = vector.broadcast %shift_right_arithmetic3A_1151 : i32 to vector<16xi32>
      %shift_right_arithmetic3A_1153 = arith.shrsi %gather3A_1134, %shift_right_arithmetic3A_1152 : vector<16xi32>
      %gather3A_1154 = tpu.vector_load_idx %arg4[%shift_right_arithmetic3A_1153] : memref<12800xi32, #tpu.memory_space<vmem>>[vector<16xi32>], vector<16xi32>,
      %ne3A_1155 = arith.constant 0 : i32
      %ne3A_1156 = vector.broadcast %ne3A_1155 : i32 to vector<16xi32>
      %ne3A_1157 = arith.cmpi ne, %shift_right_arithmetic3A_1153, %ne3A_1156 : vector<16xi32>
      %and3A_1158 = arith.constant 31 : i32
      %and3A_1159 = vector.broadcast %and3A_1158 : i32 to vector<16xi32>
      %and3A_1160 = arith.andi %gather3A_1154, %and3A_1159 : vector<16xi32>
      %add3A_1161 = arith.constant 1 : i32
      %add3A_1162 = vector.broadcast %add3A_1161 : i32 to vector<16xi32>
      %add3A_1163 = arith.addi %and3A_1160, %add3A_1162 : vector<16xi32>
      %jit3A_1164 = arith.constant 0 : i32
      %broadcast_in_dim3A_1165 = vector.broadcast %jit3A_1164 : i32 to vector<16xi32>
      %select_n3A_1166 = arith.select %ne3A_1157, %add3A_1163, %broadcast_in_dim3A_1165 : vector<16xi1>, vector<16xi32>
      %shift_left3A_1167 = arith.constant 8 : i32
      %shift_left3A_1168 = vector.broadcast %shift_left3A_1167 : i32 to vector<16xi32>
      %shift_left3A_1169 = arith.shli %select_n3A_1166, %shift_left3A_1168 : vector<16xi32>
      %or3A_1170 = arith.ori %or3A_1150, %shift_left3A_1169 : vector<16xi32>
      %shift_right_arithmetic3A_1171 = arith.constant 5 : i32
      %shift_right_arithmetic3A_1172 = vector.broadcast %shift_right_arithmetic3A_1171 : i32 to vector<16xi32>
      %shift_right_arithmetic3A_1173 = arith.shrsi %gather3A_1154, %shift_right_arithmetic3A_1172 : vector<16xi32>
      %gather3A_1174 = tpu.vector_load_idx %arg4[%shift_right_arithmetic3A_1173] : memref<12800xi32, #tpu.memory_space<vmem>>[vector<16xi32>], vector<16xi32>,
      %ne3A_1175 = arith.constant 0 : i32
      %ne3A_1176 = vector.broadcast %ne3A_1175 : i32 to vector<16xi32>
      %ne3A_1177 = arith.cmpi ne, %shift_right_arithmetic3A_1173, %ne3A_1176 : vector<16xi32>
      %and3A_1178 = arith.constant 31 : i32
      %and3A_1179 = vector.broadcast %and3A_1178 : i32 to vector<16xi32>
      %and3A_1180 = arith.andi %gather3A_1174, %and3A_1179 : vector<16xi32>
      %add3A_1181 = arith.constant 1 : i32
      %add3A_1182 = vector.broadcast %add3A_1181 : i32 to vector<16xi32>
      %add3A_1183 = arith.addi %and3A_1180, %add3A_1182 : vector<16xi32>
      %jit3A_1184 = arith.constant 0 : i32
      %broadcast_in_dim3A_1185 = vector.broadcast %jit3A_1184 : i32 to vector<16xi32>
      %select_n3A_1186 = arith.select %ne3A_1177, %add3A_1183, %broadcast_in_dim3A_1185 : vector<16xi1>, vector<16xi32>
      %shift_left3A_1187 = arith.constant 16 : i32
      %shift_left3A_1188 = vector.broadcast %shift_left3A_1187 : i32 to vector<16xi32>
      %shift_left3A_1189 = arith.shli %select_n3A_1186, %shift_left3A_1188 : vector<16xi32>
      %or3A_1190 = arith.ori %or3A_1170, %shift_left3A_1189 : vector<16xi32>
      %shift_right_arithmetic3A_1191 = arith.constant 5 : i32
      %shift_right_arithmetic3A_1192 = vector.broadcast %shift_right_arithmetic3A_1191 : i32 to vector<16xi32>
      %shift_right_arithmetic3A_1193 = arith.shrsi %gather3A_1174, %shift_right_arithmetic3A_1192 : vector<16xi32>
      %gather3A_1194 = tpu.vector_load_idx %arg4[%shift_right_arithmetic3A_1193] : memref<12800xi32, #tpu.memory_space<vmem>>[vector<16xi32>], vector<16xi32>,
      %ne3A_1195 = arith.constant 0 : i32
      %ne3A_1196 = vector.broadcast %ne3A_1195 : i32 to vector<16xi32>
      %ne3A_1197 = arith.cmpi ne, %shift_right_arithmetic3A_1193, %ne3A_1196 : vector<16xi32>
      %and3A_1198 = arith.constant 31 : i32
      %and3A_1199 = vector.broadcast %and3A_1198 : i32 to vector<16xi32>
      %and3A_1200 = arith.andi %gather3A_1194, %and3A_1199 : vector<16xi32>
      %add3A_1201 = arith.constant 1 : i32
      %add3A_1202 = vector.broadcast %add3A_1201 : i32 to vector<16xi32>
      %add3A_1203 = arith.addi %and3A_1200, %add3A_1202 : vector<16xi32>
      %jit3A_1204 = arith.constant 0 : i32
      %broadcast_in_dim3A_1205 = vector.broadcast %jit3A_1204 : i32 to vector<16xi32>
      %select_n3A_1206 = arith.select %ne3A_1197, %add3A_1203, %broadcast_in_dim3A_1205 : vector<16xi1>, vector<16xi32>
      %shift_left3A_1207 = arith.constant 24 : i32
      %shift_left3A_1208 = vector.broadcast %shift_left3A_1207 : i32 to vector<16xi32>
      %shift_left3A_1209 = arith.shli %select_n3A_1206, %shift_left3A_1208 : vector<16xi32>
      %or3A_1210 = arith.ori %or3A_1190, %shift_left3A_1209 : vector<16xi32>
      %shift_right_arithmetic3A_1211 = arith.constant 5 : i32
      %shift_right_arithmetic3A_1212 = vector.broadcast %shift_right_arithmetic3A_1211 : i32 to vector<16xi32>
      %shift_right_arithmetic3A_1213 = arith.shrsi %gather3A_1194, %shift_right_arithmetic3A_1212 : vector<16xi32>
      %gather3A_1214 = tpu.vector_load_idx %arg4[%shift_right_arithmetic3A_1213] : memref<12800xi32, #tpu.memory_space<vmem>>[vector<16xi32>], vector<16xi32>,
      %ne3A_1215 = arith.constant 0 : i32
      %ne3A_1216 = vector.broadcast %ne3A_1215 : i32 to vector<16xi32>
      %ne3A_1217 = arith.cmpi ne, %shift_right_arithmetic3A_1213, %ne3A_1216 : vector<16xi32>
      %and3A_1218 = arith.constant 31 : i32
      %and3A_1219 = vector.broadcast %and3A_1218 : i32 to vector<16xi32>
      %and3A_1220 = arith.andi %gather3A_1214, %and3A_1219 : vector<16xi32>
      %add3A_1221 = arith.constant 1 : i32
      %add3A_1222 = vector.broadcast %add3A_1221 : i32 to vector<16xi32>
      %add3A_1223 = arith.addi %and3A_1220, %add3A_1222 : vector<16xi32>
      %jit3A_1224 = arith.constant 0 : i32
      %broadcast_in_dim3A_1225 = vector.broadcast %jit3A_1224 : i32 to vector<16xi32>
      %select_n3A_1226 = arith.select %ne3A_1217, %add3A_1223, %broadcast_in_dim3A_1225 : vector<16xi1>, vector<16xi32>
      %shift_left3A_1227 = arith.constant 0 : i32
      %shift_left3A_1228 = vector.broadcast %shift_left3A_1227 : i32 to vector<16xi32>
      %shift_left3A_1229 = arith.shli %select_n3A_1226, %shift_left3A_1228 : vector<16xi32>
      %or3A_1230 = arith.ori %broadcast_in_dim3A_1129, %shift_left3A_1229 : vector<16xi32>
      %shift_right_arithmetic3A_1231 = arith.constant 5 : i32
      %shift_right_arithmetic3A_1232 = vector.broadcast %shift_right_arithmetic3A_1231 : i32 to vector<16xi32>
      %shift_right_arithmetic3A_1233 = arith.shrsi %gather3A_1214, %shift_right_arithmetic3A_1232 : vector<16xi32>
      %gather3A_1234 = tpu.vector_load_idx %arg4[%shift_right_arithmetic3A_1233] : memref<12800xi32, #tpu.memory_space<vmem>>[vector<16xi32>], vector<16xi32>,
      %ne3A_1235 = arith.constant 0 : i32
      %ne3A_1236 = vector.broadcast %ne3A_1235 : i32 to vector<16xi32>
      %ne3A_1237 = arith.cmpi ne, %shift_right_arithmetic3A_1233, %ne3A_1236 : vector<16xi32>
      %and3A_1238 = arith.constant 31 : i32
      %and3A_1239 = vector.broadcast %and3A_1238 : i32 to vector<16xi32>
      %and3A_1240 = arith.andi %gather3A_1234, %and3A_1239 : vector<16xi32>
      %add3A_1241 = arith.constant 1 : i32
      %add3A_1242 = vector.broadcast %add3A_1241 : i32 to vector<16xi32>
      %add3A_1243 = arith.addi %and3A_1240, %add3A_1242 : vector<16xi32>
      %jit3A_1244 = arith.constant 0 : i32
      %broadcast_in_dim3A_1245 = vector.broadcast %jit3A_1244 : i32 to vector<16xi32>
      %select_n3A_1246 = arith.select %ne3A_1237, %add3A_1243, %broadcast_in_dim3A_1245 : vector<16xi1>, vector<16xi32>
      %shift_left3A_1247 = arith.constant 8 : i32
      %shift_left3A_1248 = vector.broadcast %shift_left3A_1247 : i32 to vector<16xi32>
      %shift_left3A_1249 = arith.shli %select_n3A_1246, %shift_left3A_1248 : vector<16xi32>
      %or3A_1250 = arith.ori %or3A_1230, %shift_left3A_1249 : vector<16xi32>
      %shift_right_arithmetic3A_1251 = arith.constant 5 : i32
      %shift_right_arithmetic3A_1252 = vector.broadcast %shift_right_arithmetic3A_1251 : i32 to vector<16xi32>
      %shift_right_arithmetic3A_1253 = arith.shrsi %gather3A_1234, %shift_right_arithmetic3A_1252 : vector<16xi32>
      %gather3A_1254 = tpu.vector_load_idx %arg4[%shift_right_arithmetic3A_1253] : memref<12800xi32, #tpu.memory_space<vmem>>[vector<16xi32>], vector<16xi32>,
      %ne3A_1255 = arith.constant 0 : i32
      %ne3A_1256 = vector.broadcast %ne3A_1255 : i32 to vector<16xi32>
      %ne3A_1257 = arith.cmpi ne, %shift_right_arithmetic3A_1253, %ne3A_1256 : vector<16xi32>
      %and3A_1258 = arith.constant 31 : i32
      %and3A_1259 = vector.broadcast %and3A_1258 : i32 to vector<16xi32>
      %and3A_1260 = arith.andi %gather3A_1254, %and3A_1259 : vector<16xi32>
      %add3A_1261 = arith.constant 1 : i32
      %add3A_1262 = vector.broadcast %add3A_1261 : i32 to vector<16xi32>
      %add3A_1263 = arith.addi %and3A_1260, %add3A_1262 : vector<16xi32>
      %jit3A_1264 = arith.constant 0 : i32
      %broadcast_in_dim3A_1265 = vector.broadcast %jit3A_1264 : i32 to vector<16xi32>
      %select_n3A_1266 = arith.select %ne3A_1257, %add3A_1263, %broadcast_in_dim3A_1265 : vector<16xi1>, vector<16xi32>
      %shift_left3A_1267 = arith.constant 16 : i32
      %shift_left3A_1268 = vector.broadcast %shift_left3A_1267 : i32 to vector<16xi32>
      %shift_left3A_1269 = arith.shli %select_n3A_1266, %shift_left3A_1268 : vector<16xi32>
      %or3A_1270 = arith.ori %or3A_1250, %shift_left3A_1269 : vector<16xi32>
      %shift_right_arithmetic3A_1271 = arith.constant 5 : i32
      %shift_right_arithmetic3A_1272 = vector.broadcast %shift_right_arithmetic3A_1271 : i32 to vector<16xi32>
      %shift_right_arithmetic3A_1273 = arith.shrsi %gather3A_1254, %shift_right_arithmetic3A_1272 : vector<16xi32>
      %gather3A_1274 = tpu.vector_load_idx %arg4[%shift_right_arithmetic3A_1273] : memref<12800xi32, #tpu.memory_space<vmem>>[vector<16xi32>], vector<16xi32>,
      %ne3A_1275 = arith.constant 0 : i32
      %ne3A_1276 = vector.broadcast %ne3A_1275 : i32 to vector<16xi32>
      %ne3A_1277 = arith.cmpi ne, %shift_right_arithmetic3A_1273, %ne3A_1276 : vector<16xi32>
      %and3A_1278 = arith.constant 31 : i32
      %and3A_1279 = vector.broadcast %and3A_1278 : i32 to vector<16xi32>
      %and3A_1280 = arith.andi %gather3A_1274, %and3A_1279 : vector<16xi32>
      %add3A_1281 = arith.constant 1 : i32
      %add3A_1282 = vector.broadcast %add3A_1281 : i32 to vector<16xi32>
      %add3A_1283 = arith.addi %and3A_1280, %add3A_1282 : vector<16xi32>
      %jit3A_1284 = arith.constant 0 : i32
      %broadcast_in_dim3A_1285 = vector.broadcast %jit3A_1284 : i32 to vector<16xi32>
      %select_n3A_1286 = arith.select %ne3A_1277, %add3A_1283, %broadcast_in_dim3A_1285 : vector<16xi1>, vector<16xi32>
      %shift_left3A_1287 = arith.constant 24 : i32
      %shift_left3A_1288 = vector.broadcast %shift_left3A_1287 : i32 to vector<16xi32>
      %shift_left3A_1289 = arith.shli %select_n3A_1286, %shift_left3A_1288 : vector<16xi32>
      %or3A_1290 = arith.ori %or3A_1270, %shift_left3A_1289 : vector<16xi32>
      %shift_right_arithmetic3A_1291 = arith.constant 5 : i32
      %shift_right_arithmetic3A_1292 = vector.broadcast %shift_right_arithmetic3A_1291 : i32 to vector<16xi32>
      %shift_right_arithmetic3A_1293 = arith.shrsi %gather3A_1274, %shift_right_arithmetic3A_1292 : vector<16xi32>
      %gather3A_1294 = tpu.vector_load_idx %arg4[%shift_right_arithmetic3A_1293] : memref<12800xi32, #tpu.memory_space<vmem>>[vector<16xi32>], vector<16xi32>,
      %ne3A_1295 = arith.constant 0 : i32
      %ne3A_1296 = vector.broadcast %ne3A_1295 : i32 to vector<16xi32>
      %ne3A_1297 = arith.cmpi ne, %shift_right_arithmetic3A_1293, %ne3A_1296 : vector<16xi32>
      %and3A_1298 = arith.constant 31 : i32
      %and3A_1299 = vector.broadcast %and3A_1298 : i32 to vector<16xi32>
      %and3A_1300 = arith.andi %gather3A_1294, %and3A_1299 : vector<16xi32>
      %add3A_1301 = arith.constant 1 : i32
      %add3A_1302 = vector.broadcast %add3A_1301 : i32 to vector<16xi32>
      %add3A_1303 = arith.addi %and3A_1300, %add3A_1302 : vector<16xi32>
      %jit3A_1304 = arith.constant 0 : i32
      %broadcast_in_dim3A_1305 = vector.broadcast %jit3A_1304 : i32 to vector<16xi32>
      %select_n3A_1306 = arith.select %ne3A_1297, %add3A_1303, %broadcast_in_dim3A_1305 : vector<16xi1>, vector<16xi32>
      %shift_left3A_1307 = arith.constant 0 : i32
      %shift_left3A_1308 = vector.broadcast %shift_left3A_1307 : i32 to vector<16xi32>
      %shift_left3A_1309 = arith.shli %select_n3A_1306, %shift_left3A_1308 : vector<16xi32>
      %or3A_1310 = arith.ori %broadcast_in_dim3A_1131, %shift_left3A_1309 : vector<16xi32>
      %shift_right_arithmetic3A_1311 = arith.constant 5 : i32
      %shift_right_arithmetic3A_1312 = vector.broadcast %shift_right_arithmetic3A_1311 : i32 to vector<16xi32>
      %shift_right_arithmetic3A_1313 = arith.shrsi %gather3A_1294, %shift_right_arithmetic3A_1312 : vector<16xi32>
      %gather3A_1314 = tpu.vector_load_idx %arg4[%shift_right_arithmetic3A_1313] : memref<12800xi32, #tpu.memory_space<vmem>>[vector<16xi32>], vector<16xi32>,
      %ne3A_1315 = arith.constant 0 : i32
      %ne3A_1316 = vector.broadcast %ne3A_1315 : i32 to vector<16xi32>
      %ne3A_1317 = arith.cmpi ne, %shift_right_arithmetic3A_1313, %ne3A_1316 : vector<16xi32>
      %and3A_1318 = arith.constant 31 : i32
      %and3A_1319 = vector.broadcast %and3A_1318 : i32 to vector<16xi32>
      %and3A_1320 = arith.andi %gather3A_1314, %and3A_1319 : vector<16xi32>
      %add3A_1321 = arith.constant 1 : i32
      %add3A_1322 = vector.broadcast %add3A_1321 : i32 to vector<16xi32>
      %add3A_1323 = arith.addi %and3A_1320, %add3A_1322 : vector<16xi32>
      %jit3A_1324 = arith.constant 0 : i32
      %broadcast_in_dim3A_1325 = vector.broadcast %jit3A_1324 : i32 to vector<16xi32>
      %select_n3A_1326 = arith.select %ne3A_1317, %add3A_1323, %broadcast_in_dim3A_1325 : vector<16xi1>, vector<16xi32>
      %shift_left3A_1327 = arith.constant 8 : i32
      %shift_left3A_1328 = vector.broadcast %shift_left3A_1327 : i32 to vector<16xi32>
      %shift_left3A_1329 = arith.shli %select_n3A_1326, %shift_left3A_1328 : vector<16xi32>
      %or3A_1330 = arith.ori %or3A_1310, %shift_left3A_1329 : vector<16xi32>
      %shift_right_arithmetic3A_1331 = arith.constant 5 : i32
      %shift_right_arithmetic3A_1332 = vector.broadcast %shift_right_arithmetic3A_1331 : i32 to vector<16xi32>
      %shift_right_arithmetic3A_1333 = arith.shrsi %gather3A_1314, %shift_right_arithmetic3A_1332 : vector<16xi32>
      %gather3A_1334 = tpu.vector_load_idx %arg4[%shift_right_arithmetic3A_1333] : memref<12800xi32, #tpu.memory_space<vmem>>[vector<16xi32>], vector<16xi32>,
      %ne3A_1335 = arith.constant 0 : i32
      %ne3A_1336 = vector.broadcast %ne3A_1335 : i32 to vector<16xi32>
      %ne3A_1337 = arith.cmpi ne, %shift_right_arithmetic3A_1333, %ne3A_1336 : vector<16xi32>
      %and3A_1338 = arith.constant 31 : i32
      %and3A_1339 = vector.broadcast %and3A_1338 : i32 to vector<16xi32>
      %and3A_1340 = arith.andi %gather3A_1334, %and3A_1339 : vector<16xi32>
      %add3A_1341 = arith.constant 1 : i32
      %add3A_1342 = vector.broadcast %add3A_1341 : i32 to vector<16xi32>
      %add3A_1343 = arith.addi %and3A_1340, %add3A_1342 : vector<16xi32>
      %jit3A_1344 = arith.constant 0 : i32
      %broadcast_in_dim3A_1345 = vector.broadcast %jit3A_1344 : i32 to vector<16xi32>
      %select_n3A_1346 = arith.select %ne3A_1337, %add3A_1343, %broadcast_in_dim3A_1345 : vector<16xi1>, vector<16xi32>
      %shift_left3A_1347 = arith.constant 16 : i32
      %shift_left3A_1348 = vector.broadcast %shift_left3A_1347 : i32 to vector<16xi32>
      %shift_left3A_1349 = arith.shli %select_n3A_1346, %shift_left3A_1348 : vector<16xi32>
      %or3A_1350 = arith.ori %or3A_1330, %shift_left3A_1349 : vector<16xi32>
      %shift_right_arithmetic3A_1351 = arith.constant 5 : i32
      %shift_right_arithmetic3A_1352 = vector.broadcast %shift_right_arithmetic3A_1351 : i32 to vector<16xi32>
      %shift_right_arithmetic3A_1353 = arith.shrsi %gather3A_1334, %shift_right_arithmetic3A_1352 : vector<16xi32>
      %gather3A_1354 = tpu.vector_load_idx %arg4[%shift_right_arithmetic3A_1353] : memref<12800xi32, #tpu.memory_space<vmem>>[vector<16xi32>], vector<16xi32>,
      %ne3A_1355 = arith.constant 0 : i32
      %ne3A_1356 = vector.broadcast %ne3A_1355 : i32 to vector<16xi32>
      %ne3A_1357 = arith.cmpi ne, %shift_right_arithmetic3A_1353, %ne3A_1356 : vector<16xi32>
      %and3A_1358 = arith.constant 31 : i32
      %and3A_1359 = vector.broadcast %and3A_1358 : i32 to vector<16xi32>
      %and3A_1360 = arith.andi %gather3A_1354, %and3A_1359 : vector<16xi32>
      %add3A_1361 = arith.constant 1 : i32
      %add3A_1362 = vector.broadcast %add3A_1361 : i32 to vector<16xi32>
      %add3A_1363 = arith.addi %and3A_1360, %add3A_1362 : vector<16xi32>
      %jit3A_1364 = arith.constant 0 : i32
      %broadcast_in_dim3A_1365 = vector.broadcast %jit3A_1364 : i32 to vector<16xi32>
      %select_n3A_1366 = arith.select %ne3A_1357, %add3A_1363, %broadcast_in_dim3A_1365 : vector<16xi1>, vector<16xi32>
      %shift_left3A_1367 = arith.constant 24 : i32
      %shift_left3A_1368 = vector.broadcast %shift_left3A_1367 : i32 to vector<16xi32>
      %shift_left3A_1369 = arith.shli %select_n3A_1366, %shift_left3A_1368 : vector<16xi32>
      %or3A_1370 = arith.ori %or3A_1350, %shift_left3A_1369 : vector<16xi32>
      %shift_right_arithmetic3A_1371 = arith.constant 5 : i32
      %shift_right_arithmetic3A_1372 = vector.broadcast %shift_right_arithmetic3A_1371 : i32 to vector<16xi32>
      %shift_right_arithmetic3A_1373 = arith.shrsi %gather3A_1354, %shift_right_arithmetic3A_1372 : vector<16xi32>
      %gather3A_1374 = tpu.vector_load_idx %arg4[%shift_right_arithmetic3A_1373] : memref<12800xi32, #tpu.memory_space<vmem>>[vector<16xi32>], vector<16xi32>,
      %ne3A_1375 = arith.constant 0 : i32
      %ne3A_1376 = vector.broadcast %ne3A_1375 : i32 to vector<16xi32>
      %ne3A_1377 = arith.cmpi ne, %shift_right_arithmetic3A_1373, %ne3A_1376 : vector<16xi32>
      %and3A_1378 = arith.constant 31 : i32
      %and3A_1379 = vector.broadcast %and3A_1378 : i32 to vector<16xi32>
      %and3A_1380 = arith.andi %gather3A_1374, %and3A_1379 : vector<16xi32>
      %add3A_1381 = arith.constant 1 : i32
      %add3A_1382 = vector.broadcast %add3A_1381 : i32 to vector<16xi32>
      %add3A_1383 = arith.addi %and3A_1380, %add3A_1382 : vector<16xi32>
      %jit3A_1384 = arith.constant 0 : i32
      %broadcast_in_dim3A_1385 = vector.broadcast %jit3A_1384 : i32 to vector<16xi32>
      %select_n3A_1386 = arith.select %ne3A_1377, %add3A_1383, %broadcast_in_dim3A_1385 : vector<16xi1>, vector<16xi32>
      %shift_left3A_1387 = arith.constant 0 : i32
      %shift_left3A_1388 = vector.broadcast %shift_left3A_1387 : i32 to vector<16xi32>
      %shift_left3A_1389 = arith.shli %select_n3A_1386, %shift_left3A_1388 : vector<16xi32>
      %or3A_1390 = arith.ori %broadcast_in_dim3A_1133, %shift_left3A_1389 : vector<16xi32>
      %shift_right_arithmetic3A_1391 = arith.constant 5 : i32
      %shift_right_arithmetic3A_1392 = vector.broadcast %shift_right_arithmetic3A_1391 : i32 to vector<16xi32>
      %shift_right_arithmetic3A_1393 = arith.shrsi %gather3A_1374, %shift_right_arithmetic3A_1392 : vector<16xi32>
      %gather3A_1394 = tpu.vector_load_idx %arg4[%shift_right_arithmetic3A_1393] : memref<12800xi32, #tpu.memory_space<vmem>>[vector<16xi32>], vector<16xi32>,
      %ne3A_1395 = arith.constant 0 : i32
      %ne3A_1396 = vector.broadcast %ne3A_1395 : i32 to vector<16xi32>
      %ne3A_1397 = arith.cmpi ne, %shift_right_arithmetic3A_1393, %ne3A_1396 : vector<16xi32>
      %and3A_1398 = arith.constant 31 : i32
      %and3A_1399 = vector.broadcast %and3A_1398 : i32 to vector<16xi32>
      %and3A_1400 = arith.andi %gather3A_1394, %and3A_1399 : vector<16xi32>
      %add3A_1401 = arith.constant 1 : i32
      %add3A_1402 = vector.broadcast %add3A_1401 : i32 to vector<16xi32>
      %add3A_1403 = arith.addi %and3A_1400, %add3A_1402 : vector<16xi32>
      %jit3A_1404 = arith.constant 0 : i32
      %broadcast_in_dim3A_1405 = vector.broadcast %jit3A_1404 : i32 to vector<16xi32>
      %select_n3A_1406 = arith.select %ne3A_1397, %add3A_1403, %broadcast_in_dim3A_1405 : vector<16xi1>, vector<16xi32>
      %shift_left3A_1407 = arith.constant 8 : i32
      %shift_left3A_1408 = vector.broadcast %shift_left3A_1407 : i32 to vector<16xi32>
      %shift_left3A_1409 = arith.shli %select_n3A_1406, %shift_left3A_1408 : vector<16xi32>
      %or3A_1410 = arith.ori %or3A_1390, %shift_left3A_1409 : vector<16xi32>
      %shift_right_arithmetic3A_1411 = arith.constant 5 : i32
      %shift_right_arithmetic3A_1412 = vector.broadcast %shift_right_arithmetic3A_1411 : i32 to vector<16xi32>
      %shift_right_arithmetic3A_1413 = arith.shrsi %gather3A_1394, %shift_right_arithmetic3A_1412 : vector<16xi32>
      %gather3A_1414 = tpu.vector_load_idx %arg4[%shift_right_arithmetic3A_1413] : memref<12800xi32, #tpu.memory_space<vmem>>[vector<16xi32>], vector<16xi32>,
      %ne3A_1415 = arith.constant 0 : i32
      %ne3A_1416 = vector.broadcast %ne3A_1415 : i32 to vector<16xi32>
      %ne3A_1417 = arith.cmpi ne, %shift_right_arithmetic3A_1413, %ne3A_1416 : vector<16xi32>
      %and3A_1418 = arith.constant 31 : i32
      %and3A_1419 = vector.broadcast %and3A_1418 : i32 to vector<16xi32>
      %and3A_1420 = arith.andi %gather3A_1414, %and3A_1419 : vector<16xi32>
      %add3A_1421 = arith.constant 1 : i32
      %add3A_1422 = vector.broadcast %add3A_1421 : i32 to vector<16xi32>
      %add3A_1423 = arith.addi %and3A_1420, %add3A_1422 : vector<16xi32>
      %jit3A_1424 = arith.constant 0 : i32
      %broadcast_in_dim3A_1425 = vector.broadcast %jit3A_1424 : i32 to vector<16xi32>
      %select_n3A_1426 = arith.select %ne3A_1417, %add3A_1423, %broadcast_in_dim3A_1425 : vector<16xi1>, vector<16xi32>
      %shift_left3A_1427 = arith.constant 16 : i32
      %shift_left3A_1428 = vector.broadcast %shift_left3A_1427 : i32 to vector<16xi32>
      %shift_left3A_1429 = arith.shli %select_n3A_1426, %shift_left3A_1428 : vector<16xi32>
      %or3A_1430 = arith.ori %or3A_1410, %shift_left3A_1429 : vector<16xi32>
      %shift_right_arithmetic3A_1431 = arith.constant 5 : i32
      %shift_right_arithmetic3A_1432 = vector.broadcast %shift_right_arithmetic3A_1431 : i32 to vector<16xi32>
      %shift_right_arithmetic3A_1433 = arith.shrsi %gather3A_1414, %shift_right_arithmetic3A_1432 : vector<16xi32>
      %gather3A_1434 = tpu.vector_load_idx %arg4[%shift_right_arithmetic3A_1433] : memref<12800xi32, #tpu.memory_space<vmem>>[vector<16xi32>], vector<16xi32>,
      %ne3A_1435 = arith.constant 0 : i32
      %ne3A_1436 = vector.broadcast %ne3A_1435 : i32 to vector<16xi32>
      %ne3A_1437 = arith.cmpi ne, %shift_right_arithmetic3A_1433, %ne3A_1436 : vector<16xi32>
      %and3A_1438 = arith.constant 31 : i32
      %and3A_1439 = vector.broadcast %and3A_1438 : i32 to vector<16xi32>
      %and3A_1440 = arith.andi %gather3A_1434, %and3A_1439 : vector<16xi32>
      %add3A_1441 = arith.constant 1 : i32
      %add3A_1442 = vector.broadcast %add3A_1441 : i32 to vector<16xi32>
      %add3A_1443 = arith.addi %and3A_1440, %add3A_1442 : vector<16xi32>
      %jit3A_1444 = arith.constant 0 : i32
      %broadcast_in_dim3A_1445 = vector.broadcast %jit3A_1444 : i32 to vector<16xi32>
      %select_n3A_1446 = arith.select %ne3A_1437, %add3A_1443, %broadcast_in_dim3A_1445 : vector<16xi1>, vector<16xi32>
      %shift_left3A_1447 = arith.constant 24 : i32
      %shift_left3A_1448 = vector.broadcast %shift_left3A_1447 : i32 to vector<16xi32>
      %shift_left3A_1449 = arith.shli %select_n3A_1446, %shift_left3A_1448 : vector<16xi32>
      %or3A_1450 = arith.ori %or3A_1430, %shift_left3A_1449 : vector<16xi32>
      %shift_right_arithmetic3A_1451 = arith.constant 5 : i32
      %shift_right_arithmetic3A_1452 = vector.broadcast %shift_right_arithmetic3A_1451 : i32 to vector<16xi32>
      %shift_right_arithmetic3A_1453 = arith.shrsi %gather3A_1434, %shift_right_arithmetic3A_1452 : vector<16xi32>
      %mul3A_1454 = arith.constant 64 : i32
      %mul3A_1455 = arith.muli %add3A_1120, %mul3A_1454 : i32
      %mul3A_1456 = arith.constant 4 : i32
      %mul3A_1457 = vector.broadcast %mul3A_1456 : i32 to vector<16xi32>
      %mul3A_1458 = arith.muli %iota3A, %mul3A_1457 : vector<16xi32>
      %add3A_1459 = vector.broadcast %mul3A_1455 : i32 to vector<16xi32>
      %add3A_1460 = arith.addi %add3A_1459, %mul3A_1458 : vector<16xi32>
      %add3A_1461 = arith.constant 0 : i32
      %add3A_1462 = vector.broadcast %add3A_1461 : i32 to vector<16xi32>
      %add3A_1463 = arith.addi %add3A_1460, %add3A_1462 : vector<16xi32>
      tpu.vector_store_idx %arg5[%add3A_1463], %or3A_1210 : memref<1600xi32, #tpu.memory_space<vmem>>[vector<16xi32>], vector<16xi32>,
      %mul3A_1464 = arith.constant 4 : i32
      %mul3A_1465 = vector.broadcast %mul3A_1464 : i32 to vector<16xi32>
      %mul3A_1466 = arith.muli %iota3A, %mul3A_1465 : vector<16xi32>
      %add3A_1467 = vector.broadcast %mul3A_1455 : i32 to vector<16xi32>
      %add3A_1468 = arith.addi %add3A_1467, %mul3A_1466 : vector<16xi32>
      %add3A_1469 = arith.constant 1 : i32
      %add3A_1470 = vector.broadcast %add3A_1469 : i32 to vector<16xi32>
      %add3A_1471 = arith.addi %add3A_1468, %add3A_1470 : vector<16xi32>
      tpu.vector_store_idx %arg5[%add3A_1471], %or3A_1290 : memref<1600xi32, #tpu.memory_space<vmem>>[vector<16xi32>], vector<16xi32>,
      %mul3A_1472 = arith.constant 4 : i32
      %mul3A_1473 = vector.broadcast %mul3A_1472 : i32 to vector<16xi32>
      %mul3A_1474 = arith.muli %iota3A, %mul3A_1473 : vector<16xi32>
      %add3A_1475 = vector.broadcast %mul3A_1455 : i32 to vector<16xi32>
      %add3A_1476 = arith.addi %add3A_1475, %mul3A_1474 : vector<16xi32>
      %add3A_1477 = arith.constant 2 : i32
      %add3A_1478 = vector.broadcast %add3A_1477 : i32 to vector<16xi32>
      %add3A_1479 = arith.addi %add3A_1476, %add3A_1478 : vector<16xi32>
      tpu.vector_store_idx %arg5[%add3A_1479], %or3A_1370 : memref<1600xi32, #tpu.memory_space<vmem>>[vector<16xi32>], vector<16xi32>,
      %mul3A_1480 = arith.constant 4 : i32
      %mul3A_1481 = vector.broadcast %mul3A_1480 : i32 to vector<16xi32>
      %mul3A_1482 = arith.muli %iota3A, %mul3A_1481 : vector<16xi32>
      %add3A_1483 = vector.broadcast %mul3A_1455 : i32 to vector<16xi32>
      %add3A_1484 = arith.addi %add3A_1483, %mul3A_1482 : vector<16xi32>
      %add3A_1485 = arith.constant 3 : i32
      %add3A_1486 = vector.broadcast %add3A_1485 : i32 to vector<16xi32>
      %add3A_1487 = arith.addi %add3A_1484, %add3A_1486 : vector<16xi32>
      tpu.vector_store_idx %arg5[%add3A_1487], %or3A_1450 : memref<1600xi32, #tpu.memory_space<vmem>>[vector<16xi32>], vector<16xi32>,
      %mul3A_1488 = arith.constant 5 : i32
      %mul3A_1489 = arith.muli %scan3A_12, %mul3A_1488 : i32
      %add3A_1490 = arith.constant 4 : i32
      %add3A_1491 = arith.addi %mul3A_1489, %add3A_1490 : i32
      %mul3A_1492 = arith.constant 16 : i32
      %mul3A_1493 = arith.muli %add3A_1491, %mul3A_1492 : i32
      %add3A_1494 = arith.addi %add3A_4, %mul3A_1493 : i32
      %add3A_1495 = vector.broadcast %add3A_1494 : i32 to vector<16xi32>
      %add3A_1496 = arith.addi %add3A_1495, %iota3A : vector<16xi32>
      %broadcast_in_dim3A_1497 = arith.constant 0 : i32
      %broadcast_in_dim3A_1498 = vector.broadcast %broadcast_in_dim3A_1497 : i32 to vector<16xi32>
      %broadcast_in_dim3A_1499 = arith.constant 0 : i32
      %broadcast_in_dim3A_1500 = vector.broadcast %broadcast_in_dim3A_1499 : i32 to vector<16xi32>
      %broadcast_in_dim3A_1501 = arith.constant 0 : i32
      %broadcast_in_dim3A_1502 = vector.broadcast %broadcast_in_dim3A_1501 : i32 to vector<16xi32>
      %broadcast_in_dim3A_1503 = arith.constant 0 : i32
      %broadcast_in_dim3A_1504 = vector.broadcast %broadcast_in_dim3A_1503 : i32 to vector<16xi32>
      %gather3A_1505 = tpu.vector_load_idx %arg4[%add3A_1496] : memref<12800xi32, #tpu.memory_space<vmem>>[vector<16xi32>], vector<16xi32>,
      %ne3A_1506 = arith.constant 0 : i32
      %ne3A_1507 = vector.broadcast %ne3A_1506 : i32 to vector<16xi32>
      %ne3A_1508 = arith.cmpi ne, %add3A_1496, %ne3A_1507 : vector<16xi32>
      %and3A_1509 = arith.constant 31 : i32
      %and3A_1510 = vector.broadcast %and3A_1509 : i32 to vector<16xi32>
      %and3A_1511 = arith.andi %gather3A_1505, %and3A_1510 : vector<16xi32>
      %add3A_1512 = arith.constant 1 : i32
      %add3A_1513 = vector.broadcast %add3A_1512 : i32 to vector<16xi32>
      %add3A_1514 = arith.addi %and3A_1511, %add3A_1513 : vector<16xi32>
      %jit3A_1515 = arith.constant 0 : i32
      %broadcast_in_dim3A_1516 = vector.broadcast %jit3A_1515 : i32 to vector<16xi32>
      %select_n3A_1517 = arith.select %ne3A_1508, %add3A_1514, %broadcast_in_dim3A_1516 : vector<16xi1>, vector<16xi32>
      %shift_left3A_1518 = arith.constant 0 : i32
      %shift_left3A_1519 = vector.broadcast %shift_left3A_1518 : i32 to vector<16xi32>
      %shift_left3A_1520 = arith.shli %select_n3A_1517, %shift_left3A_1519 : vector<16xi32>
      %or3A_1521 = arith.ori %broadcast_in_dim3A_1498, %shift_left3A_1520 : vector<16xi32>
      %shift_right_arithmetic3A_1522 = arith.constant 5 : i32
      %shift_right_arithmetic3A_1523 = vector.broadcast %shift_right_arithmetic3A_1522 : i32 to vector<16xi32>
      %shift_right_arithmetic3A_1524 = arith.shrsi %gather3A_1505, %shift_right_arithmetic3A_1523 : vector<16xi32>
      %gather3A_1525 = tpu.vector_load_idx %arg4[%shift_right_arithmetic3A_1524] : memref<12800xi32, #tpu.memory_space<vmem>>[vector<16xi32>], vector<16xi32>,
      %ne3A_1526 = arith.constant 0 : i32
      %ne3A_1527 = vector.broadcast %ne3A_1526 : i32 to vector<16xi32>
      %ne3A_1528 = arith.cmpi ne, %shift_right_arithmetic3A_1524, %ne3A_1527 : vector<16xi32>
      %and3A_1529 = arith.constant 31 : i32
      %and3A_1530 = vector.broadcast %and3A_1529 : i32 to vector<16xi32>
      %and3A_1531 = arith.andi %gather3A_1525, %and3A_1530 : vector<16xi32>
      %add3A_1532 = arith.constant 1 : i32
      %add3A_1533 = vector.broadcast %add3A_1532 : i32 to vector<16xi32>
      %add3A_1534 = arith.addi %and3A_1531, %add3A_1533 : vector<16xi32>
      %jit3A_1535 = arith.constant 0 : i32
      %broadcast_in_dim3A_1536 = vector.broadcast %jit3A_1535 : i32 to vector<16xi32>
      %select_n3A_1537 = arith.select %ne3A_1528, %add3A_1534, %broadcast_in_dim3A_1536 : vector<16xi1>, vector<16xi32>
      %shift_left3A_1538 = arith.constant 8 : i32
      %shift_left3A_1539 = vector.broadcast %shift_left3A_1538 : i32 to vector<16xi32>
      %shift_left3A_1540 = arith.shli %select_n3A_1537, %shift_left3A_1539 : vector<16xi32>
      %or3A_1541 = arith.ori %or3A_1521, %shift_left3A_1540 : vector<16xi32>
      %shift_right_arithmetic3A_1542 = arith.constant 5 : i32
      %shift_right_arithmetic3A_1543 = vector.broadcast %shift_right_arithmetic3A_1542 : i32 to vector<16xi32>
      %shift_right_arithmetic3A_1544 = arith.shrsi %gather3A_1525, %shift_right_arithmetic3A_1543 : vector<16xi32>
      %gather3A_1545 = tpu.vector_load_idx %arg4[%shift_right_arithmetic3A_1544] : memref<12800xi32, #tpu.memory_space<vmem>>[vector<16xi32>], vector<16xi32>,
      %ne3A_1546 = arith.constant 0 : i32
      %ne3A_1547 = vector.broadcast %ne3A_1546 : i32 to vector<16xi32>
      %ne3A_1548 = arith.cmpi ne, %shift_right_arithmetic3A_1544, %ne3A_1547 : vector<16xi32>
      %and3A_1549 = arith.constant 31 : i32
      %and3A_1550 = vector.broadcast %and3A_1549 : i32 to vector<16xi32>
      %and3A_1551 = arith.andi %gather3A_1545, %and3A_1550 : vector<16xi32>
      %add3A_1552 = arith.constant 1 : i32
      %add3A_1553 = vector.broadcast %add3A_1552 : i32 to vector<16xi32>
      %add3A_1554 = arith.addi %and3A_1551, %add3A_1553 : vector<16xi32>
      %jit3A_1555 = arith.constant 0 : i32
      %broadcast_in_dim3A_1556 = vector.broadcast %jit3A_1555 : i32 to vector<16xi32>
      %select_n3A_1557 = arith.select %ne3A_1548, %add3A_1554, %broadcast_in_dim3A_1556 : vector<16xi1>, vector<16xi32>
      %shift_left3A_1558 = arith.constant 16 : i32
      %shift_left3A_1559 = vector.broadcast %shift_left3A_1558 : i32 to vector<16xi32>
      %shift_left3A_1560 = arith.shli %select_n3A_1557, %shift_left3A_1559 : vector<16xi32>
      %or3A_1561 = arith.ori %or3A_1541, %shift_left3A_1560 : vector<16xi32>
      %shift_right_arithmetic3A_1562 = arith.constant 5 : i32
      %shift_right_arithmetic3A_1563 = vector.broadcast %shift_right_arithmetic3A_1562 : i32 to vector<16xi32>
      %shift_right_arithmetic3A_1564 = arith.shrsi %gather3A_1545, %shift_right_arithmetic3A_1563 : vector<16xi32>
      %gather3A_1565 = tpu.vector_load_idx %arg4[%shift_right_arithmetic3A_1564] : memref<12800xi32, #tpu.memory_space<vmem>>[vector<16xi32>], vector<16xi32>,
      %ne3A_1566 = arith.constant 0 : i32
      %ne3A_1567 = vector.broadcast %ne3A_1566 : i32 to vector<16xi32>
      %ne3A_1568 = arith.cmpi ne, %shift_right_arithmetic3A_1564, %ne3A_1567 : vector<16xi32>
      %and3A_1569 = arith.constant 31 : i32
      %and3A_1570 = vector.broadcast %and3A_1569 : i32 to vector<16xi32>
      %and3A_1571 = arith.andi %gather3A_1565, %and3A_1570 : vector<16xi32>
      %add3A_1572 = arith.constant 1 : i32
      %add3A_1573 = vector.broadcast %add3A_1572 : i32 to vector<16xi32>
      %add3A_1574 = arith.addi %and3A_1571, %add3A_1573 : vector<16xi32>
      %jit3A_1575 = arith.constant 0 : i32
      %broadcast_in_dim3A_1576 = vector.broadcast %jit3A_1575 : i32 to vector<16xi32>
      %select_n3A_1577 = arith.select %ne3A_1568, %add3A_1574, %broadcast_in_dim3A_1576 : vector<16xi1>, vector<16xi32>
      %shift_left3A_1578 = arith.constant 24 : i32
      %shift_left3A_1579 = vector.broadcast %shift_left3A_1578 : i32 to vector<16xi32>
      %shift_left3A_1580 = arith.shli %select_n3A_1577, %shift_left3A_1579 : vector<16xi32>
      %or3A_1581 = arith.ori %or3A_1561, %shift_left3A_1580 : vector<16xi32>
      %shift_right_arithmetic3A_1582 = arith.constant 5 : i32
      %shift_right_arithmetic3A_1583 = vector.broadcast %shift_right_arithmetic3A_1582 : i32 to vector<16xi32>
      %shift_right_arithmetic3A_1584 = arith.shrsi %gather3A_1565, %shift_right_arithmetic3A_1583 : vector<16xi32>
      %gather3A_1585 = tpu.vector_load_idx %arg4[%shift_right_arithmetic3A_1584] : memref<12800xi32, #tpu.memory_space<vmem>>[vector<16xi32>], vector<16xi32>,
      %ne3A_1586 = arith.constant 0 : i32
      %ne3A_1587 = vector.broadcast %ne3A_1586 : i32 to vector<16xi32>
      %ne3A_1588 = arith.cmpi ne, %shift_right_arithmetic3A_1584, %ne3A_1587 : vector<16xi32>
      %and3A_1589 = arith.constant 31 : i32
      %and3A_1590 = vector.broadcast %and3A_1589 : i32 to vector<16xi32>
      %and3A_1591 = arith.andi %gather3A_1585, %and3A_1590 : vector<16xi32>
      %add3A_1592 = arith.constant 1 : i32
      %add3A_1593 = vector.broadcast %add3A_1592 : i32 to vector<16xi32>
      %add3A_1594 = arith.addi %and3A_1591, %add3A_1593 : vector<16xi32>
      %jit3A_1595 = arith.constant 0 : i32
      %broadcast_in_dim3A_1596 = vector.broadcast %jit3A_1595 : i32 to vector<16xi32>
      %select_n3A_1597 = arith.select %ne3A_1588, %add3A_1594, %broadcast_in_dim3A_1596 : vector<16xi1>, vector<16xi32>
      %shift_left3A_1598 = arith.constant 0 : i32
      %shift_left3A_1599 = vector.broadcast %shift_left3A_1598 : i32 to vector<16xi32>
      %shift_left3A_1600 = arith.shli %select_n3A_1597, %shift_left3A_1599 : vector<16xi32>
      %or3A_1601 = arith.ori %broadcast_in_dim3A_1500, %shift_left3A_1600 : vector<16xi32>
      %shift_right_arithmetic3A_1602 = arith.constant 5 : i32
      %shift_right_arithmetic3A_1603 = vector.broadcast %shift_right_arithmetic3A_1602 : i32 to vector<16xi32>
      %shift_right_arithmetic3A_1604 = arith.shrsi %gather3A_1585, %shift_right_arithmetic3A_1603 : vector<16xi32>
      %gather3A_1605 = tpu.vector_load_idx %arg4[%shift_right_arithmetic3A_1604] : memref<12800xi32, #tpu.memory_space<vmem>>[vector<16xi32>], vector<16xi32>,
      %ne3A_1606 = arith.constant 0 : i32
      %ne3A_1607 = vector.broadcast %ne3A_1606 : i32 to vector<16xi32>
      %ne3A_1608 = arith.cmpi ne, %shift_right_arithmetic3A_1604, %ne3A_1607 : vector<16xi32>
      %and3A_1609 = arith.constant 31 : i32
      %and3A_1610 = vector.broadcast %and3A_1609 : i32 to vector<16xi32>
      %and3A_1611 = arith.andi %gather3A_1605, %and3A_1610 : vector<16xi32>
      %add3A_1612 = arith.constant 1 : i32
      %add3A_1613 = vector.broadcast %add3A_1612 : i32 to vector<16xi32>
      %add3A_1614 = arith.addi %and3A_1611, %add3A_1613 : vector<16xi32>
      %jit3A_1615 = arith.constant 0 : i32
      %broadcast_in_dim3A_1616 = vector.broadcast %jit3A_1615 : i32 to vector<16xi32>
      %select_n3A_1617 = arith.select %ne3A_1608, %add3A_1614, %broadcast_in_dim3A_1616 : vector<16xi1>, vector<16xi32>
      %shift_left3A_1618 = arith.constant 8 : i32
      %shift_left3A_1619 = vector.broadcast %shift_left3A_1618 : i32 to vector<16xi32>
      %shift_left3A_1620 = arith.shli %select_n3A_1617, %shift_left3A_1619 : vector<16xi32>
      %or3A_1621 = arith.ori %or3A_1601, %shift_left3A_1620 : vector<16xi32>
      %shift_right_arithmetic3A_1622 = arith.constant 5 : i32
      %shift_right_arithmetic3A_1623 = vector.broadcast %shift_right_arithmetic3A_1622 : i32 to vector<16xi32>
      %shift_right_arithmetic3A_1624 = arith.shrsi %gather3A_1605, %shift_right_arithmetic3A_1623 : vector<16xi32>
      %gather3A_1625 = tpu.vector_load_idx %arg4[%shift_right_arithmetic3A_1624] : memref<12800xi32, #tpu.memory_space<vmem>>[vector<16xi32>], vector<16xi32>,
      %ne3A_1626 = arith.constant 0 : i32
      %ne3A_1627 = vector.broadcast %ne3A_1626 : i32 to vector<16xi32>
      %ne3A_1628 = arith.cmpi ne, %shift_right_arithmetic3A_1624, %ne3A_1627 : vector<16xi32>
      %and3A_1629 = arith.constant 31 : i32
      %and3A_1630 = vector.broadcast %and3A_1629 : i32 to vector<16xi32>
      %and3A_1631 = arith.andi %gather3A_1625, %and3A_1630 : vector<16xi32>
      %add3A_1632 = arith.constant 1 : i32
      %add3A_1633 = vector.broadcast %add3A_1632 : i32 to vector<16xi32>
      %add3A_1634 = arith.addi %and3A_1631, %add3A_1633 : vector<16xi32>
      %jit3A_1635 = arith.constant 0 : i32
      %broadcast_in_dim3A_1636 = vector.broadcast %jit3A_1635 : i32 to vector<16xi32>
      %select_n3A_1637 = arith.select %ne3A_1628, %add3A_1634, %broadcast_in_dim3A_1636 : vector<16xi1>, vector<16xi32>
      %shift_left3A_1638 = arith.constant 16 : i32
      %shift_left3A_1639 = vector.broadcast %shift_left3A_1638 : i32 to vector<16xi32>
      %shift_left3A_1640 = arith.shli %select_n3A_1637, %shift_left3A_1639 : vector<16xi32>
      %or3A_1641 = arith.ori %or3A_1621, %shift_left3A_1640 : vector<16xi32>
      %shift_right_arithmetic3A_1642 = arith.constant 5 : i32
      %shift_right_arithmetic3A_1643 = vector.broadcast %shift_right_arithmetic3A_1642 : i32 to vector<16xi32>
      %shift_right_arithmetic3A_1644 = arith.shrsi %gather3A_1625, %shift_right_arithmetic3A_1643 : vector<16xi32>
      %gather3A_1645 = tpu.vector_load_idx %arg4[%shift_right_arithmetic3A_1644] : memref<12800xi32, #tpu.memory_space<vmem>>[vector<16xi32>], vector<16xi32>,
      %ne3A_1646 = arith.constant 0 : i32
      %ne3A_1647 = vector.broadcast %ne3A_1646 : i32 to vector<16xi32>
      %ne3A_1648 = arith.cmpi ne, %shift_right_arithmetic3A_1644, %ne3A_1647 : vector<16xi32>
      %and3A_1649 = arith.constant 31 : i32
      %and3A_1650 = vector.broadcast %and3A_1649 : i32 to vector<16xi32>
      %and3A_1651 = arith.andi %gather3A_1645, %and3A_1650 : vector<16xi32>
      %add3A_1652 = arith.constant 1 : i32
      %add3A_1653 = vector.broadcast %add3A_1652 : i32 to vector<16xi32>
      %add3A_1654 = arith.addi %and3A_1651, %add3A_1653 : vector<16xi32>
      %jit3A_1655 = arith.constant 0 : i32
      %broadcast_in_dim3A_1656 = vector.broadcast %jit3A_1655 : i32 to vector<16xi32>
      %select_n3A_1657 = arith.select %ne3A_1648, %add3A_1654, %broadcast_in_dim3A_1656 : vector<16xi1>, vector<16xi32>
      %shift_left3A_1658 = arith.constant 24 : i32
      %shift_left3A_1659 = vector.broadcast %shift_left3A_1658 : i32 to vector<16xi32>
      %shift_left3A_1660 = arith.shli %select_n3A_1657, %shift_left3A_1659 : vector<16xi32>
      %or3A_1661 = arith.ori %or3A_1641, %shift_left3A_1660 : vector<16xi32>
      %shift_right_arithmetic3A_1662 = arith.constant 5 : i32
      %shift_right_arithmetic3A_1663 = vector.broadcast %shift_right_arithmetic3A_1662 : i32 to vector<16xi32>
      %shift_right_arithmetic3A_1664 = arith.shrsi %gather3A_1645, %shift_right_arithmetic3A_1663 : vector<16xi32>
      %gather3A_1665 = tpu.vector_load_idx %arg4[%shift_right_arithmetic3A_1664] : memref<12800xi32, #tpu.memory_space<vmem>>[vector<16xi32>], vector<16xi32>,
      %ne3A_1666 = arith.constant 0 : i32
      %ne3A_1667 = vector.broadcast %ne3A_1666 : i32 to vector<16xi32>
      %ne3A_1668 = arith.cmpi ne, %shift_right_arithmetic3A_1664, %ne3A_1667 : vector<16xi32>
      %and3A_1669 = arith.constant 31 : i32
      %and3A_1670 = vector.broadcast %and3A_1669 : i32 to vector<16xi32>
      %and3A_1671 = arith.andi %gather3A_1665, %and3A_1670 : vector<16xi32>
      %add3A_1672 = arith.constant 1 : i32
      %add3A_1673 = vector.broadcast %add3A_1672 : i32 to vector<16xi32>
      %add3A_1674 = arith.addi %and3A_1671, %add3A_1673 : vector<16xi32>
      %jit3A_1675 = arith.constant 0 : i32
      %broadcast_in_dim3A_1676 = vector.broadcast %jit3A_1675 : i32 to vector<16xi32>
      %select_n3A_1677 = arith.select %ne3A_1668, %add3A_1674, %broadcast_in_dim3A_1676 : vector<16xi1>, vector<16xi32>
      %shift_left3A_1678 = arith.constant 0 : i32
      %shift_left3A_1679 = vector.broadcast %shift_left3A_1678 : i32 to vector<16xi32>
      %shift_left3A_1680 = arith.shli %select_n3A_1677, %shift_left3A_1679 : vector<16xi32>
      %or3A_1681 = arith.ori %broadcast_in_dim3A_1502, %shift_left3A_1680 : vector<16xi32>
      %shift_right_arithmetic3A_1682 = arith.constant 5 : i32
      %shift_right_arithmetic3A_1683 = vector.broadcast %shift_right_arithmetic3A_1682 : i32 to vector<16xi32>
      %shift_right_arithmetic3A_1684 = arith.shrsi %gather3A_1665, %shift_right_arithmetic3A_1683 : vector<16xi32>
      %gather3A_1685 = tpu.vector_load_idx %arg4[%shift_right_arithmetic3A_1684] : memref<12800xi32, #tpu.memory_space<vmem>>[vector<16xi32>], vector<16xi32>,
      %ne3A_1686 = arith.constant 0 : i32
      %ne3A_1687 = vector.broadcast %ne3A_1686 : i32 to vector<16xi32>
      %ne3A_1688 = arith.cmpi ne, %shift_right_arithmetic3A_1684, %ne3A_1687 : vector<16xi32>
      %and3A_1689 = arith.constant 31 : i32
      %and3A_1690 = vector.broadcast %and3A_1689 : i32 to vector<16xi32>
      %and3A_1691 = arith.andi %gather3A_1685, %and3A_1690 : vector<16xi32>
      %add3A_1692 = arith.constant 1 : i32
      %add3A_1693 = vector.broadcast %add3A_1692 : i32 to vector<16xi32>
      %add3A_1694 = arith.addi %and3A_1691, %add3A_1693 : vector<16xi32>
      %jit3A_1695 = arith.constant 0 : i32
      %broadcast_in_dim3A_1696 = vector.broadcast %jit3A_1695 : i32 to vector<16xi32>
      %select_n3A_1697 = arith.select %ne3A_1688, %add3A_1694, %broadcast_in_dim3A_1696 : vector<16xi1>, vector<16xi32>
      %shift_left3A_1698 = arith.constant 8 : i32
      %shift_left3A_1699 = vector.broadcast %shift_left3A_1698 : i32 to vector<16xi32>
      %shift_left3A_1700 = arith.shli %select_n3A_1697, %shift_left3A_1699 : vector<16xi32>
      %or3A_1701 = arith.ori %or3A_1681, %shift_left3A_1700 : vector<16xi32>
      %shift_right_arithmetic3A_1702 = arith.constant 5 : i32
      %shift_right_arithmetic3A_1703 = vector.broadcast %shift_right_arithmetic3A_1702 : i32 to vector<16xi32>
      %shift_right_arithmetic3A_1704 = arith.shrsi %gather3A_1685, %shift_right_arithmetic3A_1703 : vector<16xi32>
      %gather3A_1705 = tpu.vector_load_idx %arg4[%shift_right_arithmetic3A_1704] : memref<12800xi32, #tpu.memory_space<vmem>>[vector<16xi32>], vector<16xi32>,
      %ne3A_1706 = arith.constant 0 : i32
      %ne3A_1707 = vector.broadcast %ne3A_1706 : i32 to vector<16xi32>
      %ne3A_1708 = arith.cmpi ne, %shift_right_arithmetic3A_1704, %ne3A_1707 : vector<16xi32>
      %and3A_1709 = arith.constant 31 : i32
      %and3A_1710 = vector.broadcast %and3A_1709 : i32 to vector<16xi32>
      %and3A_1711 = arith.andi %gather3A_1705, %and3A_1710 : vector<16xi32>
      %add3A_1712 = arith.constant 1 : i32
      %add3A_1713 = vector.broadcast %add3A_1712 : i32 to vector<16xi32>
      %add3A_1714 = arith.addi %and3A_1711, %add3A_1713 : vector<16xi32>
      %jit3A_1715 = arith.constant 0 : i32
      %broadcast_in_dim3A_1716 = vector.broadcast %jit3A_1715 : i32 to vector<16xi32>
      %select_n3A_1717 = arith.select %ne3A_1708, %add3A_1714, %broadcast_in_dim3A_1716 : vector<16xi1>, vector<16xi32>
      %shift_left3A_1718 = arith.constant 16 : i32
      %shift_left3A_1719 = vector.broadcast %shift_left3A_1718 : i32 to vector<16xi32>
      %shift_left3A_1720 = arith.shli %select_n3A_1717, %shift_left3A_1719 : vector<16xi32>
      %or3A_1721 = arith.ori %or3A_1701, %shift_left3A_1720 : vector<16xi32>
      %shift_right_arithmetic3A_1722 = arith.constant 5 : i32
      %shift_right_arithmetic3A_1723 = vector.broadcast %shift_right_arithmetic3A_1722 : i32 to vector<16xi32>
      %shift_right_arithmetic3A_1724 = arith.shrsi %gather3A_1705, %shift_right_arithmetic3A_1723 : vector<16xi32>
      %gather3A_1725 = tpu.vector_load_idx %arg4[%shift_right_arithmetic3A_1724] : memref<12800xi32, #tpu.memory_space<vmem>>[vector<16xi32>], vector<16xi32>,
      %ne3A_1726 = arith.constant 0 : i32
      %ne3A_1727 = vector.broadcast %ne3A_1726 : i32 to vector<16xi32>
      %ne3A_1728 = arith.cmpi ne, %shift_right_arithmetic3A_1724, %ne3A_1727 : vector<16xi32>
      %and3A_1729 = arith.constant 31 : i32
      %and3A_1730 = vector.broadcast %and3A_1729 : i32 to vector<16xi32>
      %and3A_1731 = arith.andi %gather3A_1725, %and3A_1730 : vector<16xi32>
      %add3A_1732 = arith.constant 1 : i32
      %add3A_1733 = vector.broadcast %add3A_1732 : i32 to vector<16xi32>
      %add3A_1734 = arith.addi %and3A_1731, %add3A_1733 : vector<16xi32>
      %jit3A_1735 = arith.constant 0 : i32
      %broadcast_in_dim3A_1736 = vector.broadcast %jit3A_1735 : i32 to vector<16xi32>
      %select_n3A_1737 = arith.select %ne3A_1728, %add3A_1734, %broadcast_in_dim3A_1736 : vector<16xi1>, vector<16xi32>
      %shift_left3A_1738 = arith.constant 24 : i32
      %shift_left3A_1739 = vector.broadcast %shift_left3A_1738 : i32 to vector<16xi32>
      %shift_left3A_1740 = arith.shli %select_n3A_1737, %shift_left3A_1739 : vector<16xi32>
      %or3A_1741 = arith.ori %or3A_1721, %shift_left3A_1740 : vector<16xi32>
      %shift_right_arithmetic3A_1742 = arith.constant 5 : i32
      %shift_right_arithmetic3A_1743 = vector.broadcast %shift_right_arithmetic3A_1742 : i32 to vector<16xi32>
      %shift_right_arithmetic3A_1744 = arith.shrsi %gather3A_1725, %shift_right_arithmetic3A_1743 : vector<16xi32>
      %gather3A_1745 = tpu.vector_load_idx %arg4[%shift_right_arithmetic3A_1744] : memref<12800xi32, #tpu.memory_space<vmem>>[vector<16xi32>], vector<16xi32>,
      %ne3A_1746 = arith.constant 0 : i32
      %ne3A_1747 = vector.broadcast %ne3A_1746 : i32 to vector<16xi32>
      %ne3A_1748 = arith.cmpi ne, %shift_right_arithmetic3A_1744, %ne3A_1747 : vector<16xi32>
      %and3A_1749 = arith.constant 31 : i32
      %and3A_1750 = vector.broadcast %and3A_1749 : i32 to vector<16xi32>
      %and3A_1751 = arith.andi %gather3A_1745, %and3A_1750 : vector<16xi32>
      %add3A_1752 = arith.constant 1 : i32
      %add3A_1753 = vector.broadcast %add3A_1752 : i32 to vector<16xi32>
      %add3A_1754 = arith.addi %and3A_1751, %add3A_1753 : vector<16xi32>
      %jit3A_1755 = arith.constant 0 : i32
      %broadcast_in_dim3A_1756 = vector.broadcast %jit3A_1755 : i32 to vector<16xi32>
      %select_n3A_1757 = arith.select %ne3A_1748, %add3A_1754, %broadcast_in_dim3A_1756 : vector<16xi1>, vector<16xi32>
      %shift_left3A_1758 = arith.constant 0 : i32
      %shift_left3A_1759 = vector.broadcast %shift_left3A_1758 : i32 to vector<16xi32>
      %shift_left3A_1760 = arith.shli %select_n3A_1757, %shift_left3A_1759 : vector<16xi32>
      %or3A_1761 = arith.ori %broadcast_in_dim3A_1504, %shift_left3A_1760 : vector<16xi32>
      %shift_right_arithmetic3A_1762 = arith.constant 5 : i32
      %shift_right_arithmetic3A_1763 = vector.broadcast %shift_right_arithmetic3A_1762 : i32 to vector<16xi32>
      %shift_right_arithmetic3A_1764 = arith.shrsi %gather3A_1745, %shift_right_arithmetic3A_1763 : vector<16xi32>
      %gather3A_1765 = tpu.vector_load_idx %arg4[%shift_right_arithmetic3A_1764] : memref<12800xi32, #tpu.memory_space<vmem>>[vector<16xi32>], vector<16xi32>,
      %ne3A_1766 = arith.constant 0 : i32
      %ne3A_1767 = vector.broadcast %ne3A_1766 : i32 to vector<16xi32>
      %ne3A_1768 = arith.cmpi ne, %shift_right_arithmetic3A_1764, %ne3A_1767 : vector<16xi32>
      %and3A_1769 = arith.constant 31 : i32
      %and3A_1770 = vector.broadcast %and3A_1769 : i32 to vector<16xi32>
      %and3A_1771 = arith.andi %gather3A_1765, %and3A_1770 : vector<16xi32>
      %add3A_1772 = arith.constant 1 : i32
      %add3A_1773 = vector.broadcast %add3A_1772 : i32 to vector<16xi32>
      %add3A_1774 = arith.addi %and3A_1771, %add3A_1773 : vector<16xi32>
      %jit3A_1775 = arith.constant 0 : i32
      %broadcast_in_dim3A_1776 = vector.broadcast %jit3A_1775 : i32 to vector<16xi32>
      %select_n3A_1777 = arith.select %ne3A_1768, %add3A_1774, %broadcast_in_dim3A_1776 : vector<16xi1>, vector<16xi32>
      %shift_left3A_1778 = arith.constant 8 : i32
      %shift_left3A_1779 = vector.broadcast %shift_left3A_1778 : i32 to vector<16xi32>
      %shift_left3A_1780 = arith.shli %select_n3A_1777, %shift_left3A_1779 : vector<16xi32>
      %or3A_1781 = arith.ori %or3A_1761, %shift_left3A_1780 : vector<16xi32>
      %shift_right_arithmetic3A_1782 = arith.constant 5 : i32
      %shift_right_arithmetic3A_1783 = vector.broadcast %shift_right_arithmetic3A_1782 : i32 to vector<16xi32>
      %shift_right_arithmetic3A_1784 = arith.shrsi %gather3A_1765, %shift_right_arithmetic3A_1783 : vector<16xi32>
      %gather3A_1785 = tpu.vector_load_idx %arg4[%shift_right_arithmetic3A_1784] : memref<12800xi32, #tpu.memory_space<vmem>>[vector<16xi32>], vector<16xi32>,
      %ne3A_1786 = arith.constant 0 : i32
      %ne3A_1787 = vector.broadcast %ne3A_1786 : i32 to vector<16xi32>
      %ne3A_1788 = arith.cmpi ne, %shift_right_arithmetic3A_1784, %ne3A_1787 : vector<16xi32>
      %and3A_1789 = arith.constant 31 : i32
      %and3A_1790 = vector.broadcast %and3A_1789 : i32 to vector<16xi32>
      %and3A_1791 = arith.andi %gather3A_1785, %and3A_1790 : vector<16xi32>
      %add3A_1792 = arith.constant 1 : i32
      %add3A_1793 = vector.broadcast %add3A_1792 : i32 to vector<16xi32>
      %add3A_1794 = arith.addi %and3A_1791, %add3A_1793 : vector<16xi32>
      %jit3A_1795 = arith.constant 0 : i32
      %broadcast_in_dim3A_1796 = vector.broadcast %jit3A_1795 : i32 to vector<16xi32>
      %select_n3A_1797 = arith.select %ne3A_1788, %add3A_1794, %broadcast_in_dim3A_1796 : vector<16xi1>, vector<16xi32>
      %shift_left3A_1798 = arith.constant 16 : i32
      %shift_left3A_1799 = vector.broadcast %shift_left3A_1798 : i32 to vector<16xi32>
      %shift_left3A_1800 = arith.shli %select_n3A_1797, %shift_left3A_1799 : vector<16xi32>
      %or3A_1801 = arith.ori %or3A_1781, %shift_left3A_1800 : vector<16xi32>
      %shift_right_arithmetic3A_1802 = arith.constant 5 : i32
      %shift_right_arithmetic3A_1803 = vector.broadcast %shift_right_arithmetic3A_1802 : i32 to vector<16xi32>
      %shift_right_arithmetic3A_1804 = arith.shrsi %gather3A_1785, %shift_right_arithmetic3A_1803 : vector<16xi32>
      %gather3A_1805 = tpu.vector_load_idx %arg4[%shift_right_arithmetic3A_1804] : memref<12800xi32, #tpu.memory_space<vmem>>[vector<16xi32>], vector<16xi32>,
      %ne3A_1806 = arith.constant 0 : i32
      %ne3A_1807 = vector.broadcast %ne3A_1806 : i32 to vector<16xi32>
      %ne3A_1808 = arith.cmpi ne, %shift_right_arithmetic3A_1804, %ne3A_1807 : vector<16xi32>
      %and3A_1809 = arith.constant 31 : i32
      %and3A_1810 = vector.broadcast %and3A_1809 : i32 to vector<16xi32>
      %and3A_1811 = arith.andi %gather3A_1805, %and3A_1810 : vector<16xi32>
      %add3A_1812 = arith.constant 1 : i32
      %add3A_1813 = vector.broadcast %add3A_1812 : i32 to vector<16xi32>
      %add3A_1814 = arith.addi %and3A_1811, %add3A_1813 : vector<16xi32>
      %jit3A_1815 = arith.constant 0 : i32
      %broadcast_in_dim3A_1816 = vector.broadcast %jit3A_1815 : i32 to vector<16xi32>
      %select_n3A_1817 = arith.select %ne3A_1808, %add3A_1814, %broadcast_in_dim3A_1816 : vector<16xi1>, vector<16xi32>
      %shift_left3A_1818 = arith.constant 24 : i32
      %shift_left3A_1819 = vector.broadcast %shift_left3A_1818 : i32 to vector<16xi32>
      %shift_left3A_1820 = arith.shli %select_n3A_1817, %shift_left3A_1819 : vector<16xi32>
      %or3A_1821 = arith.ori %or3A_1801, %shift_left3A_1820 : vector<16xi32>
      %shift_right_arithmetic3A_1822 = arith.constant 5 : i32
      %shift_right_arithmetic3A_1823 = vector.broadcast %shift_right_arithmetic3A_1822 : i32 to vector<16xi32>
      %shift_right_arithmetic3A_1824 = arith.shrsi %gather3A_1805, %shift_right_arithmetic3A_1823 : vector<16xi32>
      %mul3A_1825 = arith.constant 64 : i32
      %mul3A_1826 = arith.muli %add3A_1491, %mul3A_1825 : i32
      %mul3A_1827 = arith.constant 4 : i32
      %mul3A_1828 = vector.broadcast %mul3A_1827 : i32 to vector<16xi32>
      %mul3A_1829 = arith.muli %iota3A, %mul3A_1828 : vector<16xi32>
      %add3A_1830 = vector.broadcast %mul3A_1826 : i32 to vector<16xi32>
      %add3A_1831 = arith.addi %add3A_1830, %mul3A_1829 : vector<16xi32>
      %add3A_1832 = arith.constant 0 : i32
      %add3A_1833 = vector.broadcast %add3A_1832 : i32 to vector<16xi32>
      %add3A_1834 = arith.addi %add3A_1831, %add3A_1833 : vector<16xi32>
      tpu.vector_store_idx %arg5[%add3A_1834], %or3A_1581 : memref<1600xi32, #tpu.memory_space<vmem>>[vector<16xi32>], vector<16xi32>,
      %mul3A_1835 = arith.constant 4 : i32
      %mul3A_1836 = vector.broadcast %mul3A_1835 : i32 to vector<16xi32>
      %mul3A_1837 = arith.muli %iota3A, %mul3A_1836 : vector<16xi32>
      %add3A_1838 = vector.broadcast %mul3A_1826 : i32 to vector<16xi32>
      %add3A_1839 = arith.addi %add3A_1838, %mul3A_1837 : vector<16xi32>
      %add3A_1840 = arith.constant 1 : i32
      %add3A_1841 = vector.broadcast %add3A_1840 : i32 to vector<16xi32>
      %add3A_1842 = arith.addi %add3A_1839, %add3A_1841 : vector<16xi32>
      tpu.vector_store_idx %arg5[%add3A_1842], %or3A_1661 : memref<1600xi32, #tpu.memory_space<vmem>>[vector<16xi32>], vector<16xi32>,
      %mul3A_1843 = arith.constant 4 : i32
      %mul3A_1844 = vector.broadcast %mul3A_1843 : i32 to vector<16xi32>
      %mul3A_1845 = arith.muli %iota3A, %mul3A_1844 : vector<16xi32>
      %add3A_1846 = vector.broadcast %mul3A_1826 : i32 to vector<16xi32>
      %add3A_1847 = arith.addi %add3A_1846, %mul3A_1845 : vector<16xi32>
      %add3A_1848 = arith.constant 2 : i32
      %add3A_1849 = vector.broadcast %add3A_1848 : i32 to vector<16xi32>
      %add3A_1850 = arith.addi %add3A_1847, %add3A_1849 : vector<16xi32>
      tpu.vector_store_idx %arg5[%add3A_1850], %or3A_1741 : memref<1600xi32, #tpu.memory_space<vmem>>[vector<16xi32>], vector<16xi32>,
      %mul3A_1851 = arith.constant 4 : i32
      %mul3A_1852 = vector.broadcast %mul3A_1851 : i32 to vector<16xi32>
      %mul3A_1853 = arith.muli %iota3A, %mul3A_1852 : vector<16xi32>
      %add3A_1854 = vector.broadcast %mul3A_1826 : i32 to vector<16xi32>
      %add3A_1855 = arith.addi %add3A_1854, %mul3A_1853 : vector<16xi32>
      %add3A_1856 = arith.constant 3 : i32
      %add3A_1857 = vector.broadcast %add3A_1856 : i32 to vector<16xi32>
      %add3A_1858 = arith.addi %add3A_1855, %add3A_1857 : vector<16xi32>
      tpu.vector_store_idx %arg5[%add3A_1858], %or3A_1821 : memref<1600xi32, #tpu.memory_space<vmem>>[vector<16xi32>], vector<16xi32>,
    }
    %scan3A_9 = arith.constant 5 : i32
    %mul3A_10 = arith.constant 1600 : i32
    %mul3A_11 = arith.muli %add3A, %mul3A_10 : i32
    "tpu.region"() ({
      %run_scoped3A = tpu.sem_alloc : memref<!tpu.dma_semaphore, #tpu.memory_space<semaphore_mem>>
      %dma_start3A = tpu.memref_slice %arg3[%mul3A_11] : memref<51200xi32, #tpu.memory_space<hbm>> -> memref<1600xi32, #tpu.memory_space<hbm>>
      %dma_start3A_12 = tpu.memref_slice %arg3[%mul3A_11] : memref<51200xi32, #tpu.memory_space<hbm>> -> memref<1600xi32, #tpu.memory_space<hbm>>
      tpu.enqueue_dma source(%arg5 : memref<1600xi32, #tpu.memory_space<vmem>>) target(%dma_start3A_12 : memref<1600xi32, #tpu.memory_space<hbm>>) target_semaphore(%run_scoped3A : memref<!tpu.dma_semaphore, #tpu.memory_space<semaphore_mem>>)
      %dma_wait3A = tpu.memref_slice %arg3[%mul3A_11] : memref<51200xi32, #tpu.memory_space<hbm>> -> memref<1600xi32, #tpu.memory_space<hbm>>
      %dma_wait3A_13 = tpu.memref_slice %arg3[%mul3A_11] : memref<51200xi32, #tpu.memory_space<hbm>> -> memref<1600xi32, #tpu.memory_space<hbm>>
      tpu.wait_dma2 semaphore(%run_scoped3A : memref<!tpu.dma_semaphore, #tpu.memory_space<semaphore_mem>>) src(%arg5 : memref<1600xi32, #tpu.memory_space<vmem>>) dst(%dma_wait3A_13 : memref<1600xi32, #tpu.memory_space<hbm>>)
      tpu.yield
    }) : () -> ()
    return
  }
}

#map = affine_map<(d0, d1) -> (0)>
module attributes {stable_mosaic.version = 14 : i64} {
  func.func @body(%arg0: i32, %arg1: i32, %arg2: memref<102400xi32, #tpu.memory_space<hbm>>, %arg3: memref<358400xi32, #tpu.memory_space<hbm>>, %arg4: memref<102400xi32, #tpu.memory_space<vmem>>, %arg5: memref<11200xi32, #tpu.memory_space<vmem>>) attributes {dimension_semantics = [#tpu.dimension_semantics<core_parallel>, #tpu.dimension_semantics<subcore_parallel>], iteration_bounds = array<i64: 2, 16>, scalar_prefetch = 0 : i64, scratch_operands = 2 : i64, tpu.core_type = #tpu.core_type<sc_vector_subcore>, window_params = [{transform_indices = #map}, {transform_indices = #map}]} {
    %mul3A = arith.constant 2 : i32
    %mul3A_0 = arith.muli %arg1, %mul3A : i32
    %add3A = arith.addi %mul3A_0, %arg0 : i32
    %mul3A_1 = arith.constant 2800 : i32
    %mul3A_2 = arith.muli %add3A, %mul3A_1 : i32
    %add3A_3 = arith.constant 12800 : i32
    %add3A_4 = arith.addi %add3A_3, %mul3A_2 : i32
    "tpu.region"() ({
      %run_scoped3A = tpu.sem_alloc : memref<!tpu.dma_semaphore, #tpu.memory_space<semaphore_mem>>
      %dma_start3A = arith.constant 0 : i32
      %dma_start3A_12 = tpu.memref_slice %arg2[%dma_start3A] : memref<102400xi32, #tpu.memory_space<hbm>> -> memref<102400xi32, #tpu.memory_space<hbm>>
      %dma_start3A_13 = arith.constant 0 : i32
      %dma_start3A_14 = tpu.memref_slice %arg2[%dma_start3A_13] : memref<102400xi32, #tpu.memory_space<hbm>> -> memref<102400xi32, #tpu.memory_space<hbm>>
      tpu.enqueue_dma source(%dma_start3A_14 : memref<102400xi32, #tpu.memory_space<hbm>>) target(%arg4 : memref<102400xi32, #tpu.memory_space<vmem>>) target_semaphore(%run_scoped3A : memref<!tpu.dma_semaphore, #tpu.memory_space<semaphore_mem>>)
      %dma_wait3A = arith.constant 0 : i32
      %dma_wait3A_15 = tpu.memref_slice %arg2[%dma_wait3A] : memref<102400xi32, #tpu.memory_space<hbm>> -> memref<102400xi32, #tpu.memory_space<hbm>>
      %dma_wait3A_16 = arith.constant 0 : i32
      %dma_wait3A_17 = tpu.memref_slice %arg2[%dma_wait3A_16] : memref<102400xi32, #tpu.memory_space<hbm>> -> memref<102400xi32, #tpu.memory_space<hbm>>
      tpu.wait_dma2 semaphore(%run_scoped3A : memref<!tpu.dma_semaphore, #tpu.memory_space<semaphore_mem>>) src(%dma_wait3A_17 : memref<102400xi32, #tpu.memory_space<hbm>>) dst(%arg4 : memref<102400xi32, #tpu.memory_space<vmem>>)
      tpu.yield
    }) : () -> ()
    %iota3A = tpu.iota {dimensions = array<i32: 0>} : vector<16xi32>
    %scan3A = arith.constant 0 : i32
    %scan3A_5 = arith.constant 0 : i32
    %scan3A_6 = arith.constant 35 : i32
    %scan3A_7 = arith.addi %scan3A_5, %scan3A_6 : i32
    %scan3A_8 = arith.constant 1 : i32
    scf.for %scan3A_12 = %scan3A_5 to %scan3A_7 step %scan3A_8  : i32 {
      %mul3A_13 = arith.constant 5 : i32
      %mul3A_14 = arith.muli %scan3A_12, %mul3A_13 : i32
      %add3A_15 = arith.constant 0 : i32
      %add3A_16 = arith.addi %mul3A_14, %add3A_15 : i32
      %mul3A_17 = arith.constant 16 : i32
      %mul3A_18 = arith.muli %add3A_16, %mul3A_17 : i32
      %add3A_19 = arith.addi %add3A_4, %mul3A_18 : i32
      %add3A_20 = vector.broadcast %add3A_19 : i32 to vector<16xi32>
      %add3A_21 = arith.addi %add3A_20, %iota3A : vector<16xi32>
      %broadcast_in_dim3A = arith.constant 0 : i32
      %broadcast_in_dim3A_22 = vector.broadcast %broadcast_in_dim3A : i32 to vector<16xi32>
      %broadcast_in_dim3A_23 = arith.constant 0 : i32
      %broadcast_in_dim3A_24 = vector.broadcast %broadcast_in_dim3A_23 : i32 to vector<16xi32>
      %broadcast_in_dim3A_25 = arith.constant 0 : i32
      %broadcast_in_dim3A_26 = vector.broadcast %broadcast_in_dim3A_25 : i32 to vector<16xi32>
      %broadcast_in_dim3A_27 = arith.constant 0 : i32
      %broadcast_in_dim3A_28 = vector.broadcast %broadcast_in_dim3A_27 : i32 to vector<16xi32>
      %gather3A = tpu.vector_load_idx %arg4[%add3A_21] : memref<102400xi32, #tpu.memory_space<vmem>>[vector<16xi32>], vector<16xi32>,
      %ne3A = arith.constant 0 : i32
      %ne3A_29 = vector.broadcast %ne3A : i32 to vector<16xi32>
      %ne3A_30 = arith.cmpi ne, %add3A_21, %ne3A_29 : vector<16xi32>
      %and3A = arith.constant 31 : i32
      %and3A_31 = vector.broadcast %and3A : i32 to vector<16xi32>
      %and3A_32 = arith.andi %gather3A, %and3A_31 : vector<16xi32>
      %add3A_33 = arith.constant 1 : i32
      %add3A_34 = vector.broadcast %add3A_33 : i32 to vector<16xi32>
      %add3A_35 = arith.addi %and3A_32, %add3A_34 : vector<16xi32>
      %jit3A = arith.constant 0 : i32
      %broadcast_in_dim3A_36 = vector.broadcast %jit3A : i32 to vector<16xi32>
      %select_n3A = arith.select %ne3A_30, %add3A_35, %broadcast_in_dim3A_36 : vector<16xi1>, vector<16xi32>
      %shift_left3A = arith.constant 0 : i32
      %shift_left3A_37 = vector.broadcast %shift_left3A : i32 to vector<16xi32>
      %shift_left3A_38 = arith.shli %select_n3A, %shift_left3A_37 : vector<16xi32>
      %or3A = arith.ori %broadcast_in_dim3A_22, %shift_left3A_38 : vector<16xi32>
      %shift_right_arithmetic3A = arith.constant 5 : i32
      %shift_right_arithmetic3A_39 = vector.broadcast %shift_right_arithmetic3A : i32 to vector<16xi32>
      %shift_right_arithmetic3A_40 = arith.shrsi %gather3A, %shift_right_arithmetic3A_39 : vector<16xi32>
      %gather3A_41 = tpu.vector_load_idx %arg4[%shift_right_arithmetic3A_40] : memref<102400xi32, #tpu.memory_space<vmem>>[vector<16xi32>], vector<16xi32>,
      %ne3A_42 = arith.constant 0 : i32
      %ne3A_43 = vector.broadcast %ne3A_42 : i32 to vector<16xi32>
      %ne3A_44 = arith.cmpi ne, %shift_right_arithmetic3A_40, %ne3A_43 : vector<16xi32>
      %and3A_45 = arith.constant 31 : i32
      %and3A_46 = vector.broadcast %and3A_45 : i32 to vector<16xi32>
      %and3A_47 = arith.andi %gather3A_41, %and3A_46 : vector<16xi32>
      %add3A_48 = arith.constant 1 : i32
      %add3A_49 = vector.broadcast %add3A_48 : i32 to vector<16xi32>
      %add3A_50 = arith.addi %and3A_47, %add3A_49 : vector<16xi32>
      %jit3A_51 = arith.constant 0 : i32
      %broadcast_in_dim3A_52 = vector.broadcast %jit3A_51 : i32 to vector<16xi32>
      %select_n3A_53 = arith.select %ne3A_44, %add3A_50, %broadcast_in_dim3A_52 : vector<16xi1>, vector<16xi32>
      %shift_left3A_54 = arith.constant 8 : i32
      %shift_left3A_55 = vector.broadcast %shift_left3A_54 : i32 to vector<16xi32>
      %shift_left3A_56 = arith.shli %select_n3A_53, %shift_left3A_55 : vector<16xi32>
      %or3A_57 = arith.ori %or3A, %shift_left3A_56 : vector<16xi32>
      %shift_right_arithmetic3A_58 = arith.constant 5 : i32
      %shift_right_arithmetic3A_59 = vector.broadcast %shift_right_arithmetic3A_58 : i32 to vector<16xi32>
      %shift_right_arithmetic3A_60 = arith.shrsi %gather3A_41, %shift_right_arithmetic3A_59 : vector<16xi32>
      %gather3A_61 = tpu.vector_load_idx %arg4[%shift_right_arithmetic3A_60] : memref<102400xi32, #tpu.memory_space<vmem>>[vector<16xi32>], vector<16xi32>,
      %ne3A_62 = arith.constant 0 : i32
      %ne3A_63 = vector.broadcast %ne3A_62 : i32 to vector<16xi32>
      %ne3A_64 = arith.cmpi ne, %shift_right_arithmetic3A_60, %ne3A_63 : vector<16xi32>
      %and3A_65 = arith.constant 31 : i32
      %and3A_66 = vector.broadcast %and3A_65 : i32 to vector<16xi32>
      %and3A_67 = arith.andi %gather3A_61, %and3A_66 : vector<16xi32>
      %add3A_68 = arith.constant 1 : i32
      %add3A_69 = vector.broadcast %add3A_68 : i32 to vector<16xi32>
      %add3A_70 = arith.addi %and3A_67, %add3A_69 : vector<16xi32>
      %jit3A_71 = arith.constant 0 : i32
      %broadcast_in_dim3A_72 = vector.broadcast %jit3A_71 : i32 to vector<16xi32>
      %select_n3A_73 = arith.select %ne3A_64, %add3A_70, %broadcast_in_dim3A_72 : vector<16xi1>, vector<16xi32>
      %shift_left3A_74 = arith.constant 16 : i32
      %shift_left3A_75 = vector.broadcast %shift_left3A_74 : i32 to vector<16xi32>
      %shift_left3A_76 = arith.shli %select_n3A_73, %shift_left3A_75 : vector<16xi32>
      %or3A_77 = arith.ori %or3A_57, %shift_left3A_76 : vector<16xi32>
      %shift_right_arithmetic3A_78 = arith.constant 5 : i32
      %shift_right_arithmetic3A_79 = vector.broadcast %shift_right_arithmetic3A_78 : i32 to vector<16xi32>
      %shift_right_arithmetic3A_80 = arith.shrsi %gather3A_61, %shift_right_arithmetic3A_79 : vector<16xi32>
      %gather3A_81 = tpu.vector_load_idx %arg4[%shift_right_arithmetic3A_80] : memref<102400xi32, #tpu.memory_space<vmem>>[vector<16xi32>], vector<16xi32>,
      %ne3A_82 = arith.constant 0 : i32
      %ne3A_83 = vector.broadcast %ne3A_82 : i32 to vector<16xi32>
      %ne3A_84 = arith.cmpi ne, %shift_right_arithmetic3A_80, %ne3A_83 : vector<16xi32>
      %and3A_85 = arith.constant 31 : i32
      %and3A_86 = vector.broadcast %and3A_85 : i32 to vector<16xi32>
      %and3A_87 = arith.andi %gather3A_81, %and3A_86 : vector<16xi32>
      %add3A_88 = arith.constant 1 : i32
      %add3A_89 = vector.broadcast %add3A_88 : i32 to vector<16xi32>
      %add3A_90 = arith.addi %and3A_87, %add3A_89 : vector<16xi32>
      %jit3A_91 = arith.constant 0 : i32
      %broadcast_in_dim3A_92 = vector.broadcast %jit3A_91 : i32 to vector<16xi32>
      %select_n3A_93 = arith.select %ne3A_84, %add3A_90, %broadcast_in_dim3A_92 : vector<16xi1>, vector<16xi32>
      %shift_left3A_94 = arith.constant 24 : i32
      %shift_left3A_95 = vector.broadcast %shift_left3A_94 : i32 to vector<16xi32>
      %shift_left3A_96 = arith.shli %select_n3A_93, %shift_left3A_95 : vector<16xi32>
      %or3A_97 = arith.ori %or3A_77, %shift_left3A_96 : vector<16xi32>
      %shift_right_arithmetic3A_98 = arith.constant 5 : i32
      %shift_right_arithmetic3A_99 = vector.broadcast %shift_right_arithmetic3A_98 : i32 to vector<16xi32>
      %shift_right_arithmetic3A_100 = arith.shrsi %gather3A_81, %shift_right_arithmetic3A_99 : vector<16xi32>
      %gather3A_101 = tpu.vector_load_idx %arg4[%shift_right_arithmetic3A_100] : memref<102400xi32, #tpu.memory_space<vmem>>[vector<16xi32>], vector<16xi32>,
      %ne3A_102 = arith.constant 0 : i32
      %ne3A_103 = vector.broadcast %ne3A_102 : i32 to vector<16xi32>
      %ne3A_104 = arith.cmpi ne, %shift_right_arithmetic3A_100, %ne3A_103 : vector<16xi32>
      %and3A_105 = arith.constant 31 : i32
      %and3A_106 = vector.broadcast %and3A_105 : i32 to vector<16xi32>
      %and3A_107 = arith.andi %gather3A_101, %and3A_106 : vector<16xi32>
      %add3A_108 = arith.constant 1 : i32
      %add3A_109 = vector.broadcast %add3A_108 : i32 to vector<16xi32>
      %add3A_110 = arith.addi %and3A_107, %add3A_109 : vector<16xi32>
      %jit3A_111 = arith.constant 0 : i32
      %broadcast_in_dim3A_112 = vector.broadcast %jit3A_111 : i32 to vector<16xi32>
      %select_n3A_113 = arith.select %ne3A_104, %add3A_110, %broadcast_in_dim3A_112 : vector<16xi1>, vector<16xi32>
      %shift_left3A_114 = arith.constant 0 : i32
      %shift_left3A_115 = vector.broadcast %shift_left3A_114 : i32 to vector<16xi32>
      %shift_left3A_116 = arith.shli %select_n3A_113, %shift_left3A_115 : vector<16xi32>
      %or3A_117 = arith.ori %broadcast_in_dim3A_24, %shift_left3A_116 : vector<16xi32>
      %shift_right_arithmetic3A_118 = arith.constant 5 : i32
      %shift_right_arithmetic3A_119 = vector.broadcast %shift_right_arithmetic3A_118 : i32 to vector<16xi32>
      %shift_right_arithmetic3A_120 = arith.shrsi %gather3A_101, %shift_right_arithmetic3A_119 : vector<16xi32>
      %gather3A_121 = tpu.vector_load_idx %arg4[%shift_right_arithmetic3A_120] : memref<102400xi32, #tpu.memory_space<vmem>>[vector<16xi32>], vector<16xi32>,
      %ne3A_122 = arith.constant 0 : i32
      %ne3A_123 = vector.broadcast %ne3A_122 : i32 to vector<16xi32>
      %ne3A_124 = arith.cmpi ne, %shift_right_arithmetic3A_120, %ne3A_123 : vector<16xi32>
      %and3A_125 = arith.constant 31 : i32
      %and3A_126 = vector.broadcast %and3A_125 : i32 to vector<16xi32>
      %and3A_127 = arith.andi %gather3A_121, %and3A_126 : vector<16xi32>
      %add3A_128 = arith.constant 1 : i32
      %add3A_129 = vector.broadcast %add3A_128 : i32 to vector<16xi32>
      %add3A_130 = arith.addi %and3A_127, %add3A_129 : vector<16xi32>
      %jit3A_131 = arith.constant 0 : i32
      %broadcast_in_dim3A_132 = vector.broadcast %jit3A_131 : i32 to vector<16xi32>
      %select_n3A_133 = arith.select %ne3A_124, %add3A_130, %broadcast_in_dim3A_132 : vector<16xi1>, vector<16xi32>
      %shift_left3A_134 = arith.constant 8 : i32
      %shift_left3A_135 = vector.broadcast %shift_left3A_134 : i32 to vector<16xi32>
      %shift_left3A_136 = arith.shli %select_n3A_133, %shift_left3A_135 : vector<16xi32>
      %or3A_137 = arith.ori %or3A_117, %shift_left3A_136 : vector<16xi32>
      %shift_right_arithmetic3A_138 = arith.constant 5 : i32
      %shift_right_arithmetic3A_139 = vector.broadcast %shift_right_arithmetic3A_138 : i32 to vector<16xi32>
      %shift_right_arithmetic3A_140 = arith.shrsi %gather3A_121, %shift_right_arithmetic3A_139 : vector<16xi32>
      %gather3A_141 = tpu.vector_load_idx %arg4[%shift_right_arithmetic3A_140] : memref<102400xi32, #tpu.memory_space<vmem>>[vector<16xi32>], vector<16xi32>,
      %ne3A_142 = arith.constant 0 : i32
      %ne3A_143 = vector.broadcast %ne3A_142 : i32 to vector<16xi32>
      %ne3A_144 = arith.cmpi ne, %shift_right_arithmetic3A_140, %ne3A_143 : vector<16xi32>
      %and3A_145 = arith.constant 31 : i32
      %and3A_146 = vector.broadcast %and3A_145 : i32 to vector<16xi32>
      %and3A_147 = arith.andi %gather3A_141, %and3A_146 : vector<16xi32>
      %add3A_148 = arith.constant 1 : i32
      %add3A_149 = vector.broadcast %add3A_148 : i32 to vector<16xi32>
      %add3A_150 = arith.addi %and3A_147, %add3A_149 : vector<16xi32>
      %jit3A_151 = arith.constant 0 : i32
      %broadcast_in_dim3A_152 = vector.broadcast %jit3A_151 : i32 to vector<16xi32>
      %select_n3A_153 = arith.select %ne3A_144, %add3A_150, %broadcast_in_dim3A_152 : vector<16xi1>, vector<16xi32>
      %shift_left3A_154 = arith.constant 16 : i32
      %shift_left3A_155 = vector.broadcast %shift_left3A_154 : i32 to vector<16xi32>
      %shift_left3A_156 = arith.shli %select_n3A_153, %shift_left3A_155 : vector<16xi32>
      %or3A_157 = arith.ori %or3A_137, %shift_left3A_156 : vector<16xi32>
      %shift_right_arithmetic3A_158 = arith.constant 5 : i32
      %shift_right_arithmetic3A_159 = vector.broadcast %shift_right_arithmetic3A_158 : i32 to vector<16xi32>
      %shift_right_arithmetic3A_160 = arith.shrsi %gather3A_141, %shift_right_arithmetic3A_159 : vector<16xi32>
      %gather3A_161 = tpu.vector_load_idx %arg4[%shift_right_arithmetic3A_160] : memref<102400xi32, #tpu.memory_space<vmem>>[vector<16xi32>], vector<16xi32>,
      %ne3A_162 = arith.constant 0 : i32
      %ne3A_163 = vector.broadcast %ne3A_162 : i32 to vector<16xi32>
      %ne3A_164 = arith.cmpi ne, %shift_right_arithmetic3A_160, %ne3A_163 : vector<16xi32>
      %and3A_165 = arith.constant 31 : i32
      %and3A_166 = vector.broadcast %and3A_165 : i32 to vector<16xi32>
      %and3A_167 = arith.andi %gather3A_161, %and3A_166 : vector<16xi32>
      %add3A_168 = arith.constant 1 : i32
      %add3A_169 = vector.broadcast %add3A_168 : i32 to vector<16xi32>
      %add3A_170 = arith.addi %and3A_167, %add3A_169 : vector<16xi32>
      %jit3A_171 = arith.constant 0 : i32
      %broadcast_in_dim3A_172 = vector.broadcast %jit3A_171 : i32 to vector<16xi32>
      %select_n3A_173 = arith.select %ne3A_164, %add3A_170, %broadcast_in_dim3A_172 : vector<16xi1>, vector<16xi32>
      %shift_left3A_174 = arith.constant 24 : i32
      %shift_left3A_175 = vector.broadcast %shift_left3A_174 : i32 to vector<16xi32>
      %shift_left3A_176 = arith.shli %select_n3A_173, %shift_left3A_175 : vector<16xi32>
      %or3A_177 = arith.ori %or3A_157, %shift_left3A_176 : vector<16xi32>
      %shift_right_arithmetic3A_178 = arith.constant 5 : i32
      %shift_right_arithmetic3A_179 = vector.broadcast %shift_right_arithmetic3A_178 : i32 to vector<16xi32>
      %shift_right_arithmetic3A_180 = arith.shrsi %gather3A_161, %shift_right_arithmetic3A_179 : vector<16xi32>
      %gather3A_181 = tpu.vector_load_idx %arg4[%shift_right_arithmetic3A_180] : memref<102400xi32, #tpu.memory_space<vmem>>[vector<16xi32>], vector<16xi32>,
      %ne3A_182 = arith.constant 0 : i32
      %ne3A_183 = vector.broadcast %ne3A_182 : i32 to vector<16xi32>
      %ne3A_184 = arith.cmpi ne, %shift_right_arithmetic3A_180, %ne3A_183 : vector<16xi32>
      %and3A_185 = arith.constant 31 : i32
      %and3A_186 = vector.broadcast %and3A_185 : i32 to vector<16xi32>
      %and3A_187 = arith.andi %gather3A_181, %and3A_186 : vector<16xi32>
      %add3A_188 = arith.constant 1 : i32
      %add3A_189 = vector.broadcast %add3A_188 : i32 to vector<16xi32>
      %add3A_190 = arith.addi %and3A_187, %add3A_189 : vector<16xi32>
      %jit3A_191 = arith.constant 0 : i32
      %broadcast_in_dim3A_192 = vector.broadcast %jit3A_191 : i32 to vector<16xi32>
      %select_n3A_193 = arith.select %ne3A_184, %add3A_190, %broadcast_in_dim3A_192 : vector<16xi1>, vector<16xi32>
      %shift_left3A_194 = arith.constant 0 : i32
      %shift_left3A_195 = vector.broadcast %shift_left3A_194 : i32 to vector<16xi32>
      %shift_left3A_196 = arith.shli %select_n3A_193, %shift_left3A_195 : vector<16xi32>
      %or3A_197 = arith.ori %broadcast_in_dim3A_26, %shift_left3A_196 : vector<16xi32>
      %shift_right_arithmetic3A_198 = arith.constant 5 : i32
      %shift_right_arithmetic3A_199 = vector.broadcast %shift_right_arithmetic3A_198 : i32 to vector<16xi32>
      %shift_right_arithmetic3A_200 = arith.shrsi %gather3A_181, %shift_right_arithmetic3A_199 : vector<16xi32>
      %gather3A_201 = tpu.vector_load_idx %arg4[%shift_right_arithmetic3A_200] : memref<102400xi32, #tpu.memory_space<vmem>>[vector<16xi32>], vector<16xi32>,
      %ne3A_202 = arith.constant 0 : i32
      %ne3A_203 = vector.broadcast %ne3A_202 : i32 to vector<16xi32>
      %ne3A_204 = arith.cmpi ne, %shift_right_arithmetic3A_200, %ne3A_203 : vector<16xi32>
      %and3A_205 = arith.constant 31 : i32
      %and3A_206 = vector.broadcast %and3A_205 : i32 to vector<16xi32>
      %and3A_207 = arith.andi %gather3A_201, %and3A_206 : vector<16xi32>
      %add3A_208 = arith.constant 1 : i32
      %add3A_209 = vector.broadcast %add3A_208 : i32 to vector<16xi32>
      %add3A_210 = arith.addi %and3A_207, %add3A_209 : vector<16xi32>
      %jit3A_211 = arith.constant 0 : i32
      %broadcast_in_dim3A_212 = vector.broadcast %jit3A_211 : i32 to vector<16xi32>
      %select_n3A_213 = arith.select %ne3A_204, %add3A_210, %broadcast_in_dim3A_212 : vector<16xi1>, vector<16xi32>
      %shift_left3A_214 = arith.constant 8 : i32
      %shift_left3A_215 = vector.broadcast %shift_left3A_214 : i32 to vector<16xi32>
      %shift_left3A_216 = arith.shli %select_n3A_213, %shift_left3A_215 : vector<16xi32>
      %or3A_217 = arith.ori %or3A_197, %shift_left3A_216 : vector<16xi32>
      %shift_right_arithmetic3A_218 = arith.constant 5 : i32
      %shift_right_arithmetic3A_219 = vector.broadcast %shift_right_arithmetic3A_218 : i32 to vector<16xi32>
      %shift_right_arithmetic3A_220 = arith.shrsi %gather3A_201, %shift_right_arithmetic3A_219 : vector<16xi32>
      %gather3A_221 = tpu.vector_load_idx %arg4[%shift_right_arithmetic3A_220] : memref<102400xi32, #tpu.memory_space<vmem>>[vector<16xi32>], vector<16xi32>,
      %ne3A_222 = arith.constant 0 : i32
      %ne3A_223 = vector.broadcast %ne3A_222 : i32 to vector<16xi32>
      %ne3A_224 = arith.cmpi ne, %shift_right_arithmetic3A_220, %ne3A_223 : vector<16xi32>
      %and3A_225 = arith.constant 31 : i32
      %and3A_226 = vector.broadcast %and3A_225 : i32 to vector<16xi32>
      %and3A_227 = arith.andi %gather3A_221, %and3A_226 : vector<16xi32>
      %add3A_228 = arith.constant 1 : i32
      %add3A_229 = vector.broadcast %add3A_228 : i32 to vector<16xi32>
      %add3A_230 = arith.addi %and3A_227, %add3A_229 : vector<16xi32>
      %jit3A_231 = arith.constant 0 : i32
      %broadcast_in_dim3A_232 = vector.broadcast %jit3A_231 : i32 to vector<16xi32>
      %select_n3A_233 = arith.select %ne3A_224, %add3A_230, %broadcast_in_dim3A_232 : vector<16xi1>, vector<16xi32>
      %shift_left3A_234 = arith.constant 16 : i32
      %shift_left3A_235 = vector.broadcast %shift_left3A_234 : i32 to vector<16xi32>
      %shift_left3A_236 = arith.shli %select_n3A_233, %shift_left3A_235 : vector<16xi32>
      %or3A_237 = arith.ori %or3A_217, %shift_left3A_236 : vector<16xi32>
      %shift_right_arithmetic3A_238 = arith.constant 5 : i32
      %shift_right_arithmetic3A_239 = vector.broadcast %shift_right_arithmetic3A_238 : i32 to vector<16xi32>
      %shift_right_arithmetic3A_240 = arith.shrsi %gather3A_221, %shift_right_arithmetic3A_239 : vector<16xi32>
      %gather3A_241 = tpu.vector_load_idx %arg4[%shift_right_arithmetic3A_240] : memref<102400xi32, #tpu.memory_space<vmem>>[vector<16xi32>], vector<16xi32>,
      %ne3A_242 = arith.constant 0 : i32
      %ne3A_243 = vector.broadcast %ne3A_242 : i32 to vector<16xi32>
      %ne3A_244 = arith.cmpi ne, %shift_right_arithmetic3A_240, %ne3A_243 : vector<16xi32>
      %and3A_245 = arith.constant 31 : i32
      %and3A_246 = vector.broadcast %and3A_245 : i32 to vector<16xi32>
      %and3A_247 = arith.andi %gather3A_241, %and3A_246 : vector<16xi32>
      %add3A_248 = arith.constant 1 : i32
      %add3A_249 = vector.broadcast %add3A_248 : i32 to vector<16xi32>
      %add3A_250 = arith.addi %and3A_247, %add3A_249 : vector<16xi32>
      %jit3A_251 = arith.constant 0 : i32
      %broadcast_in_dim3A_252 = vector.broadcast %jit3A_251 : i32 to vector<16xi32>
      %select_n3A_253 = arith.select %ne3A_244, %add3A_250, %broadcast_in_dim3A_252 : vector<16xi1>, vector<16xi32>
      %shift_left3A_254 = arith.constant 24 : i32
      %shift_left3A_255 = vector.broadcast %shift_left3A_254 : i32 to vector<16xi32>
      %shift_left3A_256 = arith.shli %select_n3A_253, %shift_left3A_255 : vector<16xi32>
      %or3A_257 = arith.ori %or3A_237, %shift_left3A_256 : vector<16xi32>
      %shift_right_arithmetic3A_258 = arith.constant 5 : i32
      %shift_right_arithmetic3A_259 = vector.broadcast %shift_right_arithmetic3A_258 : i32 to vector<16xi32>
      %shift_right_arithmetic3A_260 = arith.shrsi %gather3A_241, %shift_right_arithmetic3A_259 : vector<16xi32>
      %gather3A_261 = tpu.vector_load_idx %arg4[%shift_right_arithmetic3A_260] : memref<102400xi32, #tpu.memory_space<vmem>>[vector<16xi32>], vector<16xi32>,
      %ne3A_262 = arith.constant 0 : i32
      %ne3A_263 = vector.broadcast %ne3A_262 : i32 to vector<16xi32>
      %ne3A_264 = arith.cmpi ne, %shift_right_arithmetic3A_260, %ne3A_263 : vector<16xi32>
      %and3A_265 = arith.constant 31 : i32
      %and3A_266 = vector.broadcast %and3A_265 : i32 to vector<16xi32>
      %and3A_267 = arith.andi %gather3A_261, %and3A_266 : vector<16xi32>
      %add3A_268 = arith.constant 1 : i32
      %add3A_269 = vector.broadcast %add3A_268 : i32 to vector<16xi32>
      %add3A_270 = arith.addi %and3A_267, %add3A_269 : vector<16xi32>
      %jit3A_271 = arith.constant 0 : i32
      %broadcast_in_dim3A_272 = vector.broadcast %jit3A_271 : i32 to vector<16xi32>
      %select_n3A_273 = arith.select %ne3A_264, %add3A_270, %broadcast_in_dim3A_272 : vector<16xi1>, vector<16xi32>
      %shift_left3A_274 = arith.constant 0 : i32
      %shift_left3A_275 = vector.broadcast %shift_left3A_274 : i32 to vector<16xi32>
      %shift_left3A_276 = arith.shli %select_n3A_273, %shift_left3A_275 : vector<16xi32>
      %or3A_277 = arith.ori %broadcast_in_dim3A_28, %shift_left3A_276 : vector<16xi32>
      %shift_right_arithmetic3A_278 = arith.constant 5 : i32
      %shift_right_arithmetic3A_279 = vector.broadcast %shift_right_arithmetic3A_278 : i32 to vector<16xi32>
      %shift_right_arithmetic3A_280 = arith.shrsi %gather3A_261, %shift_right_arithmetic3A_279 : vector<16xi32>
      %gather3A_281 = tpu.vector_load_idx %arg4[%shift_right_arithmetic3A_280] : memref<102400xi32, #tpu.memory_space<vmem>>[vector<16xi32>], vector<16xi32>,
      %ne3A_282 = arith.constant 0 : i32
      %ne3A_283 = vector.broadcast %ne3A_282 : i32 to vector<16xi32>
      %ne3A_284 = arith.cmpi ne, %shift_right_arithmetic3A_280, %ne3A_283 : vector<16xi32>
      %and3A_285 = arith.constant 31 : i32
      %and3A_286 = vector.broadcast %and3A_285 : i32 to vector<16xi32>
      %and3A_287 = arith.andi %gather3A_281, %and3A_286 : vector<16xi32>
      %add3A_288 = arith.constant 1 : i32
      %add3A_289 = vector.broadcast %add3A_288 : i32 to vector<16xi32>
      %add3A_290 = arith.addi %and3A_287, %add3A_289 : vector<16xi32>
      %jit3A_291 = arith.constant 0 : i32
      %broadcast_in_dim3A_292 = vector.broadcast %jit3A_291 : i32 to vector<16xi32>
      %select_n3A_293 = arith.select %ne3A_284, %add3A_290, %broadcast_in_dim3A_292 : vector<16xi1>, vector<16xi32>
      %shift_left3A_294 = arith.constant 8 : i32
      %shift_left3A_295 = vector.broadcast %shift_left3A_294 : i32 to vector<16xi32>
      %shift_left3A_296 = arith.shli %select_n3A_293, %shift_left3A_295 : vector<16xi32>
      %or3A_297 = arith.ori %or3A_277, %shift_left3A_296 : vector<16xi32>
      %shift_right_arithmetic3A_298 = arith.constant 5 : i32
      %shift_right_arithmetic3A_299 = vector.broadcast %shift_right_arithmetic3A_298 : i32 to vector<16xi32>
      %shift_right_arithmetic3A_300 = arith.shrsi %gather3A_281, %shift_right_arithmetic3A_299 : vector<16xi32>
      %gather3A_301 = tpu.vector_load_idx %arg4[%shift_right_arithmetic3A_300] : memref<102400xi32, #tpu.memory_space<vmem>>[vector<16xi32>], vector<16xi32>,
      %ne3A_302 = arith.constant 0 : i32
      %ne3A_303 = vector.broadcast %ne3A_302 : i32 to vector<16xi32>
      %ne3A_304 = arith.cmpi ne, %shift_right_arithmetic3A_300, %ne3A_303 : vector<16xi32>
      %and3A_305 = arith.constant 31 : i32
      %and3A_306 = vector.broadcast %and3A_305 : i32 to vector<16xi32>
      %and3A_307 = arith.andi %gather3A_301, %and3A_306 : vector<16xi32>
      %add3A_308 = arith.constant 1 : i32
      %add3A_309 = vector.broadcast %add3A_308 : i32 to vector<16xi32>
      %add3A_310 = arith.addi %and3A_307, %add3A_309 : vector<16xi32>
      %jit3A_311 = arith.constant 0 : i32
      %broadcast_in_dim3A_312 = vector.broadcast %jit3A_311 : i32 to vector<16xi32>
      %select_n3A_313 = arith.select %ne3A_304, %add3A_310, %broadcast_in_dim3A_312 : vector<16xi1>, vector<16xi32>
      %shift_left3A_314 = arith.constant 16 : i32
      %shift_left3A_315 = vector.broadcast %shift_left3A_314 : i32 to vector<16xi32>
      %shift_left3A_316 = arith.shli %select_n3A_313, %shift_left3A_315 : vector<16xi32>
      %or3A_317 = arith.ori %or3A_297, %shift_left3A_316 : vector<16xi32>
      %shift_right_arithmetic3A_318 = arith.constant 5 : i32
      %shift_right_arithmetic3A_319 = vector.broadcast %shift_right_arithmetic3A_318 : i32 to vector<16xi32>
      %shift_right_arithmetic3A_320 = arith.shrsi %gather3A_301, %shift_right_arithmetic3A_319 : vector<16xi32>
      %gather3A_321 = tpu.vector_load_idx %arg4[%shift_right_arithmetic3A_320] : memref<102400xi32, #tpu.memory_space<vmem>>[vector<16xi32>], vector<16xi32>,
      %ne3A_322 = arith.constant 0 : i32
      %ne3A_323 = vector.broadcast %ne3A_322 : i32 to vector<16xi32>
      %ne3A_324 = arith.cmpi ne, %shift_right_arithmetic3A_320, %ne3A_323 : vector<16xi32>
      %and3A_325 = arith.constant 31 : i32
      %and3A_326 = vector.broadcast %and3A_325 : i32 to vector<16xi32>
      %and3A_327 = arith.andi %gather3A_321, %and3A_326 : vector<16xi32>
      %add3A_328 = arith.constant 1 : i32
      %add3A_329 = vector.broadcast %add3A_328 : i32 to vector<16xi32>
      %add3A_330 = arith.addi %and3A_327, %add3A_329 : vector<16xi32>
      %jit3A_331 = arith.constant 0 : i32
      %broadcast_in_dim3A_332 = vector.broadcast %jit3A_331 : i32 to vector<16xi32>
      %select_n3A_333 = arith.select %ne3A_324, %add3A_330, %broadcast_in_dim3A_332 : vector<16xi1>, vector<16xi32>
      %shift_left3A_334 = arith.constant 24 : i32
      %shift_left3A_335 = vector.broadcast %shift_left3A_334 : i32 to vector<16xi32>
      %shift_left3A_336 = arith.shli %select_n3A_333, %shift_left3A_335 : vector<16xi32>
      %or3A_337 = arith.ori %or3A_317, %shift_left3A_336 : vector<16xi32>
      %shift_right_arithmetic3A_338 = arith.constant 5 : i32
      %shift_right_arithmetic3A_339 = vector.broadcast %shift_right_arithmetic3A_338 : i32 to vector<16xi32>
      %shift_right_arithmetic3A_340 = arith.shrsi %gather3A_321, %shift_right_arithmetic3A_339 : vector<16xi32>
      %mul3A_341 = arith.constant 64 : i32
      %mul3A_342 = arith.muli %add3A_16, %mul3A_341 : i32
      %mul3A_343 = arith.constant 4 : i32
      %mul3A_344 = vector.broadcast %mul3A_343 : i32 to vector<16xi32>
      %mul3A_345 = arith.muli %iota3A, %mul3A_344 : vector<16xi32>
      %add3A_346 = vector.broadcast %mul3A_342 : i32 to vector<16xi32>
      %add3A_347 = arith.addi %add3A_346, %mul3A_345 : vector<16xi32>
      %add3A_348 = arith.constant 0 : i32
      %add3A_349 = vector.broadcast %add3A_348 : i32 to vector<16xi32>
      %add3A_350 = arith.addi %add3A_347, %add3A_349 : vector<16xi32>
      tpu.vector_store_idx %arg5[%add3A_350], %or3A_97 : memref<11200xi32, #tpu.memory_space<vmem>>[vector<16xi32>], vector<16xi32>,
      %mul3A_351 = arith.constant 4 : i32
      %mul3A_352 = vector.broadcast %mul3A_351 : i32 to vector<16xi32>
      %mul3A_353 = arith.muli %iota3A, %mul3A_352 : vector<16xi32>
      %add3A_354 = vector.broadcast %mul3A_342 : i32 to vector<16xi32>
      %add3A_355 = arith.addi %add3A_354, %mul3A_353 : vector<16xi32>
      %add3A_356 = arith.constant 1 : i32
      %add3A_357 = vector.broadcast %add3A_356 : i32 to vector<16xi32>
      %add3A_358 = arith.addi %add3A_355, %add3A_357 : vector<16xi32>
      tpu.vector_store_idx %arg5[%add3A_358], %or3A_177 : memref<11200xi32, #tpu.memory_space<vmem>>[vector<16xi32>], vector<16xi32>,
      %mul3A_359 = arith.constant 4 : i32
      %mul3A_360 = vector.broadcast %mul3A_359 : i32 to vector<16xi32>
      %mul3A_361 = arith.muli %iota3A, %mul3A_360 : vector<16xi32>
      %add3A_362 = vector.broadcast %mul3A_342 : i32 to vector<16xi32>
      %add3A_363 = arith.addi %add3A_362, %mul3A_361 : vector<16xi32>
      %add3A_364 = arith.constant 2 : i32
      %add3A_365 = vector.broadcast %add3A_364 : i32 to vector<16xi32>
      %add3A_366 = arith.addi %add3A_363, %add3A_365 : vector<16xi32>
      tpu.vector_store_idx %arg5[%add3A_366], %or3A_257 : memref<11200xi32, #tpu.memory_space<vmem>>[vector<16xi32>], vector<16xi32>,
      %mul3A_367 = arith.constant 4 : i32
      %mul3A_368 = vector.broadcast %mul3A_367 : i32 to vector<16xi32>
      %mul3A_369 = arith.muli %iota3A, %mul3A_368 : vector<16xi32>
      %add3A_370 = vector.broadcast %mul3A_342 : i32 to vector<16xi32>
      %add3A_371 = arith.addi %add3A_370, %mul3A_369 : vector<16xi32>
      %add3A_372 = arith.constant 3 : i32
      %add3A_373 = vector.broadcast %add3A_372 : i32 to vector<16xi32>
      %add3A_374 = arith.addi %add3A_371, %add3A_373 : vector<16xi32>
      tpu.vector_store_idx %arg5[%add3A_374], %or3A_337 : memref<11200xi32, #tpu.memory_space<vmem>>[vector<16xi32>], vector<16xi32>,
      %mul3A_375 = arith.constant 5 : i32
      %mul3A_376 = arith.muli %scan3A_12, %mul3A_375 : i32
      %add3A_377 = arith.constant 1 : i32
      %add3A_378 = arith.addi %mul3A_376, %add3A_377 : i32
      %mul3A_379 = arith.constant 16 : i32
      %mul3A_380 = arith.muli %add3A_378, %mul3A_379 : i32
      %add3A_381 = arith.addi %add3A_4, %mul3A_380 : i32
      %add3A_382 = vector.broadcast %add3A_381 : i32 to vector<16xi32>
      %add3A_383 = arith.addi %add3A_382, %iota3A : vector<16xi32>
      %broadcast_in_dim3A_384 = arith.constant 0 : i32
      %broadcast_in_dim3A_385 = vector.broadcast %broadcast_in_dim3A_384 : i32 to vector<16xi32>
      %broadcast_in_dim3A_386 = arith.constant 0 : i32
      %broadcast_in_dim3A_387 = vector.broadcast %broadcast_in_dim3A_386 : i32 to vector<16xi32>
      %broadcast_in_dim3A_388 = arith.constant 0 : i32
      %broadcast_in_dim3A_389 = vector.broadcast %broadcast_in_dim3A_388 : i32 to vector<16xi32>
      %broadcast_in_dim3A_390 = arith.constant 0 : i32
      %broadcast_in_dim3A_391 = vector.broadcast %broadcast_in_dim3A_390 : i32 to vector<16xi32>
      %gather3A_392 = tpu.vector_load_idx %arg4[%add3A_383] : memref<102400xi32, #tpu.memory_space<vmem>>[vector<16xi32>], vector<16xi32>,
      %ne3A_393 = arith.constant 0 : i32
      %ne3A_394 = vector.broadcast %ne3A_393 : i32 to vector<16xi32>
      %ne3A_395 = arith.cmpi ne, %add3A_383, %ne3A_394 : vector<16xi32>
      %and3A_396 = arith.constant 31 : i32
      %and3A_397 = vector.broadcast %and3A_396 : i32 to vector<16xi32>
      %and3A_398 = arith.andi %gather3A_392, %and3A_397 : vector<16xi32>
      %add3A_399 = arith.constant 1 : i32
      %add3A_400 = vector.broadcast %add3A_399 : i32 to vector<16xi32>
      %add3A_401 = arith.addi %and3A_398, %add3A_400 : vector<16xi32>
      %jit3A_402 = arith.constant 0 : i32
      %broadcast_in_dim3A_403 = vector.broadcast %jit3A_402 : i32 to vector<16xi32>
      %select_n3A_404 = arith.select %ne3A_395, %add3A_401, %broadcast_in_dim3A_403 : vector<16xi1>, vector<16xi32>
      %shift_left3A_405 = arith.constant 0 : i32
      %shift_left3A_406 = vector.broadcast %shift_left3A_405 : i32 to vector<16xi32>
      %shift_left3A_407 = arith.shli %select_n3A_404, %shift_left3A_406 : vector<16xi32>
      %or3A_408 = arith.ori %broadcast_in_dim3A_385, %shift_left3A_407 : vector<16xi32>
      %shift_right_arithmetic3A_409 = arith.constant 5 : i32
      %shift_right_arithmetic3A_410 = vector.broadcast %shift_right_arithmetic3A_409 : i32 to vector<16xi32>
      %shift_right_arithmetic3A_411 = arith.shrsi %gather3A_392, %shift_right_arithmetic3A_410 : vector<16xi32>
      %gather3A_412 = tpu.vector_load_idx %arg4[%shift_right_arithmetic3A_411] : memref<102400xi32, #tpu.memory_space<vmem>>[vector<16xi32>], vector<16xi32>,
      %ne3A_413 = arith.constant 0 : i32
      %ne3A_414 = vector.broadcast %ne3A_413 : i32 to vector<16xi32>
      %ne3A_415 = arith.cmpi ne, %shift_right_arithmetic3A_411, %ne3A_414 : vector<16xi32>
      %and3A_416 = arith.constant 31 : i32
      %and3A_417 = vector.broadcast %and3A_416 : i32 to vector<16xi32>
      %and3A_418 = arith.andi %gather3A_412, %and3A_417 : vector<16xi32>
      %add3A_419 = arith.constant 1 : i32
      %add3A_420 = vector.broadcast %add3A_419 : i32 to vector<16xi32>
      %add3A_421 = arith.addi %and3A_418, %add3A_420 : vector<16xi32>
      %jit3A_422 = arith.constant 0 : i32
      %broadcast_in_dim3A_423 = vector.broadcast %jit3A_422 : i32 to vector<16xi32>
      %select_n3A_424 = arith.select %ne3A_415, %add3A_421, %broadcast_in_dim3A_423 : vector<16xi1>, vector<16xi32>
      %shift_left3A_425 = arith.constant 8 : i32
      %shift_left3A_426 = vector.broadcast %shift_left3A_425 : i32 to vector<16xi32>
      %shift_left3A_427 = arith.shli %select_n3A_424, %shift_left3A_426 : vector<16xi32>
      %or3A_428 = arith.ori %or3A_408, %shift_left3A_427 : vector<16xi32>
      %shift_right_arithmetic3A_429 = arith.constant 5 : i32
      %shift_right_arithmetic3A_430 = vector.broadcast %shift_right_arithmetic3A_429 : i32 to vector<16xi32>
      %shift_right_arithmetic3A_431 = arith.shrsi %gather3A_412, %shift_right_arithmetic3A_430 : vector<16xi32>
      %gather3A_432 = tpu.vector_load_idx %arg4[%shift_right_arithmetic3A_431] : memref<102400xi32, #tpu.memory_space<vmem>>[vector<16xi32>], vector<16xi32>,
      %ne3A_433 = arith.constant 0 : i32
      %ne3A_434 = vector.broadcast %ne3A_433 : i32 to vector<16xi32>
      %ne3A_435 = arith.cmpi ne, %shift_right_arithmetic3A_431, %ne3A_434 : vector<16xi32>
      %and3A_436 = arith.constant 31 : i32
      %and3A_437 = vector.broadcast %and3A_436 : i32 to vector<16xi32>
      %and3A_438 = arith.andi %gather3A_432, %and3A_437 : vector<16xi32>
      %add3A_439 = arith.constant 1 : i32
      %add3A_440 = vector.broadcast %add3A_439 : i32 to vector<16xi32>
      %add3A_441 = arith.addi %and3A_438, %add3A_440 : vector<16xi32>
      %jit3A_442 = arith.constant 0 : i32
      %broadcast_in_dim3A_443 = vector.broadcast %jit3A_442 : i32 to vector<16xi32>
      %select_n3A_444 = arith.select %ne3A_435, %add3A_441, %broadcast_in_dim3A_443 : vector<16xi1>, vector<16xi32>
      %shift_left3A_445 = arith.constant 16 : i32
      %shift_left3A_446 = vector.broadcast %shift_left3A_445 : i32 to vector<16xi32>
      %shift_left3A_447 = arith.shli %select_n3A_444, %shift_left3A_446 : vector<16xi32>
      %or3A_448 = arith.ori %or3A_428, %shift_left3A_447 : vector<16xi32>
      %shift_right_arithmetic3A_449 = arith.constant 5 : i32
      %shift_right_arithmetic3A_450 = vector.broadcast %shift_right_arithmetic3A_449 : i32 to vector<16xi32>
      %shift_right_arithmetic3A_451 = arith.shrsi %gather3A_432, %shift_right_arithmetic3A_450 : vector<16xi32>
      %gather3A_452 = tpu.vector_load_idx %arg4[%shift_right_arithmetic3A_451] : memref<102400xi32, #tpu.memory_space<vmem>>[vector<16xi32>], vector<16xi32>,
      %ne3A_453 = arith.constant 0 : i32
      %ne3A_454 = vector.broadcast %ne3A_453 : i32 to vector<16xi32>
      %ne3A_455 = arith.cmpi ne, %shift_right_arithmetic3A_451, %ne3A_454 : vector<16xi32>
      %and3A_456 = arith.constant 31 : i32
      %and3A_457 = vector.broadcast %and3A_456 : i32 to vector<16xi32>
      %and3A_458 = arith.andi %gather3A_452, %and3A_457 : vector<16xi32>
      %add3A_459 = arith.constant 1 : i32
      %add3A_460 = vector.broadcast %add3A_459 : i32 to vector<16xi32>
      %add3A_461 = arith.addi %and3A_458, %add3A_460 : vector<16xi32>
      %jit3A_462 = arith.constant 0 : i32
      %broadcast_in_dim3A_463 = vector.broadcast %jit3A_462 : i32 to vector<16xi32>
      %select_n3A_464 = arith.select %ne3A_455, %add3A_461, %broadcast_in_dim3A_463 : vector<16xi1>, vector<16xi32>
      %shift_left3A_465 = arith.constant 24 : i32
      %shift_left3A_466 = vector.broadcast %shift_left3A_465 : i32 to vector<16xi32>
      %shift_left3A_467 = arith.shli %select_n3A_464, %shift_left3A_466 : vector<16xi32>
      %or3A_468 = arith.ori %or3A_448, %shift_left3A_467 : vector<16xi32>
      %shift_right_arithmetic3A_469 = arith.constant 5 : i32
      %shift_right_arithmetic3A_470 = vector.broadcast %shift_right_arithmetic3A_469 : i32 to vector<16xi32>
      %shift_right_arithmetic3A_471 = arith.shrsi %gather3A_452, %shift_right_arithmetic3A_470 : vector<16xi32>
      %gather3A_472 = tpu.vector_load_idx %arg4[%shift_right_arithmetic3A_471] : memref<102400xi32, #tpu.memory_space<vmem>>[vector<16xi32>], vector<16xi32>,
      %ne3A_473 = arith.constant 0 : i32
      %ne3A_474 = vector.broadcast %ne3A_473 : i32 to vector<16xi32>
      %ne3A_475 = arith.cmpi ne, %shift_right_arithmetic3A_471, %ne3A_474 : vector<16xi32>
      %and3A_476 = arith.constant 31 : i32
      %and3A_477 = vector.broadcast %and3A_476 : i32 to vector<16xi32>
      %and3A_478 = arith.andi %gather3A_472, %and3A_477 : vector<16xi32>
      %add3A_479 = arith.constant 1 : i32
      %add3A_480 = vector.broadcast %add3A_479 : i32 to vector<16xi32>
      %add3A_481 = arith.addi %and3A_478, %add3A_480 : vector<16xi32>
      %jit3A_482 = arith.constant 0 : i32
      %broadcast_in_dim3A_483 = vector.broadcast %jit3A_482 : i32 to vector<16xi32>
      %select_n3A_484 = arith.select %ne3A_475, %add3A_481, %broadcast_in_dim3A_483 : vector<16xi1>, vector<16xi32>
      %shift_left3A_485 = arith.constant 0 : i32
      %shift_left3A_486 = vector.broadcast %shift_left3A_485 : i32 to vector<16xi32>
      %shift_left3A_487 = arith.shli %select_n3A_484, %shift_left3A_486 : vector<16xi32>
      %or3A_488 = arith.ori %broadcast_in_dim3A_387, %shift_left3A_487 : vector<16xi32>
      %shift_right_arithmetic3A_489 = arith.constant 5 : i32
      %shift_right_arithmetic3A_490 = vector.broadcast %shift_right_arithmetic3A_489 : i32 to vector<16xi32>
      %shift_right_arithmetic3A_491 = arith.shrsi %gather3A_472, %shift_right_arithmetic3A_490 : vector<16xi32>
      %gather3A_492 = tpu.vector_load_idx %arg4[%shift_right_arithmetic3A_491] : memref<102400xi32, #tpu.memory_space<vmem>>[vector<16xi32>], vector<16xi32>,
      %ne3A_493 = arith.constant 0 : i32
      %ne3A_494 = vector.broadcast %ne3A_493 : i32 to vector<16xi32>
      %ne3A_495 = arith.cmpi ne, %shift_right_arithmetic3A_491, %ne3A_494 : vector<16xi32>
      %and3A_496 = arith.constant 31 : i32
      %and3A_497 = vector.broadcast %and3A_496 : i32 to vector<16xi32>
      %and3A_498 = arith.andi %gather3A_492, %and3A_497 : vector<16xi32>
      %add3A_499 = arith.constant 1 : i32
      %add3A_500 = vector.broadcast %add3A_499 : i32 to vector<16xi32>
      %add3A_501 = arith.addi %and3A_498, %add3A_500 : vector<16xi32>
      %jit3A_502 = arith.constant 0 : i32
      %broadcast_in_dim3A_503 = vector.broadcast %jit3A_502 : i32 to vector<16xi32>
      %select_n3A_504 = arith.select %ne3A_495, %add3A_501, %broadcast_in_dim3A_503 : vector<16xi1>, vector<16xi32>
      %shift_left3A_505 = arith.constant 8 : i32
      %shift_left3A_506 = vector.broadcast %shift_left3A_505 : i32 to vector<16xi32>
      %shift_left3A_507 = arith.shli %select_n3A_504, %shift_left3A_506 : vector<16xi32>
      %or3A_508 = arith.ori %or3A_488, %shift_left3A_507 : vector<16xi32>
      %shift_right_arithmetic3A_509 = arith.constant 5 : i32
      %shift_right_arithmetic3A_510 = vector.broadcast %shift_right_arithmetic3A_509 : i32 to vector<16xi32>
      %shift_right_arithmetic3A_511 = arith.shrsi %gather3A_492, %shift_right_arithmetic3A_510 : vector<16xi32>
      %gather3A_512 = tpu.vector_load_idx %arg4[%shift_right_arithmetic3A_511] : memref<102400xi32, #tpu.memory_space<vmem>>[vector<16xi32>], vector<16xi32>,
      %ne3A_513 = arith.constant 0 : i32
      %ne3A_514 = vector.broadcast %ne3A_513 : i32 to vector<16xi32>
      %ne3A_515 = arith.cmpi ne, %shift_right_arithmetic3A_511, %ne3A_514 : vector<16xi32>
      %and3A_516 = arith.constant 31 : i32
      %and3A_517 = vector.broadcast %and3A_516 : i32 to vector<16xi32>
      %and3A_518 = arith.andi %gather3A_512, %and3A_517 : vector<16xi32>
      %add3A_519 = arith.constant 1 : i32
      %add3A_520 = vector.broadcast %add3A_519 : i32 to vector<16xi32>
      %add3A_521 = arith.addi %and3A_518, %add3A_520 : vector<16xi32>
      %jit3A_522 = arith.constant 0 : i32
      %broadcast_in_dim3A_523 = vector.broadcast %jit3A_522 : i32 to vector<16xi32>
      %select_n3A_524 = arith.select %ne3A_515, %add3A_521, %broadcast_in_dim3A_523 : vector<16xi1>, vector<16xi32>
      %shift_left3A_525 = arith.constant 16 : i32
      %shift_left3A_526 = vector.broadcast %shift_left3A_525 : i32 to vector<16xi32>
      %shift_left3A_527 = arith.shli %select_n3A_524, %shift_left3A_526 : vector<16xi32>
      %or3A_528 = arith.ori %or3A_508, %shift_left3A_527 : vector<16xi32>
      %shift_right_arithmetic3A_529 = arith.constant 5 : i32
      %shift_right_arithmetic3A_530 = vector.broadcast %shift_right_arithmetic3A_529 : i32 to vector<16xi32>
      %shift_right_arithmetic3A_531 = arith.shrsi %gather3A_512, %shift_right_arithmetic3A_530 : vector<16xi32>
      %gather3A_532 = tpu.vector_load_idx %arg4[%shift_right_arithmetic3A_531] : memref<102400xi32, #tpu.memory_space<vmem>>[vector<16xi32>], vector<16xi32>,
      %ne3A_533 = arith.constant 0 : i32
      %ne3A_534 = vector.broadcast %ne3A_533 : i32 to vector<16xi32>
      %ne3A_535 = arith.cmpi ne, %shift_right_arithmetic3A_531, %ne3A_534 : vector<16xi32>
      %and3A_536 = arith.constant 31 : i32
      %and3A_537 = vector.broadcast %and3A_536 : i32 to vector<16xi32>
      %and3A_538 = arith.andi %gather3A_532, %and3A_537 : vector<16xi32>
      %add3A_539 = arith.constant 1 : i32
      %add3A_540 = vector.broadcast %add3A_539 : i32 to vector<16xi32>
      %add3A_541 = arith.addi %and3A_538, %add3A_540 : vector<16xi32>
      %jit3A_542 = arith.constant 0 : i32
      %broadcast_in_dim3A_543 = vector.broadcast %jit3A_542 : i32 to vector<16xi32>
      %select_n3A_544 = arith.select %ne3A_535, %add3A_541, %broadcast_in_dim3A_543 : vector<16xi1>, vector<16xi32>
      %shift_left3A_545 = arith.constant 24 : i32
      %shift_left3A_546 = vector.broadcast %shift_left3A_545 : i32 to vector<16xi32>
      %shift_left3A_547 = arith.shli %select_n3A_544, %shift_left3A_546 : vector<16xi32>
      %or3A_548 = arith.ori %or3A_528, %shift_left3A_547 : vector<16xi32>
      %shift_right_arithmetic3A_549 = arith.constant 5 : i32
      %shift_right_arithmetic3A_550 = vector.broadcast %shift_right_arithmetic3A_549 : i32 to vector<16xi32>
      %shift_right_arithmetic3A_551 = arith.shrsi %gather3A_532, %shift_right_arithmetic3A_550 : vector<16xi32>
      %gather3A_552 = tpu.vector_load_idx %arg4[%shift_right_arithmetic3A_551] : memref<102400xi32, #tpu.memory_space<vmem>>[vector<16xi32>], vector<16xi32>,
      %ne3A_553 = arith.constant 0 : i32
      %ne3A_554 = vector.broadcast %ne3A_553 : i32 to vector<16xi32>
      %ne3A_555 = arith.cmpi ne, %shift_right_arithmetic3A_551, %ne3A_554 : vector<16xi32>
      %and3A_556 = arith.constant 31 : i32
      %and3A_557 = vector.broadcast %and3A_556 : i32 to vector<16xi32>
      %and3A_558 = arith.andi %gather3A_552, %and3A_557 : vector<16xi32>
      %add3A_559 = arith.constant 1 : i32
      %add3A_560 = vector.broadcast %add3A_559 : i32 to vector<16xi32>
      %add3A_561 = arith.addi %and3A_558, %add3A_560 : vector<16xi32>
      %jit3A_562 = arith.constant 0 : i32
      %broadcast_in_dim3A_563 = vector.broadcast %jit3A_562 : i32 to vector<16xi32>
      %select_n3A_564 = arith.select %ne3A_555, %add3A_561, %broadcast_in_dim3A_563 : vector<16xi1>, vector<16xi32>
      %shift_left3A_565 = arith.constant 0 : i32
      %shift_left3A_566 = vector.broadcast %shift_left3A_565 : i32 to vector<16xi32>
      %shift_left3A_567 = arith.shli %select_n3A_564, %shift_left3A_566 : vector<16xi32>
      %or3A_568 = arith.ori %broadcast_in_dim3A_389, %shift_left3A_567 : vector<16xi32>
      %shift_right_arithmetic3A_569 = arith.constant 5 : i32
      %shift_right_arithmetic3A_570 = vector.broadcast %shift_right_arithmetic3A_569 : i32 to vector<16xi32>
      %shift_right_arithmetic3A_571 = arith.shrsi %gather3A_552, %shift_right_arithmetic3A_570 : vector<16xi32>
      %gather3A_572 = tpu.vector_load_idx %arg4[%shift_right_arithmetic3A_571] : memref<102400xi32, #tpu.memory_space<vmem>>[vector<16xi32>], vector<16xi32>,
      %ne3A_573 = arith.constant 0 : i32
      %ne3A_574 = vector.broadcast %ne3A_573 : i32 to vector<16xi32>
      %ne3A_575 = arith.cmpi ne, %shift_right_arithmetic3A_571, %ne3A_574 : vector<16xi32>
      %and3A_576 = arith.constant 31 : i32
      %and3A_577 = vector.broadcast %and3A_576 : i32 to vector<16xi32>
      %and3A_578 = arith.andi %gather3A_572, %and3A_577 : vector<16xi32>
      %add3A_579 = arith.constant 1 : i32
      %add3A_580 = vector.broadcast %add3A_579 : i32 to vector<16xi32>
      %add3A_581 = arith.addi %and3A_578, %add3A_580 : vector<16xi32>
      %jit3A_582 = arith.constant 0 : i32
      %broadcast_in_dim3A_583 = vector.broadcast %jit3A_582 : i32 to vector<16xi32>
      %select_n3A_584 = arith.select %ne3A_575, %add3A_581, %broadcast_in_dim3A_583 : vector<16xi1>, vector<16xi32>
      %shift_left3A_585 = arith.constant 8 : i32
      %shift_left3A_586 = vector.broadcast %shift_left3A_585 : i32 to vector<16xi32>
      %shift_left3A_587 = arith.shli %select_n3A_584, %shift_left3A_586 : vector<16xi32>
      %or3A_588 = arith.ori %or3A_568, %shift_left3A_587 : vector<16xi32>
      %shift_right_arithmetic3A_589 = arith.constant 5 : i32
      %shift_right_arithmetic3A_590 = vector.broadcast %shift_right_arithmetic3A_589 : i32 to vector<16xi32>
      %shift_right_arithmetic3A_591 = arith.shrsi %gather3A_572, %shift_right_arithmetic3A_590 : vector<16xi32>
      %gather3A_592 = tpu.vector_load_idx %arg4[%shift_right_arithmetic3A_591] : memref<102400xi32, #tpu.memory_space<vmem>>[vector<16xi32>], vector<16xi32>,
      %ne3A_593 = arith.constant 0 : i32
      %ne3A_594 = vector.broadcast %ne3A_593 : i32 to vector<16xi32>
      %ne3A_595 = arith.cmpi ne, %shift_right_arithmetic3A_591, %ne3A_594 : vector<16xi32>
      %and3A_596 = arith.constant 31 : i32
      %and3A_597 = vector.broadcast %and3A_596 : i32 to vector<16xi32>
      %and3A_598 = arith.andi %gather3A_592, %and3A_597 : vector<16xi32>
      %add3A_599 = arith.constant 1 : i32
      %add3A_600 = vector.broadcast %add3A_599 : i32 to vector<16xi32>
      %add3A_601 = arith.addi %and3A_598, %add3A_600 : vector<16xi32>
      %jit3A_602 = arith.constant 0 : i32
      %broadcast_in_dim3A_603 = vector.broadcast %jit3A_602 : i32 to vector<16xi32>
      %select_n3A_604 = arith.select %ne3A_595, %add3A_601, %broadcast_in_dim3A_603 : vector<16xi1>, vector<16xi32>
      %shift_left3A_605 = arith.constant 16 : i32
      %shift_left3A_606 = vector.broadcast %shift_left3A_605 : i32 to vector<16xi32>
      %shift_left3A_607 = arith.shli %select_n3A_604, %shift_left3A_606 : vector<16xi32>
      %or3A_608 = arith.ori %or3A_588, %shift_left3A_607 : vector<16xi32>
      %shift_right_arithmetic3A_609 = arith.constant 5 : i32
      %shift_right_arithmetic3A_610 = vector.broadcast %shift_right_arithmetic3A_609 : i32 to vector<16xi32>
      %shift_right_arithmetic3A_611 = arith.shrsi %gather3A_592, %shift_right_arithmetic3A_610 : vector<16xi32>
      %gather3A_612 = tpu.vector_load_idx %arg4[%shift_right_arithmetic3A_611] : memref<102400xi32, #tpu.memory_space<vmem>>[vector<16xi32>], vector<16xi32>,
      %ne3A_613 = arith.constant 0 : i32
      %ne3A_614 = vector.broadcast %ne3A_613 : i32 to vector<16xi32>
      %ne3A_615 = arith.cmpi ne, %shift_right_arithmetic3A_611, %ne3A_614 : vector<16xi32>
      %and3A_616 = arith.constant 31 : i32
      %and3A_617 = vector.broadcast %and3A_616 : i32 to vector<16xi32>
      %and3A_618 = arith.andi %gather3A_612, %and3A_617 : vector<16xi32>
      %add3A_619 = arith.constant 1 : i32
      %add3A_620 = vector.broadcast %add3A_619 : i32 to vector<16xi32>
      %add3A_621 = arith.addi %and3A_618, %add3A_620 : vector<16xi32>
      %jit3A_622 = arith.constant 0 : i32
      %broadcast_in_dim3A_623 = vector.broadcast %jit3A_622 : i32 to vector<16xi32>
      %select_n3A_624 = arith.select %ne3A_615, %add3A_621, %broadcast_in_dim3A_623 : vector<16xi1>, vector<16xi32>
      %shift_left3A_625 = arith.constant 24 : i32
      %shift_left3A_626 = vector.broadcast %shift_left3A_625 : i32 to vector<16xi32>
      %shift_left3A_627 = arith.shli %select_n3A_624, %shift_left3A_626 : vector<16xi32>
      %or3A_628 = arith.ori %or3A_608, %shift_left3A_627 : vector<16xi32>
      %shift_right_arithmetic3A_629 = arith.constant 5 : i32
      %shift_right_arithmetic3A_630 = vector.broadcast %shift_right_arithmetic3A_629 : i32 to vector<16xi32>
      %shift_right_arithmetic3A_631 = arith.shrsi %gather3A_612, %shift_right_arithmetic3A_630 : vector<16xi32>
      %gather3A_632 = tpu.vector_load_idx %arg4[%shift_right_arithmetic3A_631] : memref<102400xi32, #tpu.memory_space<vmem>>[vector<16xi32>], vector<16xi32>,
      %ne3A_633 = arith.constant 0 : i32
      %ne3A_634 = vector.broadcast %ne3A_633 : i32 to vector<16xi32>
      %ne3A_635 = arith.cmpi ne, %shift_right_arithmetic3A_631, %ne3A_634 : vector<16xi32>
      %and3A_636 = arith.constant 31 : i32
      %and3A_637 = vector.broadcast %and3A_636 : i32 to vector<16xi32>
      %and3A_638 = arith.andi %gather3A_632, %and3A_637 : vector<16xi32>
      %add3A_639 = arith.constant 1 : i32
      %add3A_640 = vector.broadcast %add3A_639 : i32 to vector<16xi32>
      %add3A_641 = arith.addi %and3A_638, %add3A_640 : vector<16xi32>
      %jit3A_642 = arith.constant 0 : i32
      %broadcast_in_dim3A_643 = vector.broadcast %jit3A_642 : i32 to vector<16xi32>
      %select_n3A_644 = arith.select %ne3A_635, %add3A_641, %broadcast_in_dim3A_643 : vector<16xi1>, vector<16xi32>
      %shift_left3A_645 = arith.constant 0 : i32
      %shift_left3A_646 = vector.broadcast %shift_left3A_645 : i32 to vector<16xi32>
      %shift_left3A_647 = arith.shli %select_n3A_644, %shift_left3A_646 : vector<16xi32>
      %or3A_648 = arith.ori %broadcast_in_dim3A_391, %shift_left3A_647 : vector<16xi32>
      %shift_right_arithmetic3A_649 = arith.constant 5 : i32
      %shift_right_arithmetic3A_650 = vector.broadcast %shift_right_arithmetic3A_649 : i32 to vector<16xi32>
      %shift_right_arithmetic3A_651 = arith.shrsi %gather3A_632, %shift_right_arithmetic3A_650 : vector<16xi32>
      %gather3A_652 = tpu.vector_load_idx %arg4[%shift_right_arithmetic3A_651] : memref<102400xi32, #tpu.memory_space<vmem>>[vector<16xi32>], vector<16xi32>,
      %ne3A_653 = arith.constant 0 : i32
      %ne3A_654 = vector.broadcast %ne3A_653 : i32 to vector<16xi32>
      %ne3A_655 = arith.cmpi ne, %shift_right_arithmetic3A_651, %ne3A_654 : vector<16xi32>
      %and3A_656 = arith.constant 31 : i32
      %and3A_657 = vector.broadcast %and3A_656 : i32 to vector<16xi32>
      %and3A_658 = arith.andi %gather3A_652, %and3A_657 : vector<16xi32>
      %add3A_659 = arith.constant 1 : i32
      %add3A_660 = vector.broadcast %add3A_659 : i32 to vector<16xi32>
      %add3A_661 = arith.addi %and3A_658, %add3A_660 : vector<16xi32>
      %jit3A_662 = arith.constant 0 : i32
      %broadcast_in_dim3A_663 = vector.broadcast %jit3A_662 : i32 to vector<16xi32>
      %select_n3A_664 = arith.select %ne3A_655, %add3A_661, %broadcast_in_dim3A_663 : vector<16xi1>, vector<16xi32>
      %shift_left3A_665 = arith.constant 8 : i32
      %shift_left3A_666 = vector.broadcast %shift_left3A_665 : i32 to vector<16xi32>
      %shift_left3A_667 = arith.shli %select_n3A_664, %shift_left3A_666 : vector<16xi32>
      %or3A_668 = arith.ori %or3A_648, %shift_left3A_667 : vector<16xi32>
      %shift_right_arithmetic3A_669 = arith.constant 5 : i32
      %shift_right_arithmetic3A_670 = vector.broadcast %shift_right_arithmetic3A_669 : i32 to vector<16xi32>
      %shift_right_arithmetic3A_671 = arith.shrsi %gather3A_652, %shift_right_arithmetic3A_670 : vector<16xi32>
      %gather3A_672 = tpu.vector_load_idx %arg4[%shift_right_arithmetic3A_671] : memref<102400xi32, #tpu.memory_space<vmem>>[vector<16xi32>], vector<16xi32>,
      %ne3A_673 = arith.constant 0 : i32
      %ne3A_674 = vector.broadcast %ne3A_673 : i32 to vector<16xi32>
      %ne3A_675 = arith.cmpi ne, %shift_right_arithmetic3A_671, %ne3A_674 : vector<16xi32>
      %and3A_676 = arith.constant 31 : i32
      %and3A_677 = vector.broadcast %and3A_676 : i32 to vector<16xi32>
      %and3A_678 = arith.andi %gather3A_672, %and3A_677 : vector<16xi32>
      %add3A_679 = arith.constant 1 : i32
      %add3A_680 = vector.broadcast %add3A_679 : i32 to vector<16xi32>
      %add3A_681 = arith.addi %and3A_678, %add3A_680 : vector<16xi32>
      %jit3A_682 = arith.constant 0 : i32
      %broadcast_in_dim3A_683 = vector.broadcast %jit3A_682 : i32 to vector<16xi32>
      %select_n3A_684 = arith.select %ne3A_675, %add3A_681, %broadcast_in_dim3A_683 : vector<16xi1>, vector<16xi32>
      %shift_left3A_685 = arith.constant 16 : i32
      %shift_left3A_686 = vector.broadcast %shift_left3A_685 : i32 to vector<16xi32>
      %shift_left3A_687 = arith.shli %select_n3A_684, %shift_left3A_686 : vector<16xi32>
      %or3A_688 = arith.ori %or3A_668, %shift_left3A_687 : vector<16xi32>
      %shift_right_arithmetic3A_689 = arith.constant 5 : i32
      %shift_right_arithmetic3A_690 = vector.broadcast %shift_right_arithmetic3A_689 : i32 to vector<16xi32>
      %shift_right_arithmetic3A_691 = arith.shrsi %gather3A_672, %shift_right_arithmetic3A_690 : vector<16xi32>
      %gather3A_692 = tpu.vector_load_idx %arg4[%shift_right_arithmetic3A_691] : memref<102400xi32, #tpu.memory_space<vmem>>[vector<16xi32>], vector<16xi32>,
      %ne3A_693 = arith.constant 0 : i32
      %ne3A_694 = vector.broadcast %ne3A_693 : i32 to vector<16xi32>
      %ne3A_695 = arith.cmpi ne, %shift_right_arithmetic3A_691, %ne3A_694 : vector<16xi32>
      %and3A_696 = arith.constant 31 : i32
      %and3A_697 = vector.broadcast %and3A_696 : i32 to vector<16xi32>
      %and3A_698 = arith.andi %gather3A_692, %and3A_697 : vector<16xi32>
      %add3A_699 = arith.constant 1 : i32
      %add3A_700 = vector.broadcast %add3A_699 : i32 to vector<16xi32>
      %add3A_701 = arith.addi %and3A_698, %add3A_700 : vector<16xi32>
      %jit3A_702 = arith.constant 0 : i32
      %broadcast_in_dim3A_703 = vector.broadcast %jit3A_702 : i32 to vector<16xi32>
      %select_n3A_704 = arith.select %ne3A_695, %add3A_701, %broadcast_in_dim3A_703 : vector<16xi1>, vector<16xi32>
      %shift_left3A_705 = arith.constant 24 : i32
      %shift_left3A_706 = vector.broadcast %shift_left3A_705 : i32 to vector<16xi32>
      %shift_left3A_707 = arith.shli %select_n3A_704, %shift_left3A_706 : vector<16xi32>
      %or3A_708 = arith.ori %or3A_688, %shift_left3A_707 : vector<16xi32>
      %shift_right_arithmetic3A_709 = arith.constant 5 : i32
      %shift_right_arithmetic3A_710 = vector.broadcast %shift_right_arithmetic3A_709 : i32 to vector<16xi32>
      %shift_right_arithmetic3A_711 = arith.shrsi %gather3A_692, %shift_right_arithmetic3A_710 : vector<16xi32>
      %mul3A_712 = arith.constant 64 : i32
      %mul3A_713 = arith.muli %add3A_378, %mul3A_712 : i32
      %mul3A_714 = arith.constant 4 : i32
      %mul3A_715 = vector.broadcast %mul3A_714 : i32 to vector<16xi32>
      %mul3A_716 = arith.muli %iota3A, %mul3A_715 : vector<16xi32>
      %add3A_717 = vector.broadcast %mul3A_713 : i32 to vector<16xi32>
      %add3A_718 = arith.addi %add3A_717, %mul3A_716 : vector<16xi32>
      %add3A_719 = arith.constant 0 : i32
      %add3A_720 = vector.broadcast %add3A_719 : i32 to vector<16xi32>
      %add3A_721 = arith.addi %add3A_718, %add3A_720 : vector<16xi32>
      tpu.vector_store_idx %arg5[%add3A_721], %or3A_468 : memref<11200xi32, #tpu.memory_space<vmem>>[vector<16xi32>], vector<16xi32>,
      %mul3A_722 = arith.constant 4 : i32
      %mul3A_723 = vector.broadcast %mul3A_722 : i32 to vector<16xi32>
      %mul3A_724 = arith.muli %iota3A, %mul3A_723 : vector<16xi32>
      %add3A_725 = vector.broadcast %mul3A_713 : i32 to vector<16xi32>
      %add3A_726 = arith.addi %add3A_725, %mul3A_724 : vector<16xi32>
      %add3A_727 = arith.constant 1 : i32
      %add3A_728 = vector.broadcast %add3A_727 : i32 to vector<16xi32>
      %add3A_729 = arith.addi %add3A_726, %add3A_728 : vector<16xi32>
      tpu.vector_store_idx %arg5[%add3A_729], %or3A_548 : memref<11200xi32, #tpu.memory_space<vmem>>[vector<16xi32>], vector<16xi32>,
      %mul3A_730 = arith.constant 4 : i32
      %mul3A_731 = vector.broadcast %mul3A_730 : i32 to vector<16xi32>
      %mul3A_732 = arith.muli %iota3A, %mul3A_731 : vector<16xi32>
      %add3A_733 = vector.broadcast %mul3A_713 : i32 to vector<16xi32>
      %add3A_734 = arith.addi %add3A_733, %mul3A_732 : vector<16xi32>
      %add3A_735 = arith.constant 2 : i32
      %add3A_736 = vector.broadcast %add3A_735 : i32 to vector<16xi32>
      %add3A_737 = arith.addi %add3A_734, %add3A_736 : vector<16xi32>
      tpu.vector_store_idx %arg5[%add3A_737], %or3A_628 : memref<11200xi32, #tpu.memory_space<vmem>>[vector<16xi32>], vector<16xi32>,
      %mul3A_738 = arith.constant 4 : i32
      %mul3A_739 = vector.broadcast %mul3A_738 : i32 to vector<16xi32>
      %mul3A_740 = arith.muli %iota3A, %mul3A_739 : vector<16xi32>
      %add3A_741 = vector.broadcast %mul3A_713 : i32 to vector<16xi32>
      %add3A_742 = arith.addi %add3A_741, %mul3A_740 : vector<16xi32>
      %add3A_743 = arith.constant 3 : i32
      %add3A_744 = vector.broadcast %add3A_743 : i32 to vector<16xi32>
      %add3A_745 = arith.addi %add3A_742, %add3A_744 : vector<16xi32>
      tpu.vector_store_idx %arg5[%add3A_745], %or3A_708 : memref<11200xi32, #tpu.memory_space<vmem>>[vector<16xi32>], vector<16xi32>,
      %mul3A_746 = arith.constant 5 : i32
      %mul3A_747 = arith.muli %scan3A_12, %mul3A_746 : i32
      %add3A_748 = arith.constant 2 : i32
      %add3A_749 = arith.addi %mul3A_747, %add3A_748 : i32
      %mul3A_750 = arith.constant 16 : i32
      %mul3A_751 = arith.muli %add3A_749, %mul3A_750 : i32
      %add3A_752 = arith.addi %add3A_4, %mul3A_751 : i32
      %add3A_753 = vector.broadcast %add3A_752 : i32 to vector<16xi32>
      %add3A_754 = arith.addi %add3A_753, %iota3A : vector<16xi32>
      %broadcast_in_dim3A_755 = arith.constant 0 : i32
      %broadcast_in_dim3A_756 = vector.broadcast %broadcast_in_dim3A_755 : i32 to vector<16xi32>
      %broadcast_in_dim3A_757 = arith.constant 0 : i32
      %broadcast_in_dim3A_758 = vector.broadcast %broadcast_in_dim3A_757 : i32 to vector<16xi32>
      %broadcast_in_dim3A_759 = arith.constant 0 : i32
      %broadcast_in_dim3A_760 = vector.broadcast %broadcast_in_dim3A_759 : i32 to vector<16xi32>
      %broadcast_in_dim3A_761 = arith.constant 0 : i32
      %broadcast_in_dim3A_762 = vector.broadcast %broadcast_in_dim3A_761 : i32 to vector<16xi32>
      %gather3A_763 = tpu.vector_load_idx %arg4[%add3A_754] : memref<102400xi32, #tpu.memory_space<vmem>>[vector<16xi32>], vector<16xi32>,
      %ne3A_764 = arith.constant 0 : i32
      %ne3A_765 = vector.broadcast %ne3A_764 : i32 to vector<16xi32>
      %ne3A_766 = arith.cmpi ne, %add3A_754, %ne3A_765 : vector<16xi32>
      %and3A_767 = arith.constant 31 : i32
      %and3A_768 = vector.broadcast %and3A_767 : i32 to vector<16xi32>
      %and3A_769 = arith.andi %gather3A_763, %and3A_768 : vector<16xi32>
      %add3A_770 = arith.constant 1 : i32
      %add3A_771 = vector.broadcast %add3A_770 : i32 to vector<16xi32>
      %add3A_772 = arith.addi %and3A_769, %add3A_771 : vector<16xi32>
      %jit3A_773 = arith.constant 0 : i32
      %broadcast_in_dim3A_774 = vector.broadcast %jit3A_773 : i32 to vector<16xi32>
      %select_n3A_775 = arith.select %ne3A_766, %add3A_772, %broadcast_in_dim3A_774 : vector<16xi1>, vector<16xi32>
      %shift_left3A_776 = arith.constant 0 : i32
      %shift_left3A_777 = vector.broadcast %shift_left3A_776 : i32 to vector<16xi32>
      %shift_left3A_778 = arith.shli %select_n3A_775, %shift_left3A_777 : vector<16xi32>
      %or3A_779 = arith.ori %broadcast_in_dim3A_756, %shift_left3A_778 : vector<16xi32>
      %shift_right_arithmetic3A_780 = arith.constant 5 : i32
      %shift_right_arithmetic3A_781 = vector.broadcast %shift_right_arithmetic3A_780 : i32 to vector<16xi32>
      %shift_right_arithmetic3A_782 = arith.shrsi %gather3A_763, %shift_right_arithmetic3A_781 : vector<16xi32>
      %gather3A_783 = tpu.vector_load_idx %arg4[%shift_right_arithmetic3A_782] : memref<102400xi32, #tpu.memory_space<vmem>>[vector<16xi32>], vector<16xi32>,
      %ne3A_784 = arith.constant 0 : i32
      %ne3A_785 = vector.broadcast %ne3A_784 : i32 to vector<16xi32>
      %ne3A_786 = arith.cmpi ne, %shift_right_arithmetic3A_782, %ne3A_785 : vector<16xi32>
      %and3A_787 = arith.constant 31 : i32
      %and3A_788 = vector.broadcast %and3A_787 : i32 to vector<16xi32>
      %and3A_789 = arith.andi %gather3A_783, %and3A_788 : vector<16xi32>
      %add3A_790 = arith.constant 1 : i32
      %add3A_791 = vector.broadcast %add3A_790 : i32 to vector<16xi32>
      %add3A_792 = arith.addi %and3A_789, %add3A_791 : vector<16xi32>
      %jit3A_793 = arith.constant 0 : i32
      %broadcast_in_dim3A_794 = vector.broadcast %jit3A_793 : i32 to vector<16xi32>
      %select_n3A_795 = arith.select %ne3A_786, %add3A_792, %broadcast_in_dim3A_794 : vector<16xi1>, vector<16xi32>
      %shift_left3A_796 = arith.constant 8 : i32
      %shift_left3A_797 = vector.broadcast %shift_left3A_796 : i32 to vector<16xi32>
      %shift_left3A_798 = arith.shli %select_n3A_795, %shift_left3A_797 : vector<16xi32>
      %or3A_799 = arith.ori %or3A_779, %shift_left3A_798 : vector<16xi32>
      %shift_right_arithmetic3A_800 = arith.constant 5 : i32
      %shift_right_arithmetic3A_801 = vector.broadcast %shift_right_arithmetic3A_800 : i32 to vector<16xi32>
      %shift_right_arithmetic3A_802 = arith.shrsi %gather3A_783, %shift_right_arithmetic3A_801 : vector<16xi32>
      %gather3A_803 = tpu.vector_load_idx %arg4[%shift_right_arithmetic3A_802] : memref<102400xi32, #tpu.memory_space<vmem>>[vector<16xi32>], vector<16xi32>,
      %ne3A_804 = arith.constant 0 : i32
      %ne3A_805 = vector.broadcast %ne3A_804 : i32 to vector<16xi32>
      %ne3A_806 = arith.cmpi ne, %shift_right_arithmetic3A_802, %ne3A_805 : vector<16xi32>
      %and3A_807 = arith.constant 31 : i32
      %and3A_808 = vector.broadcast %and3A_807 : i32 to vector<16xi32>
      %and3A_809 = arith.andi %gather3A_803, %and3A_808 : vector<16xi32>
      %add3A_810 = arith.constant 1 : i32
      %add3A_811 = vector.broadcast %add3A_810 : i32 to vector<16xi32>
      %add3A_812 = arith.addi %and3A_809, %add3A_811 : vector<16xi32>
      %jit3A_813 = arith.constant 0 : i32
      %broadcast_in_dim3A_814 = vector.broadcast %jit3A_813 : i32 to vector<16xi32>
      %select_n3A_815 = arith.select %ne3A_806, %add3A_812, %broadcast_in_dim3A_814 : vector<16xi1>, vector<16xi32>
      %shift_left3A_816 = arith.constant 16 : i32
      %shift_left3A_817 = vector.broadcast %shift_left3A_816 : i32 to vector<16xi32>
      %shift_left3A_818 = arith.shli %select_n3A_815, %shift_left3A_817 : vector<16xi32>
      %or3A_819 = arith.ori %or3A_799, %shift_left3A_818 : vector<16xi32>
      %shift_right_arithmetic3A_820 = arith.constant 5 : i32
      %shift_right_arithmetic3A_821 = vector.broadcast %shift_right_arithmetic3A_820 : i32 to vector<16xi32>
      %shift_right_arithmetic3A_822 = arith.shrsi %gather3A_803, %shift_right_arithmetic3A_821 : vector<16xi32>
      %gather3A_823 = tpu.vector_load_idx %arg4[%shift_right_arithmetic3A_822] : memref<102400xi32, #tpu.memory_space<vmem>>[vector<16xi32>], vector<16xi32>,
      %ne3A_824 = arith.constant 0 : i32
      %ne3A_825 = vector.broadcast %ne3A_824 : i32 to vector<16xi32>
      %ne3A_826 = arith.cmpi ne, %shift_right_arithmetic3A_822, %ne3A_825 : vector<16xi32>
      %and3A_827 = arith.constant 31 : i32
      %and3A_828 = vector.broadcast %and3A_827 : i32 to vector<16xi32>
      %and3A_829 = arith.andi %gather3A_823, %and3A_828 : vector<16xi32>
      %add3A_830 = arith.constant 1 : i32
      %add3A_831 = vector.broadcast %add3A_830 : i32 to vector<16xi32>
      %add3A_832 = arith.addi %and3A_829, %add3A_831 : vector<16xi32>
      %jit3A_833 = arith.constant 0 : i32
      %broadcast_in_dim3A_834 = vector.broadcast %jit3A_833 : i32 to vector<16xi32>
      %select_n3A_835 = arith.select %ne3A_826, %add3A_832, %broadcast_in_dim3A_834 : vector<16xi1>, vector<16xi32>
      %shift_left3A_836 = arith.constant 24 : i32
      %shift_left3A_837 = vector.broadcast %shift_left3A_836 : i32 to vector<16xi32>
      %shift_left3A_838 = arith.shli %select_n3A_835, %shift_left3A_837 : vector<16xi32>
      %or3A_839 = arith.ori %or3A_819, %shift_left3A_838 : vector<16xi32>
      %shift_right_arithmetic3A_840 = arith.constant 5 : i32
      %shift_right_arithmetic3A_841 = vector.broadcast %shift_right_arithmetic3A_840 : i32 to vector<16xi32>
      %shift_right_arithmetic3A_842 = arith.shrsi %gather3A_823, %shift_right_arithmetic3A_841 : vector<16xi32>
      %gather3A_843 = tpu.vector_load_idx %arg4[%shift_right_arithmetic3A_842] : memref<102400xi32, #tpu.memory_space<vmem>>[vector<16xi32>], vector<16xi32>,
      %ne3A_844 = arith.constant 0 : i32
      %ne3A_845 = vector.broadcast %ne3A_844 : i32 to vector<16xi32>
      %ne3A_846 = arith.cmpi ne, %shift_right_arithmetic3A_842, %ne3A_845 : vector<16xi32>
      %and3A_847 = arith.constant 31 : i32
      %and3A_848 = vector.broadcast %and3A_847 : i32 to vector<16xi32>
      %and3A_849 = arith.andi %gather3A_843, %and3A_848 : vector<16xi32>
      %add3A_850 = arith.constant 1 : i32
      %add3A_851 = vector.broadcast %add3A_850 : i32 to vector<16xi32>
      %add3A_852 = arith.addi %and3A_849, %add3A_851 : vector<16xi32>
      %jit3A_853 = arith.constant 0 : i32
      %broadcast_in_dim3A_854 = vector.broadcast %jit3A_853 : i32 to vector<16xi32>
      %select_n3A_855 = arith.select %ne3A_846, %add3A_852, %broadcast_in_dim3A_854 : vector<16xi1>, vector<16xi32>
      %shift_left3A_856 = arith.constant 0 : i32
      %shift_left3A_857 = vector.broadcast %shift_left3A_856 : i32 to vector<16xi32>
      %shift_left3A_858 = arith.shli %select_n3A_855, %shift_left3A_857 : vector<16xi32>
      %or3A_859 = arith.ori %broadcast_in_dim3A_758, %shift_left3A_858 : vector<16xi32>
      %shift_right_arithmetic3A_860 = arith.constant 5 : i32
      %shift_right_arithmetic3A_861 = vector.broadcast %shift_right_arithmetic3A_860 : i32 to vector<16xi32>
      %shift_right_arithmetic3A_862 = arith.shrsi %gather3A_843, %shift_right_arithmetic3A_861 : vector<16xi32>
      %gather3A_863 = tpu.vector_load_idx %arg4[%shift_right_arithmetic3A_862] : memref<102400xi32, #tpu.memory_space<vmem>>[vector<16xi32>], vector<16xi32>,
      %ne3A_864 = arith.constant 0 : i32
      %ne3A_865 = vector.broadcast %ne3A_864 : i32 to vector<16xi32>
      %ne3A_866 = arith.cmpi ne, %shift_right_arithmetic3A_862, %ne3A_865 : vector<16xi32>
      %and3A_867 = arith.constant 31 : i32
      %and3A_868 = vector.broadcast %and3A_867 : i32 to vector<16xi32>
      %and3A_869 = arith.andi %gather3A_863, %and3A_868 : vector<16xi32>
      %add3A_870 = arith.constant 1 : i32
      %add3A_871 = vector.broadcast %add3A_870 : i32 to vector<16xi32>
      %add3A_872 = arith.addi %and3A_869, %add3A_871 : vector<16xi32>
      %jit3A_873 = arith.constant 0 : i32
      %broadcast_in_dim3A_874 = vector.broadcast %jit3A_873 : i32 to vector<16xi32>
      %select_n3A_875 = arith.select %ne3A_866, %add3A_872, %broadcast_in_dim3A_874 : vector<16xi1>, vector<16xi32>
      %shift_left3A_876 = arith.constant 8 : i32
      %shift_left3A_877 = vector.broadcast %shift_left3A_876 : i32 to vector<16xi32>
      %shift_left3A_878 = arith.shli %select_n3A_875, %shift_left3A_877 : vector<16xi32>
      %or3A_879 = arith.ori %or3A_859, %shift_left3A_878 : vector<16xi32>
      %shift_right_arithmetic3A_880 = arith.constant 5 : i32
      %shift_right_arithmetic3A_881 = vector.broadcast %shift_right_arithmetic3A_880 : i32 to vector<16xi32>
      %shift_right_arithmetic3A_882 = arith.shrsi %gather3A_863, %shift_right_arithmetic3A_881 : vector<16xi32>
      %gather3A_883 = tpu.vector_load_idx %arg4[%shift_right_arithmetic3A_882] : memref<102400xi32, #tpu.memory_space<vmem>>[vector<16xi32>], vector<16xi32>,
      %ne3A_884 = arith.constant 0 : i32
      %ne3A_885 = vector.broadcast %ne3A_884 : i32 to vector<16xi32>
      %ne3A_886 = arith.cmpi ne, %shift_right_arithmetic3A_882, %ne3A_885 : vector<16xi32>
      %and3A_887 = arith.constant 31 : i32
      %and3A_888 = vector.broadcast %and3A_887 : i32 to vector<16xi32>
      %and3A_889 = arith.andi %gather3A_883, %and3A_888 : vector<16xi32>
      %add3A_890 = arith.constant 1 : i32
      %add3A_891 = vector.broadcast %add3A_890 : i32 to vector<16xi32>
      %add3A_892 = arith.addi %and3A_889, %add3A_891 : vector<16xi32>
      %jit3A_893 = arith.constant 0 : i32
      %broadcast_in_dim3A_894 = vector.broadcast %jit3A_893 : i32 to vector<16xi32>
      %select_n3A_895 = arith.select %ne3A_886, %add3A_892, %broadcast_in_dim3A_894 : vector<16xi1>, vector<16xi32>
      %shift_left3A_896 = arith.constant 16 : i32
      %shift_left3A_897 = vector.broadcast %shift_left3A_896 : i32 to vector<16xi32>
      %shift_left3A_898 = arith.shli %select_n3A_895, %shift_left3A_897 : vector<16xi32>
      %or3A_899 = arith.ori %or3A_879, %shift_left3A_898 : vector<16xi32>
      %shift_right_arithmetic3A_900 = arith.constant 5 : i32
      %shift_right_arithmetic3A_901 = vector.broadcast %shift_right_arithmetic3A_900 : i32 to vector<16xi32>
      %shift_right_arithmetic3A_902 = arith.shrsi %gather3A_883, %shift_right_arithmetic3A_901 : vector<16xi32>
      %gather3A_903 = tpu.vector_load_idx %arg4[%shift_right_arithmetic3A_902] : memref<102400xi32, #tpu.memory_space<vmem>>[vector<16xi32>], vector<16xi32>,
      %ne3A_904 = arith.constant 0 : i32
      %ne3A_905 = vector.broadcast %ne3A_904 : i32 to vector<16xi32>
      %ne3A_906 = arith.cmpi ne, %shift_right_arithmetic3A_902, %ne3A_905 : vector<16xi32>
      %and3A_907 = arith.constant 31 : i32
      %and3A_908 = vector.broadcast %and3A_907 : i32 to vector<16xi32>
      %and3A_909 = arith.andi %gather3A_903, %and3A_908 : vector<16xi32>
      %add3A_910 = arith.constant 1 : i32
      %add3A_911 = vector.broadcast %add3A_910 : i32 to vector<16xi32>
      %add3A_912 = arith.addi %and3A_909, %add3A_911 : vector<16xi32>
      %jit3A_913 = arith.constant 0 : i32
      %broadcast_in_dim3A_914 = vector.broadcast %jit3A_913 : i32 to vector<16xi32>
      %select_n3A_915 = arith.select %ne3A_906, %add3A_912, %broadcast_in_dim3A_914 : vector<16xi1>, vector<16xi32>
      %shift_left3A_916 = arith.constant 24 : i32
      %shift_left3A_917 = vector.broadcast %shift_left3A_916 : i32 to vector<16xi32>
      %shift_left3A_918 = arith.shli %select_n3A_915, %shift_left3A_917 : vector<16xi32>
      %or3A_919 = arith.ori %or3A_899, %shift_left3A_918 : vector<16xi32>
      %shift_right_arithmetic3A_920 = arith.constant 5 : i32
      %shift_right_arithmetic3A_921 = vector.broadcast %shift_right_arithmetic3A_920 : i32 to vector<16xi32>
      %shift_right_arithmetic3A_922 = arith.shrsi %gather3A_903, %shift_right_arithmetic3A_921 : vector<16xi32>
      %gather3A_923 = tpu.vector_load_idx %arg4[%shift_right_arithmetic3A_922] : memref<102400xi32, #tpu.memory_space<vmem>>[vector<16xi32>], vector<16xi32>,
      %ne3A_924 = arith.constant 0 : i32
      %ne3A_925 = vector.broadcast %ne3A_924 : i32 to vector<16xi32>
      %ne3A_926 = arith.cmpi ne, %shift_right_arithmetic3A_922, %ne3A_925 : vector<16xi32>
      %and3A_927 = arith.constant 31 : i32
      %and3A_928 = vector.broadcast %and3A_927 : i32 to vector<16xi32>
      %and3A_929 = arith.andi %gather3A_923, %and3A_928 : vector<16xi32>
      %add3A_930 = arith.constant 1 : i32
      %add3A_931 = vector.broadcast %add3A_930 : i32 to vector<16xi32>
      %add3A_932 = arith.addi %and3A_929, %add3A_931 : vector<16xi32>
      %jit3A_933 = arith.constant 0 : i32
      %broadcast_in_dim3A_934 = vector.broadcast %jit3A_933 : i32 to vector<16xi32>
      %select_n3A_935 = arith.select %ne3A_926, %add3A_932, %broadcast_in_dim3A_934 : vector<16xi1>, vector<16xi32>
      %shift_left3A_936 = arith.constant 0 : i32
      %shift_left3A_937 = vector.broadcast %shift_left3A_936 : i32 to vector<16xi32>
      %shift_left3A_938 = arith.shli %select_n3A_935, %shift_left3A_937 : vector<16xi32>
      %or3A_939 = arith.ori %broadcast_in_dim3A_760, %shift_left3A_938 : vector<16xi32>
      %shift_right_arithmetic3A_940 = arith.constant 5 : i32
      %shift_right_arithmetic3A_941 = vector.broadcast %shift_right_arithmetic3A_940 : i32 to vector<16xi32>
      %shift_right_arithmetic3A_942 = arith.shrsi %gather3A_923, %shift_right_arithmetic3A_941 : vector<16xi32>
      %gather3A_943 = tpu.vector_load_idx %arg4[%shift_right_arithmetic3A_942] : memref<102400xi32, #tpu.memory_space<vmem>>[vector<16xi32>], vector<16xi32>,
      %ne3A_944 = arith.constant 0 : i32
      %ne3A_945 = vector.broadcast %ne3A_944 : i32 to vector<16xi32>
      %ne3A_946 = arith.cmpi ne, %shift_right_arithmetic3A_942, %ne3A_945 : vector<16xi32>
      %and3A_947 = arith.constant 31 : i32
      %and3A_948 = vector.broadcast %and3A_947 : i32 to vector<16xi32>
      %and3A_949 = arith.andi %gather3A_943, %and3A_948 : vector<16xi32>
      %add3A_950 = arith.constant 1 : i32
      %add3A_951 = vector.broadcast %add3A_950 : i32 to vector<16xi32>
      %add3A_952 = arith.addi %and3A_949, %add3A_951 : vector<16xi32>
      %jit3A_953 = arith.constant 0 : i32
      %broadcast_in_dim3A_954 = vector.broadcast %jit3A_953 : i32 to vector<16xi32>
      %select_n3A_955 = arith.select %ne3A_946, %add3A_952, %broadcast_in_dim3A_954 : vector<16xi1>, vector<16xi32>
      %shift_left3A_956 = arith.constant 8 : i32
      %shift_left3A_957 = vector.broadcast %shift_left3A_956 : i32 to vector<16xi32>
      %shift_left3A_958 = arith.shli %select_n3A_955, %shift_left3A_957 : vector<16xi32>
      %or3A_959 = arith.ori %or3A_939, %shift_left3A_958 : vector<16xi32>
      %shift_right_arithmetic3A_960 = arith.constant 5 : i32
      %shift_right_arithmetic3A_961 = vector.broadcast %shift_right_arithmetic3A_960 : i32 to vector<16xi32>
      %shift_right_arithmetic3A_962 = arith.shrsi %gather3A_943, %shift_right_arithmetic3A_961 : vector<16xi32>
      %gather3A_963 = tpu.vector_load_idx %arg4[%shift_right_arithmetic3A_962] : memref<102400xi32, #tpu.memory_space<vmem>>[vector<16xi32>], vector<16xi32>,
      %ne3A_964 = arith.constant 0 : i32
      %ne3A_965 = vector.broadcast %ne3A_964 : i32 to vector<16xi32>
      %ne3A_966 = arith.cmpi ne, %shift_right_arithmetic3A_962, %ne3A_965 : vector<16xi32>
      %and3A_967 = arith.constant 31 : i32
      %and3A_968 = vector.broadcast %and3A_967 : i32 to vector<16xi32>
      %and3A_969 = arith.andi %gather3A_963, %and3A_968 : vector<16xi32>
      %add3A_970 = arith.constant 1 : i32
      %add3A_971 = vector.broadcast %add3A_970 : i32 to vector<16xi32>
      %add3A_972 = arith.addi %and3A_969, %add3A_971 : vector<16xi32>
      %jit3A_973 = arith.constant 0 : i32
      %broadcast_in_dim3A_974 = vector.broadcast %jit3A_973 : i32 to vector<16xi32>
      %select_n3A_975 = arith.select %ne3A_966, %add3A_972, %broadcast_in_dim3A_974 : vector<16xi1>, vector<16xi32>
      %shift_left3A_976 = arith.constant 16 : i32
      %shift_left3A_977 = vector.broadcast %shift_left3A_976 : i32 to vector<16xi32>
      %shift_left3A_978 = arith.shli %select_n3A_975, %shift_left3A_977 : vector<16xi32>
      %or3A_979 = arith.ori %or3A_959, %shift_left3A_978 : vector<16xi32>
      %shift_right_arithmetic3A_980 = arith.constant 5 : i32
      %shift_right_arithmetic3A_981 = vector.broadcast %shift_right_arithmetic3A_980 : i32 to vector<16xi32>
      %shift_right_arithmetic3A_982 = arith.shrsi %gather3A_963, %shift_right_arithmetic3A_981 : vector<16xi32>
      %gather3A_983 = tpu.vector_load_idx %arg4[%shift_right_arithmetic3A_982] : memref<102400xi32, #tpu.memory_space<vmem>>[vector<16xi32>], vector<16xi32>,
      %ne3A_984 = arith.constant 0 : i32
      %ne3A_985 = vector.broadcast %ne3A_984 : i32 to vector<16xi32>
      %ne3A_986 = arith.cmpi ne, %shift_right_arithmetic3A_982, %ne3A_985 : vector<16xi32>
      %and3A_987 = arith.constant 31 : i32
      %and3A_988 = vector.broadcast %and3A_987 : i32 to vector<16xi32>
      %and3A_989 = arith.andi %gather3A_983, %and3A_988 : vector<16xi32>
      %add3A_990 = arith.constant 1 : i32
      %add3A_991 = vector.broadcast %add3A_990 : i32 to vector<16xi32>
      %add3A_992 = arith.addi %and3A_989, %add3A_991 : vector<16xi32>
      %jit3A_993 = arith.constant 0 : i32
      %broadcast_in_dim3A_994 = vector.broadcast %jit3A_993 : i32 to vector<16xi32>
      %select_n3A_995 = arith.select %ne3A_986, %add3A_992, %broadcast_in_dim3A_994 : vector<16xi1>, vector<16xi32>
      %shift_left3A_996 = arith.constant 24 : i32
      %shift_left3A_997 = vector.broadcast %shift_left3A_996 : i32 to vector<16xi32>
      %shift_left3A_998 = arith.shli %select_n3A_995, %shift_left3A_997 : vector<16xi32>
      %or3A_999 = arith.ori %or3A_979, %shift_left3A_998 : vector<16xi32>
      %shift_right_arithmetic3A_1000 = arith.constant 5 : i32
      %shift_right_arithmetic3A_1001 = vector.broadcast %shift_right_arithmetic3A_1000 : i32 to vector<16xi32>
      %shift_right_arithmetic3A_1002 = arith.shrsi %gather3A_983, %shift_right_arithmetic3A_1001 : vector<16xi32>
      %gather3A_1003 = tpu.vector_load_idx %arg4[%shift_right_arithmetic3A_1002] : memref<102400xi32, #tpu.memory_space<vmem>>[vector<16xi32>], vector<16xi32>,
      %ne3A_1004 = arith.constant 0 : i32
      %ne3A_1005 = vector.broadcast %ne3A_1004 : i32 to vector<16xi32>
      %ne3A_1006 = arith.cmpi ne, %shift_right_arithmetic3A_1002, %ne3A_1005 : vector<16xi32>
      %and3A_1007 = arith.constant 31 : i32
      %and3A_1008 = vector.broadcast %and3A_1007 : i32 to vector<16xi32>
      %and3A_1009 = arith.andi %gather3A_1003, %and3A_1008 : vector<16xi32>
      %add3A_1010 = arith.constant 1 : i32
      %add3A_1011 = vector.broadcast %add3A_1010 : i32 to vector<16xi32>
      %add3A_1012 = arith.addi %and3A_1009, %add3A_1011 : vector<16xi32>
      %jit3A_1013 = arith.constant 0 : i32
      %broadcast_in_dim3A_1014 = vector.broadcast %jit3A_1013 : i32 to vector<16xi32>
      %select_n3A_1015 = arith.select %ne3A_1006, %add3A_1012, %broadcast_in_dim3A_1014 : vector<16xi1>, vector<16xi32>
      %shift_left3A_1016 = arith.constant 0 : i32
      %shift_left3A_1017 = vector.broadcast %shift_left3A_1016 : i32 to vector<16xi32>
      %shift_left3A_1018 = arith.shli %select_n3A_1015, %shift_left3A_1017 : vector<16xi32>
      %or3A_1019 = arith.ori %broadcast_in_dim3A_762, %shift_left3A_1018 : vector<16xi32>
      %shift_right_arithmetic3A_1020 = arith.constant 5 : i32
      %shift_right_arithmetic3A_1021 = vector.broadcast %shift_right_arithmetic3A_1020 : i32 to vector<16xi32>
      %shift_right_arithmetic3A_1022 = arith.shrsi %gather3A_1003, %shift_right_arithmetic3A_1021 : vector<16xi32>
      %gather3A_1023 = tpu.vector_load_idx %arg4[%shift_right_arithmetic3A_1022] : memref<102400xi32, #tpu.memory_space<vmem>>[vector<16xi32>], vector<16xi32>,
      %ne3A_1024 = arith.constant 0 : i32
      %ne3A_1025 = vector.broadcast %ne3A_1024 : i32 to vector<16xi32>
      %ne3A_1026 = arith.cmpi ne, %shift_right_arithmetic3A_1022, %ne3A_1025 : vector<16xi32>
      %and3A_1027 = arith.constant 31 : i32
      %and3A_1028 = vector.broadcast %and3A_1027 : i32 to vector<16xi32>
      %and3A_1029 = arith.andi %gather3A_1023, %and3A_1028 : vector<16xi32>
      %add3A_1030 = arith.constant 1 : i32
      %add3A_1031 = vector.broadcast %add3A_1030 : i32 to vector<16xi32>
      %add3A_1032 = arith.addi %and3A_1029, %add3A_1031 : vector<16xi32>
      %jit3A_1033 = arith.constant 0 : i32
      %broadcast_in_dim3A_1034 = vector.broadcast %jit3A_1033 : i32 to vector<16xi32>
      %select_n3A_1035 = arith.select %ne3A_1026, %add3A_1032, %broadcast_in_dim3A_1034 : vector<16xi1>, vector<16xi32>
      %shift_left3A_1036 = arith.constant 8 : i32
      %shift_left3A_1037 = vector.broadcast %shift_left3A_1036 : i32 to vector<16xi32>
      %shift_left3A_1038 = arith.shli %select_n3A_1035, %shift_left3A_1037 : vector<16xi32>
      %or3A_1039 = arith.ori %or3A_1019, %shift_left3A_1038 : vector<16xi32>
      %shift_right_arithmetic3A_1040 = arith.constant 5 : i32
      %shift_right_arithmetic3A_1041 = vector.broadcast %shift_right_arithmetic3A_1040 : i32 to vector<16xi32>
      %shift_right_arithmetic3A_1042 = arith.shrsi %gather3A_1023, %shift_right_arithmetic3A_1041 : vector<16xi32>
      %gather3A_1043 = tpu.vector_load_idx %arg4[%shift_right_arithmetic3A_1042] : memref<102400xi32, #tpu.memory_space<vmem>>[vector<16xi32>], vector<16xi32>,
      %ne3A_1044 = arith.constant 0 : i32
      %ne3A_1045 = vector.broadcast %ne3A_1044 : i32 to vector<16xi32>
      %ne3A_1046 = arith.cmpi ne, %shift_right_arithmetic3A_1042, %ne3A_1045 : vector<16xi32>
      %and3A_1047 = arith.constant 31 : i32
      %and3A_1048 = vector.broadcast %and3A_1047 : i32 to vector<16xi32>
      %and3A_1049 = arith.andi %gather3A_1043, %and3A_1048 : vector<16xi32>
      %add3A_1050 = arith.constant 1 : i32
      %add3A_1051 = vector.broadcast %add3A_1050 : i32 to vector<16xi32>
      %add3A_1052 = arith.addi %and3A_1049, %add3A_1051 : vector<16xi32>
      %jit3A_1053 = arith.constant 0 : i32
      %broadcast_in_dim3A_1054 = vector.broadcast %jit3A_1053 : i32 to vector<16xi32>
      %select_n3A_1055 = arith.select %ne3A_1046, %add3A_1052, %broadcast_in_dim3A_1054 : vector<16xi1>, vector<16xi32>
      %shift_left3A_1056 = arith.constant 16 : i32
      %shift_left3A_1057 = vector.broadcast %shift_left3A_1056 : i32 to vector<16xi32>
      %shift_left3A_1058 = arith.shli %select_n3A_1055, %shift_left3A_1057 : vector<16xi32>
      %or3A_1059 = arith.ori %or3A_1039, %shift_left3A_1058 : vector<16xi32>
      %shift_right_arithmetic3A_1060 = arith.constant 5 : i32
      %shift_right_arithmetic3A_1061 = vector.broadcast %shift_right_arithmetic3A_1060 : i32 to vector<16xi32>
      %shift_right_arithmetic3A_1062 = arith.shrsi %gather3A_1043, %shift_right_arithmetic3A_1061 : vector<16xi32>
      %gather3A_1063 = tpu.vector_load_idx %arg4[%shift_right_arithmetic3A_1062] : memref<102400xi32, #tpu.memory_space<vmem>>[vector<16xi32>], vector<16xi32>,
      %ne3A_1064 = arith.constant 0 : i32
      %ne3A_1065 = vector.broadcast %ne3A_1064 : i32 to vector<16xi32>
      %ne3A_1066 = arith.cmpi ne, %shift_right_arithmetic3A_1062, %ne3A_1065 : vector<16xi32>
      %and3A_1067 = arith.constant 31 : i32
      %and3A_1068 = vector.broadcast %and3A_1067 : i32 to vector<16xi32>
      %and3A_1069 = arith.andi %gather3A_1063, %and3A_1068 : vector<16xi32>
      %add3A_1070 = arith.constant 1 : i32
      %add3A_1071 = vector.broadcast %add3A_1070 : i32 to vector<16xi32>
      %add3A_1072 = arith.addi %and3A_1069, %add3A_1071 : vector<16xi32>
      %jit3A_1073 = arith.constant 0 : i32
      %broadcast_in_dim3A_1074 = vector.broadcast %jit3A_1073 : i32 to vector<16xi32>
      %select_n3A_1075 = arith.select %ne3A_1066, %add3A_1072, %broadcast_in_dim3A_1074 : vector<16xi1>, vector<16xi32>
      %shift_left3A_1076 = arith.constant 24 : i32
      %shift_left3A_1077 = vector.broadcast %shift_left3A_1076 : i32 to vector<16xi32>
      %shift_left3A_1078 = arith.shli %select_n3A_1075, %shift_left3A_1077 : vector<16xi32>
      %or3A_1079 = arith.ori %or3A_1059, %shift_left3A_1078 : vector<16xi32>
      %shift_right_arithmetic3A_1080 = arith.constant 5 : i32
      %shift_right_arithmetic3A_1081 = vector.broadcast %shift_right_arithmetic3A_1080 : i32 to vector<16xi32>
      %shift_right_arithmetic3A_1082 = arith.shrsi %gather3A_1063, %shift_right_arithmetic3A_1081 : vector<16xi32>
      %mul3A_1083 = arith.constant 64 : i32
      %mul3A_1084 = arith.muli %add3A_749, %mul3A_1083 : i32
      %mul3A_1085 = arith.constant 4 : i32
      %mul3A_1086 = vector.broadcast %mul3A_1085 : i32 to vector<16xi32>
      %mul3A_1087 = arith.muli %iota3A, %mul3A_1086 : vector<16xi32>
      %add3A_1088 = vector.broadcast %mul3A_1084 : i32 to vector<16xi32>
      %add3A_1089 = arith.addi %add3A_1088, %mul3A_1087 : vector<16xi32>
      %add3A_1090 = arith.constant 0 : i32
      %add3A_1091 = vector.broadcast %add3A_1090 : i32 to vector<16xi32>
      %add3A_1092 = arith.addi %add3A_1089, %add3A_1091 : vector<16xi32>
      tpu.vector_store_idx %arg5[%add3A_1092], %or3A_839 : memref<11200xi32, #tpu.memory_space<vmem>>[vector<16xi32>], vector<16xi32>,
      %mul3A_1093 = arith.constant 4 : i32
      %mul3A_1094 = vector.broadcast %mul3A_1093 : i32 to vector<16xi32>
      %mul3A_1095 = arith.muli %iota3A, %mul3A_1094 : vector<16xi32>
      %add3A_1096 = vector.broadcast %mul3A_1084 : i32 to vector<16xi32>
      %add3A_1097 = arith.addi %add3A_1096, %mul3A_1095 : vector<16xi32>
      %add3A_1098 = arith.constant 1 : i32
      %add3A_1099 = vector.broadcast %add3A_1098 : i32 to vector<16xi32>
      %add3A_1100 = arith.addi %add3A_1097, %add3A_1099 : vector<16xi32>
      tpu.vector_store_idx %arg5[%add3A_1100], %or3A_919 : memref<11200xi32, #tpu.memory_space<vmem>>[vector<16xi32>], vector<16xi32>,
      %mul3A_1101 = arith.constant 4 : i32
      %mul3A_1102 = vector.broadcast %mul3A_1101 : i32 to vector<16xi32>
      %mul3A_1103 = arith.muli %iota3A, %mul3A_1102 : vector<16xi32>
      %add3A_1104 = vector.broadcast %mul3A_1084 : i32 to vector<16xi32>
      %add3A_1105 = arith.addi %add3A_1104, %mul3A_1103 : vector<16xi32>
      %add3A_1106 = arith.constant 2 : i32
      %add3A_1107 = vector.broadcast %add3A_1106 : i32 to vector<16xi32>
      %add3A_1108 = arith.addi %add3A_1105, %add3A_1107 : vector<16xi32>
      tpu.vector_store_idx %arg5[%add3A_1108], %or3A_999 : memref<11200xi32, #tpu.memory_space<vmem>>[vector<16xi32>], vector<16xi32>,
      %mul3A_1109 = arith.constant 4 : i32
      %mul3A_1110 = vector.broadcast %mul3A_1109 : i32 to vector<16xi32>
      %mul3A_1111 = arith.muli %iota3A, %mul3A_1110 : vector<16xi32>
      %add3A_1112 = vector.broadcast %mul3A_1084 : i32 to vector<16xi32>
      %add3A_1113 = arith.addi %add3A_1112, %mul3A_1111 : vector<16xi32>
      %add3A_1114 = arith.constant 3 : i32
      %add3A_1115 = vector.broadcast %add3A_1114 : i32 to vector<16xi32>
      %add3A_1116 = arith.addi %add3A_1113, %add3A_1115 : vector<16xi32>
      tpu.vector_store_idx %arg5[%add3A_1116], %or3A_1079 : memref<11200xi32, #tpu.memory_space<vmem>>[vector<16xi32>], vector<16xi32>,
      %mul3A_1117 = arith.constant 5 : i32
      %mul3A_1118 = arith.muli %scan3A_12, %mul3A_1117 : i32
      %add3A_1119 = arith.constant 3 : i32
      %add3A_1120 = arith.addi %mul3A_1118, %add3A_1119 : i32
      %mul3A_1121 = arith.constant 16 : i32
      %mul3A_1122 = arith.muli %add3A_1120, %mul3A_1121 : i32
      %add3A_1123 = arith.addi %add3A_4, %mul3A_1122 : i32
      %add3A_1124 = vector.broadcast %add3A_1123 : i32 to vector<16xi32>
      %add3A_1125 = arith.addi %add3A_1124, %iota3A : vector<16xi32>
      %broadcast_in_dim3A_1126 = arith.constant 0 : i32
      %broadcast_in_dim3A_1127 = vector.broadcast %broadcast_in_dim3A_1126 : i32 to vector<16xi32>
      %broadcast_in_dim3A_1128 = arith.constant 0 : i32
      %broadcast_in_dim3A_1129 = vector.broadcast %broadcast_in_dim3A_1128 : i32 to vector<16xi32>
      %broadcast_in_dim3A_1130 = arith.constant 0 : i32
      %broadcast_in_dim3A_1131 = vector.broadcast %broadcast_in_dim3A_1130 : i32 to vector<16xi32>
      %broadcast_in_dim3A_1132 = arith.constant 0 : i32
      %broadcast_in_dim3A_1133 = vector.broadcast %broadcast_in_dim3A_1132 : i32 to vector<16xi32>
      %gather3A_1134 = tpu.vector_load_idx %arg4[%add3A_1125] : memref<102400xi32, #tpu.memory_space<vmem>>[vector<16xi32>], vector<16xi32>,
      %ne3A_1135 = arith.constant 0 : i32
      %ne3A_1136 = vector.broadcast %ne3A_1135 : i32 to vector<16xi32>
      %ne3A_1137 = arith.cmpi ne, %add3A_1125, %ne3A_1136 : vector<16xi32>
      %and3A_1138 = arith.constant 31 : i32
      %and3A_1139 = vector.broadcast %and3A_1138 : i32 to vector<16xi32>
      %and3A_1140 = arith.andi %gather3A_1134, %and3A_1139 : vector<16xi32>
      %add3A_1141 = arith.constant 1 : i32
      %add3A_1142 = vector.broadcast %add3A_1141 : i32 to vector<16xi32>
      %add3A_1143 = arith.addi %and3A_1140, %add3A_1142 : vector<16xi32>
      %jit3A_1144 = arith.constant 0 : i32
      %broadcast_in_dim3A_1145 = vector.broadcast %jit3A_1144 : i32 to vector<16xi32>
      %select_n3A_1146 = arith.select %ne3A_1137, %add3A_1143, %broadcast_in_dim3A_1145 : vector<16xi1>, vector<16xi32>
      %shift_left3A_1147 = arith.constant 0 : i32
      %shift_left3A_1148 = vector.broadcast %shift_left3A_1147 : i32 to vector<16xi32>
      %shift_left3A_1149 = arith.shli %select_n3A_1146, %shift_left3A_1148 : vector<16xi32>
      %or3A_1150 = arith.ori %broadcast_in_dim3A_1127, %shift_left3A_1149 : vector<16xi32>
      %shift_right_arithmetic3A_1151 = arith.constant 5 : i32
      %shift_right_arithmetic3A_1152 = vector.broadcast %shift_right_arithmetic3A_1151 : i32 to vector<16xi32>
      %shift_right_arithmetic3A_1153 = arith.shrsi %gather3A_1134, %shift_right_arithmetic3A_1152 : vector<16xi32>
      %gather3A_1154 = tpu.vector_load_idx %arg4[%shift_right_arithmetic3A_1153] : memref<102400xi32, #tpu.memory_space<vmem>>[vector<16xi32>], vector<16xi32>,
      %ne3A_1155 = arith.constant 0 : i32
      %ne3A_1156 = vector.broadcast %ne3A_1155 : i32 to vector<16xi32>
      %ne3A_1157 = arith.cmpi ne, %shift_right_arithmetic3A_1153, %ne3A_1156 : vector<16xi32>
      %and3A_1158 = arith.constant 31 : i32
      %and3A_1159 = vector.broadcast %and3A_1158 : i32 to vector<16xi32>
      %and3A_1160 = arith.andi %gather3A_1154, %and3A_1159 : vector<16xi32>
      %add3A_1161 = arith.constant 1 : i32
      %add3A_1162 = vector.broadcast %add3A_1161 : i32 to vector<16xi32>
      %add3A_1163 = arith.addi %and3A_1160, %add3A_1162 : vector<16xi32>
      %jit3A_1164 = arith.constant 0 : i32
      %broadcast_in_dim3A_1165 = vector.broadcast %jit3A_1164 : i32 to vector<16xi32>
      %select_n3A_1166 = arith.select %ne3A_1157, %add3A_1163, %broadcast_in_dim3A_1165 : vector<16xi1>, vector<16xi32>
      %shift_left3A_1167 = arith.constant 8 : i32
      %shift_left3A_1168 = vector.broadcast %shift_left3A_1167 : i32 to vector<16xi32>
      %shift_left3A_1169 = arith.shli %select_n3A_1166, %shift_left3A_1168 : vector<16xi32>
      %or3A_1170 = arith.ori %or3A_1150, %shift_left3A_1169 : vector<16xi32>
      %shift_right_arithmetic3A_1171 = arith.constant 5 : i32
      %shift_right_arithmetic3A_1172 = vector.broadcast %shift_right_arithmetic3A_1171 : i32 to vector<16xi32>
      %shift_right_arithmetic3A_1173 = arith.shrsi %gather3A_1154, %shift_right_arithmetic3A_1172 : vector<16xi32>
      %gather3A_1174 = tpu.vector_load_idx %arg4[%shift_right_arithmetic3A_1173] : memref<102400xi32, #tpu.memory_space<vmem>>[vector<16xi32>], vector<16xi32>,
      %ne3A_1175 = arith.constant 0 : i32
      %ne3A_1176 = vector.broadcast %ne3A_1175 : i32 to vector<16xi32>
      %ne3A_1177 = arith.cmpi ne, %shift_right_arithmetic3A_1173, %ne3A_1176 : vector<16xi32>
      %and3A_1178 = arith.constant 31 : i32
      %and3A_1179 = vector.broadcast %and3A_1178 : i32 to vector<16xi32>
      %and3A_1180 = arith.andi %gather3A_1174, %and3A_1179 : vector<16xi32>
      %add3A_1181 = arith.constant 1 : i32
      %add3A_1182 = vector.broadcast %add3A_1181 : i32 to vector<16xi32>
      %add3A_1183 = arith.addi %and3A_1180, %add3A_1182 : vector<16xi32>
      %jit3A_1184 = arith.constant 0 : i32
      %broadcast_in_dim3A_1185 = vector.broadcast %jit3A_1184 : i32 to vector<16xi32>
      %select_n3A_1186 = arith.select %ne3A_1177, %add3A_1183, %broadcast_in_dim3A_1185 : vector<16xi1>, vector<16xi32>
      %shift_left3A_1187 = arith.constant 16 : i32
      %shift_left3A_1188 = vector.broadcast %shift_left3A_1187 : i32 to vector<16xi32>
      %shift_left3A_1189 = arith.shli %select_n3A_1186, %shift_left3A_1188 : vector<16xi32>
      %or3A_1190 = arith.ori %or3A_1170, %shift_left3A_1189 : vector<16xi32>
      %shift_right_arithmetic3A_1191 = arith.constant 5 : i32
      %shift_right_arithmetic3A_1192 = vector.broadcast %shift_right_arithmetic3A_1191 : i32 to vector<16xi32>
      %shift_right_arithmetic3A_1193 = arith.shrsi %gather3A_1174, %shift_right_arithmetic3A_1192 : vector<16xi32>
      %gather3A_1194 = tpu.vector_load_idx %arg4[%shift_right_arithmetic3A_1193] : memref<102400xi32, #tpu.memory_space<vmem>>[vector<16xi32>], vector<16xi32>,
      %ne3A_1195 = arith.constant 0 : i32
      %ne3A_1196 = vector.broadcast %ne3A_1195 : i32 to vector<16xi32>
      %ne3A_1197 = arith.cmpi ne, %shift_right_arithmetic3A_1193, %ne3A_1196 : vector<16xi32>
      %and3A_1198 = arith.constant 31 : i32
      %and3A_1199 = vector.broadcast %and3A_1198 : i32 to vector<16xi32>
      %and3A_1200 = arith.andi %gather3A_1194, %and3A_1199 : vector<16xi32>
      %add3A_1201 = arith.constant 1 : i32
      %add3A_1202 = vector.broadcast %add3A_1201 : i32 to vector<16xi32>
      %add3A_1203 = arith.addi %and3A_1200, %add3A_1202 : vector<16xi32>
      %jit3A_1204 = arith.constant 0 : i32
      %broadcast_in_dim3A_1205 = vector.broadcast %jit3A_1204 : i32 to vector<16xi32>
      %select_n3A_1206 = arith.select %ne3A_1197, %add3A_1203, %broadcast_in_dim3A_1205 : vector<16xi1>, vector<16xi32>
      %shift_left3A_1207 = arith.constant 24 : i32
      %shift_left3A_1208 = vector.broadcast %shift_left3A_1207 : i32 to vector<16xi32>
      %shift_left3A_1209 = arith.shli %select_n3A_1206, %shift_left3A_1208 : vector<16xi32>
      %or3A_1210 = arith.ori %or3A_1190, %shift_left3A_1209 : vector<16xi32>
      %shift_right_arithmetic3A_1211 = arith.constant 5 : i32
      %shift_right_arithmetic3A_1212 = vector.broadcast %shift_right_arithmetic3A_1211 : i32 to vector<16xi32>
      %shift_right_arithmetic3A_1213 = arith.shrsi %gather3A_1194, %shift_right_arithmetic3A_1212 : vector<16xi32>
      %gather3A_1214 = tpu.vector_load_idx %arg4[%shift_right_arithmetic3A_1213] : memref<102400xi32, #tpu.memory_space<vmem>>[vector<16xi32>], vector<16xi32>,
      %ne3A_1215 = arith.constant 0 : i32
      %ne3A_1216 = vector.broadcast %ne3A_1215 : i32 to vector<16xi32>
      %ne3A_1217 = arith.cmpi ne, %shift_right_arithmetic3A_1213, %ne3A_1216 : vector<16xi32>
      %and3A_1218 = arith.constant 31 : i32
      %and3A_1219 = vector.broadcast %and3A_1218 : i32 to vector<16xi32>
      %and3A_1220 = arith.andi %gather3A_1214, %and3A_1219 : vector<16xi32>
      %add3A_1221 = arith.constant 1 : i32
      %add3A_1222 = vector.broadcast %add3A_1221 : i32 to vector<16xi32>
      %add3A_1223 = arith.addi %and3A_1220, %add3A_1222 : vector<16xi32>
      %jit3A_1224 = arith.constant 0 : i32
      %broadcast_in_dim3A_1225 = vector.broadcast %jit3A_1224 : i32 to vector<16xi32>
      %select_n3A_1226 = arith.select %ne3A_1217, %add3A_1223, %broadcast_in_dim3A_1225 : vector<16xi1>, vector<16xi32>
      %shift_left3A_1227 = arith.constant 0 : i32
      %shift_left3A_1228 = vector.broadcast %shift_left3A_1227 : i32 to vector<16xi32>
      %shift_left3A_1229 = arith.shli %select_n3A_1226, %shift_left3A_1228 : vector<16xi32>
      %or3A_1230 = arith.ori %broadcast_in_dim3A_1129, %shift_left3A_1229 : vector<16xi32>
      %shift_right_arithmetic3A_1231 = arith.constant 5 : i32
      %shift_right_arithmetic3A_1232 = vector.broadcast %shift_right_arithmetic3A_1231 : i32 to vector<16xi32>
      %shift_right_arithmetic3A_1233 = arith.shrsi %gather3A_1214, %shift_right_arithmetic3A_1232 : vector<16xi32>
      %gather3A_1234 = tpu.vector_load_idx %arg4[%shift_right_arithmetic3A_1233] : memref<102400xi32, #tpu.memory_space<vmem>>[vector<16xi32>], vector<16xi32>,
      %ne3A_1235 = arith.constant 0 : i32
      %ne3A_1236 = vector.broadcast %ne3A_1235 : i32 to vector<16xi32>
      %ne3A_1237 = arith.cmpi ne, %shift_right_arithmetic3A_1233, %ne3A_1236 : vector<16xi32>
      %and3A_1238 = arith.constant 31 : i32
      %and3A_1239 = vector.broadcast %and3A_1238 : i32 to vector<16xi32>
      %and3A_1240 = arith.andi %gather3A_1234, %and3A_1239 : vector<16xi32>
      %add3A_1241 = arith.constant 1 : i32
      %add3A_1242 = vector.broadcast %add3A_1241 : i32 to vector<16xi32>
      %add3A_1243 = arith.addi %and3A_1240, %add3A_1242 : vector<16xi32>
      %jit3A_1244 = arith.constant 0 : i32
      %broadcast_in_dim3A_1245 = vector.broadcast %jit3A_1244 : i32 to vector<16xi32>
      %select_n3A_1246 = arith.select %ne3A_1237, %add3A_1243, %broadcast_in_dim3A_1245 : vector<16xi1>, vector<16xi32>
      %shift_left3A_1247 = arith.constant 8 : i32
      %shift_left3A_1248 = vector.broadcast %shift_left3A_1247 : i32 to vector<16xi32>
      %shift_left3A_1249 = arith.shli %select_n3A_1246, %shift_left3A_1248 : vector<16xi32>
      %or3A_1250 = arith.ori %or3A_1230, %shift_left3A_1249 : vector<16xi32>
      %shift_right_arithmetic3A_1251 = arith.constant 5 : i32
      %shift_right_arithmetic3A_1252 = vector.broadcast %shift_right_arithmetic3A_1251 : i32 to vector<16xi32>
      %shift_right_arithmetic3A_1253 = arith.shrsi %gather3A_1234, %shift_right_arithmetic3A_1252 : vector<16xi32>
      %gather3A_1254 = tpu.vector_load_idx %arg4[%shift_right_arithmetic3A_1253] : memref<102400xi32, #tpu.memory_space<vmem>>[vector<16xi32>], vector<16xi32>,
      %ne3A_1255 = arith.constant 0 : i32
      %ne3A_1256 = vector.broadcast %ne3A_1255 : i32 to vector<16xi32>
      %ne3A_1257 = arith.cmpi ne, %shift_right_arithmetic3A_1253, %ne3A_1256 : vector<16xi32>
      %and3A_1258 = arith.constant 31 : i32
      %and3A_1259 = vector.broadcast %and3A_1258 : i32 to vector<16xi32>
      %and3A_1260 = arith.andi %gather3A_1254, %and3A_1259 : vector<16xi32>
      %add3A_1261 = arith.constant 1 : i32
      %add3A_1262 = vector.broadcast %add3A_1261 : i32 to vector<16xi32>
      %add3A_1263 = arith.addi %and3A_1260, %add3A_1262 : vector<16xi32>
      %jit3A_1264 = arith.constant 0 : i32
      %broadcast_in_dim3A_1265 = vector.broadcast %jit3A_1264 : i32 to vector<16xi32>
      %select_n3A_1266 = arith.select %ne3A_1257, %add3A_1263, %broadcast_in_dim3A_1265 : vector<16xi1>, vector<16xi32>
      %shift_left3A_1267 = arith.constant 16 : i32
      %shift_left3A_1268 = vector.broadcast %shift_left3A_1267 : i32 to vector<16xi32>
      %shift_left3A_1269 = arith.shli %select_n3A_1266, %shift_left3A_1268 : vector<16xi32>
      %or3A_1270 = arith.ori %or3A_1250, %shift_left3A_1269 : vector<16xi32>
      %shift_right_arithmetic3A_1271 = arith.constant 5 : i32
      %shift_right_arithmetic3A_1272 = vector.broadcast %shift_right_arithmetic3A_1271 : i32 to vector<16xi32>
      %shift_right_arithmetic3A_1273 = arith.shrsi %gather3A_1254, %shift_right_arithmetic3A_1272 : vector<16xi32>
      %gather3A_1274 = tpu.vector_load_idx %arg4[%shift_right_arithmetic3A_1273] : memref<102400xi32, #tpu.memory_space<vmem>>[vector<16xi32>], vector<16xi32>,
      %ne3A_1275 = arith.constant 0 : i32
      %ne3A_1276 = vector.broadcast %ne3A_1275 : i32 to vector<16xi32>
      %ne3A_1277 = arith.cmpi ne, %shift_right_arithmetic3A_1273, %ne3A_1276 : vector<16xi32>
      %and3A_1278 = arith.constant 31 : i32
      %and3A_1279 = vector.broadcast %and3A_1278 : i32 to vector<16xi32>
      %and3A_1280 = arith.andi %gather3A_1274, %and3A_1279 : vector<16xi32>
      %add3A_1281 = arith.constant 1 : i32
      %add3A_1282 = vector.broadcast %add3A_1281 : i32 to vector<16xi32>
      %add3A_1283 = arith.addi %and3A_1280, %add3A_1282 : vector<16xi32>
      %jit3A_1284 = arith.constant 0 : i32
      %broadcast_in_dim3A_1285 = vector.broadcast %jit3A_1284 : i32 to vector<16xi32>
      %select_n3A_1286 = arith.select %ne3A_1277, %add3A_1283, %broadcast_in_dim3A_1285 : vector<16xi1>, vector<16xi32>
      %shift_left3A_1287 = arith.constant 24 : i32
      %shift_left3A_1288 = vector.broadcast %shift_left3A_1287 : i32 to vector<16xi32>
      %shift_left3A_1289 = arith.shli %select_n3A_1286, %shift_left3A_1288 : vector<16xi32>
      %or3A_1290 = arith.ori %or3A_1270, %shift_left3A_1289 : vector<16xi32>
      %shift_right_arithmetic3A_1291 = arith.constant 5 : i32
      %shift_right_arithmetic3A_1292 = vector.broadcast %shift_right_arithmetic3A_1291 : i32 to vector<16xi32>
      %shift_right_arithmetic3A_1293 = arith.shrsi %gather3A_1274, %shift_right_arithmetic3A_1292 : vector<16xi32>
      %gather3A_1294 = tpu.vector_load_idx %arg4[%shift_right_arithmetic3A_1293] : memref<102400xi32, #tpu.memory_space<vmem>>[vector<16xi32>], vector<16xi32>,
      %ne3A_1295 = arith.constant 0 : i32
      %ne3A_1296 = vector.broadcast %ne3A_1295 : i32 to vector<16xi32>
      %ne3A_1297 = arith.cmpi ne, %shift_right_arithmetic3A_1293, %ne3A_1296 : vector<16xi32>
      %and3A_1298 = arith.constant 31 : i32
      %and3A_1299 = vector.broadcast %and3A_1298 : i32 to vector<16xi32>
      %and3A_1300 = arith.andi %gather3A_1294, %and3A_1299 : vector<16xi32>
      %add3A_1301 = arith.constant 1 : i32
      %add3A_1302 = vector.broadcast %add3A_1301 : i32 to vector<16xi32>
      %add3A_1303 = arith.addi %and3A_1300, %add3A_1302 : vector<16xi32>
      %jit3A_1304 = arith.constant 0 : i32
      %broadcast_in_dim3A_1305 = vector.broadcast %jit3A_1304 : i32 to vector<16xi32>
      %select_n3A_1306 = arith.select %ne3A_1297, %add3A_1303, %broadcast_in_dim3A_1305 : vector<16xi1>, vector<16xi32>
      %shift_left3A_1307 = arith.constant 0 : i32
      %shift_left3A_1308 = vector.broadcast %shift_left3A_1307 : i32 to vector<16xi32>
      %shift_left3A_1309 = arith.shli %select_n3A_1306, %shift_left3A_1308 : vector<16xi32>
      %or3A_1310 = arith.ori %broadcast_in_dim3A_1131, %shift_left3A_1309 : vector<16xi32>
      %shift_right_arithmetic3A_1311 = arith.constant 5 : i32
      %shift_right_arithmetic3A_1312 = vector.broadcast %shift_right_arithmetic3A_1311 : i32 to vector<16xi32>
      %shift_right_arithmetic3A_1313 = arith.shrsi %gather3A_1294, %shift_right_arithmetic3A_1312 : vector<16xi32>
      %gather3A_1314 = tpu.vector_load_idx %arg4[%shift_right_arithmetic3A_1313] : memref<102400xi32, #tpu.memory_space<vmem>>[vector<16xi32>], vector<16xi32>,
      %ne3A_1315 = arith.constant 0 : i32
      %ne3A_1316 = vector.broadcast %ne3A_1315 : i32 to vector<16xi32>
      %ne3A_1317 = arith.cmpi ne, %shift_right_arithmetic3A_1313, %ne3A_1316 : vector<16xi32>
      %and3A_1318 = arith.constant 31 : i32
      %and3A_1319 = vector.broadcast %and3A_1318 : i32 to vector<16xi32>
      %and3A_1320 = arith.andi %gather3A_1314, %and3A_1319 : vector<16xi32>
      %add3A_1321 = arith.constant 1 : i32
      %add3A_1322 = vector.broadcast %add3A_1321 : i32 to vector<16xi32>
      %add3A_1323 = arith.addi %and3A_1320, %add3A_1322 : vector<16xi32>
      %jit3A_1324 = arith.constant 0 : i32
      %broadcast_in_dim3A_1325 = vector.broadcast %jit3A_1324 : i32 to vector<16xi32>
      %select_n3A_1326 = arith.select %ne3A_1317, %add3A_1323, %broadcast_in_dim3A_1325 : vector<16xi1>, vector<16xi32>
      %shift_left3A_1327 = arith.constant 8 : i32
      %shift_left3A_1328 = vector.broadcast %shift_left3A_1327 : i32 to vector<16xi32>
      %shift_left3A_1329 = arith.shli %select_n3A_1326, %shift_left3A_1328 : vector<16xi32>
      %or3A_1330 = arith.ori %or3A_1310, %shift_left3A_1329 : vector<16xi32>
      %shift_right_arithmetic3A_1331 = arith.constant 5 : i32
      %shift_right_arithmetic3A_1332 = vector.broadcast %shift_right_arithmetic3A_1331 : i32 to vector<16xi32>
      %shift_right_arithmetic3A_1333 = arith.shrsi %gather3A_1314, %shift_right_arithmetic3A_1332 : vector<16xi32>
      %gather3A_1334 = tpu.vector_load_idx %arg4[%shift_right_arithmetic3A_1333] : memref<102400xi32, #tpu.memory_space<vmem>>[vector<16xi32>], vector<16xi32>,
      %ne3A_1335 = arith.constant 0 : i32
      %ne3A_1336 = vector.broadcast %ne3A_1335 : i32 to vector<16xi32>
      %ne3A_1337 = arith.cmpi ne, %shift_right_arithmetic3A_1333, %ne3A_1336 : vector<16xi32>
      %and3A_1338 = arith.constant 31 : i32
      %and3A_1339 = vector.broadcast %and3A_1338 : i32 to vector<16xi32>
      %and3A_1340 = arith.andi %gather3A_1334, %and3A_1339 : vector<16xi32>
      %add3A_1341 = arith.constant 1 : i32
      %add3A_1342 = vector.broadcast %add3A_1341 : i32 to vector<16xi32>
      %add3A_1343 = arith.addi %and3A_1340, %add3A_1342 : vector<16xi32>
      %jit3A_1344 = arith.constant 0 : i32
      %broadcast_in_dim3A_1345 = vector.broadcast %jit3A_1344 : i32 to vector<16xi32>
      %select_n3A_1346 = arith.select %ne3A_1337, %add3A_1343, %broadcast_in_dim3A_1345 : vector<16xi1>, vector<16xi32>
      %shift_left3A_1347 = arith.constant 16 : i32
      %shift_left3A_1348 = vector.broadcast %shift_left3A_1347 : i32 to vector<16xi32>
      %shift_left3A_1349 = arith.shli %select_n3A_1346, %shift_left3A_1348 : vector<16xi32>
      %or3A_1350 = arith.ori %or3A_1330, %shift_left3A_1349 : vector<16xi32>
      %shift_right_arithmetic3A_1351 = arith.constant 5 : i32
      %shift_right_arithmetic3A_1352 = vector.broadcast %shift_right_arithmetic3A_1351 : i32 to vector<16xi32>
      %shift_right_arithmetic3A_1353 = arith.shrsi %gather3A_1334, %shift_right_arithmetic3A_1352 : vector<16xi32>
      %gather3A_1354 = tpu.vector_load_idx %arg4[%shift_right_arithmetic3A_1353] : memref<102400xi32, #tpu.memory_space<vmem>>[vector<16xi32>], vector<16xi32>,
      %ne3A_1355 = arith.constant 0 : i32
      %ne3A_1356 = vector.broadcast %ne3A_1355 : i32 to vector<16xi32>
      %ne3A_1357 = arith.cmpi ne, %shift_right_arithmetic3A_1353, %ne3A_1356 : vector<16xi32>
      %and3A_1358 = arith.constant 31 : i32
      %and3A_1359 = vector.broadcast %and3A_1358 : i32 to vector<16xi32>
      %and3A_1360 = arith.andi %gather3A_1354, %and3A_1359 : vector<16xi32>
      %add3A_1361 = arith.constant 1 : i32
      %add3A_1362 = vector.broadcast %add3A_1361 : i32 to vector<16xi32>
      %add3A_1363 = arith.addi %and3A_1360, %add3A_1362 : vector<16xi32>
      %jit3A_1364 = arith.constant 0 : i32
      %broadcast_in_dim3A_1365 = vector.broadcast %jit3A_1364 : i32 to vector<16xi32>
      %select_n3A_1366 = arith.select %ne3A_1357, %add3A_1363, %broadcast_in_dim3A_1365 : vector<16xi1>, vector<16xi32>
      %shift_left3A_1367 = arith.constant 24 : i32
      %shift_left3A_1368 = vector.broadcast %shift_left3A_1367 : i32 to vector<16xi32>
      %shift_left3A_1369 = arith.shli %select_n3A_1366, %shift_left3A_1368 : vector<16xi32>
      %or3A_1370 = arith.ori %or3A_1350, %shift_left3A_1369 : vector<16xi32>
      %shift_right_arithmetic3A_1371 = arith.constant 5 : i32
      %shift_right_arithmetic3A_1372 = vector.broadcast %shift_right_arithmetic3A_1371 : i32 to vector<16xi32>
      %shift_right_arithmetic3A_1373 = arith.shrsi %gather3A_1354, %shift_right_arithmetic3A_1372 : vector<16xi32>
      %gather3A_1374 = tpu.vector_load_idx %arg4[%shift_right_arithmetic3A_1373] : memref<102400xi32, #tpu.memory_space<vmem>>[vector<16xi32>], vector<16xi32>,
      %ne3A_1375 = arith.constant 0 : i32
      %ne3A_1376 = vector.broadcast %ne3A_1375 : i32 to vector<16xi32>
      %ne3A_1377 = arith.cmpi ne, %shift_right_arithmetic3A_1373, %ne3A_1376 : vector<16xi32>
      %and3A_1378 = arith.constant 31 : i32
      %and3A_1379 = vector.broadcast %and3A_1378 : i32 to vector<16xi32>
      %and3A_1380 = arith.andi %gather3A_1374, %and3A_1379 : vector<16xi32>
      %add3A_1381 = arith.constant 1 : i32
      %add3A_1382 = vector.broadcast %add3A_1381 : i32 to vector<16xi32>
      %add3A_1383 = arith.addi %and3A_1380, %add3A_1382 : vector<16xi32>
      %jit3A_1384 = arith.constant 0 : i32
      %broadcast_in_dim3A_1385 = vector.broadcast %jit3A_1384 : i32 to vector<16xi32>
      %select_n3A_1386 = arith.select %ne3A_1377, %add3A_1383, %broadcast_in_dim3A_1385 : vector<16xi1>, vector<16xi32>
      %shift_left3A_1387 = arith.constant 0 : i32
      %shift_left3A_1388 = vector.broadcast %shift_left3A_1387 : i32 to vector<16xi32>
      %shift_left3A_1389 = arith.shli %select_n3A_1386, %shift_left3A_1388 : vector<16xi32>
      %or3A_1390 = arith.ori %broadcast_in_dim3A_1133, %shift_left3A_1389 : vector<16xi32>
      %shift_right_arithmetic3A_1391 = arith.constant 5 : i32
      %shift_right_arithmetic3A_1392 = vector.broadcast %shift_right_arithmetic3A_1391 : i32 to vector<16xi32>
      %shift_right_arithmetic3A_1393 = arith.shrsi %gather3A_1374, %shift_right_arithmetic3A_1392 : vector<16xi32>
      %gather3A_1394 = tpu.vector_load_idx %arg4[%shift_right_arithmetic3A_1393] : memref<102400xi32, #tpu.memory_space<vmem>>[vector<16xi32>], vector<16xi32>,
      %ne3A_1395 = arith.constant 0 : i32
      %ne3A_1396 = vector.broadcast %ne3A_1395 : i32 to vector<16xi32>
      %ne3A_1397 = arith.cmpi ne, %shift_right_arithmetic3A_1393, %ne3A_1396 : vector<16xi32>
      %and3A_1398 = arith.constant 31 : i32
      %and3A_1399 = vector.broadcast %and3A_1398 : i32 to vector<16xi32>
      %and3A_1400 = arith.andi %gather3A_1394, %and3A_1399 : vector<16xi32>
      %add3A_1401 = arith.constant 1 : i32
      %add3A_1402 = vector.broadcast %add3A_1401 : i32 to vector<16xi32>
      %add3A_1403 = arith.addi %and3A_1400, %add3A_1402 : vector<16xi32>
      %jit3A_1404 = arith.constant 0 : i32
      %broadcast_in_dim3A_1405 = vector.broadcast %jit3A_1404 : i32 to vector<16xi32>
      %select_n3A_1406 = arith.select %ne3A_1397, %add3A_1403, %broadcast_in_dim3A_1405 : vector<16xi1>, vector<16xi32>
      %shift_left3A_1407 = arith.constant 8 : i32
      %shift_left3A_1408 = vector.broadcast %shift_left3A_1407 : i32 to vector<16xi32>
      %shift_left3A_1409 = arith.shli %select_n3A_1406, %shift_left3A_1408 : vector<16xi32>
      %or3A_1410 = arith.ori %or3A_1390, %shift_left3A_1409 : vector<16xi32>
      %shift_right_arithmetic3A_1411 = arith.constant 5 : i32
      %shift_right_arithmetic3A_1412 = vector.broadcast %shift_right_arithmetic3A_1411 : i32 to vector<16xi32>
      %shift_right_arithmetic3A_1413 = arith.shrsi %gather3A_1394, %shift_right_arithmetic3A_1412 : vector<16xi32>
      %gather3A_1414 = tpu.vector_load_idx %arg4[%shift_right_arithmetic3A_1413] : memref<102400xi32, #tpu.memory_space<vmem>>[vector<16xi32>], vector<16xi32>,
      %ne3A_1415 = arith.constant 0 : i32
      %ne3A_1416 = vector.broadcast %ne3A_1415 : i32 to vector<16xi32>
      %ne3A_1417 = arith.cmpi ne, %shift_right_arithmetic3A_1413, %ne3A_1416 : vector<16xi32>
      %and3A_1418 = arith.constant 31 : i32
      %and3A_1419 = vector.broadcast %and3A_1418 : i32 to vector<16xi32>
      %and3A_1420 = arith.andi %gather3A_1414, %and3A_1419 : vector<16xi32>
      %add3A_1421 = arith.constant 1 : i32
      %add3A_1422 = vector.broadcast %add3A_1421 : i32 to vector<16xi32>
      %add3A_1423 = arith.addi %and3A_1420, %add3A_1422 : vector<16xi32>
      %jit3A_1424 = arith.constant 0 : i32
      %broadcast_in_dim3A_1425 = vector.broadcast %jit3A_1424 : i32 to vector<16xi32>
      %select_n3A_1426 = arith.select %ne3A_1417, %add3A_1423, %broadcast_in_dim3A_1425 : vector<16xi1>, vector<16xi32>
      %shift_left3A_1427 = arith.constant 16 : i32
      %shift_left3A_1428 = vector.broadcast %shift_left3A_1427 : i32 to vector<16xi32>
      %shift_left3A_1429 = arith.shli %select_n3A_1426, %shift_left3A_1428 : vector<16xi32>
      %or3A_1430 = arith.ori %or3A_1410, %shift_left3A_1429 : vector<16xi32>
      %shift_right_arithmetic3A_1431 = arith.constant 5 : i32
      %shift_right_arithmetic3A_1432 = vector.broadcast %shift_right_arithmetic3A_1431 : i32 to vector<16xi32>
      %shift_right_arithmetic3A_1433 = arith.shrsi %gather3A_1414, %shift_right_arithmetic3A_1432 : vector<16xi32>
      %gather3A_1434 = tpu.vector_load_idx %arg4[%shift_right_arithmetic3A_1433] : memref<102400xi32, #tpu.memory_space<vmem>>[vector<16xi32>], vector<16xi32>,
      %ne3A_1435 = arith.constant 0 : i32
      %ne3A_1436 = vector.broadcast %ne3A_1435 : i32 to vector<16xi32>
      %ne3A_1437 = arith.cmpi ne, %shift_right_arithmetic3A_1433, %ne3A_1436 : vector<16xi32>
      %and3A_1438 = arith.constant 31 : i32
      %and3A_1439 = vector.broadcast %and3A_1438 : i32 to vector<16xi32>
      %and3A_1440 = arith.andi %gather3A_1434, %and3A_1439 : vector<16xi32>
      %add3A_1441 = arith.constant 1 : i32
      %add3A_1442 = vector.broadcast %add3A_1441 : i32 to vector<16xi32>
      %add3A_1443 = arith.addi %and3A_1440, %add3A_1442 : vector<16xi32>
      %jit3A_1444 = arith.constant 0 : i32
      %broadcast_in_dim3A_1445 = vector.broadcast %jit3A_1444 : i32 to vector<16xi32>
      %select_n3A_1446 = arith.select %ne3A_1437, %add3A_1443, %broadcast_in_dim3A_1445 : vector<16xi1>, vector<16xi32>
      %shift_left3A_1447 = arith.constant 24 : i32
      %shift_left3A_1448 = vector.broadcast %shift_left3A_1447 : i32 to vector<16xi32>
      %shift_left3A_1449 = arith.shli %select_n3A_1446, %shift_left3A_1448 : vector<16xi32>
      %or3A_1450 = arith.ori %or3A_1430, %shift_left3A_1449 : vector<16xi32>
      %shift_right_arithmetic3A_1451 = arith.constant 5 : i32
      %shift_right_arithmetic3A_1452 = vector.broadcast %shift_right_arithmetic3A_1451 : i32 to vector<16xi32>
      %shift_right_arithmetic3A_1453 = arith.shrsi %gather3A_1434, %shift_right_arithmetic3A_1452 : vector<16xi32>
      %mul3A_1454 = arith.constant 64 : i32
      %mul3A_1455 = arith.muli %add3A_1120, %mul3A_1454 : i32
      %mul3A_1456 = arith.constant 4 : i32
      %mul3A_1457 = vector.broadcast %mul3A_1456 : i32 to vector<16xi32>
      %mul3A_1458 = arith.muli %iota3A, %mul3A_1457 : vector<16xi32>
      %add3A_1459 = vector.broadcast %mul3A_1455 : i32 to vector<16xi32>
      %add3A_1460 = arith.addi %add3A_1459, %mul3A_1458 : vector<16xi32>
      %add3A_1461 = arith.constant 0 : i32
      %add3A_1462 = vector.broadcast %add3A_1461 : i32 to vector<16xi32>
      %add3A_1463 = arith.addi %add3A_1460, %add3A_1462 : vector<16xi32>
      tpu.vector_store_idx %arg5[%add3A_1463], %or3A_1210 : memref<11200xi32, #tpu.memory_space<vmem>>[vector<16xi32>], vector<16xi32>,
      %mul3A_1464 = arith.constant 4 : i32
      %mul3A_1465 = vector.broadcast %mul3A_1464 : i32 to vector<16xi32>
      %mul3A_1466 = arith.muli %iota3A, %mul3A_1465 : vector<16xi32>
      %add3A_1467 = vector.broadcast %mul3A_1455 : i32 to vector<16xi32>
      %add3A_1468 = arith.addi %add3A_1467, %mul3A_1466 : vector<16xi32>
      %add3A_1469 = arith.constant 1 : i32
      %add3A_1470 = vector.broadcast %add3A_1469 : i32 to vector<16xi32>
      %add3A_1471 = arith.addi %add3A_1468, %add3A_1470 : vector<16xi32>
      tpu.vector_store_idx %arg5[%add3A_1471], %or3A_1290 : memref<11200xi32, #tpu.memory_space<vmem>>[vector<16xi32>], vector<16xi32>,
      %mul3A_1472 = arith.constant 4 : i32
      %mul3A_1473 = vector.broadcast %mul3A_1472 : i32 to vector<16xi32>
      %mul3A_1474 = arith.muli %iota3A, %mul3A_1473 : vector<16xi32>
      %add3A_1475 = vector.broadcast %mul3A_1455 : i32 to vector<16xi32>
      %add3A_1476 = arith.addi %add3A_1475, %mul3A_1474 : vector<16xi32>
      %add3A_1477 = arith.constant 2 : i32
      %add3A_1478 = vector.broadcast %add3A_1477 : i32 to vector<16xi32>
      %add3A_1479 = arith.addi %add3A_1476, %add3A_1478 : vector<16xi32>
      tpu.vector_store_idx %arg5[%add3A_1479], %or3A_1370 : memref<11200xi32, #tpu.memory_space<vmem>>[vector<16xi32>], vector<16xi32>,
      %mul3A_1480 = arith.constant 4 : i32
      %mul3A_1481 = vector.broadcast %mul3A_1480 : i32 to vector<16xi32>
      %mul3A_1482 = arith.muli %iota3A, %mul3A_1481 : vector<16xi32>
      %add3A_1483 = vector.broadcast %mul3A_1455 : i32 to vector<16xi32>
      %add3A_1484 = arith.addi %add3A_1483, %mul3A_1482 : vector<16xi32>
      %add3A_1485 = arith.constant 3 : i32
      %add3A_1486 = vector.broadcast %add3A_1485 : i32 to vector<16xi32>
      %add3A_1487 = arith.addi %add3A_1484, %add3A_1486 : vector<16xi32>
      tpu.vector_store_idx %arg5[%add3A_1487], %or3A_1450 : memref<11200xi32, #tpu.memory_space<vmem>>[vector<16xi32>], vector<16xi32>,
      %mul3A_1488 = arith.constant 5 : i32
      %mul3A_1489 = arith.muli %scan3A_12, %mul3A_1488 : i32
      %add3A_1490 = arith.constant 4 : i32
      %add3A_1491 = arith.addi %mul3A_1489, %add3A_1490 : i32
      %mul3A_1492 = arith.constant 16 : i32
      %mul3A_1493 = arith.muli %add3A_1491, %mul3A_1492 : i32
      %add3A_1494 = arith.addi %add3A_4, %mul3A_1493 : i32
      %add3A_1495 = vector.broadcast %add3A_1494 : i32 to vector<16xi32>
      %add3A_1496 = arith.addi %add3A_1495, %iota3A : vector<16xi32>
      %broadcast_in_dim3A_1497 = arith.constant 0 : i32
      %broadcast_in_dim3A_1498 = vector.broadcast %broadcast_in_dim3A_1497 : i32 to vector<16xi32>
      %broadcast_in_dim3A_1499 = arith.constant 0 : i32
      %broadcast_in_dim3A_1500 = vector.broadcast %broadcast_in_dim3A_1499 : i32 to vector<16xi32>
      %broadcast_in_dim3A_1501 = arith.constant 0 : i32
      %broadcast_in_dim3A_1502 = vector.broadcast %broadcast_in_dim3A_1501 : i32 to vector<16xi32>
      %broadcast_in_dim3A_1503 = arith.constant 0 : i32
      %broadcast_in_dim3A_1504 = vector.broadcast %broadcast_in_dim3A_1503 : i32 to vector<16xi32>
      %gather3A_1505 = tpu.vector_load_idx %arg4[%add3A_1496] : memref<102400xi32, #tpu.memory_space<vmem>>[vector<16xi32>], vector<16xi32>,
      %ne3A_1506 = arith.constant 0 : i32
      %ne3A_1507 = vector.broadcast %ne3A_1506 : i32 to vector<16xi32>
      %ne3A_1508 = arith.cmpi ne, %add3A_1496, %ne3A_1507 : vector<16xi32>
      %and3A_1509 = arith.constant 31 : i32
      %and3A_1510 = vector.broadcast %and3A_1509 : i32 to vector<16xi32>
      %and3A_1511 = arith.andi %gather3A_1505, %and3A_1510 : vector<16xi32>
      %add3A_1512 = arith.constant 1 : i32
      %add3A_1513 = vector.broadcast %add3A_1512 : i32 to vector<16xi32>
      %add3A_1514 = arith.addi %and3A_1511, %add3A_1513 : vector<16xi32>
      %jit3A_1515 = arith.constant 0 : i32
      %broadcast_in_dim3A_1516 = vector.broadcast %jit3A_1515 : i32 to vector<16xi32>
      %select_n3A_1517 = arith.select %ne3A_1508, %add3A_1514, %broadcast_in_dim3A_1516 : vector<16xi1>, vector<16xi32>
      %shift_left3A_1518 = arith.constant 0 : i32
      %shift_left3A_1519 = vector.broadcast %shift_left3A_1518 : i32 to vector<16xi32>
      %shift_left3A_1520 = arith.shli %select_n3A_1517, %shift_left3A_1519 : vector<16xi32>
      %or3A_1521 = arith.ori %broadcast_in_dim3A_1498, %shift_left3A_1520 : vector<16xi32>
      %shift_right_arithmetic3A_1522 = arith.constant 5 : i32
      %shift_right_arithmetic3A_1523 = vector.broadcast %shift_right_arithmetic3A_1522 : i32 to vector<16xi32>
      %shift_right_arithmetic3A_1524 = arith.shrsi %gather3A_1505, %shift_right_arithmetic3A_1523 : vector<16xi32>
      %gather3A_1525 = tpu.vector_load_idx %arg4[%shift_right_arithmetic3A_1524] : memref<102400xi32, #tpu.memory_space<vmem>>[vector<16xi32>], vector<16xi32>,
      %ne3A_1526 = arith.constant 0 : i32
      %ne3A_1527 = vector.broadcast %ne3A_1526 : i32 to vector<16xi32>
      %ne3A_1528 = arith.cmpi ne, %shift_right_arithmetic3A_1524, %ne3A_1527 : vector<16xi32>
      %and3A_1529 = arith.constant 31 : i32
      %and3A_1530 = vector.broadcast %and3A_1529 : i32 to vector<16xi32>
      %and3A_1531 = arith.andi %gather3A_1525, %and3A_1530 : vector<16xi32>
      %add3A_1532 = arith.constant 1 : i32
      %add3A_1533 = vector.broadcast %add3A_1532 : i32 to vector<16xi32>
      %add3A_1534 = arith.addi %and3A_1531, %add3A_1533 : vector<16xi32>
      %jit3A_1535 = arith.constant 0 : i32
      %broadcast_in_dim3A_1536 = vector.broadcast %jit3A_1535 : i32 to vector<16xi32>
      %select_n3A_1537 = arith.select %ne3A_1528, %add3A_1534, %broadcast_in_dim3A_1536 : vector<16xi1>, vector<16xi32>
      %shift_left3A_1538 = arith.constant 8 : i32
      %shift_left3A_1539 = vector.broadcast %shift_left3A_1538 : i32 to vector<16xi32>
      %shift_left3A_1540 = arith.shli %select_n3A_1537, %shift_left3A_1539 : vector<16xi32>
      %or3A_1541 = arith.ori %or3A_1521, %shift_left3A_1540 : vector<16xi32>
      %shift_right_arithmetic3A_1542 = arith.constant 5 : i32
      %shift_right_arithmetic3A_1543 = vector.broadcast %shift_right_arithmetic3A_1542 : i32 to vector<16xi32>
      %shift_right_arithmetic3A_1544 = arith.shrsi %gather3A_1525, %shift_right_arithmetic3A_1543 : vector<16xi32>
      %gather3A_1545 = tpu.vector_load_idx %arg4[%shift_right_arithmetic3A_1544] : memref<102400xi32, #tpu.memory_space<vmem>>[vector<16xi32>], vector<16xi32>,
      %ne3A_1546 = arith.constant 0 : i32
      %ne3A_1547 = vector.broadcast %ne3A_1546 : i32 to vector<16xi32>
      %ne3A_1548 = arith.cmpi ne, %shift_right_arithmetic3A_1544, %ne3A_1547 : vector<16xi32>
      %and3A_1549 = arith.constant 31 : i32
      %and3A_1550 = vector.broadcast %and3A_1549 : i32 to vector<16xi32>
      %and3A_1551 = arith.andi %gather3A_1545, %and3A_1550 : vector<16xi32>
      %add3A_1552 = arith.constant 1 : i32
      %add3A_1553 = vector.broadcast %add3A_1552 : i32 to vector<16xi32>
      %add3A_1554 = arith.addi %and3A_1551, %add3A_1553 : vector<16xi32>
      %jit3A_1555 = arith.constant 0 : i32
      %broadcast_in_dim3A_1556 = vector.broadcast %jit3A_1555 : i32 to vector<16xi32>
      %select_n3A_1557 = arith.select %ne3A_1548, %add3A_1554, %broadcast_in_dim3A_1556 : vector<16xi1>, vector<16xi32>
      %shift_left3A_1558 = arith.constant 16 : i32
      %shift_left3A_1559 = vector.broadcast %shift_left3A_1558 : i32 to vector<16xi32>
      %shift_left3A_1560 = arith.shli %select_n3A_1557, %shift_left3A_1559 : vector<16xi32>
      %or3A_1561 = arith.ori %or3A_1541, %shift_left3A_1560 : vector<16xi32>
      %shift_right_arithmetic3A_1562 = arith.constant 5 : i32
      %shift_right_arithmetic3A_1563 = vector.broadcast %shift_right_arithmetic3A_1562 : i32 to vector<16xi32>
      %shift_right_arithmetic3A_1564 = arith.shrsi %gather3A_1545, %shift_right_arithmetic3A_1563 : vector<16xi32>
      %gather3A_1565 = tpu.vector_load_idx %arg4[%shift_right_arithmetic3A_1564] : memref<102400xi32, #tpu.memory_space<vmem>>[vector<16xi32>], vector<16xi32>,
      %ne3A_1566 = arith.constant 0 : i32
      %ne3A_1567 = vector.broadcast %ne3A_1566 : i32 to vector<16xi32>
      %ne3A_1568 = arith.cmpi ne, %shift_right_arithmetic3A_1564, %ne3A_1567 : vector<16xi32>
      %and3A_1569 = arith.constant 31 : i32
      %and3A_1570 = vector.broadcast %and3A_1569 : i32 to vector<16xi32>
      %and3A_1571 = arith.andi %gather3A_1565, %and3A_1570 : vector<16xi32>
      %add3A_1572 = arith.constant 1 : i32
      %add3A_1573 = vector.broadcast %add3A_1572 : i32 to vector<16xi32>
      %add3A_1574 = arith.addi %and3A_1571, %add3A_1573 : vector<16xi32>
      %jit3A_1575 = arith.constant 0 : i32
      %broadcast_in_dim3A_1576 = vector.broadcast %jit3A_1575 : i32 to vector<16xi32>
      %select_n3A_1577 = arith.select %ne3A_1568, %add3A_1574, %broadcast_in_dim3A_1576 : vector<16xi1>, vector<16xi32>
      %shift_left3A_1578 = arith.constant 24 : i32
      %shift_left3A_1579 = vector.broadcast %shift_left3A_1578 : i32 to vector<16xi32>
      %shift_left3A_1580 = arith.shli %select_n3A_1577, %shift_left3A_1579 : vector<16xi32>
      %or3A_1581 = arith.ori %or3A_1561, %shift_left3A_1580 : vector<16xi32>
      %shift_right_arithmetic3A_1582 = arith.constant 5 : i32
      %shift_right_arithmetic3A_1583 = vector.broadcast %shift_right_arithmetic3A_1582 : i32 to vector<16xi32>
      %shift_right_arithmetic3A_1584 = arith.shrsi %gather3A_1565, %shift_right_arithmetic3A_1583 : vector<16xi32>
      %gather3A_1585 = tpu.vector_load_idx %arg4[%shift_right_arithmetic3A_1584] : memref<102400xi32, #tpu.memory_space<vmem>>[vector<16xi32>], vector<16xi32>,
      %ne3A_1586 = arith.constant 0 : i32
      %ne3A_1587 = vector.broadcast %ne3A_1586 : i32 to vector<16xi32>
      %ne3A_1588 = arith.cmpi ne, %shift_right_arithmetic3A_1584, %ne3A_1587 : vector<16xi32>
      %and3A_1589 = arith.constant 31 : i32
      %and3A_1590 = vector.broadcast %and3A_1589 : i32 to vector<16xi32>
      %and3A_1591 = arith.andi %gather3A_1585, %and3A_1590 : vector<16xi32>
      %add3A_1592 = arith.constant 1 : i32
      %add3A_1593 = vector.broadcast %add3A_1592 : i32 to vector<16xi32>
      %add3A_1594 = arith.addi %and3A_1591, %add3A_1593 : vector<16xi32>
      %jit3A_1595 = arith.constant 0 : i32
      %broadcast_in_dim3A_1596 = vector.broadcast %jit3A_1595 : i32 to vector<16xi32>
      %select_n3A_1597 = arith.select %ne3A_1588, %add3A_1594, %broadcast_in_dim3A_1596 : vector<16xi1>, vector<16xi32>
      %shift_left3A_1598 = arith.constant 0 : i32
      %shift_left3A_1599 = vector.broadcast %shift_left3A_1598 : i32 to vector<16xi32>
      %shift_left3A_1600 = arith.shli %select_n3A_1597, %shift_left3A_1599 : vector<16xi32>
      %or3A_1601 = arith.ori %broadcast_in_dim3A_1500, %shift_left3A_1600 : vector<16xi32>
      %shift_right_arithmetic3A_1602 = arith.constant 5 : i32
      %shift_right_arithmetic3A_1603 = vector.broadcast %shift_right_arithmetic3A_1602 : i32 to vector<16xi32>
      %shift_right_arithmetic3A_1604 = arith.shrsi %gather3A_1585, %shift_right_arithmetic3A_1603 : vector<16xi32>
      %gather3A_1605 = tpu.vector_load_idx %arg4[%shift_right_arithmetic3A_1604] : memref<102400xi32, #tpu.memory_space<vmem>>[vector<16xi32>], vector<16xi32>,
      %ne3A_1606 = arith.constant 0 : i32
      %ne3A_1607 = vector.broadcast %ne3A_1606 : i32 to vector<16xi32>
      %ne3A_1608 = arith.cmpi ne, %shift_right_arithmetic3A_1604, %ne3A_1607 : vector<16xi32>
      %and3A_1609 = arith.constant 31 : i32
      %and3A_1610 = vector.broadcast %and3A_1609 : i32 to vector<16xi32>
      %and3A_1611 = arith.andi %gather3A_1605, %and3A_1610 : vector<16xi32>
      %add3A_1612 = arith.constant 1 : i32
      %add3A_1613 = vector.broadcast %add3A_1612 : i32 to vector<16xi32>
      %add3A_1614 = arith.addi %and3A_1611, %add3A_1613 : vector<16xi32>
      %jit3A_1615 = arith.constant 0 : i32
      %broadcast_in_dim3A_1616 = vector.broadcast %jit3A_1615 : i32 to vector<16xi32>
      %select_n3A_1617 = arith.select %ne3A_1608, %add3A_1614, %broadcast_in_dim3A_1616 : vector<16xi1>, vector<16xi32>
      %shift_left3A_1618 = arith.constant 8 : i32
      %shift_left3A_1619 = vector.broadcast %shift_left3A_1618 : i32 to vector<16xi32>
      %shift_left3A_1620 = arith.shli %select_n3A_1617, %shift_left3A_1619 : vector<16xi32>
      %or3A_1621 = arith.ori %or3A_1601, %shift_left3A_1620 : vector<16xi32>
      %shift_right_arithmetic3A_1622 = arith.constant 5 : i32
      %shift_right_arithmetic3A_1623 = vector.broadcast %shift_right_arithmetic3A_1622 : i32 to vector<16xi32>
      %shift_right_arithmetic3A_1624 = arith.shrsi %gather3A_1605, %shift_right_arithmetic3A_1623 : vector<16xi32>
      %gather3A_1625 = tpu.vector_load_idx %arg4[%shift_right_arithmetic3A_1624] : memref<102400xi32, #tpu.memory_space<vmem>>[vector<16xi32>], vector<16xi32>,
      %ne3A_1626 = arith.constant 0 : i32
      %ne3A_1627 = vector.broadcast %ne3A_1626 : i32 to vector<16xi32>
      %ne3A_1628 = arith.cmpi ne, %shift_right_arithmetic3A_1624, %ne3A_1627 : vector<16xi32>
      %and3A_1629 = arith.constant 31 : i32
      %and3A_1630 = vector.broadcast %and3A_1629 : i32 to vector<16xi32>
      %and3A_1631 = arith.andi %gather3A_1625, %and3A_1630 : vector<16xi32>
      %add3A_1632 = arith.constant 1 : i32
      %add3A_1633 = vector.broadcast %add3A_1632 : i32 to vector<16xi32>
      %add3A_1634 = arith.addi %and3A_1631, %add3A_1633 : vector<16xi32>
      %jit3A_1635 = arith.constant 0 : i32
      %broadcast_in_dim3A_1636 = vector.broadcast %jit3A_1635 : i32 to vector<16xi32>
      %select_n3A_1637 = arith.select %ne3A_1628, %add3A_1634, %broadcast_in_dim3A_1636 : vector<16xi1>, vector<16xi32>
      %shift_left3A_1638 = arith.constant 16 : i32
      %shift_left3A_1639 = vector.broadcast %shift_left3A_1638 : i32 to vector<16xi32>
      %shift_left3A_1640 = arith.shli %select_n3A_1637, %shift_left3A_1639 : vector<16xi32>
      %or3A_1641 = arith.ori %or3A_1621, %shift_left3A_1640 : vector<16xi32>
      %shift_right_arithmetic3A_1642 = arith.constant 5 : i32
      %shift_right_arithmetic3A_1643 = vector.broadcast %shift_right_arithmetic3A_1642 : i32 to vector<16xi32>
      %shift_right_arithmetic3A_1644 = arith.shrsi %gather3A_1625, %shift_right_arithmetic3A_1643 : vector<16xi32>
      %gather3A_1645 = tpu.vector_load_idx %arg4[%shift_right_arithmetic3A_1644] : memref<102400xi32, #tpu.memory_space<vmem>>[vector<16xi32>], vector<16xi32>,
      %ne3A_1646 = arith.constant 0 : i32
      %ne3A_1647 = vector.broadcast %ne3A_1646 : i32 to vector<16xi32>
      %ne3A_1648 = arith.cmpi ne, %shift_right_arithmetic3A_1644, %ne3A_1647 : vector<16xi32>
      %and3A_1649 = arith.constant 31 : i32
      %and3A_1650 = vector.broadcast %and3A_1649 : i32 to vector<16xi32>
      %and3A_1651 = arith.andi %gather3A_1645, %and3A_1650 : vector<16xi32>
      %add3A_1652 = arith.constant 1 : i32
      %add3A_1653 = vector.broadcast %add3A_1652 : i32 to vector<16xi32>
      %add3A_1654 = arith.addi %and3A_1651, %add3A_1653 : vector<16xi32>
      %jit3A_1655 = arith.constant 0 : i32
      %broadcast_in_dim3A_1656 = vector.broadcast %jit3A_1655 : i32 to vector<16xi32>
      %select_n3A_1657 = arith.select %ne3A_1648, %add3A_1654, %broadcast_in_dim3A_1656 : vector<16xi1>, vector<16xi32>
      %shift_left3A_1658 = arith.constant 24 : i32
      %shift_left3A_1659 = vector.broadcast %shift_left3A_1658 : i32 to vector<16xi32>
      %shift_left3A_1660 = arith.shli %select_n3A_1657, %shift_left3A_1659 : vector<16xi32>
      %or3A_1661 = arith.ori %or3A_1641, %shift_left3A_1660 : vector<16xi32>
      %shift_right_arithmetic3A_1662 = arith.constant 5 : i32
      %shift_right_arithmetic3A_1663 = vector.broadcast %shift_right_arithmetic3A_1662 : i32 to vector<16xi32>
      %shift_right_arithmetic3A_1664 = arith.shrsi %gather3A_1645, %shift_right_arithmetic3A_1663 : vector<16xi32>
      %gather3A_1665 = tpu.vector_load_idx %arg4[%shift_right_arithmetic3A_1664] : memref<102400xi32, #tpu.memory_space<vmem>>[vector<16xi32>], vector<16xi32>,
      %ne3A_1666 = arith.constant 0 : i32
      %ne3A_1667 = vector.broadcast %ne3A_1666 : i32 to vector<16xi32>
      %ne3A_1668 = arith.cmpi ne, %shift_right_arithmetic3A_1664, %ne3A_1667 : vector<16xi32>
      %and3A_1669 = arith.constant 31 : i32
      %and3A_1670 = vector.broadcast %and3A_1669 : i32 to vector<16xi32>
      %and3A_1671 = arith.andi %gather3A_1665, %and3A_1670 : vector<16xi32>
      %add3A_1672 = arith.constant 1 : i32
      %add3A_1673 = vector.broadcast %add3A_1672 : i32 to vector<16xi32>
      %add3A_1674 = arith.addi %and3A_1671, %add3A_1673 : vector<16xi32>
      %jit3A_1675 = arith.constant 0 : i32
      %broadcast_in_dim3A_1676 = vector.broadcast %jit3A_1675 : i32 to vector<16xi32>
      %select_n3A_1677 = arith.select %ne3A_1668, %add3A_1674, %broadcast_in_dim3A_1676 : vector<16xi1>, vector<16xi32>
      %shift_left3A_1678 = arith.constant 0 : i32
      %shift_left3A_1679 = vector.broadcast %shift_left3A_1678 : i32 to vector<16xi32>
      %shift_left3A_1680 = arith.shli %select_n3A_1677, %shift_left3A_1679 : vector<16xi32>
      %or3A_1681 = arith.ori %broadcast_in_dim3A_1502, %shift_left3A_1680 : vector<16xi32>
      %shift_right_arithmetic3A_1682 = arith.constant 5 : i32
      %shift_right_arithmetic3A_1683 = vector.broadcast %shift_right_arithmetic3A_1682 : i32 to vector<16xi32>
      %shift_right_arithmetic3A_1684 = arith.shrsi %gather3A_1665, %shift_right_arithmetic3A_1683 : vector<16xi32>
      %gather3A_1685 = tpu.vector_load_idx %arg4[%shift_right_arithmetic3A_1684] : memref<102400xi32, #tpu.memory_space<vmem>>[vector<16xi32>], vector<16xi32>,
      %ne3A_1686 = arith.constant 0 : i32
      %ne3A_1687 = vector.broadcast %ne3A_1686 : i32 to vector<16xi32>
      %ne3A_1688 = arith.cmpi ne, %shift_right_arithmetic3A_1684, %ne3A_1687 : vector<16xi32>
      %and3A_1689 = arith.constant 31 : i32
      %and3A_1690 = vector.broadcast %and3A_1689 : i32 to vector<16xi32>
      %and3A_1691 = arith.andi %gather3A_1685, %and3A_1690 : vector<16xi32>
      %add3A_1692 = arith.constant 1 : i32
      %add3A_1693 = vector.broadcast %add3A_1692 : i32 to vector<16xi32>
      %add3A_1694 = arith.addi %and3A_1691, %add3A_1693 : vector<16xi32>
      %jit3A_1695 = arith.constant 0 : i32
      %broadcast_in_dim3A_1696 = vector.broadcast %jit3A_1695 : i32 to vector<16xi32>
      %select_n3A_1697 = arith.select %ne3A_1688, %add3A_1694, %broadcast_in_dim3A_1696 : vector<16xi1>, vector<16xi32>
      %shift_left3A_1698 = arith.constant 8 : i32
      %shift_left3A_1699 = vector.broadcast %shift_left3A_1698 : i32 to vector<16xi32>
      %shift_left3A_1700 = arith.shli %select_n3A_1697, %shift_left3A_1699 : vector<16xi32>
      %or3A_1701 = arith.ori %or3A_1681, %shift_left3A_1700 : vector<16xi32>
      %shift_right_arithmetic3A_1702 = arith.constant 5 : i32
      %shift_right_arithmetic3A_1703 = vector.broadcast %shift_right_arithmetic3A_1702 : i32 to vector<16xi32>
      %shift_right_arithmetic3A_1704 = arith.shrsi %gather3A_1685, %shift_right_arithmetic3A_1703 : vector<16xi32>
      %gather3A_1705 = tpu.vector_load_idx %arg4[%shift_right_arithmetic3A_1704] : memref<102400xi32, #tpu.memory_space<vmem>>[vector<16xi32>], vector<16xi32>,
      %ne3A_1706 = arith.constant 0 : i32
      %ne3A_1707 = vector.broadcast %ne3A_1706 : i32 to vector<16xi32>
      %ne3A_1708 = arith.cmpi ne, %shift_right_arithmetic3A_1704, %ne3A_1707 : vector<16xi32>
      %and3A_1709 = arith.constant 31 : i32
      %and3A_1710 = vector.broadcast %and3A_1709 : i32 to vector<16xi32>
      %and3A_1711 = arith.andi %gather3A_1705, %and3A_1710 : vector<16xi32>
      %add3A_1712 = arith.constant 1 : i32
      %add3A_1713 = vector.broadcast %add3A_1712 : i32 to vector<16xi32>
      %add3A_1714 = arith.addi %and3A_1711, %add3A_1713 : vector<16xi32>
      %jit3A_1715 = arith.constant 0 : i32
      %broadcast_in_dim3A_1716 = vector.broadcast %jit3A_1715 : i32 to vector<16xi32>
      %select_n3A_1717 = arith.select %ne3A_1708, %add3A_1714, %broadcast_in_dim3A_1716 : vector<16xi1>, vector<16xi32>
      %shift_left3A_1718 = arith.constant 16 : i32
      %shift_left3A_1719 = vector.broadcast %shift_left3A_1718 : i32 to vector<16xi32>
      %shift_left3A_1720 = arith.shli %select_n3A_1717, %shift_left3A_1719 : vector<16xi32>
      %or3A_1721 = arith.ori %or3A_1701, %shift_left3A_1720 : vector<16xi32>
      %shift_right_arithmetic3A_1722 = arith.constant 5 : i32
      %shift_right_arithmetic3A_1723 = vector.broadcast %shift_right_arithmetic3A_1722 : i32 to vector<16xi32>
      %shift_right_arithmetic3A_1724 = arith.shrsi %gather3A_1705, %shift_right_arithmetic3A_1723 : vector<16xi32>
      %gather3A_1725 = tpu.vector_load_idx %arg4[%shift_right_arithmetic3A_1724] : memref<102400xi32, #tpu.memory_space<vmem>>[vector<16xi32>], vector<16xi32>,
      %ne3A_1726 = arith.constant 0 : i32
      %ne3A_1727 = vector.broadcast %ne3A_1726 : i32 to vector<16xi32>
      %ne3A_1728 = arith.cmpi ne, %shift_right_arithmetic3A_1724, %ne3A_1727 : vector<16xi32>
      %and3A_1729 = arith.constant 31 : i32
      %and3A_1730 = vector.broadcast %and3A_1729 : i32 to vector<16xi32>
      %and3A_1731 = arith.andi %gather3A_1725, %and3A_1730 : vector<16xi32>
      %add3A_1732 = arith.constant 1 : i32
      %add3A_1733 = vector.broadcast %add3A_1732 : i32 to vector<16xi32>
      %add3A_1734 = arith.addi %and3A_1731, %add3A_1733 : vector<16xi32>
      %jit3A_1735 = arith.constant 0 : i32
      %broadcast_in_dim3A_1736 = vector.broadcast %jit3A_1735 : i32 to vector<16xi32>
      %select_n3A_1737 = arith.select %ne3A_1728, %add3A_1734, %broadcast_in_dim3A_1736 : vector<16xi1>, vector<16xi32>
      %shift_left3A_1738 = arith.constant 24 : i32
      %shift_left3A_1739 = vector.broadcast %shift_left3A_1738 : i32 to vector<16xi32>
      %shift_left3A_1740 = arith.shli %select_n3A_1737, %shift_left3A_1739 : vector<16xi32>
      %or3A_1741 = arith.ori %or3A_1721, %shift_left3A_1740 : vector<16xi32>
      %shift_right_arithmetic3A_1742 = arith.constant 5 : i32
      %shift_right_arithmetic3A_1743 = vector.broadcast %shift_right_arithmetic3A_1742 : i32 to vector<16xi32>
      %shift_right_arithmetic3A_1744 = arith.shrsi %gather3A_1725, %shift_right_arithmetic3A_1743 : vector<16xi32>
      %gather3A_1745 = tpu.vector_load_idx %arg4[%shift_right_arithmetic3A_1744] : memref<102400xi32, #tpu.memory_space<vmem>>[vector<16xi32>], vector<16xi32>,
      %ne3A_1746 = arith.constant 0 : i32
      %ne3A_1747 = vector.broadcast %ne3A_1746 : i32 to vector<16xi32>
      %ne3A_1748 = arith.cmpi ne, %shift_right_arithmetic3A_1744, %ne3A_1747 : vector<16xi32>
      %and3A_1749 = arith.constant 31 : i32
      %and3A_1750 = vector.broadcast %and3A_1749 : i32 to vector<16xi32>
      %and3A_1751 = arith.andi %gather3A_1745, %and3A_1750 : vector<16xi32>
      %add3A_1752 = arith.constant 1 : i32
      %add3A_1753 = vector.broadcast %add3A_1752 : i32 to vector<16xi32>
      %add3A_1754 = arith.addi %and3A_1751, %add3A_1753 : vector<16xi32>
      %jit3A_1755 = arith.constant 0 : i32
      %broadcast_in_dim3A_1756 = vector.broadcast %jit3A_1755 : i32 to vector<16xi32>
      %select_n3A_1757 = arith.select %ne3A_1748, %add3A_1754, %broadcast_in_dim3A_1756 : vector<16xi1>, vector<16xi32>
      %shift_left3A_1758 = arith.constant 0 : i32
      %shift_left3A_1759 = vector.broadcast %shift_left3A_1758 : i32 to vector<16xi32>
      %shift_left3A_1760 = arith.shli %select_n3A_1757, %shift_left3A_1759 : vector<16xi32>
      %or3A_1761 = arith.ori %broadcast_in_dim3A_1504, %shift_left3A_1760 : vector<16xi32>
      %shift_right_arithmetic3A_1762 = arith.constant 5 : i32
      %shift_right_arithmetic3A_1763 = vector.broadcast %shift_right_arithmetic3A_1762 : i32 to vector<16xi32>
      %shift_right_arithmetic3A_1764 = arith.shrsi %gather3A_1745, %shift_right_arithmetic3A_1763 : vector<16xi32>
      %gather3A_1765 = tpu.vector_load_idx %arg4[%shift_right_arithmetic3A_1764] : memref<102400xi32, #tpu.memory_space<vmem>>[vector<16xi32>], vector<16xi32>,
      %ne3A_1766 = arith.constant 0 : i32
      %ne3A_1767 = vector.broadcast %ne3A_1766 : i32 to vector<16xi32>
      %ne3A_1768 = arith.cmpi ne, %shift_right_arithmetic3A_1764, %ne3A_1767 : vector<16xi32>
      %and3A_1769 = arith.constant 31 : i32
      %and3A_1770 = vector.broadcast %and3A_1769 : i32 to vector<16xi32>
      %and3A_1771 = arith.andi %gather3A_1765, %and3A_1770 : vector<16xi32>
      %add3A_1772 = arith.constant 1 : i32
      %add3A_1773 = vector.broadcast %add3A_1772 : i32 to vector<16xi32>
      %add3A_1774 = arith.addi %and3A_1771, %add3A_1773 : vector<16xi32>
      %jit3A_1775 = arith.constant 0 : i32
      %broadcast_in_dim3A_1776 = vector.broadcast %jit3A_1775 : i32 to vector<16xi32>
      %select_n3A_1777 = arith.select %ne3A_1768, %add3A_1774, %broadcast_in_dim3A_1776 : vector<16xi1>, vector<16xi32>
      %shift_left3A_1778 = arith.constant 8 : i32
      %shift_left3A_1779 = vector.broadcast %shift_left3A_1778 : i32 to vector<16xi32>
      %shift_left3A_1780 = arith.shli %select_n3A_1777, %shift_left3A_1779 : vector<16xi32>
      %or3A_1781 = arith.ori %or3A_1761, %shift_left3A_1780 : vector<16xi32>
      %shift_right_arithmetic3A_1782 = arith.constant 5 : i32
      %shift_right_arithmetic3A_1783 = vector.broadcast %shift_right_arithmetic3A_1782 : i32 to vector<16xi32>
      %shift_right_arithmetic3A_1784 = arith.shrsi %gather3A_1765, %shift_right_arithmetic3A_1783 : vector<16xi32>
      %gather3A_1785 = tpu.vector_load_idx %arg4[%shift_right_arithmetic3A_1784] : memref<102400xi32, #tpu.memory_space<vmem>>[vector<16xi32>], vector<16xi32>,
      %ne3A_1786 = arith.constant 0 : i32
      %ne3A_1787 = vector.broadcast %ne3A_1786 : i32 to vector<16xi32>
      %ne3A_1788 = arith.cmpi ne, %shift_right_arithmetic3A_1784, %ne3A_1787 : vector<16xi32>
      %and3A_1789 = arith.constant 31 : i32
      %and3A_1790 = vector.broadcast %and3A_1789 : i32 to vector<16xi32>
      %and3A_1791 = arith.andi %gather3A_1785, %and3A_1790 : vector<16xi32>
      %add3A_1792 = arith.constant 1 : i32
      %add3A_1793 = vector.broadcast %add3A_1792 : i32 to vector<16xi32>
      %add3A_1794 = arith.addi %and3A_1791, %add3A_1793 : vector<16xi32>
      %jit3A_1795 = arith.constant 0 : i32
      %broadcast_in_dim3A_1796 = vector.broadcast %jit3A_1795 : i32 to vector<16xi32>
      %select_n3A_1797 = arith.select %ne3A_1788, %add3A_1794, %broadcast_in_dim3A_1796 : vector<16xi1>, vector<16xi32>
      %shift_left3A_1798 = arith.constant 16 : i32
      %shift_left3A_1799 = vector.broadcast %shift_left3A_1798 : i32 to vector<16xi32>
      %shift_left3A_1800 = arith.shli %select_n3A_1797, %shift_left3A_1799 : vector<16xi32>
      %or3A_1801 = arith.ori %or3A_1781, %shift_left3A_1800 : vector<16xi32>
      %shift_right_arithmetic3A_1802 = arith.constant 5 : i32
      %shift_right_arithmetic3A_1803 = vector.broadcast %shift_right_arithmetic3A_1802 : i32 to vector<16xi32>
      %shift_right_arithmetic3A_1804 = arith.shrsi %gather3A_1785, %shift_right_arithmetic3A_1803 : vector<16xi32>
      %gather3A_1805 = tpu.vector_load_idx %arg4[%shift_right_arithmetic3A_1804] : memref<102400xi32, #tpu.memory_space<vmem>>[vector<16xi32>], vector<16xi32>,
      %ne3A_1806 = arith.constant 0 : i32
      %ne3A_1807 = vector.broadcast %ne3A_1806 : i32 to vector<16xi32>
      %ne3A_1808 = arith.cmpi ne, %shift_right_arithmetic3A_1804, %ne3A_1807 : vector<16xi32>
      %and3A_1809 = arith.constant 31 : i32
      %and3A_1810 = vector.broadcast %and3A_1809 : i32 to vector<16xi32>
      %and3A_1811 = arith.andi %gather3A_1805, %and3A_1810 : vector<16xi32>
      %add3A_1812 = arith.constant 1 : i32
      %add3A_1813 = vector.broadcast %add3A_1812 : i32 to vector<16xi32>
      %add3A_1814 = arith.addi %and3A_1811, %add3A_1813 : vector<16xi32>
      %jit3A_1815 = arith.constant 0 : i32
      %broadcast_in_dim3A_1816 = vector.broadcast %jit3A_1815 : i32 to vector<16xi32>
      %select_n3A_1817 = arith.select %ne3A_1808, %add3A_1814, %broadcast_in_dim3A_1816 : vector<16xi1>, vector<16xi32>
      %shift_left3A_1818 = arith.constant 24 : i32
      %shift_left3A_1819 = vector.broadcast %shift_left3A_1818 : i32 to vector<16xi32>
      %shift_left3A_1820 = arith.shli %select_n3A_1817, %shift_left3A_1819 : vector<16xi32>
      %or3A_1821 = arith.ori %or3A_1801, %shift_left3A_1820 : vector<16xi32>
      %shift_right_arithmetic3A_1822 = arith.constant 5 : i32
      %shift_right_arithmetic3A_1823 = vector.broadcast %shift_right_arithmetic3A_1822 : i32 to vector<16xi32>
      %shift_right_arithmetic3A_1824 = arith.shrsi %gather3A_1805, %shift_right_arithmetic3A_1823 : vector<16xi32>
      %mul3A_1825 = arith.constant 64 : i32
      %mul3A_1826 = arith.muli %add3A_1491, %mul3A_1825 : i32
      %mul3A_1827 = arith.constant 4 : i32
      %mul3A_1828 = vector.broadcast %mul3A_1827 : i32 to vector<16xi32>
      %mul3A_1829 = arith.muli %iota3A, %mul3A_1828 : vector<16xi32>
      %add3A_1830 = vector.broadcast %mul3A_1826 : i32 to vector<16xi32>
      %add3A_1831 = arith.addi %add3A_1830, %mul3A_1829 : vector<16xi32>
      %add3A_1832 = arith.constant 0 : i32
      %add3A_1833 = vector.broadcast %add3A_1832 : i32 to vector<16xi32>
      %add3A_1834 = arith.addi %add3A_1831, %add3A_1833 : vector<16xi32>
      tpu.vector_store_idx %arg5[%add3A_1834], %or3A_1581 : memref<11200xi32, #tpu.memory_space<vmem>>[vector<16xi32>], vector<16xi32>,
      %mul3A_1835 = arith.constant 4 : i32
      %mul3A_1836 = vector.broadcast %mul3A_1835 : i32 to vector<16xi32>
      %mul3A_1837 = arith.muli %iota3A, %mul3A_1836 : vector<16xi32>
      %add3A_1838 = vector.broadcast %mul3A_1826 : i32 to vector<16xi32>
      %add3A_1839 = arith.addi %add3A_1838, %mul3A_1837 : vector<16xi32>
      %add3A_1840 = arith.constant 1 : i32
      %add3A_1841 = vector.broadcast %add3A_1840 : i32 to vector<16xi32>
      %add3A_1842 = arith.addi %add3A_1839, %add3A_1841 : vector<16xi32>
      tpu.vector_store_idx %arg5[%add3A_1842], %or3A_1661 : memref<11200xi32, #tpu.memory_space<vmem>>[vector<16xi32>], vector<16xi32>,
      %mul3A_1843 = arith.constant 4 : i32
      %mul3A_1844 = vector.broadcast %mul3A_1843 : i32 to vector<16xi32>
      %mul3A_1845 = arith.muli %iota3A, %mul3A_1844 : vector<16xi32>
      %add3A_1846 = vector.broadcast %mul3A_1826 : i32 to vector<16xi32>
      %add3A_1847 = arith.addi %add3A_1846, %mul3A_1845 : vector<16xi32>
      %add3A_1848 = arith.constant 2 : i32
      %add3A_1849 = vector.broadcast %add3A_1848 : i32 to vector<16xi32>
      %add3A_1850 = arith.addi %add3A_1847, %add3A_1849 : vector<16xi32>
      tpu.vector_store_idx %arg5[%add3A_1850], %or3A_1741 : memref<11200xi32, #tpu.memory_space<vmem>>[vector<16xi32>], vector<16xi32>,
      %mul3A_1851 = arith.constant 4 : i32
      %mul3A_1852 = vector.broadcast %mul3A_1851 : i32 to vector<16xi32>
      %mul3A_1853 = arith.muli %iota3A, %mul3A_1852 : vector<16xi32>
      %add3A_1854 = vector.broadcast %mul3A_1826 : i32 to vector<16xi32>
      %add3A_1855 = arith.addi %add3A_1854, %mul3A_1853 : vector<16xi32>
      %add3A_1856 = arith.constant 3 : i32
      %add3A_1857 = vector.broadcast %add3A_1856 : i32 to vector<16xi32>
      %add3A_1858 = arith.addi %add3A_1855, %add3A_1857 : vector<16xi32>
      tpu.vector_store_idx %arg5[%add3A_1858], %or3A_1821 : memref<11200xi32, #tpu.memory_space<vmem>>[vector<16xi32>], vector<16xi32>,
    }
    %scan3A_9 = arith.constant 35 : i32
    %mul3A_10 = arith.constant 11200 : i32
    %mul3A_11 = arith.muli %add3A, %mul3A_10 : i32
    "tpu.region"() ({
      %run_scoped3A = tpu.sem_alloc : memref<!tpu.dma_semaphore, #tpu.memory_space<semaphore_mem>>
      %dma_start3A = tpu.memref_slice %arg3[%mul3A_11] : memref<358400xi32, #tpu.memory_space<hbm>> -> memref<11200xi32, #tpu.memory_space<hbm>>
      %dma_start3A_12 = tpu.memref_slice %arg3[%mul3A_11] : memref<358400xi32, #tpu.memory_space<hbm>> -> memref<11200xi32, #tpu.memory_space<hbm>>
      tpu.enqueue_dma source(%arg5 : memref<11200xi32, #tpu.memory_space<vmem>>) target(%dma_start3A_12 : memref<11200xi32, #tpu.memory_space<hbm>>) target_semaphore(%run_scoped3A : memref<!tpu.dma_semaphore, #tpu.memory_space<semaphore_mem>>)
      %dma_wait3A = tpu.memref_slice %arg3[%mul3A_11] : memref<358400xi32, #tpu.memory_space<hbm>> -> memref<11200xi32, #tpu.memory_space<hbm>>
      %dma_wait3A_13 = tpu.memref_slice %arg3[%mul3A_11] : memref<358400xi32, #tpu.memory_space<hbm>> -> memref<11200xi32, #tpu.memory_space<hbm>>
      tpu.wait_dma2 semaphore(%run_scoped3A : memref<!tpu.dma_semaphore, #tpu.memory_space<semaphore_mem>>) src(%arg5 : memref<11200xi32, #tpu.memory_space<vmem>>) dst(%dma_wait3A_13 : memref<11200xi32, #tpu.memory_space<hbm>>)
      tpu.yield
    }) : () -> ()
    return
  }
}

module attributes {stable_mosaic.version = 14 : i64} {
  func.func @_expand_hi(%arg0: i32, %arg1: memref<6400x4xi32, #tpu.memory_space<vmem>>, %arg2: memref<100000x512xf32, #tpu.memory_space<any>>, %arg3: memref<6400x512xf32, #tpu.memory_space<vmem>>) attributes {dimension_semantics = [#tpu.dimension_semantics<arbitrary>], iteration_bounds = array<i64: 14>, scalar_prefetch = 0 : i64, scratch_operands = 0 : i64, tpu.core_type = #tpu.core_type<tc>, window_params = [{transform_indices = @transform_0, window_bounds = array<i64: 6400, 4>}, {}, {transform_indices = @transform_2, window_bounds = array<i64: 6400, 512>}]} {
    %iota3A = tpu.iota {dimensions = array<i32: 1>} : vector<1x128xi32>
    %shift_right_arithmetic3A = arith.constant 5 : i32
    %shift_right_arithmetic3A_0 = vector.broadcast %shift_right_arithmetic3A : i32 to vector<1x128xi32>
    %shift_right_arithmetic3A_1 = arith.shrsi %iota3A, %shift_right_arithmetic3A_0 : vector<1x128xi32>
    %mul3A = arith.constant 8 : i32
    %mul3A_2 = vector.broadcast %mul3A : i32 to vector<1x128xi32>
    %mul3A_3 = arith.muli %mul3A_2, %shift_right_arithmetic3A_1 : vector<1x128xi32>
    %and3A = arith.constant 31 : i32
    %and3A_4 = vector.broadcast %and3A : i32 to vector<1x128xi32>
    %and3A_5 = arith.andi %iota3A, %and3A_4 : vector<1x128xi32>
    %add3A = arith.constant 1 : i32
    %add3A_6 = vector.broadcast %add3A : i32 to vector<1x128xi32>
    %add3A_7 = arith.addi %and3A_5, %add3A_6 : vector<1x128xi32>
    %get3A = arith.constant 0 : index
    %get3A_8 = arith.constant 0 : index
    %get3A_9 = vector.load %arg1[%get3A, %get3A_8] : memref<6400x4xi32, #tpu.memory_space<vmem>>, vector<6400x1xi32>
    %shift_right_arithmetic3A_10 = vector.broadcast %get3A_9 : vector<6400x1xi32> to vector<6400x128xi32>
    %shift_right_arithmetic3A_11 = vector.broadcast %mul3A_3 : vector<1x128xi32> to vector<6400x128xi32>
    %shift_right_arithmetic3A_12 = arith.shrsi %shift_right_arithmetic3A_10, %shift_right_arithmetic3A_11 : vector<6400x128xi32>
    %and3A_13 = arith.constant 255 : i32
    %and3A_14 = vector.broadcast %and3A_13 : i32 to vector<6400x128xi32>
    %and3A_15 = arith.andi %shift_right_arithmetic3A_12, %and3A_14 : vector<6400x128xi32>
    %eq3A = vector.broadcast %add3A_7 : vector<1x128xi32> to vector<6400x128xi32>
    %eq3A_16 = arith.cmpi eq, %and3A_15, %eq3A : vector<6400x128xi32>
    %convert_element_type3A = arith.extui %eq3A_16 : vector<6400x128xi1> to vector<6400x128xi32>
    %convert_element_type3A_17 = arith.sitofp %convert_element_type3A : vector<6400x128xi32> to vector<6400x128xf32>
    %swap3A = arith.constant 0 : index
    %swap3A_18 = arith.constant 0 : index
    %swap3A_19 = vector.load %arg3[%swap3A, %swap3A_18] : memref<6400x512xf32, #tpu.memory_space<vmem>>, vector<6400x128xf32>
    tpu.vector_store %arg3[%swap3A, %swap3A_18], %convert_element_type3A_17 {strides = array<i32>} : memref<6400x512xf32, #tpu.memory_space<vmem>>, vector<6400x128xf32>,
    %get3A_20 = arith.constant 0 : index
    %get3A_21 = arith.constant 1 : index
    %get3A_22 = vector.load %arg1[%get3A_20, %get3A_21] : memref<6400x4xi32, #tpu.memory_space<vmem>>, vector<6400x1xi32>
    %shift_right_arithmetic3A_23 = vector.broadcast %get3A_22 : vector<6400x1xi32> to vector<6400x128xi32>
    %shift_right_arithmetic3A_24 = vector.broadcast %mul3A_3 : vector<1x128xi32> to vector<6400x128xi32>
    %shift_right_arithmetic3A_25 = arith.shrsi %shift_right_arithmetic3A_23, %shift_right_arithmetic3A_24 : vector<6400x128xi32>
    %and3A_26 = arith.constant 255 : i32
    %and3A_27 = vector.broadcast %and3A_26 : i32 to vector<6400x128xi32>
    %and3A_28 = arith.andi %shift_right_arithmetic3A_25, %and3A_27 : vector<6400x128xi32>
    %eq3A_29 = vector.broadcast %add3A_7 : vector<1x128xi32> to vector<6400x128xi32>
    %eq3A_30 = arith.cmpi eq, %and3A_28, %eq3A_29 : vector<6400x128xi32>
    %convert_element_type3A_31 = arith.extui %eq3A_30 : vector<6400x128xi1> to vector<6400x128xi32>
    %convert_element_type3A_32 = arith.sitofp %convert_element_type3A_31 : vector<6400x128xi32> to vector<6400x128xf32>
    %swap3A_33 = arith.constant 0 : index
    %swap3A_34 = arith.constant 128 : index
    %swap3A_35 = vector.load %arg3[%swap3A_33, %swap3A_34] : memref<6400x512xf32, #tpu.memory_space<vmem>>, vector<6400x128xf32>
    tpu.vector_store %arg3[%swap3A_33, %swap3A_34], %convert_element_type3A_32 {strides = array<i32>} : memref<6400x512xf32, #tpu.memory_space<vmem>>, vector<6400x128xf32>,
    %get3A_36 = arith.constant 0 : index
    %get3A_37 = arith.constant 2 : index
    %get3A_38 = vector.load %arg1[%get3A_36, %get3A_37] : memref<6400x4xi32, #tpu.memory_space<vmem>>, vector<6400x1xi32>
    %shift_right_arithmetic3A_39 = vector.broadcast %get3A_38 : vector<6400x1xi32> to vector<6400x128xi32>
    %shift_right_arithmetic3A_40 = vector.broadcast %mul3A_3 : vector<1x128xi32> to vector<6400x128xi32>
    %shift_right_arithmetic3A_41 = arith.shrsi %shift_right_arithmetic3A_39, %shift_right_arithmetic3A_40 : vector<6400x128xi32>
    %and3A_42 = arith.constant 255 : i32
    %and3A_43 = vector.broadcast %and3A_42 : i32 to vector<6400x128xi32>
    %and3A_44 = arith.andi %shift_right_arithmetic3A_41, %and3A_43 : vector<6400x128xi32>
    %eq3A_45 = vector.broadcast %add3A_7 : vector<1x128xi32> to vector<6400x128xi32>
    %eq3A_46 = arith.cmpi eq, %and3A_44, %eq3A_45 : vector<6400x128xi32>
    %convert_element_type3A_47 = arith.extui %eq3A_46 : vector<6400x128xi1> to vector<6400x128xi32>
    %convert_element_type3A_48 = arith.sitofp %convert_element_type3A_47 : vector<6400x128xi32> to vector<6400x128xf32>
    %swap3A_49 = arith.constant 0 : index
    %swap3A_50 = arith.constant 256 : index
    %swap3A_51 = vector.load %arg3[%swap3A_49, %swap3A_50] : memref<6400x512xf32, #tpu.memory_space<vmem>>, vector<6400x128xf32>
    tpu.vector_store %arg3[%swap3A_49, %swap3A_50], %convert_element_type3A_48 {strides = array<i32>} : memref<6400x512xf32, #tpu.memory_space<vmem>>, vector<6400x128xf32>,
    %get3A_52 = arith.constant 0 : index
    %get3A_53 = arith.constant 3 : index
    %get3A_54 = vector.load %arg1[%get3A_52, %get3A_53] : memref<6400x4xi32, #tpu.memory_space<vmem>>, vector<6400x1xi32>
    %shift_right_arithmetic3A_55 = vector.broadcast %get3A_54 : vector<6400x1xi32> to vector<6400x128xi32>
    %shift_right_arithmetic3A_56 = vector.broadcast %mul3A_3 : vector<1x128xi32> to vector<6400x128xi32>
    %shift_right_arithmetic3A_57 = arith.shrsi %shift_right_arithmetic3A_55, %shift_right_arithmetic3A_56 : vector<6400x128xi32>
    %and3A_58 = arith.constant 255 : i32
    %and3A_59 = vector.broadcast %and3A_58 : i32 to vector<6400x128xi32>
    %and3A_60 = arith.andi %shift_right_arithmetic3A_57, %and3A_59 : vector<6400x128xi32>
    %eq3A_61 = vector.broadcast %add3A_7 : vector<1x128xi32> to vector<6400x128xi32>
    %eq3A_62 = arith.cmpi eq, %and3A_60, %eq3A_61 : vector<6400x128xi32>
    %convert_element_type3A_63 = arith.extui %eq3A_62 : vector<6400x128xi1> to vector<6400x128xi32>
    %convert_element_type3A_64 = arith.sitofp %convert_element_type3A_63 : vector<6400x128xi32> to vector<6400x128xf32>
    %swap3A_65 = arith.constant 0 : index
    %swap3A_66 = arith.constant 384 : index
    %swap3A_67 = vector.load %arg3[%swap3A_65, %swap3A_66] : memref<6400x512xf32, #tpu.memory_space<vmem>>, vector<6400x128xf32>
    tpu.vector_store %arg3[%swap3A_65, %swap3A_66], %convert_element_type3A_64 {strides = array<i32>} : memref<6400x512xf32, #tpu.memory_space<vmem>>, vector<6400x128xf32>,
    return
  }
  func.func @transform_0(%arg0: i32) -> (i32, i32) {
    %c0_i32 = arith.constant 0 : i32
    %c0_i32_0 = arith.constant 0 : i32
    return %arg0, %c0_i32 : i32, i32
  }
  func.func @transform_2(%arg0: i32) -> (i32, i32) {
    %add3A = arith.constant 2 : i32
    %add3A_0 = arith.addi %arg0, %add3A : i32
    %c0_i32 = arith.constant 0 : i32
    %c0_i32_1 = arith.constant 0 : i32
    return %add3A_0, %c0_i32 : i32, i32
  }
}

module attributes {stable_mosaic.version = 14 : i64} {
  func.func @_expand(%arg0: i32, %arg1: memref<6400x4xi32, #tpu.memory_space<vmem>>, %arg2: memref<6400x512xf32, #tpu.memory_space<vmem>>) attributes {dimension_semantics = [#tpu.dimension_semantics<arbitrary>], iteration_bounds = array<i64: 2>, scalar_prefetch = 0 : i64, scratch_operands = 0 : i64, tpu.core_type = #tpu.core_type<tc>, window_params = [{transform_indices = @transform_0, window_bounds = array<i64: 6400, 4>}, {transform_indices = @transform_1, window_bounds = array<i64: 6400, 512>}]} {
    %iota3A = tpu.iota {dimensions = array<i32: 1>} : vector<1x128xi32>
    %shift_right_arithmetic3A = arith.constant 5 : i32
    %shift_right_arithmetic3A_0 = vector.broadcast %shift_right_arithmetic3A : i32 to vector<1x128xi32>
    %shift_right_arithmetic3A_1 = arith.shrsi %iota3A, %shift_right_arithmetic3A_0 : vector<1x128xi32>
    %mul3A = arith.constant 8 : i32
    %mul3A_2 = vector.broadcast %mul3A : i32 to vector<1x128xi32>
    %mul3A_3 = arith.muli %mul3A_2, %shift_right_arithmetic3A_1 : vector<1x128xi32>
    %and3A = arith.constant 31 : i32
    %and3A_4 = vector.broadcast %and3A : i32 to vector<1x128xi32>
    %and3A_5 = arith.andi %iota3A, %and3A_4 : vector<1x128xi32>
    %add3A = arith.constant 1 : i32
    %add3A_6 = vector.broadcast %add3A : i32 to vector<1x128xi32>
    %add3A_7 = arith.addi %and3A_5, %add3A_6 : vector<1x128xi32>
    %get3A = arith.constant 0 : index
    %get3A_8 = arith.constant 0 : index
    %get3A_9 = vector.load %arg1[%get3A, %get3A_8] : memref<6400x4xi32, #tpu.memory_space<vmem>>, vector<6400x1xi32>
    %shift_right_arithmetic3A_10 = vector.broadcast %get3A_9 : vector<6400x1xi32> to vector<6400x128xi32>
    %shift_right_arithmetic3A_11 = vector.broadcast %mul3A_3 : vector<1x128xi32> to vector<6400x128xi32>
    %shift_right_arithmetic3A_12 = arith.shrsi %shift_right_arithmetic3A_10, %shift_right_arithmetic3A_11 : vector<6400x128xi32>
    %and3A_13 = arith.constant 255 : i32
    %and3A_14 = vector.broadcast %and3A_13 : i32 to vector<6400x128xi32>
    %and3A_15 = arith.andi %shift_right_arithmetic3A_12, %and3A_14 : vector<6400x128xi32>
    %eq3A = vector.broadcast %add3A_7 : vector<1x128xi32> to vector<6400x128xi32>
    %eq3A_16 = arith.cmpi eq, %and3A_15, %eq3A : vector<6400x128xi32>
    %convert_element_type3A = arith.extui %eq3A_16 : vector<6400x128xi1> to vector<6400x128xi32>
    %convert_element_type3A_17 = arith.sitofp %convert_element_type3A : vector<6400x128xi32> to vector<6400x128xf32>
    %swap3A = arith.constant 0 : index
    %swap3A_18 = arith.constant 0 : index
    %swap3A_19 = vector.load %arg2[%swap3A, %swap3A_18] : memref<6400x512xf32, #tpu.memory_space<vmem>>, vector<6400x128xf32>
    tpu.vector_store %arg2[%swap3A, %swap3A_18], %convert_element_type3A_17 {strides = array<i32>} : memref<6400x512xf32, #tpu.memory_space<vmem>>, vector<6400x128xf32>,
    %get3A_20 = arith.constant 0 : index
    %get3A_21 = arith.constant 1 : index
    %get3A_22 = vector.load %arg1[%get3A_20, %get3A_21] : memref<6400x4xi32, #tpu.memory_space<vmem>>, vector<6400x1xi32>
    %shift_right_arithmetic3A_23 = vector.broadcast %get3A_22 : vector<6400x1xi32> to vector<6400x128xi32>
    %shift_right_arithmetic3A_24 = vector.broadcast %mul3A_3 : vector<1x128xi32> to vector<6400x128xi32>
    %shift_right_arithmetic3A_25 = arith.shrsi %shift_right_arithmetic3A_23, %shift_right_arithmetic3A_24 : vector<6400x128xi32>
    %and3A_26 = arith.constant 255 : i32
    %and3A_27 = vector.broadcast %and3A_26 : i32 to vector<6400x128xi32>
    %and3A_28 = arith.andi %shift_right_arithmetic3A_25, %and3A_27 : vector<6400x128xi32>
    %eq3A_29 = vector.broadcast %add3A_7 : vector<1x128xi32> to vector<6400x128xi32>
    %eq3A_30 = arith.cmpi eq, %and3A_28, %eq3A_29 : vector<6400x128xi32>
    %convert_element_type3A_31 = arith.extui %eq3A_30 : vector<6400x128xi1> to vector<6400x128xi32>
    %convert_element_type3A_32 = arith.sitofp %convert_element_type3A_31 : vector<6400x128xi32> to vector<6400x128xf32>
    %swap3A_33 = arith.constant 0 : index
    %swap3A_34 = arith.constant 128 : index
    %swap3A_35 = vector.load %arg2[%swap3A_33, %swap3A_34] : memref<6400x512xf32, #tpu.memory_space<vmem>>, vector<6400x128xf32>
    tpu.vector_store %arg2[%swap3A_33, %swap3A_34], %convert_element_type3A_32 {strides = array<i32>} : memref<6400x512xf32, #tpu.memory_space<vmem>>, vector<6400x128xf32>,
    %get3A_36 = arith.constant 0 : index
    %get3A_37 = arith.constant 2 : index
    %get3A_38 = vector.load %arg1[%get3A_36, %get3A_37] : memref<6400x4xi32, #tpu.memory_space<vmem>>, vector<6400x1xi32>
    %shift_right_arithmetic3A_39 = vector.broadcast %get3A_38 : vector<6400x1xi32> to vector<6400x128xi32>
    %shift_right_arithmetic3A_40 = vector.broadcast %mul3A_3 : vector<1x128xi32> to vector<6400x128xi32>
    %shift_right_arithmetic3A_41 = arith.shrsi %shift_right_arithmetic3A_39, %shift_right_arithmetic3A_40 : vector<6400x128xi32>
    %and3A_42 = arith.constant 255 : i32
    %and3A_43 = vector.broadcast %and3A_42 : i32 to vector<6400x128xi32>
    %and3A_44 = arith.andi %shift_right_arithmetic3A_41, %and3A_43 : vector<6400x128xi32>
    %eq3A_45 = vector.broadcast %add3A_7 : vector<1x128xi32> to vector<6400x128xi32>
    %eq3A_46 = arith.cmpi eq, %and3A_44, %eq3A_45 : vector<6400x128xi32>
    %convert_element_type3A_47 = arith.extui %eq3A_46 : vector<6400x128xi1> to vector<6400x128xi32>
    %convert_element_type3A_48 = arith.sitofp %convert_element_type3A_47 : vector<6400x128xi32> to vector<6400x128xf32>
    %swap3A_49 = arith.constant 0 : index
    %swap3A_50 = arith.constant 256 : index
    %swap3A_51 = vector.load %arg2[%swap3A_49, %swap3A_50] : memref<6400x512xf32, #tpu.memory_space<vmem>>, vector<6400x128xf32>
    tpu.vector_store %arg2[%swap3A_49, %swap3A_50], %convert_element_type3A_48 {strides = array<i32>} : memref<6400x512xf32, #tpu.memory_space<vmem>>, vector<6400x128xf32>,
    %get3A_52 = arith.constant 0 : index
    %get3A_53 = arith.constant 3 : index
    %get3A_54 = vector.load %arg1[%get3A_52, %get3A_53] : memref<6400x4xi32, #tpu.memory_space<vmem>>, vector<6400x1xi32>
    %shift_right_arithmetic3A_55 = vector.broadcast %get3A_54 : vector<6400x1xi32> to vector<6400x128xi32>
    %shift_right_arithmetic3A_56 = vector.broadcast %mul3A_3 : vector<1x128xi32> to vector<6400x128xi32>
    %shift_right_arithmetic3A_57 = arith.shrsi %shift_right_arithmetic3A_55, %shift_right_arithmetic3A_56 : vector<6400x128xi32>
    %and3A_58 = arith.constant 255 : i32
    %and3A_59 = vector.broadcast %and3A_58 : i32 to vector<6400x128xi32>
    %and3A_60 = arith.andi %shift_right_arithmetic3A_57, %and3A_59 : vector<6400x128xi32>
    %eq3A_61 = vector.broadcast %add3A_7 : vector<1x128xi32> to vector<6400x128xi32>
    %eq3A_62 = arith.cmpi eq, %and3A_60, %eq3A_61 : vector<6400x128xi32>
    %convert_element_type3A_63 = arith.extui %eq3A_62 : vector<6400x128xi1> to vector<6400x128xi32>
    %convert_element_type3A_64 = arith.sitofp %convert_element_type3A_63 : vector<6400x128xi32> to vector<6400x128xf32>
    %swap3A_65 = arith.constant 0 : index
    %swap3A_66 = arith.constant 384 : index
    %swap3A_67 = vector.load %arg2[%swap3A_65, %swap3A_66] : memref<6400x512xf32, #tpu.memory_space<vmem>>, vector<6400x128xf32>
    tpu.vector_store %arg2[%swap3A_65, %swap3A_66], %convert_element_type3A_64 {strides = array<i32>} : memref<6400x512xf32, #tpu.memory_space<vmem>>, vector<6400x128xf32>,
    return
  }
  func.func @transform_0(%arg0: i32) -> (i32, i32) {
    %c0_i32 = arith.constant 0 : i32
    %c0_i32_0 = arith.constant 0 : i32
    return %arg0, %c0_i32 : i32, i32
  }
  func.func @transform_1(%arg0: i32) -> (i32, i32) {
    %c0_i32 = arith.constant 0 : i32
    %c0_i32_0 = arith.constant 0 : i32
    return %arg0, %c0_i32 : i32, i32
  }
}

</mosaic_0001>

<sc_bundles>
// kernel: kernel.6.cloned.1.call-start
scs
__scs_entry_jumppad:
0x0: {  	(pc) =	sbr.rel $0x88, $3  }
0x1: {  	(tag) =	ssettag $0x0;
	lr =	simm.s32 $0x1  }
0x2: {  	[smem:$0x3F9F] =	sst lr;
	_ =	strace $0xD0000000  }
0x3: {  	_ = 	snop  }
0x4: {  	_ = 	snop  }
0x5: {  	_ = 	snop  }
0x6: {  	_ = 	snop  }
0x7: {  	_ = 	snop  }
__scs_overlays_trampoline_lowered:
0x8: {  	[smem:$0x3FAE] =	sst s0  }
0x9: {  	[smem:$0x3FAF] =	sst s1  }
0xa: {  	[smem:$0x3FB0] =	sst s2  }
0xb: {  	[smem:$0x3FB1] =	sst s3  }
0xc: {  	[smem:$0x3FB2] =	sst s4  }
0xd: {  	[smem:$0x3FB3] =	sst s5  }
0xe: {  	[smem:$0x3FB4] =	sst s6  }
0xf: {  	[smem:$0x3FB5] =	sst s7  }
0x10: {  	[smem:$0x3FB6] =	sst s8  }
0x11: {  	[smem:$0x3FB7] =	sst s9;
	s0 =	simm.s32 @!p0 $0x0  }
0x12: {  	s1 =	sld [smem:$0x3F9D];
	s0 =	simm.s32 @p0 $0x1  }
0x13: {  	[smem:$0x3FB8] =	sst s0;
	s0 =	simm.s32 @!p1 $0x0  }
0x14: {  	s2 =	sld [smem:$0x3F9C];
	s0 =	simm.s32 @p1 $0x1  }
0x15: {  	[smem:$0x3FB9] =	sst s0;
	s0 =	simm.s32 @!p2 $0x0  }
0x16: {  	s3 =	sld [smem:$0x3FDB];
	s0 =	simm.s32 @p2 $0x1  }
0x17: {  	s4 =	simm.s32 $0x1BF5;
	[smem:$0x3FBB] =	sst s0  }
0x18: {  	s0 =	sld [smem:$0x3F9E];
	_ =	swait.ge [sflag:s4], $0x0  }
0x19: {  	s7 =	sld [smem:$0x3F9F]  }
0x1a: {  	s8 =	sadd.s32 $0xFFFFE003, lr  }
0x1b: {  	s9 =	sadd.s32 $0xFFFFFEF7, lr;
	s5 =	simm.s32 $0xFFFFFFFF;
	p2 =	slt.u32 s8, $0xFFFFF086  }
0x1c: {  	p1 =	slt.u32 s9, $0xF7A;
	s5 =	simm.s32 @!p2 $0x0  }
0x1d: {  	s5 =	simm.s32 @p1 $0x1;
	p0 =	seq.s32 s7, s2  }
0x1e: {  	s7 =	smul.u32 @!p0 $0xF7A, s2;
	p2 =	seq.s32 @!p0 s5, $0x0  }
0x1f: {  	s9 =	smul.u32 $0xF7A, s1;
	s8 =	simm.s32 @!p0 $0x1BF5;
	p2 =	por !p2, p0  }
0x20: {  	[sflag:s8] =	ssyncset.s32 @!p0 $0xFFFFF086;
	s6 =	sadd.s32 @!p0 s3, s7;
	s7 =	simm.s32 @!p0 $0x108  }
0x21: {  	s3 =	sadd.s32 s3, s9;
	s6 =	sadd.s32 @!p0 $0x88, s6;
	s7 =	simm.s32 @p2 $0x1082  }
0x22: {  	[simem:s7], [sflag:s8] =	dma.local @!p0 [hbm:s6], $0xF7A  }
0x23: {  	s9 =	sor.u32 $0xD0000000, s2;
	s6 =	simm.s32 $0x108;
	_ =	swait.ge @!p0 [sflag:s8], $0x0  }
0x24: {  	s3 =	sadd.s32 $0x88, s3;
	s6 =	simm.s32 @!p1 $0x1082;
	[sflag:s4] =	ssyncset.s32 $0xFFFFF086  }
0x25: {  	[simem:s6], [sflag:s4] =	dma.local [hbm:s3], $0xF7A  }
0x26: {  	[smem:$0x3F9F] =	sst s1;
	(tag) =	ssettag s2;
	_ =	strace s9  }
0x27: {  	s1 =	sld [smem:$0x3FAF]  }
0x28: {  	s2 =	sld [smem:$0x3FB0]  }
0x29: {  	s4 =	sld [smem:$0x3FB2]  }
0x2a: {  	p0 =	seq.s32 s5, $0x0;
	s5 =	sld [smem:$0x3FB3]  }
0x2b: {  	s6 =	sld [smem:$0x3FB4]  }
0x2c: {  	s7 =	sld [smem:$0x3FB5]  }
0x2d: {  	s3 =	simm.s32 $0x108;
	s8 =	sld [smem:$0x3FB6]  }
0x2e: {  	s3 =	simm.s32 @!p0 $0x1082;
	s9 =	sld [smem:$0x3FB7]  }
0x2f: {  	lr =	sadd.s32 s0, s3;
	s0 =	sld [smem:$0x3FAE]  }
0x30: {  	s3 =	sld [smem:$0x3FB1]  }
0x31: {  	[smem:$0x3FBA] =	sst s10  }
0x32: {  	s10 =	sld [smem:$0x3FB8];
	_ =	sdelay $0x3  }
0x33: {  	p0 =	seq.s32 s10, $0x1;
	s10 =	sld [smem:$0x3FBA];
	_ =	sdelay $0x3  }
0x34: {  	[smem:$0x3FBA] =	sst s10  }
0x35: {  	s10 =	sld [smem:$0x3FB9];
	_ =	sdelay $0x3  }
0x36: {  	p1 =	seq.s32 s10, $0x1;
	s10 =	sld [smem:$0x3FBA];
	_ =	sdelay $0x3  }
0x37: {  	[smem:$0x3FBA] =	sst s10  }
0x38: {  	s10 =	sld [smem:$0x3FBB]  }
0x39: {  	_ = 	snop;
	(pc) =	sbr.ind lr, $3  }
0x3a: {  	_ = 	snop  }
0x3b: {  	_ = 	snop  }
0x3c: {  	p2 =	seq.s32 s10, $0x1;
	s10 =	sld [smem:$0x3FBA]  }
0x3d: {  	_ =	shalt  }
0x3e: {  	_ =	shalt  }
0x3f: {  	_ =	shalt  }
0x40: {  	_ =	shalt  }
0x41: {  	_ =	shalt  }
0x42: {  	_ =	shalt  }
0x43: {  	_ =	shalt  }
0x44: {  	_ =	shalt  }
0x45: {  	_ =	shalt  }
0x46: {  	_ =	shalt  }
0x47: {  	_ =	shalt  }
0x48: {  	_ =	shalt  }
0x49: {  	_ =	shalt  }
0x4a: {  	_ =	shalt  }
0x4b: {  	_ =	shalt  }
0x4c: {  	_ =	shalt  }
0x4d: {  	_ =	shalt  }
0x4e: {  	_ =	shalt  }
0x4f: {  	_ =	shalt  }
0x50: {  	_ =	shalt  }
0x51: {  	_ =	shalt  }
0x52: {  	_ =	shalt  }
0x53: {  	_ =	shalt  }
0x54: {  	_ =	shalt  }
0x55: {  	_ =	shalt  }
0x56: {  	_ =	shalt  }
0x57: {  	_ =	shalt  }
0x58: {  	_ =	shalt  }
0x59: {  	_ =	shalt  }
0x5a: {  	_ =	shalt  }
0x5b: {  	_ =	shalt  }
0x5c: {  	_ =	shalt  }
0x5d: {  	_ =	shalt  }
0x5e: {  	_ =	shalt  }
0x5f: {  	_ =	shalt  }
0x60: {  	_ =	shalt  }
0x61: {  	_ =	shalt  }
0x62: {  	_ =	shalt  }
0x63: {  	_ =	shalt  }
0x64: {  	_ =	shalt  }
0x65: {  	_ =	shalt  }
0x66: {  	_ =	shalt  }
0x67: {  	_ =	shalt  }
0x68: {  	_ =	shalt  }
0x69: {  	_ =	shalt  }
0x6a: {  	_ =	shalt  }
0x6b: {  	_ =	shalt  }
0x6c: {  	_ =	shalt  }
0x6d: {  	_ =	shalt  }
0x6e: {  	_ =	shalt  }
0x6f: {  	_ =	shalt  }
0x70: {  	_ =	shalt  }
0x71: {  	_ =	shalt  }
0x72: {  	_ =	shalt  }
0x73: {  	_ =	shalt  }
0x74: {  	_ =	shalt  }
0x75: {  	_ =	shalt  }
0x76: {  	_ =	shalt  }
0x77: {  	_ =	shalt  }
0x78: {  	_ =	shalt  }
0x79: {  	_ =	shalt  }
0x7a: {  	_ =	shalt  }
0x7b: {  	_ =	shalt  }
0x7c: {  	_ =	shalt  }
0x7d: {  	_ =	shalt  }
0x7e: {  	_ =	shalt  }
0x7f: {  	_ =	shalt  }
0x80: {  	_ =	shalt  }
0x81: {  	_ =	shalt  }
0x82: {  	_ =	shalt  }
0x83: {  	_ =	shalt  }
0x84: {  	_ =	shalt  }
0x85: {  	_ =	shalt  }
0x86: {  	_ =	shalt  }
0x87: {  	_ =	shalt  }
.Lfunc_end0:
.L_simem_size_0:
called_computation_lowered:
.L_overlay_start_0:
0x88: {  	s2 =	sld [smem:$0x3FD9]  }
0x89: {  	s3 =	sld [smem:$0x3FFE];
	_ =	sdelay $0x1  }
0x8a: {  	s1 =	srdreg.scid  }
0x8b: {  	s0 =	sand.u32 $0x1, s1  }
0x8c: {  	s17 =	sshll.u32 s0, $0xA;
	s2 =	sadd.s32 s3, s2  }
0x8d: {  	s2 =	sadd.s32 s2, s17  }
0x8e: {  	[smem:$0x3FC6] =	sst s2  }
0x8f: {  	_ = 	snop  }
0x90: {  	s2 =	sld [smem:$0x3FD0];
	(tm) =	ssettm $0x1  }
0x91: {  	s18 =	sld [smem:$0x3FFB];
	_ =	sdelay $0x3  }
0x92: {  	_ =	strace s18  }
0x93: {  	s3 =	sld [smem:$0x3FFC];
	_ =	sdelay $0x3  }
0x94: {  	_ =	strace s3  }
0x95: {  	s3 =	sld [smem:$0x3FFD];
	_ =	sdelay $0x3  }
0x96: {  	_ =	strace s3  }
0x97: {  	_ =	strace $0x8FFFFFFF  }
0x98: {  	s19 =	sld [smem:$0x3FDB];
	_ =	sdelay $0x1  }
0x99: {  	s4 =	simm.s32 $_scs_section_size  }
0x9a: {  	s5 =	simm.s32 $_size__tile_overlayer_lowered;
	s6 =	simm.s32 $_tile_overlayer_lowered  }
0x9b: {  	s22 =	simm.s32 $0x1BFF;
	s21 =	sshll.u32 s6, $0x1;
	s3 =	sadd.s32 s4, s19  }
0x9c: {  	s7 =	simm.s32 $0x0;
	s20 =	sshll.u32 s5, $0x1;
	s5 =	sadd.s32 s21, s3  }
0x9d: {  	[timem:s7], [sflag:s22] =	dma.local [hbm:s5], s20  }
0x9e: {  	_ =	swait.ge [sflag:s22], s20  }
0x9f: {  	s4 =	ssub.s32 $0x0, s20;
	[sflag:s22] =	ssyncset.done $0x0  }
0xa0: {  	[sflag:s22] =	ssyncadd.s32 s4;
	_ =	sdelay $0x1  }
0xa1: {  	s23 =	simm.s32 $0x1B8B  }
0xa2: {  	_ =	swait.ge [sflag:s23], $0x1  }
0xa3: {  	[sflag:s23] =	ssyncset.done $0x0  }
0xa4: {  	s25 =	simm.s32 $0x1B8E;
	s24 =	sld [smem:$0x3FFE];
	[sflag:s23] =	ssyncadd.s32 $0xFFFFFFFF  }
0xa5: {  	s26 =	simm.s32 $execute0_lowered;
	[smem:$0x3FD2] =	sst s25  }
0xa6: {  	s5 =	sshll.u32 s26, $0x1;
	_ =	strace $0x80000046;
	[dreg:$0x1] =	wrdreg $0xFFFFFFFF  }
0xa7: {  	s28 =	simm.s32 $_size_execute0_lowered;
	s3 =	sadd.s32 s3, s5;
	[dreg:$0x0] =	wrdreg $0x0  }
0xa8: {  	s5 =	sshll.u32 s28, $0x1;
	[dreg:$0x2] =	wrdreg s3  }
0xa9: {  	[dreg:$0x3] =	wrdreg s5  }
0xaa: {  	[dreg:$0x4] =	wrdreg $0xC0  }
0xab: {  	_ =	task [dreg:s7], $0x5FFFF  }
0xac: {  	[dreg:$0x1] =	wrdreg $0xFFFFFFFF  }
0xad: {  	[dreg:$0x0] =	wrdreg $0x60  }
0xae: {  	[dreg:$0x2] =	wrdreg s24  }
0xaf: {  	[dreg:$0x3] =	wrdreg s2  }
0xb0: {  	[dreg:$0x4] =	wrdreg $0x9  }
0xb1: {  	_ =	task.clear_ibuf [dreg:s7], $0x5FFFF;
	_ =	strace $0x90000046  }
0xb2: {  	s29 =	simm.s32 $0x9;
	_ =	strace $0x80000048  }
0xb3: {  	_ =	swait.ge [sflag:s29], $0x1  }
0xb4: {  	[sflag:s29] =	ssyncadd.s32 $0xFFFFFFFF  }
0xb5: {  	_ =	strace $0x90000048  }
0xb6: {  	_ =	sfence  }
0xb7: {  	s30 =	sld [smem:$0x0];
	_ =	sdelay $0x2  }
0xb8: {  	s31 =	sshll.u32 s1, $0xD;
	s1 =	sshrl.u32 s1, $0x2  }
0xb9: {  	s3 =	sand.u32 $0x4000, s31;
	s1 =	sadd.s32 s1, s30  }
0xba: {  	s0 =	sor.u32 s3, s0;
	s1 =	sshll.u32 s1, $0x11  }
0xbb: {  	s0 =	sor.u32 s1, s0  }
0xbc: {  	s0 =	sadd.s32 $0x8F2B, s0  }
0xbd: {  	[sflag:s0] =	ssyncadd.remote.s32 $0x1  }
0xbe: {  	_ =	sfence.sel $0xFFFF  }
0xbf: {  	[dreg:$0x0] =	wrdreg $0xFFFFFFFF;
	(pc) =	sbr.abs _section_cstart, $3  }
0xc0: {  	[dreg:$0x1] =	wrdreg $0xFFFFFFFF  }
0xc1: {  	_ =	task.clear_ibuf [dreg:s7], $0x2FFFF;
	_ =	strace $0x9FFFFFFF  }
0xc2: {  	(tm) =	ssettm $0x7FFFFFFF  }
0xc3: {  	_ =	shalt  }
tec
execute0_lowered:
.L_overlay_start_1:
0x0: {  	(tag) =	ssettag $0x1  }
0x1: {  	s3 =	rddreg [dreg:$0x0]  }
0x2: {  	s4 =	rddreg [dreg:$0x1]  }
0x3: {  	s0 =	rddreg [dreg:$0x2];
	s2 =	simm.s32 $0x0;
	s5 =	srdreg.scid  }
0x4: {  	s1 =	stileid.u32;
	[smem:$0x7FF] =	sst s2  }
0x5: {  	s5 =	sand.u32 $0x1, s5;
	s6 =	sshll.u32 s1, $0x1;
	s7 =	smul.u32 $0x320, s1  }
0x6: {  	s8 =	ssub.s32 $0x2, s5;
	s6 =	sor.u32 s5, s6;
	s5 =	smul.u32 $0x190, s5  }
0x7: {  	v0 =	vlaneseq.u32;
	s3 =	sadd.s32 $0x800, s3;
	s9 =	sshrl.u32 s8, $0x1;
	s6 =	smul.u32 $0xC8, s6  }
0x8: {  	v1 =	vmul.u32 $0x4, v0;
	_ =	strace $0x80000047;
	s8 =	ssub.s32 s8, s9;
	s7 =	sadd.s32 s5, s7  }
0x9: {  	s9 =	simm.s32 $0x0;
	s4 =	sadd.s32 s4, s6;
	s5 =	smax.u32 s8, $0x1  }
0xa: {  	v2 =	vor.u32 $0x1, v1;
	v3 =	vor.u32 $0x2, v1;
	v4 =	vor.u32 $0x3, v1;
	s6 =	sadd.s32 $0x40, s7;
	s7 =	simm.s32 $0x1;
	s8 =	simm.s32 $0x3200  }
.LBB2_1:
0xb: {  	[tilespmem:s2], [sflag:$0x1] =	stream.linear.gather [hbm4b:s3+s2], $0x3200, $0x38;
	[tilespmem:$0x3880] =	vst v63  }
0xc: {  	_ =	swait.ge [sflag:s7], $0x3200  }
0xd: {  	[sflag:s7] =	ssyncset.done $0x0  }
0xe: {  	s10 =	simm.s32 $0x100;
	s11 =	smov.u32 s6;
	[sflag:s7] =	ssyncadd.s32 $0xFFFFCE00  }
.LBB2_2:
0xf: {  	s12 =	sadd.s32 $0xFFFFFFC0, s11  }
0x10: {  	v5 =	vor.u32 s12, v0;
	_ =	sdelay $0x4  }
0x11: {  	v5 =	vld.idx.msk [tilespmem:v5+s2+$0x0], $0xffff;
	_ =	sdelay $0x4  }
0x12: {  	v6 =	vshra.s32 v5, $0x5;
	_ =	sdelay $0x4  }
0x13: {  	v7 =	vld.idx.msk [tilespmem:v6+s2+$0x0], $0xffff;
	_ =	sdelay $0x4  }
0x14: {  	v8 =	vshra.s32 v7, $0x5;
	_ =	sdelay $0x4  }
0x15: {  	v9 =	vld.idx.msk [tilespmem:v8+s2+$0x0], $0xffff;
	_ =	sdelay $0x4  }
0x16: {  	v10 =	vshra.s32 v9, $0x5;
	_ =	sdelay $0x4  }
0x17: {  	v11 =	vld.idx.msk [tilespmem:v10+s2+$0x0], $0xffff;
	_ =	sdelay $0x4  }
0x18: {  	v12 =	vshra.s32 v11, $0x5;
	_ =	sdelay $0x4  }
0x19: {  	v13 =	vld.idx.msk [tilespmem:v12+s2+$0x0], $0xffff;
	_ =	sdelay $0x4  }
0x1a: {  	v14 =	vshra.s32 v13, $0x5;
	_ =	sdelay $0x4  }
0x1b: {  	v15 =	vld.idx.msk [tilespmem:v14+s2+$0x0], $0xffff;
	_ =	sdelay $0x4  }
0x1c: {  	v16 =	vshra.s32 v15, $0x5;
	_ =	sdelay $0x4  }
0x1d: {  	v17 =	vld.idx.msk [tilespmem:v16+s2+$0x0], $0xffff;
	_ =	sdelay $0x4  }
0x1e: {  	v18 =	vshra.s32 v17, $0x5;
	_ =	sdelay $0x4  }
0x1f: {  	v19 =	vld.idx.msk [tilespmem:v18+s2+$0x0], $0xffff;
	_ =	sdelay $0x4  }
0x20: {  	v20 =	vshra.s32 v19, $0x5;
	_ =	sdelay $0x4  }
0x21: {  	v21 =	vld.idx.msk [tilespmem:v20+s2+$0x0], $0xffff;
	_ =	sdelay $0x4  }
0x22: {  	v22 =	vshra.s32 v21, $0x5;
	_ =	sdelay $0x4  }
0x23: {  	v23 =	vld.idx.msk [tilespmem:v22+s2+$0x0], $0xffff;
	_ =	sdelay $0x4  }
0x24: {  	v24 =	vshra.s32 v23, $0x5;
	_ =	sdelay $0x4  }
0x25: {  	v25 =	vld.idx.msk [tilespmem:v24+s2+$0x0], $0xffff;
	_ =	sdelay $0x4  }
0x26: {  	v26 =	vshra.s32 v25, $0x5;
	_ =	sdelay $0x4  }
0x27: {  	v27 =	vld.idx.msk [tilespmem:v26+s2+$0x0], $0xffff;
	_ =	sdelay $0x4  }
0x28: {  	v28 =	vshra.s32 v27, $0x5;
	_ =	sdelay $0x4  }
0x29: {  	v29 =	vld.idx.msk [tilespmem:v28+s2+$0x0], $0xffff;
	_ =	sdelay $0x4  }
0x2a: {  	v30 =	vshra.s32 v29, $0x5;
	_ =	sdelay $0x1  }
0x2b: {  	v31 =	vmov s12;
	v5 =	vand.u32 $0x1F, v5  }
0x2c: {  	vm0 =	veq.s32 v31, v0;
	v5 =	vadd.s32 $0x1, v5;
	v7 =	vshll.u32 v7, $0x8  }
0x2d: {  	vm10 =	veq.s32 v6, $0x0;
	v7 =	vand.u32 $0x1F00, v7;
	v9 =	vshll.u32 v9, $0x10  }
0x2e: {  	v5 =	vsel vm0, $0x0, v5;
	v6 =	vadd.s32 $0x100, v7;
	v7 =	vand.u32 $0x1F0000, v9;
	v58 =	vld.idx.msk [tilespmem:v30+s2+$0x0], $0xffff  }
0x2f: {  	vm11 =	veq.s32 v8, $0x0;
	v6 =	vsel vm10, $0x0, v6;
	v7 =	vadd.s32 $0x10000, v7  }
0x30: {  	v5 =	vor.u32 v5, v6;
	v6 =	vsel vm11, $0x0, v7;
	v7 =	vshll.u32 v11, $0x18  }
0x31: {  	vm12 =	veq.s32 v10, $0x0;
	v5 =	vor.u32 v6, v5;
	v6 =	vand.u32 $0x1F000000, v7  }
0x32: {  	vm1 =	veq.s32 v12, $0x0;
	v6 =	vadd.s32 $0x1000000, v6;
	v7 =	vand.u32 $0x1F, v13  }
0x33: {  	v7 =	vadd.s32 $0x1, v7;
	v59 =	vshll.u32 v15, $0x8;
	v60 =	vshra.s32 v58, $0x5  }
0x34: {  	vm13 =	veq.s32 v14, $0x0;
	v8 =	vand.u32 $0x1F00, v59;
	v61 =	vshll.u32 v17, $0x10  }
0x35: {  	v7 =	vsel vm1, $0x0, v7;
	v8 =	vadd.s32 $0x100, v8;
	v11 =	vand.u32 $0x1F0000, v61  }
0x36: {  	vm14 =	veq.s32 v16, $0x0;
	v8 =	vsel vm13, $0x0, v8;
	v11 =	vadd.s32 $0x10000, v11  }
0x37: {  	v6 =	vsel vm12, $0x0, v6;
	v7 =	vor.u32 v7, v8;
	v62 =	vsel vm14, $0x0, v11  }
0x38: {  	s24 =	sadd.s32 $0xFFFFFF00, s10;
	s25 =	sadd.s32 $0xFFFFFFD0, s11;
	v5 =	vor.u32 v6, v5;
	v6 =	vor.u32 v62, v7;
	v7 =	vshll.u32 v19, $0x18;
	v63 =	vld.idx.msk [tilespmem:v60+s2+$0x0], $0xffff  }
0x39: {  	v32 =	vor.u32 s24, v4;
	v33 =	vor.u32 s25, v0;
	v7 =	vand.u32 $0x1F000000, v7  }
0x3a: {  	v31 =	vor.u32 s24, v3;
	vm15 =	veq.s32 v18, $0x0;
	v7 =	vadd.s32 $0x1000000, v7  }
0x3b: {  	vm4 =	veq.s32 v20, $0x0;
	v7 =	vsel vm15, $0x0, v7;
	v19 =	vand.u32 $0x1F, v21  }
0x3c: {  	v6 =	vor.u32 v7, v6;
	v11 =	vadd.s32 $0x1, v19;
	v21 =	vshll.u32 v23, $0x8  }
0x3d: {  	vm5 =	veq.s32 v22, $0x0;
	v12 =	vand.u32 $0x1F00, v21;
	v23 =	vshra.s32 v63, $0x5  }
0x3e: {  	v11 =	vsel vm4, $0x0, v11;
	v12 =	vadd.s32 $0x100, v12;
	v22 =	vshll.u32 v25, $0x10  }
0x3f: {  	vm6 =	veq.s32 v24, $0x0;
	v12 =	vsel vm5, $0x0, v12;
	v13 =	vand.u32 $0x1F0000, v22  }
0x40: {  	vm7 =	veq.s32 v26, $0x0;
	v13 =	vadd.s32 $0x10000, v13;
	v26 =	vshll.u32 v27, $0x18  }
0x41: {  	v7 =	vor.u32 v11, v12;
	v25 =	vsel vm6, $0x0, v13;
	v11 =	vand.u32 $0x1F000000, v26  }
0x42: {  	v7 =	vor.u32 v25, v7;
	vm8 =	veq.s32 v28, $0x0;
	v11 =	vadd.s32 $0x1000000, v11;
	v28 =	vld.idx.msk [tilespmem:v23+s2+$0x0], $0xffff  }
0x43: {  	v11 =	vsel vm7, $0x0, v11;
	v27 =	vand.u32 $0x1F, v29;
	v29 =	vor.u32 s24, v1  }
0x44: {  	v12 =	vadd.s32 $0x1, v27;
	vm9 =	veq.s32 v30, $0x0;
	v9 =	vshll.u32 v58, $0x8  }
0x45: {  	v12 =	vsel vm8, $0x0, v12;
	v30 =	vor.u32 s24, v2;
	v9 =	vand.u32 $0x1F00, v9  }
0x46: {  	vm10 =	veq.s32 v60, $0x0;
	v9 =	vadd.s32 $0x100, v9;
	v8 =	vshll.u32 v63, $0x10  }
0x47: {  	v9 =	vsel vm9, $0x0, v9;
	v8 =	vand.u32 $0x1F0000, v8;
	v13 =	vshll.u32 v28, $0x18  }
0x48: {  	v9 =	vor.u32 v12, v9;
	v8 =	vadd.s32 $0x10000, v8;
	v13 =	vand.u32 $0x1F000000, v13  }
0x49: {  	vm11 =	veq.s32 v23, $0x0;
	v8 =	vsel vm10, $0x0, v8;
	[tilespmem:v29+s8+$0x0] =	vst.idx.msk $0xffff, v5;
	v13 =	vadd.s32 $0x1000000, v13  }
0x4a: {  	v5 =	vor.u32 v11, v7;
	v7 =	vor.u32 v8, v9;
	[tilespmem:v30+s8+$0x0] =	vst.idx.msk $0xffff, v6;
	v34 =	vsel vm11, $0x0, v13  }
0x4b: {  	[tilespmem:v31+s8+$0x0] =	vst.idx.msk $0xffff, v5;
	v6 =	vor.u32 v34, v7  }
0x4c: {  	[tilespmem:v32+s8+$0x0] =	vst.idx.msk $0xffff, v6  }
0x4d: {  	v5 =	vld.idx.msk [tilespmem:v33+s2+$0x0], $0xffff;
	_ =	sdelay $0x4  }
0x4e: {  	v6 =	vshra.s32 v5, $0x5;
	_ =	sdelay $0x4  }
0x4f: {  	v7 =	vld.idx.msk [tilespmem:v6+s2+$0x0], $0xffff;
	_ =	sdelay $0x4  }
0x50: {  	v35 =	vshra.s32 v7, $0x5;
	_ =	sdelay $0x4  }
0x51: {  	v36 =	vld.idx.msk [tilespmem:v35+s2+$0x0], $0xffff;
	_ =	sdelay $0x4  }
0x52: {  	v37 =	vshra.s32 v36, $0x5;
	_ =	sdelay $0x4  }
0x53: {  	v38 =	vld.idx.msk [tilespmem:v37+s2+$0x0], $0xffff;
	_ =	sdelay $0x4  }
0x54: {  	v39 =	vshra.s32 v38, $0x5;
	_ =	sdelay $0x4  }
0x55: {  	v40 =	vld.idx.msk [tilespmem:v39+s2+$0x0], $0xffff;
	_ =	sdelay $0x4  }
0x56: {  	v41 =	vshra.s32 v40, $0x5;
	_ =	sdelay $0x4  }
0x57: {  	v15 =	vld.idx.msk [tilespmem:v41+s2+$0x0], $0xffff;
	_ =	sdelay $0x4  }
0x58: {  	v42 =	vshra.s32 v15, $0x5;
	_ =	sdelay $0x4  }
0x59: {  	v43 =	vld.idx.msk [tilespmem:v42+s2+$0x0], $0xffff;
	_ =	sdelay $0x4  }
0x5a: {  	v44 =	vshra.s32 v43, $0x5;
	_ =	sdelay $0x4  }
0x5b: {  	v45 =	vld.idx.msk [tilespmem:v44+s2+$0x0], $0xffff;
	_ =	sdelay $0x4  }
0x5c: {  	v46 =	vshra.s32 v45, $0x5;
	_ =	sdelay $0x4  }
0x5d: {  	v47 =	vld.idx.msk [tilespmem:v46+s2+$0x0], $0xffff;
	_ =	sdelay $0x4  }
0x5e: {  	v48 =	vshra.s32 v47, $0x5;
	_ =	sdelay $0x4  }
0x5f: {  	v49 =	vld.idx.msk [tilespmem:v48+s2+$0x0], $0xffff;
	_ =	sdelay $0x4  }
0x60: {  	v50 =	vshra.s32 v49, $0x5;
	_ =	sdelay $0x4  }
0x61: {  	v51 =	vld.idx.msk [tilespmem:v50+s2+$0x0], $0xffff;
	_ =	sdelay $0x4  }
0x62: {  	v52 =	vshra.s32 v51, $0x5;
	_ =	sdelay $0x4  }
0x63: {  	v53 =	vld.idx.msk [tilespmem:v52+s2+$0x0], $0xffff;
	_ =	sdelay $0x4  }
0x64: {  	v54 =	vshra.s32 v53, $0x5;
	_ =	sdelay $0x4  }
0x65: {  	v55 =	vld.idx.msk [tilespmem:v54+s2+$0x0], $0xffff;
	_ =	sdelay $0x4  }
0x66: {  	v56 =	vshra.s32 v55, $0x5;
	_ =	sdelay $0x1  }
0x67: {  	v57 =	vmov s25;
	v5 =	vand.u32 $0x1F, v5  }
0x68: {  	vm12 =	veq.s32 v57, v0;
	v5 =	vadd.s32 $0x1, v5;
	v7 =	vshll.u32 v7, $0x8  }
0x69: {  	vm13 =	veq.s32 v6, $0x0;
	v7 =	vand.u32 $0x1F00, v7;
	v9 =	vshll.u32 v36, $0x10  }
0x6a: {  	v5 =	vsel vm12, $0x0, v5;
	v6 =	vadd.s32 $0x100, v7;
	v7 =	vand.u32 $0x1F0000, v9;
	v58 =	vld.idx.msk [tilespmem:v56+s2+$0x0], $0xffff  }
0x6b: {  	vm14 =	veq.s32 v35, $0x0;
	v6 =	vsel vm13, $0x0, v6;
	v7 =	vadd.s32 $0x10000, v7  }
0x6c: {  	v5 =	vor.u32 v5, v6;
	v6 =	vsel vm14, $0x0, v7;
	v7 =	vshll.u32 v38, $0x18  }
0x6d: {  	vm15 =	veq.s32 v37, $0x0;
	v5 =	vor.u32 v6, v5;
	v6 =	vand.u32 $0x1F000000, v7  }
0x6e: {  	vm4 =	veq.s32 v39, $0x0;
	v6 =	vadd.s32 $0x1000000, v6;
	v7 =	vand.u32 $0x1F, v40  }
0x6f: {  	v7 =	vadd.s32 $0x1, v7;
	v59 =	vshll.u32 v15, $0x8;
	v60 =	vshra.s32 v58, $0x5  }
0x70: {  	vm5 =	veq.s32 v41, $0x0;
	v8 =	vand.u32 $0x1F00, v59;
	v61 =	vshll.u32 v43, $0x10  }
0x71: {  	v7 =	vsel vm4, $0x0, v7;
	v8 =	vadd.s32 $0x100, v8;
	v11 =	vand.u32 $0x1F0000, v61  }
0x72: {  	vm6 =	veq.s32 v42, $0x0;
	v8 =	vsel vm5, $0x0, v8;
	v11 =	vadd.s32 $0x10000, v11  }
0x73: {  	v6 =	vsel vm15, $0x0, v6;
	v7 =	vor.u32 v7, v8;
	v62 =	vsel vm6, $0x0, v11  }
0x74: {  	s26 =	sadd.s32 $0xFFFFFF40, s10;
	v5 =	vor.u32 v6, v5;
	v6 =	vor.u32 v62, v7;
	v7 =	vshll.u32 v45, $0x18;
	v63 =	vld.idx.msk [tilespmem:v60+s2+$0x0], $0xffff  }
0x75: {  	v29 =	vor.u32 s26, v1;
	v30 =	vor.u32 s26, v2;
	v7 =	vand.u32 $0x1F000000, v7  }
0x76: {  	s28 =	sadd.s32 $0xFFFFFFE0, s11;
	v31 =	vor.u32 s26, v3;
	vm7 =	veq.s32 v44, $0x0;
	v7 =	vadd.s32 $0x1000000, v7  }
0x77: {  	v32 =	vor.u32 s26, v4;
	v33 =	vor.u32 s28, v0;
	v7 =	vsel vm7, $0x0, v7  }
0x78: {  	vm8 =	veq.s32 v46, $0x0;
	v6 =	vor.u32 v7, v6;
	v19 =	vand.u32 $0x1F, v47  }
0x79: {  	v11 =	vadd.s32 $0x1, v19;
	v21 =	vshll.u32 v49, $0x8;
	v23 =	vshra.s32 v63, $0x5  }
0x7a: {  	vm9 =	veq.s32 v48, $0x0;
	v12 =	vand.u32 $0x1F00, v21;
	v22 =	vshll.u32 v51, $0x10  }
0x7b: {  	v11 =	vsel vm8, $0x0, v11;
	v12 =	vadd.s32 $0x100, v12;
	v13 =	vand.u32 $0x1F0000, v22  }
0x7c: {  	vm10 =	veq.s32 v50, $0x0;
	v12 =	vsel vm9, $0x0, v12;
	v13 =	vadd.s32 $0x10000, v13  }
0x7d: {  	v7 =	vor.u32 v11, v12;
	v25 =	vsel vm10, $0x0, v13;
	v26 =	vshll.u32 v53, $0x18  }
0x7e: {  	vm11 =	veq.s32 v52, $0x0;
	v7 =	vor.u32 v25, v7;
	v11 =	vand.u32 $0x1F000000, v26;
	v28 =	vld.idx.msk [tilespmem:v23+s2+$0x0], $0xffff  }
0x7f: {  	vm12 =	veq.s32 v54, $0x0;
	v11 =	vadd.s32 $0x1000000, v11;
	v27 =	vand.u32 $0x1F, v55  }
0x80: {  	v11 =	vsel vm11, $0x0, v11;
	v12 =	vadd.s32 $0x1, v27;
	v9 =	vshll.u32 v58, $0x8  }
0x81: {  	vm13 =	veq.s32 v56, $0x0;
	v12 =	vsel vm12, $0x0, v12;
	v9 =	vand.u32 $0x1F00, v9  }
0x82: {  	vm14 =	veq.s32 v60, $0x0;
	v9 =	vadd.s32 $0x100, v9;
	v8 =	vshll.u32 v63, $0x10  }
0x83: {  	v9 =	vsel vm13, $0x0, v9;
	v8 =	vand.u32 $0x1F0000, v8;
	v13 =	vshll.u32 v28, $0x18  }
0x84: {  	v9 =	vor.u32 v12, v9;
	v8 =	vadd.s32 $0x10000, v8;
	v13 =	vand.u32 $0x1F000000, v13  }
0x85: {  	vm15 =	veq.s32 v23, $0x0;
	v8 =	vsel vm14, $0x0, v8;
	[tilespmem:v29+s8+$0x0] =	vst.idx.msk $0xffff, v5;
	v13 =	vadd.s32 $0x1000000, v13  }
0x86: {  	v5 =	vor.u32 v11, v7;
	v7 =	vor.u32 v8, v9;
	[tilespmem:v30+s8+$0x0] =	vst.idx.msk $0xffff, v6;
	v34 =	vsel vm15, $0x0, v13  }
0x87: {  	[tilespmem:v31+s8+$0x0] =	vst.idx.msk $0xffff, v5;
	v6 =	vor.u32 v34, v7  }
0x88: {  	[tilespmem:v32+s8+$0x0] =	vst.idx.msk $0xffff, v6  }
0x89: {  	v5 =	vld.idx.msk [tilespmem:v33+s2+$0x0], $0xffff;
	_ =	sdelay $0x4  }
0x8a: {  	v6 =	vshra.s32 v5, $0x5;
	_ =	sdelay $0x4  }
0x8b: {  	v7 =	vld.idx.msk [tilespmem:v6+s2+$0x0], $0xffff;
	_ =	sdelay $0x4  }
0x8c: {  	v35 =	vshra.s32 v7, $0x5;
	_ =	sdelay $0x4  }
0x8d: {  	v36 =	vld.idx.msk [tilespmem:v35+s2+$0x0], $0xffff;
	_ =	sdelay $0x4  }
0x8e: {  	v37 =	vshra.s32 v36, $0x5;
	_ =	sdelay $0x4  }
0x8f: {  	v38 =	vld.idx.msk [tilespmem:v37+s2+$0x0], $0xffff;
	_ =	sdelay $0x4  }
0x90: {  	v39 =	vshra.s32 v38, $0x5;
	_ =	sdelay $0x4  }
0x91: {  	v40 =	vld.idx.msk [tilespmem:v39+s2+$0x0], $0xffff;
	_ =	sdelay $0x4  }
0x92: {  	v41 =	vshra.s32 v40, $0x5;
	_ =	sdelay $0x4  }
0x93: {  	v15 =	vld.idx.msk [tilespmem:v41+s2+$0x0], $0xffff;
	_ =	sdelay $0x4  }
0x94: {  	v42 =	vshra.s32 v15, $0x5;
	_ =	sdelay $0x4  }
0x95: {  	v43 =	vld.idx.msk [tilespmem:v42+s2+$0x0], $0xffff;
	_ =	sdelay $0x4  }
0x96: {  	v44 =	vshra.s32 v43, $0x5;
	_ =	sdelay $0x4  }
0x97: {  	v45 =	vld.idx.msk [tilespmem:v44+s2+$0x0], $0xffff;
	_ =	sdelay $0x4  }
0x98: {  	v46 =	vshra.s32 v45, $0x5;
	_ =	sdelay $0x4  }
0x99: {  	v47 =	vld.idx.msk [tilespmem:v46+s2+$0x0], $0xffff;
	_ =	sdelay $0x4  }
0x9a: {  	v48 =	vshra.s32 v47, $0x5;
	_ =	sdelay $0x4  }
0x9b: {  	v49 =	vld.idx.msk [tilespmem:v48+s2+$0x0], $0xffff;
	_ =	sdelay $0x4  }
0x9c: {  	v50 =	vshra.s32 v49, $0x5;
	_ =	sdelay $0x4  }
0x9d: {  	v51 =	vld.idx.msk [tilespmem:v50+s2+$0x0], $0xffff;
	_ =	sdelay $0x4  }
0x9e: {  	v52 =	vshra.s32 v51, $0x5;
	_ =	sdelay $0x4  }
0x9f: {  	v53 =	vld.idx.msk [tilespmem:v52+s2+$0x0], $0xffff;
	_ =	sdelay $0x4  }
0xa0: {  	v54 =	vshra.s32 v53, $0x5;
	_ =	sdelay $0x4  }
0xa1: {  	v55 =	vld.idx.msk [tilespmem:v54+s2+$0x0], $0xffff;
	_ =	sdelay $0x4  }
0xa2: {  	v56 =	vshra.s32 v55, $0x5;
	_ =	sdelay $0x1  }
0xa3: {  	v57 =	vmov s28;
	v5 =	vand.u32 $0x1F, v5  }
0xa4: {  	vm4 =	veq.s32 v57, v0;
	v5 =	vadd.s32 $0x1, v5;
	v7 =	vshll.u32 v7, $0x8  }
0xa5: {  	vm5 =	veq.s32 v6, $0x0;
	v7 =	vand.u32 $0x1F00, v7;
	v9 =	vshll.u32 v36, $0x10  }
0xa6: {  	v5 =	vsel vm4, $0x0, v5;
	v6 =	vadd.s32 $0x100, v7;
	v7 =	vand.u32 $0x1F0000, v9;
	v58 =	vld.idx.msk [tilespmem:v56+s2+$0x0], $0xffff  }
0xa7: {  	vm6 =	veq.s32 v35, $0x0;
	v6 =	vsel vm5, $0x0, v6;
	v7 =	vadd.s32 $0x10000, v7  }
0xa8: {  	v5 =	vor.u32 v5, v6;
	v6 =	vsel vm6, $0x0, v7;
	v7 =	vshll.u32 v38, $0x18  }
0xa9: {  	vm7 =	veq.s32 v37, $0x0;
	v5 =	vor.u32 v6, v5;
	v6 =	vand.u32 $0x1F000000, v7  }
0xaa: {  	vm8 =	veq.s32 v39, $0x0;
	v6 =	vadd.s32 $0x1000000, v6;
	v7 =	vand.u32 $0x1F, v40  }
0xab: {  	v7 =	vadd.s32 $0x1, v7;
	v59 =	vshll.u32 v15, $0x8;
	v60 =	vshra.s32 v58, $0x5  }
0xac: {  	vm9 =	veq.s32 v41, $0x0;
	v8 =	vand.u32 $0x1F00, v59;
	v61 =	vshll.u32 v43, $0x10  }
0xad: {  	v7 =	vsel vm8, $0x0, v7;
	v8 =	vadd.s32 $0x100, v8;
	v11 =	vand.u32 $0x1F0000, v61  }
0xae: {  	vm10 =	veq.s32 v42, $0x0;
	v8 =	vsel vm9, $0x0, v8;
	v11 =	vadd.s32 $0x10000, v11  }
0xaf: {  	v6 =	vsel vm7, $0x0, v6;
	v7 =	vor.u32 v7, v8;
	v62 =	vsel vm10, $0x0, v11  }
0xb0: {  	s29 =	sadd.s32 $0xFFFFFF80, s10;
	v5 =	vor.u32 v6, v5;
	v6 =	vor.u32 v62, v7;
	v7 =	vshll.u32 v45, $0x18;
	v63 =	vld.idx.msk [tilespmem:v60+s2+$0x0], $0xffff  }
0xb1: {  	v35 =	vor.u32 s29, v1;
	v36 =	vor.u32 s29, v2;
	v7 =	vand.u32 $0x1F000000, v7  }
0xb2: {  	s30 =	sadd.s32 $0xFFFFFFF0, s11;
	v37 =	vor.u32 s29, v3;
	vm11 =	veq.s32 v44, $0x0;
	v7 =	vadd.s32 $0x1000000, v7  }
0xb3: {  	v38 =	vor.u32 s29, v4;
	v39 =	vor.u32 s30, v0;
	v7 =	vsel vm11, $0x0, v7  }
0xb4: {  	vm12 =	veq.s32 v46, $0x0;
	v6 =	vor.u32 v7, v6;
	v19 =	vand.u32 $0x1F, v47  }
0xb5: {  	v11 =	vadd.s32 $0x1, v19;
	v21 =	vshll.u32 v49, $0x8;
	v25 =	vshra.s32 v63, $0x5  }
0xb6: {  	vm13 =	veq.s32 v48, $0x0;
	v12 =	vand.u32 $0x1F00, v21;
	v23 =	vshll.u32 v51, $0x10  }
0xb7: {  	v11 =	vsel vm12, $0x0, v11;
	v12 =	vadd.s32 $0x100, v12;
	v13 =	vand.u32 $0x1F0000, v23  }
0xb8: {  	vm14 =	veq.s32 v50, $0x0;
	v12 =	vsel vm13, $0x0, v12;
	v13 =	vadd.s32 $0x10000, v13  }
0xb9: {  	v7 =	vor.u32 v11, v12;
	v31 =	vsel vm14, $0x0, v13;
	v32 =	vshll.u32 v53, $0x18  }
0xba: {  	vm15 =	veq.s32 v52, $0x0;
	v7 =	vor.u32 v31, v7;
	v11 =	vand.u32 $0x1F000000, v32;
	v34 =	vld.idx.msk [tilespmem:v25+s2+$0x0], $0xffff  }
0xbb: {  	vm4 =	veq.s32 v54, $0x0;
	v11 =	vadd.s32 $0x1000000, v11;
	v33 =	vand.u32 $0x1F, v55  }
0xbc: {  	v11 =	vsel vm15, $0x0, v11;
	v12 =	vadd.s32 $0x1, v33;
	v9 =	vshll.u32 v58, $0x8  }
0xbd: {  	vm5 =	veq.s32 v56, $0x0;
	v12 =	vsel vm4, $0x0, v12;
	v9 =	vand.u32 $0x1F00, v9  }
0xbe: {  	vm6 =	veq.s32 v60, $0x0;
	v9 =	vadd.s32 $0x100, v9;
	v8 =	vshll.u32 v63, $0x10  }
0xbf: {  	v9 =	vsel vm5, $0x0, v9;
	v8 =	vand.u32 $0x1F0000, v8;
	v13 =	vshll.u32 v34, $0x18  }
0xc0: {  	v9 =	vor.u32 v12, v9;
	v8 =	vadd.s32 $0x10000, v8;
	v13 =	vand.u32 $0x1F000000, v13  }
0xc1: {  	vm7 =	veq.s32 v25, $0x0;
	v8 =	vsel vm6, $0x0, v8;
	[tilespmem:v35+s8+$0x0] =	vst.idx.msk $0xffff, v5;
	v13 =	vadd.s32 $0x1000000, v13  }
0xc2: {  	v5 =	vor.u32 v11, v7;
	v7 =	vor.u32 v8, v9;
	[tilespmem:v36+s8+$0x0] =	vst.idx.msk $0xffff, v6;
	v40 =	vsel vm7, $0x0, v13  }
0xc3: {  	[tilespmem:v37+s8+$0x0] =	vst.idx.msk $0xffff, v5;
	v6 =	vor.u32 v40, v7  }
0xc4: {  	[tilespmem:v38+s8+$0x0] =	vst.idx.msk $0xffff, v6  }
0xc5: {  	v5 =	vld.idx.msk [tilespmem:v39+s2+$0x0], $0xffff;
	_ =	sdelay $0x4  }
0xc6: {  	v6 =	vshra.s32 v5, $0x5;
	_ =	sdelay $0x4  }
0xc7: {  	v7 =	vld.idx.msk [tilespmem:v6+s2+$0x0], $0xffff;
	_ =	sdelay $0x4  }
0xc8: {  	v41 =	vshra.s32 v7, $0x5;
	_ =	sdelay $0x4  }
0xc9: {  	v42 =	vld.idx.msk [tilespmem:v41+s2+$0x0], $0xffff;
	_ =	sdelay $0x4  }
0xca: {  	v43 =	vshra.s32 v42, $0x5;
	_ =	sdelay $0x4  }
0xcb: {  	v44 =	vld.idx.msk [tilespmem:v43+s2+$0x0], $0xffff;
	_ =	sdelay $0x4  }
0xcc: {  	v45 =	vshra.s32 v44, $0x5;
	_ =	sdelay $0x4  }
0xcd: {  	v46 =	vld.idx.msk [tilespmem:v45+s2+$0x0], $0xffff;
	_ =	sdelay $0x4  }
0xce: {  	v47 =	vshra.s32 v46, $0x5;
	_ =	sdelay $0x4  }
0xcf: {  	v15 =	vld.idx.msk [tilespmem:v47+s2+$0x0], $0xffff;
	_ =	sdelay $0x4  }
0xd0: {  	v48 =	vshra.s32 v15, $0x5;
	_ =	sdelay $0x4  }
0xd1: {  	v49 =	vld.idx.msk [tilespmem:v48+s2+$0x0], $0xffff;
	_ =	sdelay $0x4  }
0xd2: {  	v50 =	vshra.s32 v49, $0x5;
	_ =	sdelay $0x4  }
0xd3: {  	v51 =	vld.idx.msk [tilespmem:v50+s2+$0x0], $0xffff;
	_ =	sdelay $0x4  }
0xd4: {  	v52 =	vshra.s32 v51, $0x5;
	_ =	sdelay $0x4  }
0xd5: {  	v53 =	vld.idx.msk [tilespmem:v52+s2+$0x0], $0xffff;
	_ =	sdelay $0x4  }
0xd6: {  	v54 =	vshra.s32 v53, $0x5;
	_ =	sdelay $0x4  }
0xd7: {  	v55 =	vld.idx.msk [tilespmem:v54+s2+$0x0], $0xffff;
	_ =	sdelay $0x4  }
0xd8: {  	v56 =	vshra.s32 v55, $0x5;
	_ =	sdelay $0x4  }
0xd9: {  	v57 =	vld.idx.msk [tilespmem:v56+s2+$0x0], $0xffff;
	_ =	sdelay $0x4  }
0xda: {  	v58 =	vshra.s32 v57, $0x5;
	_ =	sdelay $0x4  }
0xdb: {  	v59 =	vld.idx.msk [tilespmem:v58+s2+$0x0], $0xffff;
	_ =	sdelay $0x4  }
0xdc: {  	v60 =	vshra.s32 v59, $0x5;
	_ =	sdelay $0x4  }
0xdd: {  	v61 =	vld.idx.msk [tilespmem:v60+s2+$0x0], $0xffff;
	_ =	sdelay $0x4  }
0xde: {  	v62 =	vshra.s32 v61, $0x5;
	_ =	sdelay $0x1  }
0xdf: {  	v63 =	vmov s30;
	v5 =	vand.u32 $0x1F, v5  }
0xe0: {  	vm8 =	veq.s32 v63, v0;
	v5 =	vadd.s32 $0x1, v5;
	v7 =	vshll.u32 v7, $0x8  }
0xe1: {  	vm9 =	veq.s32 v6, $0x0;
	v7 =	vand.u32 $0x1F00, v7;
	v9 =	vshll.u32 v42, $0x10  }
0xe2: {  	v5 =	vsel vm8, $0x0, v5;
	v6 =	vadd.s32 $0x100, v7;
	v7 =	vand.u32 $0x1F0000, v9;
	v31 =	vld.idx.msk [tilespmem:v62+s2+$0x0], $0xffff  }
0xe3: {  	vm10 =	veq.s32 v41, $0x0;
	v6 =	vsel vm9, $0x0, v6;
	v7 =	vadd.s32 $0x10000, v7  }
0xe4: {  	v5 =	vor.u32 v5, v6;
	v6 =	vsel vm10, $0x0, v7;
	v7 =	vshll.u32 v44, $0x18  }
0xe5: {  	vm11 =	veq.s32 v43, $0x0;
	v5 =	vor.u32 v6, v5;
	v6 =	vand.u32 $0x1F000000, v7  }
0xe6: {  	vm12 =	veq.s32 v45, $0x0;
	v6 =	vadd.s32 $0x1000000, v6;
	v7 =	vand.u32 $0x1F, v46  }
0xe7: {  	v7 =	vadd.s32 $0x1, v7;
	v32 =	vshll.u32 v15, $0x8;
	v33 =	vshra.s32 v31, $0x5  }
0xe8: {  	vm13 =	veq.s32 v47, $0x0;
	v8 =	vand.u32 $0x1F00, v32;
	v34 =	vshll.u32 v49, $0x10  }
0xe9: {  	v7 =	vsel vm12, $0x0, v7;
	v8 =	vadd.s32 $0x100, v8;
	v11 =	vand.u32 $0x1F0000, v34  }
0xea: {  	vm14 =	veq.s32 v48, $0x0;
	v8 =	vsel vm13, $0x0, v8;
	v11 =	vadd.s32 $0x10000, v11  }
0xeb: {  	v6 =	vsel vm11, $0x0, v6;
	v7 =	vor.u32 v7, v8;
	v35 =	vsel vm14, $0x0, v11  }
0xec: {  	s31 =	sadd.s32 $0xFFFFFFC0, s10;
	v5 =	vor.u32 v6, v5;
	v6 =	vor.u32 v35, v7;
	v7 =	vshll.u32 v51, $0x18;
	v36 =	vld.idx.msk [tilespmem:v33+s2+$0x0], $0xffff  }
0xed: {  	v45 =	vor.u32 s31, v1;
	v46 =	vor.u32 s31, v2;
	v7 =	vand.u32 $0x1F000000, v7  }
0xee: {  	v47 =	vor.u32 s31, v3;
	vm15 =	veq.s32 v50, $0x0;
	v7 =	vadd.s32 $0x1000000, v7  }
0xef: {  	v48 =	vor.u32 s31, v4;
	v49 =	vor.u32 s11, v0;
	v7 =	vsel vm15, $0x0, v7  }
0xf0: {  	vm4 =	veq.s32 v52, $0x0;
	v6 =	vor.u32 v7, v6;
	v37 =	vand.u32 $0x1F, v53  }
0xf1: {  	v11 =	vadd.s32 $0x1, v37;
	v38 =	vshll.u32 v55, $0x8;
	v40 =	vshra.s32 v36, $0x5  }
0xf2: {  	vm5 =	veq.s32 v54, $0x0;
	v12 =	vand.u32 $0x1F00, v38;
	v39 =	vshll.u32 v57, $0x10  }
0xf3: {  	v11 =	vsel vm4, $0x0, v11;
	v12 =	vadd.s32 $0x100, v12;
	v13 =	vand.u32 $0x1F0000, v39  }
0xf4: {  	vm6 =	veq.s32 v56, $0x0;
	v12 =	vsel vm5, $0x0, v12;
	v13 =	vadd.s32 $0x10000, v13  }
0xf5: {  	v7 =	vor.u32 v11, v12;
	v41 =	vsel vm6, $0x0, v13;
	v42 =	vshll.u32 v59, $0x18  }
0xf6: {  	vm7 =	veq.s32 v58, $0x0;
	v7 =	vor.u32 v41, v7;
	v11 =	vand.u32 $0x1F000000, v42;
	v44 =	vld.idx.msk [tilespmem:v40+s2+$0x0], $0xffff  }
0xf7: {  	vm8 =	veq.s32 v60, $0x0;
	v11 =	vadd.s32 $0x1000000, v11;
	v43 =	vand.u32 $0x1F, v61  }
0xf8: {  	v11 =	vsel vm7, $0x0, v11;
	v12 =	vadd.s32 $0x1, v43;
	v9 =	vshll.u32 v31, $0x8  }
0xf9: {  	vm9 =	veq.s32 v62, $0x0;
	v12 =	vsel vm8, $0x0, v12;
	v9 =	vand.u32 $0x1F00, v9  }
0xfa: {  	vm10 =	veq.s32 v33, $0x0;
	v9 =	vadd.s32 $0x100, v9;
	v8 =	vshll.u32 v36, $0x10  }
0xfb: {  	v9 =	vsel vm9, $0x0, v9;
	v8 =	vand.u32 $0x1F0000, v8;
	v13 =	vshll.u32 v44, $0x18  }
0xfc: {  	v9 =	vor.u32 v12, v9;
	v8 =	vadd.s32 $0x10000, v8;
	v13 =	vand.u32 $0x1F000000, v13  }
0xfd: {  	vm11 =	veq.s32 v40, $0x0;
	v8 =	vsel vm10, $0x0, v8;
	[tilespmem:v45+s8+$0x0] =	vst.idx.msk $0xffff, v5;
	v13 =	vadd.s32 $0x1000000, v13  }
0xfe: {  	v5 =	vor.u32 v11, v7;
	v7 =	vor.u32 v8, v9;
	[tilespmem:v46+s8+$0x0] =	vst.idx.msk $0xffff, v6;
	v50 =	vsel vm11, $0x0, v13  }
0xff: {  	[tilespmem:v47+s8+$0x0] =	vst.idx.msk $0xffff, v5;
	v6 =	vor.u32 v50, v7  }
0x100: {  	[tilespmem:v48+s8+$0x0] =	vst.idx.msk $0xffff, v6  }
0x101: {  	v5 =	vld.idx.msk [tilespmem:v49+s2+$0x0], $0xffff;
	_ =	sdelay $0x4  }
0x102: {  	v6 =	vshra.s32 v5, $0x5;
	_ =	sdelay $0x4  }
0x103: {  	v7 =	vld.idx.msk [tilespmem:v6+s2+$0x0], $0xffff;
	_ =	sdelay $0x4  }
0x104: {  	v51 =	vshra.s32 v7, $0x5;
	_ =	sdelay $0x4  }
0x105: {  	v52 =	vld.idx.msk [tilespmem:v51+s2+$0x0], $0xffff;
	_ =	sdelay $0x4  }
0x106: {  	v53 =	vshra.s32 v52, $0x5;
	_ =	sdelay $0x4  }
0x107: {  	v54 =	vld.idx.msk [tilespmem:v53+s2+$0x0], $0xffff;
	_ =	sdelay $0x4  }
0x108: {  	v55 =	vshra.s32 v54, $0x5;
	_ =	sdelay $0x4  }
0x109: {  	v56 =	vld.idx.msk [tilespmem:v55+s2+$0x0], $0xffff;
	_ =	sdelay $0x4  }
0x10a: {  	v57 =	vshra.s32 v56, $0x5;
	_ =	sdelay $0x4  }
0x10b: {  	v15 =	vld.idx.msk [tilespmem:v57+s2+$0x0], $0xffff;
	_ =	sdelay $0x4  }
0x10c: {  	v58 =	vshra.s32 v15, $0x5;
	_ =	sdelay $0x4  }
0x10d: {  	v59 =	vld.idx.msk [tilespmem:v58+s2+$0x0], $0xffff;
	_ =	sdelay $0x4  }
0x10e: {  	v60 =	vshra.s32 v59, $0x5;
	_ =	sdelay $0x4  }
0x10f: {  	v61 =	vld.idx.msk [tilespmem:v60+s2+$0x0], $0xffff;
	_ =	sdelay $0x4  }
0x110: {  	v62 =	vshra.s32 v61, $0x5;
	_ =	sdelay $0x4  }
0x111: {  	v63 =	vld.idx.msk [tilespmem:v62+s2+$0x0], $0xffff;
	_ =	sdelay $0x4  }
0x112: {  	v33 =	vshra.s32 v63, $0x5;
	_ =	sdelay $0x4  }
0x113: {  	v34 =	vld.idx.msk [tilespmem:v33+s2+$0x0], $0xffff;
	_ =	sdelay $0x4  }
0x114: {  	v35 =	vshra.s32 v34, $0x5;
	_ =	sdelay $0x4  }
0x115: {  	v36 =	vld.idx.msk [tilespmem:v35+s2+$0x0], $0xffff;
	_ =	sdelay $0x4  }
0x116: {  	v37 =	vshra.s32 v36, $0x5;
	_ =	sdelay $0x4  }
0x117: {  	v38 =	vld.idx.msk [tilespmem:v37+s2+$0x0], $0xffff;
	_ =	sdelay $0x4  }
0x118: {  	v39 =	vshra.s32 v38, $0x5;
	_ =	sdelay $0x4  }
0x119: {  	v40 =	vld.idx.msk [tilespmem:v39+s2+$0x0], $0xffff;
	_ =	sdelay $0x4  }
0x11a: {  	v41 =	vshra.s32 v40, $0x5;
	_ =	sdelay $0x1  }
0x11b: {  	v42 =	vmov s11;
	v7 =	vshll.u32 v7, $0x8  }
0x11c: {  	vm12 =	veq.s32 v42, v0;
	v5 =	vand.u32 $0x1F, v5;
	v7 =	vand.u32 $0x1F00, v7  }
0x11d: {  	v5 =	vadd.s32 $0x1, v5;
	vm13 =	veq.s32 v6, $0x0;
	v6 =	vadd.s32 $0x100, v7  }
0x11e: {  	v5 =	vsel vm12, $0x0, v5;
	v6 =	vsel vm13, $0x0, v6;
	v7 =	vshll.u32 v52, $0x10;
	v43 =	vld.idx.msk [tilespmem:v41+s2+$0x0], $0xffff  }
0x11f: {  	v5 =	vor.u32 v5, v6;
	v6 =	vand.u32 $0x1F0000, v7  }
0x120: {  	vm14 =	veq.s32 v51, $0x0;
	v6 =	vadd.s32 $0x10000, v6;
	v7 =	vshll.u32 v54, $0x18  }
0x121: {  	vm15 =	veq.s32 v53, $0x0;
	v6 =	vsel vm14, $0x0, v6;
	v7 =	vand.u32 $0x1F000000, v7  }
0x122: {  	v5 =	vor.u32 v6, v5;
	vm4 =	veq.s32 v55, $0x0;
	v7 =	vadd.s32 $0x1000000, v7  }
0x123: {  	v6 =	vsel vm15, $0x0, v7;
	v44 =	vshll.u32 v15, $0x8;
	v45 =	vshra.s32 v43, $0x5  }
0x124: {  	v5 =	vor.u32 v6, v5;
	v7 =	vand.u32 $0x1F, v56;
	v8 =	vand.u32 $0x1F00, v44  }
0x125: {  	v7 =	vadd.s32 $0x1, v7;
	vm5 =	veq.s32 v57, $0x0;
	v8 =	vadd.s32 $0x100, v8  }
0x126: {  	v7 =	vsel vm4, $0x0, v7;
	v57 =	vor.u32 s10, v1;
	v6 =	vsel vm5, $0x0, v8  }
0x127: {  	vm6 =	veq.s32 v58, $0x0;
	v6 =	vor.u32 v7, v6;
	v46 =	vshll.u32 v59, $0x10  }
0x128: {  	v58 =	vor.u32 s10, v2;
	v7 =	vand.u32 $0x1F0000, v46;
	v47 =	vshll.u32 v61, $0x18;
	v48 =	vld.idx.msk [tilespmem:v45+s2+$0x0], $0xffff  }
0x129: {  	v59 =	vor.u32 s10, v3;
	v7 =	vadd.s32 $0x10000, v7;
	v8 =	vand.u32 $0x1F000000, v47  }
0x12a: {  	vm7 =	veq.s32 v60, $0x0;
	v7 =	vsel vm6, $0x0, v7;
	v8 =	vadd.s32 $0x1000000, v8  }
0x12b: {  	v6 =	vor.u32 v7, v6;
	v60 =	vor.u32 s10, v4;
	v7 =	vsel vm7, $0x0, v8  }
0x12c: {  	vm8 =	veq.s32 v62, $0x0;
	v6 =	vor.u32 v7, v6;
	v49 =	vand.u32 $0x1F, v63  }
0x12d: {  	v8 =	vadd.s32 $0x1, v49;
	v50 =	vshll.u32 v34, $0x8;
	v52 =	vshra.s32 v48, $0x5  }
0x12e: {  	vm9 =	veq.s32 v33, $0x0;
	v12 =	vand.u32 $0x1F00, v50;
	v51 =	vshll.u32 v36, $0x10  }
0x12f: {  	v8 =	vsel vm8, $0x0, v8;
	v12 =	vadd.s32 $0x100, v12;
	v13 =	vand.u32 $0x1F0000, v51  }
0x130: {  	vm10 =	veq.s32 v35, $0x0;
	v12 =	vsel vm9, $0x0, v12;
	v13 =	vadd.s32 $0x10000, v13  }
0x131: {  	v8 =	vor.u32 v8, v12;
	v13 =	vsel vm10, $0x0, v13;
	v53 =	vshll.u32 v38, $0x18  }
0x132: {  	vm11 =	veq.s32 v37, $0x0;
	v8 =	vor.u32 v13, v8;
	v15 =	vand.u32 $0x1F000000, v53;
	v55 =	vld.idx.msk [tilespmem:v52+s2+$0x0], $0xffff  }
0x133: {  	vm12 =	veq.s32 v39, $0x0;
	v15 =	vadd.s32 $0x1000000, v15;
	v54 =	vand.u32 $0x1F, v40  }
0x134: {  	v7 =	vsel vm11, $0x0, v15;
	v15 =	vadd.s32 $0x1, v54;
	v9 =	vshll.u32 v43, $0x8  }
0x135: {  	vm13 =	veq.s32 v41, $0x0;
	v56 =	vsel vm12, $0x0, v15;
	v9 =	vand.u32 $0x1F00, v9  }
0x136: {  	vm14 =	veq.s32 v45, $0x0;
	v9 =	vadd.s32 $0x100, v9;
	v11 =	vshll.u32 v48, $0x10  }
0x137: {  	p0 =	sne.s32 s10, $0x600;
	v9 =	vsel vm13, $0x0, v9;
	v11 =	vand.u32 $0x1F0000, v11;
	v16 =	vshll.u32 v55, $0x18  }
.Ltmp0:
0x138: {  	v9 =	vor.u32 v56, v9;
	v61 =	vadd.s32 $0x10000, v11;
	v62 =	vand.u32 $0x1F000000, v16;
	(pc) =	sbr.rel @p0 .LBB2_2-.Ltmp0, $4  }
0x139: {  	vm15 =	veq.s32 v52, $0x0;
	[tilespmem:v57+s8+$0x0] =	vst.idx.msk $0xffff, v5;
	v5 =	vsel vm14, $0x0, v61;
	v63 =	vadd.s32 $0x1000000, v62  }
0x13a: {  	[tilespmem:v58+s8+$0x0] =	vst.idx.msk $0xffff, v6;
	v6 =	vor.u32 v7, v8;
	v5 =	vor.u32 v5, v9;
	v7 =	vsel vm15, $0x0, v63  }
0x13b: {  	[tilespmem:v59+s8+$0x0] =	vst.idx.msk $0xffff, v6;
	v5 =	vor.u32 v7, v5  }
0x13c: {  	s11 =	sadd.s32 $0x50, s11;
	s10 =	sadd.s32 $0x140, s10;
	[tilespmem:v60+s8+$0x0] =	vst.idx.msk $0xffff, v5  }
0x13d: {  	s9 =	sadd.s32 $0x1, s9  }
0x13e: {  	p0 =	sne.s32 s9, s5  }
.Ltmp1:
0x13f: {  	_ = 	snop;
	(pc) =	sbr.rel @p0 .LBB2_1-.Ltmp1, $4  }
0x140: {  	[hbm4b:s4+s2] =	stream.linear.scatter [tilespmem:s8], [sflag:$0x1], $0x640, $0x38;
	[tilespmem:$0x3880] =	vst v63  }
0x141: {  	_ =	swait.ge [sflag:s7], $0x640  }
0x142: {  	[sflag:s7] =	ssyncset.done $0x0  }
0x143: {  	[sflag:s7] =	ssyncadd.s32 $0xFFFFF9C0  }
0x144: {  	_ =	sfence.sel $0x180000  }
0x145: {  	[bflag:$0x0] =	sbarrier.arrive $0xFFFF  }
0x146: {  	p0 =	sne.s32 s1, $0x0;
	_ =	strace $0x90000047  }
0x147: {  	s0 =	sadd.s32 @!p0 $0x100000, s0;
	[bflag:$0x2] =	sbarrier.arrive $0xFFFF  }
0x148: {  	[sflag:s0] =	ssyncadd.tile.s32 @!p0 $0x1;
	_ =	shalt  }
.Lfunc_end2:
_tile_overlayer_lowered:
.L_overlay_start_2:
0x149: {  	(tag) =	ssettag $0x2  }
0x14a: {  	s0 =	rddreg [dreg:$0x0];
	s2 =	stileid.u32  }
0x14b: {  	s1 =	rddreg [dreg:$0x1];
	p0 =	sne.s32 s2, $0x0  }
0x14c: {  	s3 =	rddreg [dreg:$0x2];
	[bflag:$0x3] =	sbarrier.arrive $0xFFFF;
	s2 =	simm.s32 @!p0 $0x1C01  }
0x14d: {  	[timem:s3], [sflag:s2] =	dma.local @!p0 [hbm:s0], s1  }
0x14e: {  	s0 =	simm.s32 @!p0 $0x1  }
0x14f: {  	_ =	swait.ge @!p0 [sflag:s0], s1  }
0x150: {  	s1 =	ssub.s32 @!p0 $0x0, s1;
	[sflag:s0] =	ssyncset.done @!p0 $0x0  }
0x151: {  	[sflag:s0] =	ssyncadd.s32 @!p0 s1  }
0x152: {  	[bflag:$0x3] =	sbarrier.arrive $0xFFFF  }
0x153: {  	_ =	shalt  }

// kernel: kernel.9.cloned.1.call-start
scs
__scs_entry_jumppad:
0x0: {  	(pc) =	sbr.rel $0x88, $3  }
0x1: {  	(tag) =	ssettag $0x0;
	lr =	simm.s32 $0x1  }
0x2: {  	[smem:$0x3F9F] =	sst lr;
	_ =	strace $0xD0000000  }
0x3: {  	_ = 	snop  }
0x4: {  	_ = 	snop  }
0x5: {  	_ = 	snop  }
0x6: {  	_ = 	snop  }
0x7: {  	_ = 	snop  }
__scs_overlays_trampoline_lowered:
0x8: {  	[smem:$0x3FAE] =	sst s0  }
0x9: {  	[smem:$0x3FAF] =	sst s1  }
0xa: {  	[smem:$0x3FB0] =	sst s2  }
0xb: {  	[smem:$0x3FB1] =	sst s3  }
0xc: {  	[smem:$0x3FB2] =	sst s4  }
0xd: {  	[smem:$0x3FB3] =	sst s5  }
0xe: {  	[smem:$0x3FB4] =	sst s6  }
0xf: {  	[smem:$0x3FB5] =	sst s7  }
0x10: {  	[smem:$0x3FB6] =	sst s8  }
0x11: {  	[smem:$0x3FB7] =	sst s9;
	s0 =	simm.s32 @!p0 $0x0  }
0x12: {  	s1 =	sld [smem:$0x3F9D];
	s0 =	simm.s32 @p0 $0x1  }
0x13: {  	[smem:$0x3FB8] =	sst s0;
	s0 =	simm.s32 @!p1 $0x0  }
0x14: {  	s2 =	sld [smem:$0x3F9C];
	s0 =	simm.s32 @p1 $0x1  }
0x15: {  	[smem:$0x3FB9] =	sst s0;
	s0 =	simm.s32 @!p2 $0x0  }
0x16: {  	s3 =	sld [smem:$0x3FDB];
	s0 =	simm.s32 @p2 $0x1  }
0x17: {  	s4 =	simm.s32 $0x1BF5;
	[smem:$0x3FBB] =	sst s0  }
0x18: {  	s0 =	sld [smem:$0x3F9E];
	_ =	swait.ge [sflag:s4], $0x0  }
0x19: {  	s7 =	sld [smem:$0x3F9F]  }
0x1a: {  	s8 =	sadd.s32 $0xFFFFE003, lr  }
0x1b: {  	s9 =	sadd.s32 $0xFFFFFEF7, lr;
	s5 =	simm.s32 $0xFFFFFFFF;
	p2 =	slt.u32 s8, $0xFFFFF086  }
0x1c: {  	p1 =	slt.u32 s9, $0xF7A;
	s5 =	simm.s32 @!p2 $0x0  }
0x1d: {  	s5 =	simm.s32 @p1 $0x1;
	p0 =	seq.s32 s7, s2  }
0x1e: {  	s7 =	smul.u32 @!p0 $0xF7A, s2;
	p2 =	seq.s32 @!p0 s5, $0x0  }
0x1f: {  	s9 =	smul.u32 $0xF7A, s1;
	s8 =	simm.s32 @!p0 $0x1BF5;
	p2 =	por !p2, p0  }
0x20: {  	[sflag:s8] =	ssyncset.s32 @!p0 $0xFFFFF086;
	s6 =	sadd.s32 @!p0 s3, s7;
	s7 =	simm.s32 @!p0 $0x108  }
0x21: {  	s3 =	sadd.s32 s3, s9;
	s6 =	sadd.s32 @!p0 $0x88, s6;
	s7 =	simm.s32 @p2 $0x1082  }
0x22: {  	[simem:s7], [sflag:s8] =	dma.local @!p0 [hbm:s6], $0xF7A  }
0x23: {  	s9 =	sor.u32 $0xD0000000, s2;
	s6 =	simm.s32 $0x108;
	_ =	swait.ge @!p0 [sflag:s8], $0x0  }
0x24: {  	s3 =	sadd.s32 $0x88, s3;
	s6 =	simm.s32 @!p1 $0x1082;
	[sflag:s4] =	ssyncset.s32 $0xFFFFF086  }
0x25: {  	[simem:s6], [sflag:s4] =	dma.local [hbm:s3], $0xF7A  }
0x26: {  	[smem:$0x3F9F] =	sst s1;
	(tag) =	ssettag s2;
	_ =	strace s9  }
0x27: {  	s1 =	sld [smem:$0x3FAF]  }
0x28: {  	s2 =	sld [smem:$0x3FB0]  }
0x29: {  	s4 =	sld [smem:$0x3FB2]  }
0x2a: {  	p0 =	seq.s32 s5, $0x0;
	s5 =	sld [smem:$0x3FB3]  }
0x2b: {  	s6 =	sld [smem:$0x3FB4]  }
0x2c: {  	s7 =	sld [smem:$0x3FB5]  }
0x2d: {  	s3 =	simm.s32 $0x108;
	s8 =	sld [smem:$0x3FB6]  }
0x2e: {  	s3 =	simm.s32 @!p0 $0x1082;
	s9 =	sld [smem:$0x3FB7]  }
0x2f: {  	lr =	sadd.s32 s0, s3;
	s0 =	sld [smem:$0x3FAE]  }
0x30: {  	s3 =	sld [smem:$0x3FB1]  }
0x31: {  	[smem:$0x3FBA] =	sst s10  }
0x32: {  	s10 =	sld [smem:$0x3FB8];
	_ =	sdelay $0x3  }
0x33: {  	p0 =	seq.s32 s10, $0x1;
	s10 =	sld [smem:$0x3FBA];
	_ =	sdelay $0x3  }
0x34: {  	[smem:$0x3FBA] =	sst s10  }
0x35: {  	s10 =	sld [smem:$0x3FB9];
	_ =	sdelay $0x3  }
0x36: {  	p1 =	seq.s32 s10, $0x1;
	s10 =	sld [smem:$0x3FBA];
	_ =	sdelay $0x3  }
0x37: {  	[smem:$0x3FBA] =	sst s10  }
0x38: {  	s10 =	sld [smem:$0x3FBB]  }
0x39: {  	_ = 	snop;
	(pc) =	sbr.ind lr, $3  }
0x3a: {  	_ = 	snop  }
0x3b: {  	_ = 	snop  }
0x3c: {  	p2 =	seq.s32 s10, $0x1;
	s10 =	sld [smem:$0x3FBA]  }
0x3d: {  	_ =	shalt  }
0x3e: {  	_ =	shalt  }
0x3f: {  	_ =	shalt  }
0x40: {  	_ =	shalt  }
0x41: {  	_ =	shalt  }
0x42: {  	_ =	shalt  }
0x43: {  	_ =	shalt  }
0x44: {  	_ =	shalt  }
0x45: {  	_ =	shalt  }
0x46: {  	_ =	shalt  }
0x47: {  	_ =	shalt  }
0x48: {  	_ =	shalt  }
0x49: {  	_ =	shalt  }
0x4a: {  	_ =	shalt  }
0x4b: {  	_ =	shalt  }
0x4c: {  	_ =	shalt  }
0x4d: {  	_ =	shalt  }
0x4e: {  	_ =	shalt  }
0x4f: {  	_ =	shalt  }
0x50: {  	_ =	shalt  }
0x51: {  	_ =	shalt  }
0x52: {  	_ =	shalt  }
0x53: {  	_ =	shalt  }
0x54: {  	_ =	shalt  }
0x55: {  	_ =	shalt  }
0x56: {  	_ =	shalt  }
0x57: {  	_ =	shalt  }
0x58: {  	_ =	shalt  }
0x59: {  	_ =	shalt  }
0x5a: {  	_ =	shalt  }
0x5b: {  	_ =	shalt  }
0x5c: {  	_ =	shalt  }
0x5d: {  	_ =	shalt  }
0x5e: {  	_ =	shalt  }
0x5f: {  	_ =	shalt  }
0x60: {  	_ =	shalt  }
0x61: {  	_ =	shalt  }
0x62: {  	_ =	shalt  }
0x63: {  	_ =	shalt  }
0x64: {  	_ =	shalt  }
0x65: {  	_ =	shalt  }
0x66: {  	_ =	shalt  }
0x67: {  	_ =	shalt  }
0x68: {  	_ =	shalt  }
0x69: {  	_ =	shalt  }
0x6a: {  	_ =	shalt  }
0x6b: {  	_ =	shalt  }
0x6c: {  	_ =	shalt  }
0x6d: {  	_ =	shalt  }
0x6e: {  	_ =	shalt  }
0x6f: {  	_ =	shalt  }
0x70: {  	_ =	shalt  }
0x71: {  	_ =	shalt  }
0x72: {  	_ =	shalt  }
0x73: {  	_ =	shalt  }
0x74: {  	_ =	shalt  }
0x75: {  	_ =	shalt  }
0x76: {  	_ =	shalt  }
0x77: {  	_ =	shalt  }
0x78: {  	_ =	shalt  }
0x79: {  	_ =	shalt  }
0x7a: {  	_ =	shalt  }
0x7b: {  	_ =	shalt  }
0x7c: {  	_ =	shalt  }
0x7d: {  	_ =	shalt  }
0x7e: {  	_ =	shalt  }
0x7f: {  	_ =	shalt  }
0x80: {  	_ =	shalt  }
0x81: {  	_ =	shalt  }
0x82: {  	_ =	shalt  }
0x83: {  	_ =	shalt  }
0x84: {  	_ =	shalt  }
0x85: {  	_ =	shalt  }
0x86: {  	_ =	shalt  }
0x87: {  	_ =	shalt  }
.Lfunc_end0:
.L_simem_size_0:
called_computation.1_lowered:
.L_overlay_start_0:
0x88: {  	s2 =	sld [smem:$0x3FD9]  }
0x89: {  	s3 =	sld [smem:$0x3FFE];
	_ =	sdelay $0x1  }
0x8a: {  	s1 =	srdreg.scid  }
0x8b: {  	s0 =	sand.u32 $0x1, s1  }
0x8c: {  	s17 =	sshll.u32 s0, $0xA;
	s2 =	sadd.s32 s3, s2  }
0x8d: {  	s2 =	sadd.s32 s2, s17  }
0x8e: {  	[smem:$0x3FC6] =	sst s2  }
0x8f: {  	_ = 	snop  }
0x90: {  	(tm) =	ssettm $0x1  }
0x91: {  	s18 =	sld [smem:$0x3FFB];
	_ =	sdelay $0x3  }
0x92: {  	_ =	strace s18  }
0x93: {  	s2 =	sld [smem:$0x3FFC];
	_ =	sdelay $0x3  }
0x94: {  	_ =	strace s2  }
0x95: {  	s2 =	sld [smem:$0x3FFD];
	_ =	sdelay $0x3  }
0x96: {  	_ =	strace s2  }
0x97: {  	_ =	strace $0x8FFFFFFF  }
0x98: {  	s19 =	sld [smem:$0x3FDB];
	_ =	sdelay $0x1  }
0x99: {  	s20 =	simm.s32 $_scs_section_size  }
0x9a: {  	s4 =	simm.s32 $_size__tile_overlayer_lowered;
	s5 =	simm.s32 $_tile_overlayer_lowered  }
0x9b: {  	s6 =	simm.s32 $0x1BFF;
	s21 =	sshll.u32 s5, $0x1;
	s3 =	sadd.s32 s20, s19  }
0x9c: {  	s22 =	simm.s32 $0x0;
	s4 =	sshll.u32 s4, $0x1;
	s5 =	sadd.s32 s21, s3  }
0x9d: {  	[timem:s22], [sflag:s6] =	dma.local [hbm:s5], s4  }
0x9e: {  	_ =	swait.ge [sflag:s6], s4  }
0x9f: {  	s4 =	ssub.s32 $0x0, s4;
	[sflag:s6] =	ssyncset.done $0x0  }
0xa0: {  	[sflag:s6] =	ssyncadd.s32 s4;
	_ =	sdelay $0x1  }
0xa1: {  	s23 =	simm.s32 $0x1B8B  }
0xa2: {  	_ =	swait.ge [sflag:s23], $0x1  }
0xa3: {  	[sflag:s23] =	ssyncset.done $0x0  }
0xa4: {  	[sflag:s23] =	ssyncadd.s32 $0xFFFFFFFF  }
0xa5: {  	s4 =	sld [smem:$0x0]  }
0xa6: {  	s5 =	sand.u32 $0xFFFFFFFE, s1  }
0xa7: {  	p0 =	sne.s32 s1, s5  }
0xa8: {  	s5 =	sshll.u32 @p0 s5, $0xE  }
0xa9: {  	s5 =	sadd.s32 @p0 $0x11B8D, s5;
	s6 =	sshll.u32 @p0 s4, $0x11  }
0xaa: {  	s5 =	sor.u32 @p0 s6, s5  }
0xab: {  	[sflag:s5] =	ssyncadd.remote.s32 @p0 $0x1;
	_ =	sdelay $0x1  }
0xac: {  	s5 =	simm.s32 @p0 $0x1B8D  }
0xad: {  	_ =	swait.eq @p0 [sflag:s5], $0x1  }
0xae: {  	[sflag:s5] =	ssyncadd.s32 @p0 $0xFFFFFFFF  }
0xaf: {  	s6 =	sshll.u32 @!p0 s1, $0xE  }
0xb0: {  	s6 =	sor.u32 @!p0 $0x4000, s6;
	s5 =	simm.s32 @!p0 $0x1B8D  }
0xb1: {  	s4 =	sshll.u32 @!p0 s4, $0x11;
	s6 =	sadd.s32 @!p0 $0x11B8D, s6;
	_ =	swait.eq @!p0 [sflag:s5], $0x1  }
0xb2: {  	s4 =	sor.u32 @!p0 s4, s6;
	[sflag:s5] =	ssyncadd.s32 @!p0 $0xFFFFFFFF  }
0xb3: {  	s25 =	simm.s32 $0x1B8E;
	s24 =	sld [smem:$0x3FFE];
	[sflag:s4] =	ssyncadd.remote.s32 @!p0 $0x1  }
0xb4: {  	s26 =	simm.s32 $execute0_lowered;
	[smem:$0x3FD2] =	sst s25  }
0xb5: {  	s5 =	sshll.u32 s26, $0x1;
	_ =	strace $0x80000049;
	[dreg:$0x1] =	wrdreg $0xFFFFFFFF  }
0xb6: {  	s28 =	simm.s32 $_size_execute0_lowered;
	s3 =	sadd.s32 s3, s5;
	[dreg:$0x0] =	wrdreg $0x0  }
0xb7: {  	s5 =	sshll.u32 s28, $0x1;
	[dreg:$0x2] =	wrdreg s3  }
0xb8: {  	[dreg:$0x3] =	wrdreg s5  }
0xb9: {  	[dreg:$0x4] =	wrdreg $0xC0  }
0xba: {  	_ =	task [dreg:s22], $0x5FFFF  }
0xbb: {  	[dreg:$0x1] =	wrdreg $0xFFFFFFFF  }
0xbc: {  	[dreg:$0x0] =	wrdreg $0x60  }
0xbd: {  	[dreg:$0x2] =	wrdreg s24  }
0xbe: {  	[dreg:$0x3] =	wrdreg $0xA  }
0xbf: {  	_ =	task.clear_ibuf [dreg:s22], $0x4FFFF;
	_ =	strace $0x90000049  }
0xc0: {  	s29 =	simm.s32 $0xA;
	_ =	strace $0x8000004B  }
0xc1: {  	_ =	swait.ge [sflag:s29], $0x1  }
0xc2: {  	[sflag:s29] =	ssyncadd.s32 $0xFFFFFFFF  }
0xc3: {  	_ =	strace $0x9000004B  }
0xc4: {  	_ =	sfence  }
0xc5: {  	s30 =	sld [smem:$0x0];
	_ =	sdelay $0x2  }
0xc6: {  	s31 =	sshll.u32 s1, $0xD;
	s1 =	sshrl.u32 s1, $0x2  }
0xc7: {  	s4 =	sand.u32 $0x4000, s31;
	s1 =	sadd.s32 s1, s30  }
0xc8: {  	s0 =	sor.u32 s4, s0;
	s1 =	sshll.u32 s1, $0x11  }
0xc9: {  	s0 =	sor.u32 s1, s0  }
0xca: {  	s0 =	sadd.s32 $0x8F2B, s0  }
0xcb: {  	[sflag:s0] =	ssyncadd.remote.s32 $0x1  }
0xcc: {  	_ =	sfence.sel $0xFFFF  }
0xcd: {  	[dreg:$0x0] =	wrdreg $0xFFFFFFFF;
	(pc) =	sbr.abs _section_cstart, $3  }
0xce: {  	[dreg:$0x1] =	wrdreg $0xFFFFFFFF  }
0xcf: {  	_ =	task.clear_ibuf [dreg:s22], $0x2FFFF;
	_ =	strace $0x9FFFFFFF  }
0xd0: {  	(tm) =	ssettm $0x7FFFFFFF  }
0xd1: {  	_ =	shalt  }
tec
execute0_lowered:
.L_overlay_start_1:
0x0: {  	(tag) =	ssettag $0x1  }
0x1: {  	s1 =	srdreg.scid  }
0x2: {  	s0 =	stileid.u32;
	s4 =	rddreg [dreg:$0x0];
	s2 =	simm.s32 $0x0  }
0x3: {  	s3 =	sand.u32 $0x1, s1;
	s30 =	sshll.u32 s0, $0x1;
	s6 =	smul.u32 $0x15E0, s0  }
0x4: {  	[smem:$0x7FF] =	sst s2;
	s1 =	sor.u32 s3, s30;
	s8 =	smul.u32 $0xAF0, s3  }
0x5: {  	s7 =	ssub.s32 $0x2, s3;
	s3 =	sadd.s32 $0x800, s4;
	s5 =	smul.u32 $0x578, s1  }
0x6: {  	v0 =	vlaneseq.u32;
	s1 =	rddreg [dreg:$0x1];
	_ =	strace $0x8000004A;
	s9 =	sshrl.u32 s7, $0x1  }
0x7: {  	v1 =	vmul.u32 $0x4, v0;
	s31 =	ssub.s32 s7, s9;
	s6 =	sadd.s32 s8, s6;
	s7 =	simm.s32 $0x1  }
0x8: {  	s8 =	simm.s32 $0x19000;
	s9 =	simm.s32 $0x0;
	s4 =	sadd.s32 s5, s4  }
0x9: {  	v2 =	vor.u32 $0x1, v1;
	v3 =	vor.u32 $0x2, v1;
	v4 =	vor.u32 $0x3, v1;
	s5 =	smax.u32 s31, $0x1;
	s6 =	sadd.s32 $0x3240, s6;
	s4 =	sadd.s32 $0x3A00, s4  }
.LBB2_1:
0xa: {  	[tilespmem:s2], [sflag:$0x1] =	stream.linear.gather [hbm4b:s3+s2], $0x19000, $0x38;
	[tilespmem:$0x1BC00] =	vst v63  }
0xb: {  	_ =	swait.ge [sflag:s7], $0x19000  }
0xc: {  	[sflag:s7] =	ssyncset.done $0x0  }
0xd: {  	s10 =	simm.s32 $0x100;
	s11 =	smov.u32 s6;
	[sflag:s7] =	ssyncadd.s32 $0xFFFE7000  }
.LBB2_2:
0xe: {  	s12 =	sadd.s32 $0xFFFFFFC0, s11  }
0xf: {  	v5 =	vor.u32 s12, v0;
	_ =	sdelay $0x4  }
0x10: {  	v5 =	vld.idx.msk [tilespmem:v5+s2+$0x0], $0xffff;
	_ =	sdelay $0x4  }
0x11: {  	v6 =	vshra.s32 v5, $0x5;
	_ =	sdelay $0x4  }
0x12: {  	v7 =	vld.idx.msk [tilespmem:v6+s2+$0x0], $0xffff;
	_ =	sdelay $0x4  }
0x13: {  	v8 =	vshra.s32 v7, $0x5;
	_ =	sdelay $0x4  }
0x14: {  	v9 =	vld.idx.msk [tilespmem:v8+s2+$0x0], $0xffff;
	_ =	sdelay $0x4  }
0x15: {  	v10 =	vshra.s32 v9, $0x5;
	_ =	sdelay $0x4  }
0x16: {  	v11 =	vld.idx.msk [tilespmem:v10+s2+$0x0], $0xffff;
	_ =	sdelay $0x4  }
0x17: {  	v12 =	vshra.s32 v11, $0x5;
	_ =	sdelay $0x4  }
0x18: {  	v13 =	vld.idx.msk [tilespmem:v12+s2+$0x0], $0xffff;
	_ =	sdelay $0x4  }
0x19: {  	v14 =	vshra.s32 v13, $0x5;
	_ =	sdelay $0x4  }
0x1a: {  	v15 =	vld.idx.msk [tilespmem:v14+s2+$0x0], $0xffff;
	_ =	sdelay $0x4  }
0x1b: {  	v16 =	vshra.s32 v15, $0x5;
	_ =	sdelay $0x4  }
0x1c: {  	v17 =	vld.idx.msk [tilespmem:v16+s2+$0x0], $0xffff;
	_ =	sdelay $0x4  }
0x1d: {  	v18 =	vshra.s32 v17, $0x5;
	_ =	sdelay $0x4  }
0x1e: {  	v19 =	vld.idx.msk [tilespmem:v18+s2+$0x0], $0xffff;
	_ =	sdelay $0x4  }
0x1f: {  	v20 =	vshra.s32 v19, $0x5;
	_ =	sdelay $0x4  }
0x20: {  	v21 =	vld.idx.msk [tilespmem:v20+s2+$0x0], $0xffff;
	_ =	sdelay $0x4  }
0x21: {  	v22 =	vshra.s32 v21, $0x5;
	_ =	sdelay $0x4  }
0x22: {  	v23 =	vld.idx.msk [tilespmem:v22+s2+$0x0], $0xffff;
	_ =	sdelay $0x4  }
0x23: {  	v24 =	vshra.s32 v23, $0x5;
	_ =	sdelay $0x4  }
0x24: {  	v25 =	vld.idx.msk [tilespmem:v24+s2+$0x0], $0xffff;
	_ =	sdelay $0x4  }
0x25: {  	v26 =	vshra.s32 v25, $0x5;
	_ =	sdelay $0x4  }
0x26: {  	v27 =	vld.idx.msk [tilespmem:v26+s2+$0x0], $0xffff;
	_ =	sdelay $0x4  }
0x27: {  	v28 =	vshra.s32 v27, $0x5;
	_ =	sdelay $0x4  }
0x28: {  	v29 =	vld.idx.msk [tilespmem:v28+s2+$0x0], $0xffff;
	_ =	sdelay $0x4  }
0x29: {  	v30 =	vshra.s32 v29, $0x5;
	_ =	sdelay $0x1  }
0x2a: {  	v31 =	vmov s12;
	v5 =	vand.u32 $0x1F, v5  }
0x2b: {  	vm0 =	veq.s32 v31, v0;
	v5 =	vadd.s32 $0x1, v5;
	v7 =	vshll.u32 v7, $0x8  }
0x2c: {  	vm10 =	veq.s32 v6, $0x0;
	v7 =	vand.u32 $0x1F00, v7;
	v9 =	vshll.u32 v9, $0x10  }
0x2d: {  	v5 =	vsel vm0, $0x0, v5;
	v6 =	vadd.s32 $0x100, v7;
	v7 =	vand.u32 $0x1F0000, v9;
	v58 =	vld.idx.msk [tilespmem:v30+s2+$0x0], $0xffff  }
0x2e: {  	vm11 =	veq.s32 v8, $0x0;
	v6 =	vsel vm10, $0x0, v6;
	v7 =	vadd.s32 $0x10000, v7  }
0x2f: {  	v5 =	vor.u32 v5, v6;
	v6 =	vsel vm11, $0x0, v7;
	v7 =	vshll.u32 v11, $0x18  }
0x30: {  	vm12 =	veq.s32 v10, $0x0;
	v5 =	vor.u32 v6, v5;
	v6 =	vand.u32 $0x1F000000, v7  }
0x31: {  	vm1 =	veq.s32 v12, $0x0;
	v6 =	vadd.s32 $0x1000000, v6;
	v7 =	vand.u32 $0x1F, v13  }
0x32: {  	v7 =	vadd.s32 $0x1, v7;
	v59 =	vshll.u32 v15, $0x8;
	v60 =	vshra.s32 v58, $0x5  }
0x33: {  	vm13 =	veq.s32 v14, $0x0;
	v8 =	vand.u32 $0x1F00, v59;
	v61 =	vshll.u32 v17, $0x10  }
0x34: {  	v7 =	vsel vm1, $0x0, v7;
	v8 =	vadd.s32 $0x100, v8;
	v11 =	vand.u32 $0x1F0000, v61  }
0x35: {  	vm14 =	veq.s32 v16, $0x0;
	v8 =	vsel vm13, $0x0, v8;
	v11 =	vadd.s32 $0x10000, v11  }
0x36: {  	v6 =	vsel vm12, $0x0, v6;
	v7 =	vor.u32 v7, v8;
	v62 =	vsel vm14, $0x0, v11  }
0x37: {  	s24 =	sadd.s32 $0xFFFFFF00, s10;
	s25 =	sadd.s32 $0xFFFFFFD0, s11;
	v5 =	vor.u32 v6, v5;
	v6 =	vor.u32 v62, v7;
	v7 =	vshll.u32 v19, $0x18;
	v63 =	vld.idx.msk [tilespmem:v60+s2+$0x0], $0xffff  }
0x38: {  	v32 =	vor.u32 s24, v4;
	v33 =	vor.u32 s25, v0;
	v7 =	vand.u32 $0x1F000000, v7  }
0x39: {  	v31 =	vor.u32 s24, v3;
	vm15 =	veq.s32 v18, $0x0;
	v7 =	vadd.s32 $0x1000000, v7  }
0x3a: {  	vm4 =	veq.s32 v20, $0x0;
	v7 =	vsel vm15, $0x0, v7;
	v19 =	vand.u32 $0x1F, v21  }
0x3b: {  	v6 =	vor.u32 v7, v6;
	v11 =	vadd.s32 $0x1, v19;
	v21 =	vshll.u32 v23, $0x8  }
0x3c: {  	vm5 =	veq.s32 v22, $0x0;
	v12 =	vand.u32 $0x1F00, v21;
	v23 =	vshra.s32 v63, $0x5  }
0x3d: {  	v11 =	vsel vm4, $0x0, v11;
	v12 =	vadd.s32 $0x100, v12;
	v22 =	vshll.u32 v25, $0x10  }
0x3e: {  	vm6 =	veq.s32 v24, $0x0;
	v12 =	vsel vm5, $0x0, v12;
	v13 =	vand.u32 $0x1F0000, v22  }
0x3f: {  	vm7 =	veq.s32 v26, $0x0;
	v13 =	vadd.s32 $0x10000, v13;
	v26 =	vshll.u32 v27, $0x18  }
0x40: {  	v7 =	vor.u32 v11, v12;
	v25 =	vsel vm6, $0x0, v13;
	v11 =	vand.u32 $0x1F000000, v26  }
0x41: {  	v7 =	vor.u32 v25, v7;
	vm8 =	veq.s32 v28, $0x0;
	v11 =	vadd.s32 $0x1000000, v11;
	v28 =	vld.idx.msk [tilespmem:v23+s2+$0x0], $0xffff  }
0x42: {  	v11 =	vsel vm7, $0x0, v11;
	v27 =	vand.u32 $0x1F, v29;
	v29 =	vor.u32 s24, v1  }
0x43: {  	v12 =	vadd.s32 $0x1, v27;
	vm9 =	veq.s32 v30, $0x0;
	v9 =	vshll.u32 v58, $0x8  }
0x44: {  	v12 =	vsel vm8, $0x0, v12;
	v30 =	vor.u32 s24, v2;
	v9 =	vand.u32 $0x1F00, v9  }
0x45: {  	vm10 =	veq.s32 v60, $0x0;
	v9 =	vadd.s32 $0x100, v9;
	v8 =	vshll.u32 v63, $0x10  }
0x46: {  	v9 =	vsel vm9, $0x0, v9;
	v8 =	vand.u32 $0x1F0000, v8;
	v13 =	vshll.u32 v28, $0x18  }
0x47: {  	v9 =	vor.u32 v12, v9;
	v8 =	vadd.s32 $0x10000, v8;
	v13 =	vand.u32 $0x1F000000, v13  }
0x48: {  	vm11 =	veq.s32 v23, $0x0;
	v8 =	vsel vm10, $0x0, v8;
	[tilespmem:v29+s8+$0x0] =	vst.idx.msk $0xffff, v5;
	v13 =	vadd.s32 $0x1000000, v13  }
0x49: {  	v5 =	vor.u32 v11, v7;
	v7 =	vor.u32 v8, v9;
	[tilespmem:v30+s8+$0x0] =	vst.idx.msk $0xffff, v6;
	v34 =	vsel vm11, $0x0, v13  }
0x4a: {  	[tilespmem:v31+s8+$0x0] =	vst.idx.msk $0xffff, v5;
	v6 =	vor.u32 v34, v7  }
0x4b: {  	[tilespmem:v32+s8+$0x0] =	vst.idx.msk $0xffff, v6  }
0x4c: {  	v5 =	vld.idx.msk [tilespmem:v33+s2+$0x0], $0xffff;
	_ =	sdelay $0x4  }
0x4d: {  	v6 =	vshra.s32 v5, $0x5;
	_ =	sdelay $0x4  }
0x4e: {  	v7 =	vld.idx.msk [tilespmem:v6+s2+$0x0], $0xffff;
	_ =	sdelay $0x4  }
0x4f: {  	v35 =	vshra.s32 v7, $0x5;
	_ =	sdelay $0x4  }
0x50: {  	v36 =	vld.idx.msk [tilespmem:v35+s2+$0x0], $0xffff;
	_ =	sdelay $0x4  }
0x51: {  	v37 =	vshra.s32 v36, $0x5;
	_ =	sdelay $0x4  }
0x52: {  	v38 =	vld.idx.msk [tilespmem:v37+s2+$0x0], $0xffff;
	_ =	sdelay $0x4  }
0x53: {  	v39 =	vshra.s32 v38, $0x5;
	_ =	sdelay $0x4  }
0x54: {  	v40 =	vld.idx.msk [tilespmem:v39+s2+$0x0], $0xffff;
	_ =	sdelay $0x4  }
0x55: {  	v41 =	vshra.s32 v40, $0x5;
	_ =	sdelay $0x4  }
0x56: {  	v15 =	vld.idx.msk [tilespmem:v41+s2+$0x0], $0xffff;
	_ =	sdelay $0x4  }
0x57: {  	v42 =	vshra.s32 v15, $0x5;
	_ =	sdelay $0x4  }
0x58: {  	v43 =	vld.idx.msk [tilespmem:v42+s2+$0x0], $0xffff;
	_ =	sdelay $0x4  }
0x59: {  	v44 =	vshra.s32 v43, $0x5;
	_ =	sdelay $0x4  }
0x5a: {  	v45 =	vld.idx.msk [tilespmem:v44+s2+$0x0], $0xffff;
	_ =	sdelay $0x4  }
0x5b: {  	v46 =	vshra.s32 v45, $0x5;
	_ =	sdelay $0x4  }
0x5c: {  	v47 =	vld.idx.msk [tilespmem:v46+s2+$0x0], $0xffff;
	_ =	sdelay $0x4  }
0x5d: {  	v48 =	vshra.s32 v47, $0x5;
	_ =	sdelay $0x4  }
0x5e: {  	v49 =	vld.idx.msk [tilespmem:v48+s2+$0x0], $0xffff;
	_ =	sdelay $0x4  }
0x5f: {  	v50 =	vshra.s32 v49, $0x5;
	_ =	sdelay $0x4  }
0x60: {  	v51 =	vld.idx.msk [tilespmem:v50+s2+$0x0], $0xffff;
	_ =	sdelay $0x4  }
0x61: {  	v52 =	vshra.s32 v51, $0x5;
	_ =	sdelay $0x4  }
0x62: {  	v53 =	vld.idx.msk [tilespmem:v52+s2+$0x0], $0xffff;
	_ =	sdelay $0x4  }
0x63: {  	v54 =	vshra.s32 v53, $0x5;
	_ =	sdelay $0x4  }
0x64: {  	v55 =	vld.idx.msk [tilespmem:v54+s2+$0x0], $0xffff;
	_ =	sdelay $0x4  }
0x65: {  	v56 =	vshra.s32 v55, $0x5;
	_ =	sdelay $0x1  }
0x66: {  	v57 =	vmov s25;
	v5 =	vand.u32 $0x1F, v5  }
0x67: {  	vm12 =	veq.s32 v57, v0;
	v5 =	vadd.s32 $0x1, v5;
	v7 =	vshll.u32 v7, $0x8  }
0x68: {  	vm13 =	veq.s32 v6, $0x0;
	v7 =	vand.u32 $0x1F00, v7;
	v9 =	vshll.u32 v36, $0x10  }
0x69: {  	v5 =	vsel vm12, $0x0, v5;
	v6 =	vadd.s32 $0x100, v7;
	v7 =	vand.u32 $0x1F0000, v9;
	v58 =	vld.idx.msk [tilespmem:v56+s2+$0x0], $0xffff  }
0x6a: {  	vm14 =	veq.s32 v35, $0x0;
	v6 =	vsel vm13, $0x0, v6;
	v7 =	vadd.s32 $0x10000, v7  }
0x6b: {  	v5 =	vor.u32 v5, v6;
	v6 =	vsel vm14, $0x0, v7;
	v7 =	vshll.u32 v38, $0x18  }
0x6c: {  	vm15 =	veq.s32 v37, $0x0;
	v5 =	vor.u32 v6, v5;
	v6 =	vand.u32 $0x1F000000, v7  }
0x6d: {  	vm4 =	veq.s32 v39, $0x0;
	v6 =	vadd.s32 $0x1000000, v6;
	v7 =	vand.u32 $0x1F, v40  }
0x6e: {  	v7 =	vadd.s32 $0x1, v7;
	v59 =	vshll.u32 v15, $0x8;
	v60 =	vshra.s32 v58, $0x5  }
0x6f: {  	vm5 =	veq.s32 v41, $0x0;
	v8 =	vand.u32 $0x1F00, v59;
	v61 =	vshll.u32 v43, $0x10  }
0x70: {  	v7 =	vsel vm4, $0x0, v7;
	v8 =	vadd.s32 $0x100, v8;
	v11 =	vand.u32 $0x1F0000, v61  }
0x71: {  	vm6 =	veq.s32 v42, $0x0;
	v8 =	vsel vm5, $0x0, v8;
	v11 =	vadd.s32 $0x10000, v11  }
0x72: {  	v6 =	vsel vm15, $0x0, v6;
	v7 =	vor.u32 v7, v8;
	v62 =	vsel vm6, $0x0, v11  }
0x73: {  	s26 =	sadd.s32 $0xFFFFFF40, s10;
	v5 =	vor.u32 v6, v5;
	v6 =	vor.u32 v62, v7;
	v7 =	vshll.u32 v45, $0x18;
	v63 =	vld.idx.msk [tilespmem:v60+s2+$0x0], $0xffff  }
0x74: {  	v29 =	vor.u32 s26, v1;
	v30 =	vor.u32 s26, v2;
	v7 =	vand.u32 $0x1F000000, v7  }
0x75: {  	s28 =	sadd.s32 $0xFFFFFFE0, s11;
	v31 =	vor.u32 s26, v3;
	vm7 =	veq.s32 v44, $0x0;
	v7 =	vadd.s32 $0x1000000, v7  }
0x76: {  	v32 =	vor.u32 s26, v4;
	v33 =	vor.u32 s28, v0;
	v7 =	vsel vm7, $0x0, v7  }
0x77: {  	vm8 =	veq.s32 v46, $0x0;
	v6 =	vor.u32 v7, v6;
	v19 =	vand.u32 $0x1F, v47  }
0x78: {  	v11 =	vadd.s32 $0x1, v19;
	v21 =	vshll.u32 v49, $0x8;
	v23 =	vshra.s32 v63, $0x5  }
0x79: {  	vm9 =	veq.s32 v48, $0x0;
	v12 =	vand.u32 $0x1F00, v21;
	v22 =	vshll.u32 v51, $0x10  }
0x7a: {  	v11 =	vsel vm8, $0x0, v11;
	v12 =	vadd.s32 $0x100, v12;
	v13 =	vand.u32 $0x1F0000, v22  }
0x7b: {  	vm10 =	veq.s32 v50, $0x0;
	v12 =	vsel vm9, $0x0, v12;
	v13 =	vadd.s32 $0x10000, v13  }
0x7c: {  	v7 =	vor.u32 v11, v12;
	v25 =	vsel vm10, $0x0, v13;
	v26 =	vshll.u32 v53, $0x18  }
0x7d: {  	vm11 =	veq.s32 v52, $0x0;
	v7 =	vor.u32 v25, v7;
	v11 =	vand.u32 $0x1F000000, v26;
	v28 =	vld.idx.msk [tilespmem:v23+s2+$0x0], $0xffff  }
0x7e: {  	vm12 =	veq.s32 v54, $0x0;
	v11 =	vadd.s32 $0x1000000, v11;
	v27 =	vand.u32 $0x1F, v55  }
0x7f: {  	v11 =	vsel vm11, $0x0, v11;
	v12 =	vadd.s32 $0x1, v27;
	v9 =	vshll.u32 v58, $0x8  }
0x80: {  	vm13 =	veq.s32 v56, $0x0;
	v12 =	vsel vm12, $0x0, v12;
	v9 =	vand.u32 $0x1F00, v9  }
0x81: {  	vm14 =	veq.s32 v60, $0x0;
	v9 =	vadd.s32 $0x100, v9;
	v8 =	vshll.u32 v63, $0x10  }
0x82: {  	v9 =	vsel vm13, $0x0, v9;
	v8 =	vand.u32 $0x1F0000, v8;
	v13 =	vshll.u32 v28, $0x18  }
0x83: {  	v9 =	vor.u32 v12, v9;
	v8 =	vadd.s32 $0x10000, v8;
	v13 =	vand.u32 $0x1F000000, v13  }
0x84: {  	vm15 =	veq.s32 v23, $0x0;
	v8 =	vsel vm14, $0x0, v8;
	[tilespmem:v29+s8+$0x0] =	vst.idx.msk $0xffff, v5;
	v13 =	vadd.s32 $0x1000000, v13  }
0x85: {  	v5 =	vor.u32 v11, v7;
	v7 =	vor.u32 v8, v9;
	[tilespmem:v30+s8+$0x0] =	vst.idx.msk $0xffff, v6;
	v34 =	vsel vm15, $0x0, v13  }
0x86: {  	[tilespmem:v31+s8+$0x0] =	vst.idx.msk $0xffff, v5;
	v6 =	vor.u32 v34, v7  }
0x87: {  	[tilespmem:v32+s8+$0x0] =	vst.idx.msk $0xffff, v6  }
0x88: {  	v5 =	vld.idx.msk [tilespmem:v33+s2+$0x0], $0xffff;
	_ =	sdelay $0x4  }
0x89: {  	v6 =	vshra.s32 v5, $0x5;
	_ =	sdelay $0x4  }
0x8a: {  	v7 =	vld.idx.msk [tilespmem:v6+s2+$0x0], $0xffff;
	_ =	sdelay $0x4  }
0x8b: {  	v35 =	vshra.s32 v7, $0x5;
	_ =	sdelay $0x4  }
0x8c: {  	v36 =	vld.idx.msk [tilespmem:v35+s2+$0x0], $0xffff;
	_ =	sdelay $0x4  }
0x8d: {  	v37 =	vshra.s32 v36, $0x5;
	_ =	sdelay $0x4  }
0x8e: {  	v38 =	vld.idx.msk [tilespmem:v37+s2+$0x0], $0xffff;
	_ =	sdelay $0x4  }
0x8f: {  	v39 =	vshra.s32 v38, $0x5;
	_ =	sdelay $0x4  }
0x90: {  	v40 =	vld.idx.msk [tilespmem:v39+s2+$0x0], $0xffff;
	_ =	sdelay $0x4  }
0x91: {  	v41 =	vshra.s32 v40, $0x5;
	_ =	sdelay $0x4  }
0x92: {  	v15 =	vld.idx.msk [tilespmem:v41+s2+$0x0], $0xffff;
	_ =	sdelay $0x4  }
0x93: {  	v42 =	vshra.s32 v15, $0x5;
	_ =	sdelay $0x4  }
0x94: {  	v43 =	vld.idx.msk [tilespmem:v42+s2+$0x0], $0xffff;
	_ =	sdelay $0x4  }
0x95: {  	v44 =	vshra.s32 v43, $0x5;
	_ =	sdelay $0x4  }
0x96: {  	v45 =	vld.idx.msk [tilespmem:v44+s2+$0x0], $0xffff;
	_ =	sdelay $0x4  }
0x97: {  	v46 =	vshra.s32 v45, $0x5;
	_ =	sdelay $0x4  }
0x98: {  	v47 =	vld.idx.msk [tilespmem:v46+s2+$0x0], $0xffff;
	_ =	sdelay $0x4  }
0x99: {  	v48 =	vshra.s32 v47, $0x5;
	_ =	sdelay $0x4  }
0x9a: {  	v49 =	vld.idx.msk [tilespmem:v48+s2+$0x0], $0xffff;
	_ =	sdelay $0x4  }
0x9b: {  	v50 =	vshra.s32 v49, $0x5;
	_ =	sdelay $0x4  }
0x9c: {  	v51 =	vld.idx.msk [tilespmem:v50+s2+$0x0], $0xffff;
	_ =	sdelay $0x4  }
0x9d: {  	v52 =	vshra.s32 v51, $0x5;
	_ =	sdelay $0x4  }
0x9e: {  	v53 =	vld.idx.msk [tilespmem:v52+s2+$0x0], $0xffff;
	_ =	sdelay $0x4  }
0x9f: {  	v54 =	vshra.s32 v53, $0x5;
	_ =	sdelay $0x4  }
0xa0: {  	v55 =	vld.idx.msk [tilespmem:v54+s2+$0x0], $0xffff;
	_ =	sdelay $0x4  }
0xa1: {  	v56 =	vshra.s32 v55, $0x5;
	_ =	sdelay $0x1  }
0xa2: {  	v57 =	vmov s28;
	v5 =	vand.u32 $0x1F, v5  }
0xa3: {  	vm4 =	veq.s32 v57, v0;
	v5 =	vadd.s32 $0x1, v5;
	v7 =	vshll.u32 v7, $0x8  }
0xa4: {  	vm5 =	veq.s32 v6, $0x0;
	v7 =	vand.u32 $0x1F00, v7;
	v9 =	vshll.u32 v36, $0x10  }
0xa5: {  	v5 =	vsel vm4, $0x0, v5;
	v6 =	vadd.s32 $0x100, v7;
	v7 =	vand.u32 $0x1F0000, v9;
	v58 =	vld.idx.msk [tilespmem:v56+s2+$0x0], $0xffff  }
0xa6: {  	vm6 =	veq.s32 v35, $0x0;
	v6 =	vsel vm5, $0x0, v6;
	v7 =	vadd.s32 $0x10000, v7  }
0xa7: {  	v5 =	vor.u32 v5, v6;
	v6 =	vsel vm6, $0x0, v7;
	v7 =	vshll.u32 v38, $0x18  }
0xa8: {  	vm7 =	veq.s32 v37, $0x0;
	v5 =	vor.u32 v6, v5;
	v6 =	vand.u32 $0x1F000000, v7  }
0xa9: {  	vm8 =	veq.s32 v39, $0x0;
	v6 =	vadd.s32 $0x1000000, v6;
	v7 =	vand.u32 $0x1F, v40  }
0xaa: {  	v7 =	vadd.s32 $0x1, v7;
	v59 =	vshll.u32 v15, $0x8;
	v60 =	vshra.s32 v58, $0x5  }
0xab: {  	vm9 =	veq.s32 v41, $0x0;
	v8 =	vand.u32 $0x1F00, v59;
	v61 =	vshll.u32 v43, $0x10  }
0xac: {  	v7 =	vsel vm8, $0x0, v7;
	v8 =	vadd.s32 $0x100, v8;
	v11 =	vand.u32 $0x1F0000, v61  }
0xad: {  	vm10 =	veq.s32 v42, $0x0;
	v8 =	vsel vm9, $0x0, v8;
	v11 =	vadd.s32 $0x10000, v11  }
0xae: {  	v6 =	vsel vm7, $0x0, v6;
	v7 =	vor.u32 v7, v8;
	v62 =	vsel vm10, $0x0, v11  }
0xaf: {  	s29 =	sadd.s32 $0xFFFFFF80, s10;
	v5 =	vor.u32 v6, v5;
	v6 =	vor.u32 v62, v7;
	v7 =	vshll.u32 v45, $0x18;
	v63 =	vld.idx.msk [tilespmem:v60+s2+$0x0], $0xffff  }
0xb0: {  	v35 =	vor.u32 s29, v1;
	v36 =	vor.u32 s29, v2;
	v7 =	vand.u32 $0x1F000000, v7  }
0xb1: {  	s30 =	sadd.s32 $0xFFFFFFF0, s11;
	v37 =	vor.u32 s29, v3;
	vm11 =	veq.s32 v44, $0x0;
	v7 =	vadd.s32 $0x1000000, v7  }
0xb2: {  	v38 =	vor.u32 s29, v4;
	v39 =	vor.u32 s30, v0;
	v7 =	vsel vm11, $0x0, v7  }
0xb3: {  	vm12 =	veq.s32 v46, $0x0;
	v6 =	vor.u32 v7, v6;
	v19 =	vand.u32 $0x1F, v47  }
0xb4: {  	v11 =	vadd.s32 $0x1, v19;
	v21 =	vshll.u32 v49, $0x8;
	v25 =	vshra.s32 v63, $0x5  }
0xb5: {  	vm13 =	veq.s32 v48, $0x0;
	v12 =	vand.u32 $0x1F00, v21;
	v23 =	vshll.u32 v51, $0x10  }
0xb6: {  	v11 =	vsel vm12, $0x0, v11;
	v12 =	vadd.s32 $0x100, v12;
	v13 =	vand.u32 $0x1F0000, v23  }
0xb7: {  	vm14 =	veq.s32 v50, $0x0;
	v12 =	vsel vm13, $0x0, v12;
	v13 =	vadd.s32 $0x10000, v13  }
0xb8: {  	v7 =	vor.u32 v11, v12;
	v31 =	vsel vm14, $0x0, v13;
	v32 =	vshll.u32 v53, $0x18  }
0xb9: {  	vm15 =	veq.s32 v52, $0x0;
	v7 =	vor.u32 v31, v7;
	v11 =	vand.u32 $0x1F000000, v32;
	v34 =	vld.idx.msk [tilespmem:v25+s2+$0x0], $0xffff  }
0xba: {  	vm4 =	veq.s32 v54, $0x0;
	v11 =	vadd.s32 $0x1000000, v11;
	v33 =	vand.u32 $0x1F, v55  }
0xbb: {  	v11 =	vsel vm15, $0x0, v11;
	v12 =	vadd.s32 $0x1, v33;
	v9 =	vshll.u32 v58, $0x8  }
0xbc: {  	vm5 =	veq.s32 v56, $0x0;
	v12 =	vsel vm4, $0x0, v12;
	v9 =	vand.u32 $0x1F00, v9  }
0xbd: {  	vm6 =	veq.s32 v60, $0x0;
	v9 =	vadd.s32 $0x100, v9;
	v8 =	vshll.u32 v63, $0x10  }
0xbe: {  	v9 =	vsel vm5, $0x0, v9;
	v8 =	vand.u32 $0x1F0000, v8;
	v13 =	vshll.u32 v34, $0x18  }
0xbf: {  	v9 =	vor.u32 v12, v9;
	v8 =	vadd.s32 $0x10000, v8;
	v13 =	vand.u32 $0x1F000000, v13  }
0xc0: {  	vm7 =	veq.s32 v25, $0x0;
	v8 =	vsel vm6, $0x0, v8;
	[tilespmem:v35+s8+$0x0] =	vst.idx.msk $0xffff, v5;
	v13 =	vadd.s32 $0x1000000, v13  }
0xc1: {  	v5 =	vor.u32 v11, v7;
	v7 =	vor.u32 v8, v9;
	[tilespmem:v36+s8+$0x0] =	vst.idx.msk $0xffff, v6;
	v40 =	vsel vm7, $0x0, v13  }
0xc2: {  	[tilespmem:v37+s8+$0x0] =	vst.idx.msk $0xffff, v5;
	v6 =	vor.u32 v40, v7  }
0xc3: {  	[tilespmem:v38+s8+$0x0] =	vst.idx.msk $0xffff, v6  }
0xc4: {  	v5 =	vld.idx.msk [tilespmem:v39+s2+$0x0], $0xffff;
	_ =	sdelay $0x4  }
0xc5: {  	v6 =	vshra.s32 v5, $0x5;
	_ =	sdelay $0x4  }
0xc6: {  	v7 =	vld.idx.msk [tilespmem:v6+s2+$0x0], $0xffff;
	_ =	sdelay $0x4  }
0xc7: {  	v41 =	vshra.s32 v7, $0x5;
	_ =	sdelay $0x4  }
0xc8: {  	v42 =	vld.idx.msk [tilespmem:v41+s2+$0x0], $0xffff;
	_ =	sdelay $0x4  }
0xc9: {  	v43 =	vshra.s32 v42, $0x5;
	_ =	sdelay $0x4  }
0xca: {  	v44 =	vld.idx.msk [tilespmem:v43+s2+$0x0], $0xffff;
	_ =	sdelay $0x4  }
0xcb: {  	v45 =	vshra.s32 v44, $0x5;
	_ =	sdelay $0x4  }
0xcc: {  	v46 =	vld.idx.msk [tilespmem:v45+s2+$0x0], $0xffff;
	_ =	sdelay $0x4  }
0xcd: {  	v47 =	vshra.s32 v46, $0x5;
	_ =	sdelay $0x4  }
0xce: {  	v15 =	vld.idx.msk [tilespmem:v47+s2+$0x0], $0xffff;
	_ =	sdelay $0x4  }
0xcf: {  	v48 =	vshra.s32 v15, $0x5;
	_ =	sdelay $0x4  }
0xd0: {  	v49 =	vld.idx.msk [tilespmem:v48+s2+$0x0], $0xffff;
	_ =	sdelay $0x4  }
0xd1: {  	v50 =	vshra.s32 v49, $0x5;
	_ =	sdelay $0x4  }
0xd2: {  	v51 =	vld.idx.msk [tilespmem:v50+s2+$0x0], $0xffff;
	_ =	sdelay $0x4  }
0xd3: {  	v52 =	vshra.s32 v51, $0x5;
	_ =	sdelay $0x4  }
0xd4: {  	v53 =	vld.idx.msk [tilespmem:v52+s2+$0x0], $0xffff;
	_ =	sdelay $0x4  }
0xd5: {  	v54 =	vshra.s32 v53, $0x5;
	_ =	sdelay $0x4  }
0xd6: {  	v55 =	vld.idx.msk [tilespmem:v54+s2+$0x0], $0xffff;
	_ =	sdelay $0x4  }
0xd7: {  	v56 =	vshra.s32 v55, $0x5;
	_ =	sdelay $0x4  }
0xd8: {  	v57 =	vld.idx.msk [tilespmem:v56+s2+$0x0], $0xffff;
	_ =	sdelay $0x4  }
0xd9: {  	v58 =	vshra.s32 v57, $0x5;
	_ =	sdelay $0x4  }
0xda: {  	v59 =	vld.idx.msk [tilespmem:v58+s2+$0x0], $0xffff;
	_ =	sdelay $0x4  }
0xdb: {  	v60 =	vshra.s32 v59, $0x5;
	_ =	sdelay $0x4  }
0xdc: {  	v61 =	vld.idx.msk [tilespmem:v60+s2+$0x0], $0xffff;
	_ =	sdelay $0x4  }
0xdd: {  	v62 =	vshra.s32 v61, $0x5;
	_ =	sdelay $0x1  }
0xde: {  	v63 =	vmov s30;
	v5 =	vand.u32 $0x1F, v5  }
0xdf: {  	vm8 =	veq.s32 v63, v0;
	v5 =	vadd.s32 $0x1, v5;
	v7 =	vshll.u32 v7, $0x8  }
0xe0: {  	vm9 =	veq.s32 v6, $0x0;
	v7 =	vand.u32 $0x1F00, v7;
	v9 =	vshll.u32 v42, $0x10  }
0xe1: {  	v5 =	vsel vm8, $0x0, v5;
	v6 =	vadd.s32 $0x100, v7;
	v7 =	vand.u32 $0x1F0000, v9;
	v31 =	vld.idx.msk [tilespmem:v62+s2+$0x0], $0xffff  }
0xe2: {  	vm10 =	veq.s32 v41, $0x0;
	v6 =	vsel vm9, $0x0, v6;
	v7 =	vadd.s32 $0x10000, v7  }
0xe3: {  	v5 =	vor.u32 v5, v6;
	v6 =	vsel vm10, $0x0, v7;
	v7 =	vshll.u32 v44, $0x18  }
0xe4: {  	vm11 =	veq.s32 v43, $0x0;
	v5 =	vor.u32 v6, v5;
	v6 =	vand.u32 $0x1F000000, v7  }
0xe5: {  	vm12 =	veq.s32 v45, $0x0;
	v6 =	vadd.s32 $0x1000000, v6;
	v7 =	vand.u32 $0x1F, v46  }
0xe6: {  	v7 =	vadd.s32 $0x1, v7;
	v32 =	vshll.u32 v15, $0x8;
	v33 =	vshra.s32 v31, $0x5  }
0xe7: {  	vm13 =	veq.s32 v47, $0x0;
	v8 =	vand.u32 $0x1F00, v32;
	v34 =	vshll.u32 v49, $0x10  }
0xe8: {  	v7 =	vsel vm12, $0x0, v7;
	v8 =	vadd.s32 $0x100, v8;
	v11 =	vand.u32 $0x1F0000, v34  }
0xe9: {  	vm14 =	veq.s32 v48, $0x0;
	v8 =	vsel vm13, $0x0, v8;
	v11 =	vadd.s32 $0x10000, v11  }
0xea: {  	v6 =	vsel vm11, $0x0, v6;
	v7 =	vor.u32 v7, v8;
	v35 =	vsel vm14, $0x0, v11  }
0xeb: {  	s31 =	sadd.s32 $0xFFFFFFC0, s10;
	v5 =	vor.u32 v6, v5;
	v6 =	vor.u32 v35, v7;
	v7 =	vshll.u32 v51, $0x18;
	v36 =	vld.idx.msk [tilespmem:v33+s2+$0x0], $0xffff  }
0xec: {  	v45 =	vor.u32 s31, v1;
	v46 =	vor.u32 s31, v2;
	v7 =	vand.u32 $0x1F000000, v7  }
0xed: {  	v47 =	vor.u32 s31, v3;
	vm15 =	veq.s32 v50, $0x0;
	v7 =	vadd.s32 $0x1000000, v7  }
0xee: {  	v48 =	vor.u32 s31, v4;
	v49 =	vor.u32 s11, v0;
	v7 =	vsel vm15, $0x0, v7  }
0xef: {  	vm4 =	veq.s32 v52, $0x0;
	v6 =	vor.u32 v7, v6;
	v37 =	vand.u32 $0x1F, v53  }
0xf0: {  	v11 =	vadd.s32 $0x1, v37;
	v38 =	vshll.u32 v55, $0x8;
	v40 =	vshra.s32 v36, $0x5  }
0xf1: {  	vm5 =	veq.s32 v54, $0x0;
	v12 =	vand.u32 $0x1F00, v38;
	v39 =	vshll.u32 v57, $0x10  }
0xf2: {  	v11 =	vsel vm4, $0x0, v11;
	v12 =	vadd.s32 $0x100, v12;
	v13 =	vand.u32 $0x1F0000, v39  }
0xf3: {  	vm6 =	veq.s32 v56, $0x0;
	v12 =	vsel vm5, $0x0, v12;
	v13 =	vadd.s32 $0x10000, v13  }
0xf4: {  	v7 =	vor.u32 v11, v12;
	v41 =	vsel vm6, $0x0, v13;
	v42 =	vshll.u32 v59, $0x18  }
0xf5: {  	vm7 =	veq.s32 v58, $0x0;
	v7 =	vor.u32 v41, v7;
	v11 =	vand.u32 $0x1F000000, v42;
	v44 =	vld.idx.msk [tilespmem:v40+s2+$0x0], $0xffff  }
0xf6: {  	vm8 =	veq.s32 v60, $0x0;
	v11 =	vadd.s32 $0x1000000, v11;
	v43 =	vand.u32 $0x1F, v61  }
0xf7: {  	v11 =	vsel vm7, $0x0, v11;
	v12 =	vadd.s32 $0x1, v43;
	v9 =	vshll.u32 v31, $0x8  }
0xf8: {  	vm9 =	veq.s32 v62, $0x0;
	v12 =	vsel vm8, $0x0, v12;
	v9 =	vand.u32 $0x1F00, v9  }
0xf9: {  	vm10 =	veq.s32 v33, $0x0;
	v9 =	vadd.s32 $0x100, v9;
	v8 =	vshll.u32 v36, $0x10  }
0xfa: {  	v9 =	vsel vm9, $0x0, v9;
	v8 =	vand.u32 $0x1F0000, v8;
	v13 =	vshll.u32 v44, $0x18  }
0xfb: {  	v9 =	vor.u32 v12, v9;
	v8 =	vadd.s32 $0x10000, v8;
	v13 =	vand.u32 $0x1F000000, v13  }
0xfc: {  	vm11 =	veq.s32 v40, $0x0;
	v8 =	vsel vm10, $0x0, v8;
	[tilespmem:v45+s8+$0x0] =	vst.idx.msk $0xffff, v5;
	v13 =	vadd.s32 $0x1000000, v13  }
0xfd: {  	v5 =	vor.u32 v11, v7;
	v7 =	vor.u32 v8, v9;
	[tilespmem:v46+s8+$0x0] =	vst.idx.msk $0xffff, v6;
	v50 =	vsel vm11, $0x0, v13  }
0xfe: {  	[tilespmem:v47+s8+$0x0] =	vst.idx.msk $0xffff, v5;
	v6 =	vor.u32 v50, v7  }
0xff: {  	[tilespmem:v48+s8+$0x0] =	vst.idx.msk $0xffff, v6  }
0x100: {  	v5 =	vld.idx.msk [tilespmem:v49+s2+$0x0], $0xffff;
	_ =	sdelay $0x4  }
0x101: {  	v6 =	vshra.s32 v5, $0x5;
	_ =	sdelay $0x4  }
0x102: {  	v7 =	vld.idx.msk [tilespmem:v6+s2+$0x0], $0xffff;
	_ =	sdelay $0x4  }
0x103: {  	v51 =	vshra.s32 v7, $0x5;
	_ =	sdelay $0x4  }
0x104: {  	v52 =	vld.idx.msk [tilespmem:v51+s2+$0x0], $0xffff;
	_ =	sdelay $0x4  }
0x105: {  	v53 =	vshra.s32 v52, $0x5;
	_ =	sdelay $0x4  }
0x106: {  	v54 =	vld.idx.msk [tilespmem:v53+s2+$0x0], $0xffff;
	_ =	sdelay $0x4  }
0x107: {  	v55 =	vshra.s32 v54, $0x5;
	_ =	sdelay $0x4  }
0x108: {  	v56 =	vld.idx.msk [tilespmem:v55+s2+$0x0], $0xffff;
	_ =	sdelay $0x4  }
0x109: {  	v57 =	vshra.s32 v56, $0x5;
	_ =	sdelay $0x4  }
0x10a: {  	v15 =	vld.idx.msk [tilespmem:v57+s2+$0x0], $0xffff;
	_ =	sdelay $0x4  }
0x10b: {  	v58 =	vshra.s32 v15, $0x5;
	_ =	sdelay $0x4  }
0x10c: {  	v59 =	vld.idx.msk [tilespmem:v58+s2+$0x0], $0xffff;
	_ =	sdelay $0x4  }
0x10d: {  	v60 =	vshra.s32 v59, $0x5;
	_ =	sdelay $0x4  }
0x10e: {  	v61 =	vld.idx.msk [tilespmem:v60+s2+$0x0], $0xffff;
	_ =	sdelay $0x4  }
0x10f: {  	v62 =	vshra.s32 v61, $0x5;
	_ =	sdelay $0x4  }
0x110: {  	v63 =	vld.idx.msk [tilespmem:v62+s2+$0x0], $0xffff;
	_ =	sdelay $0x4  }
0x111: {  	v33 =	vshra.s32 v63, $0x5;
	_ =	sdelay $0x4  }
0x112: {  	v34 =	vld.idx.msk [tilespmem:v33+s2+$0x0], $0xffff;
	_ =	sdelay $0x4  }
0x113: {  	v35 =	vshra.s32 v34, $0x5;
	_ =	sdelay $0x4  }
0x114: {  	v36 =	vld.idx.msk [tilespmem:v35+s2+$0x0], $0xffff;
	_ =	sdelay $0x4  }
0x115: {  	v37 =	vshra.s32 v36, $0x5;
	_ =	sdelay $0x4  }
0x116: {  	v38 =	vld.idx.msk [tilespmem:v37+s2+$0x0], $0xffff;
	_ =	sdelay $0x4  }
0x117: {  	v39 =	vshra.s32 v38, $0x5;
	_ =	sdelay $0x4  }
0x118: {  	v40 =	vld.idx.msk [tilespmem:v39+s2+$0x0], $0xffff;
	_ =	sdelay $0x4  }
0x119: {  	v41 =	vshra.s32 v40, $0x5;
	_ =	sdelay $0x1  }
0x11a: {  	v42 =	vmov s11;
	v7 =	vshll.u32 v7, $0x8  }
0x11b: {  	vm12 =	veq.s32 v42, v0;
	v5 =	vand.u32 $0x1F, v5;
	v7 =	vand.u32 $0x1F00, v7  }
0x11c: {  	v5 =	vadd.s32 $0x1, v5;
	vm13 =	veq.s32 v6, $0x0;
	v6 =	vadd.s32 $0x100, v7  }
0x11d: {  	v5 =	vsel vm12, $0x0, v5;
	v6 =	vsel vm13, $0x0, v6;
	v7 =	vshll.u32 v52, $0x10;
	v43 =	vld.idx.msk [tilespmem:v41+s2+$0x0], $0xffff  }
0x11e: {  	v5 =	vor.u32 v5, v6;
	v6 =	vand.u32 $0x1F0000, v7  }
0x11f: {  	vm14 =	veq.s32 v51, $0x0;
	v6 =	vadd.s32 $0x10000, v6;
	v7 =	vshll.u32 v54, $0x18  }
0x120: {  	vm15 =	veq.s32 v53, $0x0;
	v6 =	vsel vm14, $0x0, v6;
	v7 =	vand.u32 $0x1F000000, v7  }
0x121: {  	v5 =	vor.u32 v6, v5;
	vm4 =	veq.s32 v55, $0x0;
	v7 =	vadd.s32 $0x1000000, v7  }
0x122: {  	v6 =	vsel vm15, $0x0, v7;
	v44 =	vshll.u32 v15, $0x8;
	v45 =	vshra.s32 v43, $0x5  }
0x123: {  	v5 =	vor.u32 v6, v5;
	v7 =	vand.u32 $0x1F, v56;
	v8 =	vand.u32 $0x1F00, v44  }
0x124: {  	v7 =	vadd.s32 $0x1, v7;
	vm5 =	veq.s32 v57, $0x0;
	v8 =	vadd.s32 $0x100, v8  }
0x125: {  	v7 =	vsel vm4, $0x0, v7;
	v57 =	vor.u32 s10, v1;
	v6 =	vsel vm5, $0x0, v8  }
0x126: {  	vm6 =	veq.s32 v58, $0x0;
	v6 =	vor.u32 v7, v6;
	v46 =	vshll.u32 v59, $0x10  }
0x127: {  	v58 =	vor.u32 s10, v2;
	v7 =	vand.u32 $0x1F0000, v46;
	v47 =	vshll.u32 v61, $0x18;
	v48 =	vld.idx.msk [tilespmem:v45+s2+$0x0], $0xffff  }
0x128: {  	v59 =	vor.u32 s10, v3;
	v7 =	vadd.s32 $0x10000, v7;
	v8 =	vand.u32 $0x1F000000, v47  }
0x129: {  	vm7 =	veq.s32 v60, $0x0;
	v7 =	vsel vm6, $0x0, v7;
	v8 =	vadd.s32 $0x1000000, v8  }
0x12a: {  	v6 =	vor.u32 v7, v6;
	v60 =	vor.u32 s10, v4;
	v7 =	vsel vm7, $0x0, v8  }
0x12b: {  	vm8 =	veq.s32 v62, $0x0;
	v6 =	vor.u32 v7, v6;
	v49 =	vand.u32 $0x1F, v63  }
0x12c: {  	v8 =	vadd.s32 $0x1, v49;
	v50 =	vshll.u32 v34, $0x8;
	v52 =	vshra.s32 v48, $0x5  }
0x12d: {  	vm9 =	veq.s32 v33, $0x0;
	v12 =	vand.u32 $0x1F00, v50;
	v51 =	vshll.u32 v36, $0x10  }
0x12e: {  	v8 =	vsel vm8, $0x0, v8;
	v12 =	vadd.s32 $0x100, v12;
	v13 =	vand.u32 $0x1F0000, v51  }
0x12f: {  	vm10 =	veq.s32 v35, $0x0;
	v12 =	vsel vm9, $0x0, v12;
	v13 =	vadd.s32 $0x10000, v13  }
0x130: {  	v8 =	vor.u32 v8, v12;
	v13 =	vsel vm10, $0x0, v13;
	v53 =	vshll.u32 v38, $0x18  }
0x131: {  	vm11 =	veq.s32 v37, $0x0;
	v8 =	vor.u32 v13, v8;
	v15 =	vand.u32 $0x1F000000, v53;
	v55 =	vld.idx.msk [tilespmem:v52+s2+$0x0], $0xffff  }
0x132: {  	vm12 =	veq.s32 v39, $0x0;
	v15 =	vadd.s32 $0x1000000, v15;
	v54 =	vand.u32 $0x1F, v40  }
0x133: {  	v7 =	vsel vm11, $0x0, v15;
	v15 =	vadd.s32 $0x1, v54;
	v9 =	vshll.u32 v43, $0x8  }
0x134: {  	vm13 =	veq.s32 v41, $0x0;
	v56 =	vsel vm12, $0x0, v15;
	v9 =	vand.u32 $0x1F00, v9  }
0x135: {  	vm14 =	veq.s32 v45, $0x0;
	v9 =	vadd.s32 $0x100, v9;
	v11 =	vshll.u32 v48, $0x10  }
0x136: {  	p0 =	sne.s32 s10, $0x2B80;
	v9 =	vsel vm13, $0x0, v9;
	v11 =	vand.u32 $0x1F0000, v11;
	v16 =	vshll.u32 v55, $0x18  }
.Ltmp0:
0x137: {  	v9 =	vor.u32 v56, v9;
	v61 =	vadd.s32 $0x10000, v11;
	v62 =	vand.u32 $0x1F000000, v16;
	(pc) =	sbr.rel @p0 .LBB2_2-.Ltmp0, $4  }
0x138: {  	vm15 =	veq.s32 v52, $0x0;
	[tilespmem:v57+s8+$0x0] =	vst.idx.msk $0xffff, v5;
	v5 =	vsel vm14, $0x0, v61;
	v63 =	vadd.s32 $0x1000000, v62  }
0x139: {  	[tilespmem:v58+s8+$0x0] =	vst.idx.msk $0xffff, v6;
	v6 =	vor.u32 v7, v8;
	v5 =	vor.u32 v5, v9;
	v7 =	vsel vm15, $0x0, v63  }
0x13a: {  	[tilespmem:v59+s8+$0x0] =	vst.idx.msk $0xffff, v6;
	v5 =	vor.u32 v7, v5  }
0x13b: {  	s11 =	sadd.s32 $0x50, s11;
	s10 =	sadd.s32 $0x140, s10;
	[tilespmem:v60+s8+$0x0] =	vst.idx.msk $0xffff, v5  }
0x13c: {  	s9 =	sadd.s32 $0x1, s9  }
0x13d: {  	p0 =	sne.s32 s9, s5  }
.Ltmp1:
0x13e: {  	_ = 	snop;
	(pc) =	sbr.rel @p0 .LBB2_1-.Ltmp1, $4  }
0x13f: {  	[hbm4b:s4+s2] =	stream.linear.scatter [tilespmem:s8], [sflag:$0x1], $0x2BC0, $0x38;
	[tilespmem:$0x1BC00] =	vst v63  }
0x140: {  	_ =	swait.ge [sflag:s7], $0x2BC0  }
0x141: {  	[sflag:s7] =	ssyncset.done $0x0  }
0x142: {  	[sflag:s7] =	ssyncadd.s32 $0xFFFFD440  }
0x143: {  	_ =	sfence.sel $0x180000  }
0x144: {  	[bflag:$0x0] =	sbarrier.arrive $0xFFFF  }
0x145: {  	p0 =	sne.s32 s0, $0x0;
	_ =	strace $0x9000004A  }
0x146: {  	s0 =	sadd.s32 @!p0 $0x100000, s1;
	[bflag:$0x2] =	sbarrier.arrive $0xFFFF  }
0x147: {  	[sflag:s0] =	ssyncadd.tile.s32 @!p0 $0x1;
	_ =	shalt  }
.Lfunc_end2:
_tile_overlayer_lowered:
.L_overlay_start_2:
0x148: {  	(tag) =	ssettag $0x2  }
0x149: {  	s0 =	rddreg [dreg:$0x0];
	s2 =	stileid.u32  }
0x14a: {  	s1 =	rddreg [dreg:$0x1];
	p0 =	sne.s32 s2, $0x0  }
0x14b: {  	s3 =	rddreg [dreg:$0x2];
	[bflag:$0x3] =	sbarrier.arrive $0xFFFF;
	s2 =	simm.s32 @!p0 $0x1C01  }
0x14c: {  	[timem:s3], [sflag:s2] =	dma.local @!p0 [hbm:s0], s1  }
0x14d: {  	s0 =	simm.s32 @!p0 $0x1  }
0x14e: {  	_ =	swait.ge @!p0 [sflag:s0], s1  }
0x14f: {  	s1 =	ssub.s32 @!p0 $0x0, s1;
	[sflag:s0] =	ssyncset.done @!p0 $0x0  }
0x150: {  	[sflag:s0] =	ssyncadd.s32 @!p0 s1  }
0x151: {  	[bflag:$0x3] =	sbarrier.arrive $0xFFFF  }
0x152: {  	_ =	shalt  }

</sc_bundles>
